<compile_context>
chip_gen: v7x
topology: tpu7x:2x2x1
jax: 0.10.2.dev20260603
libtpu: 0.0.44.dev20260713+nightly
codegen_flags: <defaults>
</compile_context>

<pallas_src>
import functools

import jax
import jax.numpy as jnp
from jax import lax
from jax.experimental import pallas as pl
from jax.experimental.pallas import tpu as pltpu
from jax.experimental.pallas import tpu_sc as plsc

ROWS = 128
COLS = 32768
K = 8
L = 16
NC, NS = 2, 16
NW = NC * NS
RPW = ROWS // NW
BLK = 8
NP = 4
PW = COLS // NP
PCH = PW // L
NITER = PCH // BLK
VROWS = RPW - 1
NSEG = 4
SEGCH = PCH // NSEG

SORT8 = [(0, 1), (2, 3), (4, 5), (6, 7),
         (0, 2), (1, 3), (4, 6), (5, 7),
         (1, 2), (5, 6),
         (0, 4), (1, 5), (2, 6), (3, 7),
         (2, 4), (3, 5),
         (1, 2), (3, 4), (5, 6)]
BITONIC8 = [(0, 4), (1, 5), (2, 6), (3, 7),
            (0, 2), (1, 3), (4, 6), (5, 7),
            (0, 1), (2, 3), (4, 5), (6, 7)]

_mesh = plsc.VectorSubcoreMesh(
    core_axis_name="c", subcore_axis_name="s", num_cores=NC, num_subcores=NS
)


def _merge16(best, other):
    asc, _ = plsc.sort_key_val(other, other, descending=False)
    m = jnp.maximum(best, asc)
    best, _ = plsc.sort_key_val(m, m, descending=True)
    return best


@functools.partial(
    pl.kernel,
    out_type=jax.ShapeDtypeStruct((ROWS, L), jnp.float32),
    mesh=_mesh,
    scratch_types=[
        pltpu.VMEM((2, RPW, PW), jnp.float32),
        pltpu.VMEM((RPW, L), jnp.float32),
        pltpu.SemaphoreType.DMA,
        pltpu.SemaphoreType.DMA,
    ],
    compiler_params=pltpu.CompilerParams(needs_layout_passes=False),
)
def _topk_sc(x_hbm, out_hbm, buf, obuf, sem0, sem1):
    wid = lax.axis_index("s") * NC + lax.axis_index("c")
    base = wid * RPW
    sems = (sem0, sem1)

    def start(q, slot):
        return [
            pltpu.async_copy(
                x_hbm.at[base + j, pl.ds(q * PW, PW)], buf.at[slot, j], sems[slot]
            )
            for j in range(RPW)
        ]

    copies = [None, None]
    copies[0] = start(0, 0)
    ninf = jnp.full((L,), -jnp.inf, dtype=jnp.float32)
    regs = (ninf,) * K
    bests = (ninf,) * (VROWS * NSEG)
    for q in range(NP):
        slot = q % 2
        if q + 1 < NP:
            copies[1 - slot] = start(q + 1, 1 - slot)
        for cp in copies[slot]:
            cp.wait()

        def body(i, carry, slot=slot):
            regs, bests = list(carry[0]), list(carry[1])
            off = i * (BLK * L)
            s = [buf[slot, 0, pl.ds(off + u * L, L)] for u in range(BLK)]
            for a, b in SORT8:
                hi = jnp.maximum(s[a], s[b])
                lo = jnp.minimum(s[a], s[b])
                s[a], s[b] = hi, lo
            c = [jnp.maximum(regs[t], s[K - 1 - t]) for t in range(K)]
            for a, b in BITONIC8:
                hi = jnp.maximum(c[a], c[b])
                lo = jnp.minimum(c[a], c[b])
                c[a], c[b] = hi, lo
            for j in range(VROWS):
                for g in range(NSEG):
                    k = j * NSEG + g
                    for t2 in range(2):
                        v = buf[slot, 1 + j, pl.ds((g * SEGCH + 2 * i + t2) * L, L)]
                        asc, _ = plsc.sort_key_val(v, v, descending=False)
                        m = jnp.maximum(bests[k], asc)
                        dsc, _ = plsc.sort_key_val(m, m, descending=True)
                        bests[k] = dsc
            return (tuple(c), tuple(bests))

        regs, bests = lax.fori_loop(0, NITER, body, (regs, bests))

    best, _ = plsc.sort_key_val(regs[0], regs[0], descending=True)
    for t in range(1, K):
        best = _merge16(best, regs[t])
    obuf[0] = best
    for j in range(VROWS):
        best = bests[j * NSEG]
        for g in range(1, NSEG):
            best = _merge16(best, bests[j * NSEG + g])
        obuf[1 + j] = best
    pltpu.sync_copy(obuf, out_hbm.at[pl.ds(base, RPW)])


def kernel(x):
    return _topk_sc(x)[:, :K]

# --- scband reference (transcript-rebuilt; emitter-appended) ---
"""Pipeline reference for scband-kmax-pooling-87703232185086 (READ-ONLY COPY).

The authoritative reference and input builder live on the scoring server;
editing this copy changes nothing except your own understanding.
"""

import jax, jax.numpy as jnp
import numpy as np

K = 8

def setup_inputs(seed: int = 0) -> dict:
    key = jax.random.key(seed)
    x = jax.random.normal(key, (128, 32768), dtype=jnp.float32)
    return {"x": x}

def reference(x):
    # KMaxPooling.forward: x.topk(k)[0] -> top-k values along last dim, sorted descending
    values, _ = jax.lax.top_k(x, K)
    return values

if __name__ == "__main__":
    import jax
    _d = setup_inputs()
    print(jax.jit(kernel)(*tuple(_d.values())))

</pallas_src>

<mosaic_0001>
#map = affine_map<(d0, d1) -> (0, 0)>
module attributes {stable_mosaic.version = 14 : i64} {
  func.func @_topk_sc(%arg0: i32, %arg1: i32, %arg2: memref<128x32768xf32, #tpu.memory_space<hbm>>, %arg3: memref<128x16xf32, #tpu.memory_space<hbm>>, %arg4: memref<2x4x8192xf32, #tpu.memory_space<vmem>>, %arg5: memref<4x16xf32, #tpu.memory_space<vmem>>, %arg6: memref<!tpu.dma_semaphore, #tpu.memory_space<semaphore_mem>>, %arg7: memref<!tpu.dma_semaphore, #tpu.memory_space<semaphore_mem>>) attributes {dimension_semantics = [#tpu.dimension_semantics<core_parallel>, #tpu.dimension_semantics<subcore_parallel>], iteration_bounds = array<i64: 2, 16>, scalar_prefetch = 0 : i64, scratch_operands = 4 : i64, tpu.core_type = #tpu.core_type<sc_vector_subcore>, window_params = [{transform_indices = #map}, {transform_indices = #map}]} {
    %mul3A = arith.constant 2 : i32
    %mul3A_0 = arith.muli %arg1, %mul3A : i32
    %add3A = arith.addi %mul3A_0, %arg0 : i32
    %mul3A_1 = arith.constant 4 : i32
    %mul3A_2 = arith.muli %add3A, %mul3A_1 : i32
    %add3A_3 = arith.constant 0 : i32
    %add3A_4 = arith.addi %mul3A_2, %add3A_3 : i32
    %dma_start3A = arith.constant 0 : i32
    %dma_start3A_5 = arith.constant 0 : i32
    %dma_start3A_6 = arith.constant 0 : i32
    %dma_start3A_7 = tpu.memref_slice %arg4[%dma_start3A, %dma_start3A_5, %dma_start3A_6] : memref<2x4x8192xf32, #tpu.memory_space<vmem>> -> memref<1x1x8192xf32, #tpu.memory_space<vmem>>
    %dma_start3A_8 = tpu.memref_squeeze %dma_start3A_7 : memref<1x1x8192xf32, #tpu.memory_space<vmem>> -> memref<8192xf32, #tpu.memory_space<vmem>>
    %dma_start3A_9 = arith.constant 0 : i32
    %dma_start3A_10 = tpu.memref_slice %arg2[%add3A_4, %dma_start3A_9] : memref<128x32768xf32, #tpu.memory_space<hbm>> -> memref<1x8192xf32, #tpu.memory_space<hbm>>
    %dma_start3A_11 = tpu.memref_squeeze %dma_start3A_10 : memref<1x8192xf32, #tpu.memory_space<hbm>> -> memref<8192xf32, #tpu.memory_space<hbm>>
    %dma_start3A_12 = arith.constant 0 : i32
    %dma_start3A_13 = tpu.memref_slice %arg4[%dma_start3A, %dma_start3A_5, %dma_start3A_12] : memref<2x4x8192xf32, #tpu.memory_space<vmem>> -> memref<1x1x8192xf32, #tpu.memory_space<vmem>>
    %dma_start3A_14 = tpu.memref_squeeze %dma_start3A_13 : memref<1x1x8192xf32, #tpu.memory_space<vmem>> -> memref<8192xf32, #tpu.memory_space<vmem>>
    %dma_start3A_15 = arith.constant 0 : i32
    %dma_start3A_16 = tpu.memref_slice %arg2[%add3A_4, %dma_start3A_15] : memref<128x32768xf32, #tpu.memory_space<hbm>> -> memref<1x8192xf32, #tpu.memory_space<hbm>>
    %dma_start3A_17 = tpu.memref_squeeze %dma_start3A_16 : memref<1x8192xf32, #tpu.memory_space<hbm>> -> memref<8192xf32, #tpu.memory_space<hbm>>
    tpu.enqueue_dma source(%dma_start3A_17 : memref<8192xf32, #tpu.memory_space<hbm>>) target(%dma_start3A_14 : memref<8192xf32, #tpu.memory_space<vmem>>) target_semaphore(%arg6 : memref<!tpu.dma_semaphore, #tpu.memory_space<semaphore_mem>>)
    %add3A_18 = arith.constant 1 : i32
    %add3A_19 = arith.addi %mul3A_2, %add3A_18 : i32
    %dma_start3A_20 = arith.constant 0 : i32
    %dma_start3A_21 = arith.constant 1 : i32
    %dma_start3A_22 = arith.constant 0 : i32
    %dma_start3A_23 = tpu.memref_slice %arg4[%dma_start3A_20, %dma_start3A_21, %dma_start3A_22] : memref<2x4x8192xf32, #tpu.memory_space<vmem>> -> memref<1x1x8192xf32, #tpu.memory_space<vmem>>
    %dma_start3A_24 = tpu.memref_squeeze %dma_start3A_23 : memref<1x1x8192xf32, #tpu.memory_space<vmem>> -> memref<8192xf32, #tpu.memory_space<vmem>>
    %dma_start3A_25 = arith.constant 0 : i32
    %dma_start3A_26 = tpu.memref_slice %arg2[%add3A_19, %dma_start3A_25] : memref<128x32768xf32, #tpu.memory_space<hbm>> -> memref<1x8192xf32, #tpu.memory_space<hbm>>
    %dma_start3A_27 = tpu.memref_squeeze %dma_start3A_26 : memref<1x8192xf32, #tpu.memory_space<hbm>> -> memref<8192xf32, #tpu.memory_space<hbm>>
    %dma_start3A_28 = arith.constant 0 : i32
    %dma_start3A_29 = tpu.memref_slice %arg4[%dma_start3A_20, %dma_start3A_21, %dma_start3A_28] : memref<2x4x8192xf32, #tpu.memory_space<vmem>> -> memref<1x1x8192xf32, #tpu.memory_space<vmem>>
    %dma_start3A_30 = tpu.memref_squeeze %dma_start3A_29 : memref<1x1x8192xf32, #tpu.memory_space<vmem>> -> memref<8192xf32, #tpu.memory_space<vmem>>
    %dma_start3A_31 = arith.constant 0 : i32
    %dma_start3A_32 = tpu.memref_slice %arg2[%add3A_19, %dma_start3A_31] : memref<128x32768xf32, #tpu.memory_space<hbm>> -> memref<1x8192xf32, #tpu.memory_space<hbm>>
    %dma_start3A_33 = tpu.memref_squeeze %dma_start3A_32 : memref<1x8192xf32, #tpu.memory_space<hbm>> -> memref<8192xf32, #tpu.memory_space<hbm>>
    tpu.enqueue_dma source(%dma_start3A_33 : memref<8192xf32, #tpu.memory_space<hbm>>) target(%dma_start3A_30 : memref<8192xf32, #tpu.memory_space<vmem>>) target_semaphore(%arg6 : memref<!tpu.dma_semaphore, #tpu.memory_space<semaphore_mem>>)
    %add3A_34 = arith.constant 2 : i32
    %add3A_35 = arith.addi %mul3A_2, %add3A_34 : i32
    %dma_start3A_36 = arith.constant 0 : i32
    %dma_start3A_37 = arith.constant 2 : i32
    %dma_start3A_38 = arith.constant 0 : i32
    %dma_start3A_39 = tpu.memref_slice %arg4[%dma_start3A_36, %dma_start3A_37, %dma_start3A_38] : memref<2x4x8192xf32, #tpu.memory_space<vmem>> -> memref<1x1x8192xf32, #tpu.memory_space<vmem>>
    %dma_start3A_40 = tpu.memref_squeeze %dma_start3A_39 : memref<1x1x8192xf32, #tpu.memory_space<vmem>> -> memref<8192xf32, #tpu.memory_space<vmem>>
    %dma_start3A_41 = arith.constant 0 : i32
    %dma_start3A_42 = tpu.memref_slice %arg2[%add3A_35, %dma_start3A_41] : memref<128x32768xf32, #tpu.memory_space<hbm>> -> memref<1x8192xf32, #tpu.memory_space<hbm>>
    %dma_start3A_43 = tpu.memref_squeeze %dma_start3A_42 : memref<1x8192xf32, #tpu.memory_space<hbm>> -> memref<8192xf32, #tpu.memory_space<hbm>>
    %dma_start3A_44 = arith.constant 0 : i32
    %dma_start3A_45 = tpu.memref_slice %arg4[%dma_start3A_36, %dma_start3A_37, %dma_start3A_44] : memref<2x4x8192xf32, #tpu.memory_space<vmem>> -> memref<1x1x8192xf32, #tpu.memory_space<vmem>>
    %dma_start3A_46 = tpu.memref_squeeze %dma_start3A_45 : memref<1x1x8192xf32, #tpu.memory_space<vmem>> -> memref<8192xf32, #tpu.memory_space<vmem>>
    %dma_start3A_47 = arith.constant 0 : i32
    %dma_start3A_48 = tpu.memref_slice %arg2[%add3A_35, %dma_start3A_47] : memref<128x32768xf32, #tpu.memory_space<hbm>> -> memref<1x8192xf32, #tpu.memory_space<hbm>>
    %dma_start3A_49 = tpu.memref_squeeze %dma_start3A_48 : memref<1x8192xf32, #tpu.memory_space<hbm>> -> memref<8192xf32, #tpu.memory_space<hbm>>
    tpu.enqueue_dma source(%dma_start3A_49 : memref<8192xf32, #tpu.memory_space<hbm>>) target(%dma_start3A_46 : memref<8192xf32, #tpu.memory_space<vmem>>) target_semaphore(%arg6 : memref<!tpu.dma_semaphore, #tpu.memory_space<semaphore_mem>>)
    %add3A_50 = arith.constant 3 : i32
    %add3A_51 = arith.addi %mul3A_2, %add3A_50 : i32
    %dma_start3A_52 = arith.constant 0 : i32
    %dma_start3A_53 = arith.constant 3 : i32
    %dma_start3A_54 = arith.constant 0 : i32
    %dma_start3A_55 = tpu.memref_slice %arg4[%dma_start3A_52, %dma_start3A_53, %dma_start3A_54] : memref<2x4x8192xf32, #tpu.memory_space<vmem>> -> memref<1x1x8192xf32, #tpu.memory_space<vmem>>
    %dma_start3A_56 = tpu.memref_squeeze %dma_start3A_55 : memref<1x1x8192xf32, #tpu.memory_space<vmem>> -> memref<8192xf32, #tpu.memory_space<vmem>>
    %dma_start3A_57 = arith.constant 0 : i32
    %dma_start3A_58 = tpu.memref_slice %arg2[%add3A_51, %dma_start3A_57] : memref<128x32768xf32, #tpu.memory_space<hbm>> -> memref<1x8192xf32, #tpu.memory_space<hbm>>
    %dma_start3A_59 = tpu.memref_squeeze %dma_start3A_58 : memref<1x8192xf32, #tpu.memory_space<hbm>> -> memref<8192xf32, #tpu.memory_space<hbm>>
    %dma_start3A_60 = arith.constant 0 : i32
    %dma_start3A_61 = tpu.memref_slice %arg4[%dma_start3A_52, %dma_start3A_53, %dma_start3A_60] : memref<2x4x8192xf32, #tpu.memory_space<vmem>> -> memref<1x1x8192xf32, #tpu.memory_space<vmem>>
    %dma_start3A_62 = tpu.memref_squeeze %dma_start3A_61 : memref<1x1x8192xf32, #tpu.memory_space<vmem>> -> memref<8192xf32, #tpu.memory_space<vmem>>
    %dma_start3A_63 = arith.constant 0 : i32
    %dma_start3A_64 = tpu.memref_slice %arg2[%add3A_51, %dma_start3A_63] : memref<128x32768xf32, #tpu.memory_space<hbm>> -> memref<1x8192xf32, #tpu.memory_space<hbm>>
    %dma_start3A_65 = tpu.memref_squeeze %dma_start3A_64 : memref<1x8192xf32, #tpu.memory_space<hbm>> -> memref<8192xf32, #tpu.memory_space<hbm>>
    tpu.enqueue_dma source(%dma_start3A_65 : memref<8192xf32, #tpu.memory_space<hbm>>) target(%dma_start3A_62 : memref<8192xf32, #tpu.memory_space<vmem>>) target_semaphore(%arg6 : memref<!tpu.dma_semaphore, #tpu.memory_space<semaphore_mem>>)
    %broadcast_in_dim3A = arith.constant 0xFF800000 : f32
    %broadcast_in_dim3A_66 = vector.broadcast %broadcast_in_dim3A : f32 to vector<16xf32>
    %add3A_67 = arith.constant 0 : i32
    %add3A_68 = arith.addi %mul3A_2, %add3A_67 : i32
    %dma_start3A_69 = arith.constant 1 : i32
    %dma_start3A_70 = arith.constant 0 : i32
    %dma_start3A_71 = arith.constant 0 : i32
    %dma_start3A_72 = tpu.memref_slice %arg4[%dma_start3A_69, %dma_start3A_70, %dma_start3A_71] : memref<2x4x8192xf32, #tpu.memory_space<vmem>> -> memref<1x1x8192xf32, #tpu.memory_space<vmem>>
    %dma_start3A_73 = tpu.memref_squeeze %dma_start3A_72 : memref<1x1x8192xf32, #tpu.memory_space<vmem>> -> memref<8192xf32, #tpu.memory_space<vmem>>
    %dma_start3A_74 = arith.constant 8192 : i32
    %dma_start3A_75 = tpu.memref_slice %arg2[%add3A_68, %dma_start3A_74] : memref<128x32768xf32, #tpu.memory_space<hbm>> -> memref<1x8192xf32, #tpu.memory_space<hbm>>
    %dma_start3A_76 = tpu.memref_squeeze %dma_start3A_75 : memref<1x8192xf32, #tpu.memory_space<hbm>> -> memref<8192xf32, #tpu.memory_space<hbm>>
    %dma_start3A_77 = arith.constant 0 : i32
    %dma_start3A_78 = tpu.memref_slice %arg4[%dma_start3A_69, %dma_start3A_70, %dma_start3A_77] : memref<2x4x8192xf32, #tpu.memory_space<vmem>> -> memref<1x1x8192xf32, #tpu.memory_space<vmem>>
    %dma_start3A_79 = tpu.memref_squeeze %dma_start3A_78 : memref<1x1x8192xf32, #tpu.memory_space<vmem>> -> memref<8192xf32, #tpu.memory_space<vmem>>
    %dma_start3A_80 = arith.constant 8192 : i32
    %dma_start3A_81 = tpu.memref_slice %arg2[%add3A_68, %dma_start3A_80] : memref<128x32768xf32, #tpu.memory_space<hbm>> -> memref<1x8192xf32, #tpu.memory_space<hbm>>
    %dma_start3A_82 = tpu.memref_squeeze %dma_start3A_81 : memref<1x8192xf32, #tpu.memory_space<hbm>> -> memref<8192xf32, #tpu.memory_space<hbm>>
    tpu.enqueue_dma source(%dma_start3A_82 : memref<8192xf32, #tpu.memory_space<hbm>>) target(%dma_start3A_79 : memref<8192xf32, #tpu.memory_space<vmem>>) target_semaphore(%arg7 : memref<!tpu.dma_semaphore, #tpu.memory_space<semaphore_mem>>)
    %add3A_83 = arith.constant 1 : i32
    %add3A_84 = arith.addi %mul3A_2, %add3A_83 : i32
    %dma_start3A_85 = arith.constant 1 : i32
    %dma_start3A_86 = arith.constant 1 : i32
    %dma_start3A_87 = arith.constant 0 : i32
    %dma_start3A_88 = tpu.memref_slice %arg4[%dma_start3A_85, %dma_start3A_86, %dma_start3A_87] : memref<2x4x8192xf32, #tpu.memory_space<vmem>> -> memref<1x1x8192xf32, #tpu.memory_space<vmem>>
    %dma_start3A_89 = tpu.memref_squeeze %dma_start3A_88 : memref<1x1x8192xf32, #tpu.memory_space<vmem>> -> memref<8192xf32, #tpu.memory_space<vmem>>
    %dma_start3A_90 = arith.constant 8192 : i32
    %dma_start3A_91 = tpu.memref_slice %arg2[%add3A_84, %dma_start3A_90] : memref<128x32768xf32, #tpu.memory_space<hbm>> -> memref<1x8192xf32, #tpu.memory_space<hbm>>
    %dma_start3A_92 = tpu.memref_squeeze %dma_start3A_91 : memref<1x8192xf32, #tpu.memory_space<hbm>> -> memref<8192xf32, #tpu.memory_space<hbm>>
    %dma_start3A_93 = arith.constant 0 : i32
    %dma_start3A_94 = tpu.memref_slice %arg4[%dma_start3A_85, %dma_start3A_86, %dma_start3A_93] : memref<2x4x8192xf32, #tpu.memory_space<vmem>> -> memref<1x1x8192xf32, #tpu.memory_space<vmem>>
    %dma_start3A_95 = tpu.memref_squeeze %dma_start3A_94 : memref<1x1x8192xf32, #tpu.memory_space<vmem>> -> memref<8192xf32, #tpu.memory_space<vmem>>
    %dma_start3A_96 = arith.constant 8192 : i32
    %dma_start3A_97 = tpu.memref_slice %arg2[%add3A_84, %dma_start3A_96] : memref<128x32768xf32, #tpu.memory_space<hbm>> -> memref<1x8192xf32, #tpu.memory_space<hbm>>
    %dma_start3A_98 = tpu.memref_squeeze %dma_start3A_97 : memref<1x8192xf32, #tpu.memory_space<hbm>> -> memref<8192xf32, #tpu.memory_space<hbm>>
    tpu.enqueue_dma source(%dma_start3A_98 : memref<8192xf32, #tpu.memory_space<hbm>>) target(%dma_start3A_95 : memref<8192xf32, #tpu.memory_space<vmem>>) target_semaphore(%arg7 : memref<!tpu.dma_semaphore, #tpu.memory_space<semaphore_mem>>)
    %add3A_99 = arith.constant 2 : i32
    %add3A_100 = arith.addi %mul3A_2, %add3A_99 : i32
    %dma_start3A_101 = arith.constant 1 : i32
    %dma_start3A_102 = arith.constant 2 : i32
    %dma_start3A_103 = arith.constant 0 : i32
    %dma_start3A_104 = tpu.memref_slice %arg4[%dma_start3A_101, %dma_start3A_102, %dma_start3A_103] : memref<2x4x8192xf32, #tpu.memory_space<vmem>> -> memref<1x1x8192xf32, #tpu.memory_space<vmem>>
    %dma_start3A_105 = tpu.memref_squeeze %dma_start3A_104 : memref<1x1x8192xf32, #tpu.memory_space<vmem>> -> memref<8192xf32, #tpu.memory_space<vmem>>
    %dma_start3A_106 = arith.constant 8192 : i32
    %dma_start3A_107 = tpu.memref_slice %arg2[%add3A_100, %dma_start3A_106] : memref<128x32768xf32, #tpu.memory_space<hbm>> -> memref<1x8192xf32, #tpu.memory_space<hbm>>
    %dma_start3A_108 = tpu.memref_squeeze %dma_start3A_107 : memref<1x8192xf32, #tpu.memory_space<hbm>> -> memref<8192xf32, #tpu.memory_space<hbm>>
    %dma_start3A_109 = arith.constant 0 : i32
    %dma_start3A_110 = tpu.memref_slice %arg4[%dma_start3A_101, %dma_start3A_102, %dma_start3A_109] : memref<2x4x8192xf32, #tpu.memory_space<vmem>> -> memref<1x1x8192xf32, #tpu.memory_space<vmem>>
    %dma_start3A_111 = tpu.memref_squeeze %dma_start3A_110 : memref<1x1x8192xf32, #tpu.memory_space<vmem>> -> memref<8192xf32, #tpu.memory_space<vmem>>
    %dma_start3A_112 = arith.constant 8192 : i32
    %dma_start3A_113 = tpu.memref_slice %arg2[%add3A_100, %dma_start3A_112] : memref<128x32768xf32, #tpu.memory_space<hbm>> -> memref<1x8192xf32, #tpu.memory_space<hbm>>
    %dma_start3A_114 = tpu.memref_squeeze %dma_start3A_113 : memref<1x8192xf32, #tpu.memory_space<hbm>> -> memref<8192xf32, #tpu.memory_space<hbm>>
    tpu.enqueue_dma source(%dma_start3A_114 : memref<8192xf32, #tpu.memory_space<hbm>>) target(%dma_start3A_111 : memref<8192xf32, #tpu.memory_space<vmem>>) target_semaphore(%arg7 : memref<!tpu.dma_semaphore, #tpu.memory_space<semaphore_mem>>)
    %add3A_115 = arith.constant 3 : i32
    %add3A_116 = arith.addi %mul3A_2, %add3A_115 : i32
    %dma_start3A_117 = arith.constant 1 : i32
    %dma_start3A_118 = arith.constant 3 : i32
    %dma_start3A_119 = arith.constant 0 : i32
    %dma_start3A_120 = tpu.memref_slice %arg4[%dma_start3A_117, %dma_start3A_118, %dma_start3A_119] : memref<2x4x8192xf32, #tpu.memory_space<vmem>> -> memref<1x1x8192xf32, #tpu.memory_space<vmem>>
    %dma_start3A_121 = tpu.memref_squeeze %dma_start3A_120 : memref<1x1x8192xf32, #tpu.memory_space<vmem>> -> memref<8192xf32, #tpu.memory_space<vmem>>
    %dma_start3A_122 = arith.constant 8192 : i32
    %dma_start3A_123 = tpu.memref_slice %arg2[%add3A_116, %dma_start3A_122] : memref<128x32768xf32, #tpu.memory_space<hbm>> -> memref<1x8192xf32, #tpu.memory_space<hbm>>
    %dma_start3A_124 = tpu.memref_squeeze %dma_start3A_123 : memref<1x8192xf32, #tpu.memory_space<hbm>> -> memref<8192xf32, #tpu.memory_space<hbm>>
    %dma_start3A_125 = arith.constant 0 : i32
    %dma_start3A_126 = tpu.memref_slice %arg4[%dma_start3A_117, %dma_start3A_118, %dma_start3A_125] : memref<2x4x8192xf32, #tpu.memory_space<vmem>> -> memref<1x1x8192xf32, #tpu.memory_space<vmem>>
    %dma_start3A_127 = tpu.memref_squeeze %dma_start3A_126 : memref<1x1x8192xf32, #tpu.memory_space<vmem>> -> memref<8192xf32, #tpu.memory_space<vmem>>
    %dma_start3A_128 = arith.constant 8192 : i32
    %dma_start3A_129 = tpu.memref_slice %arg2[%add3A_116, %dma_start3A_128] : memref<128x32768xf32, #tpu.memory_space<hbm>> -> memref<1x8192xf32, #tpu.memory_space<hbm>>
    %dma_start3A_130 = tpu.memref_squeeze %dma_start3A_129 : memref<1x8192xf32, #tpu.memory_space<hbm>> -> memref<8192xf32, #tpu.memory_space<hbm>>
    tpu.enqueue_dma source(%dma_start3A_130 : memref<8192xf32, #tpu.memory_space<hbm>>) target(%dma_start3A_127 : memref<8192xf32, #tpu.memory_space<vmem>>) target_semaphore(%arg7 : memref<!tpu.dma_semaphore, #tpu.memory_space<semaphore_mem>>)
    %dma_wait3A = arith.constant 0 : i32
    %dma_wait3A_131 = arith.constant 0 : i32
    %dma_wait3A_132 = arith.constant 0 : i32
    %dma_wait3A_133 = tpu.memref_slice %arg4[%dma_wait3A, %dma_wait3A_131, %dma_wait3A_132] : memref<2x4x8192xf32, #tpu.memory_space<vmem>> -> memref<1x1x8192xf32, #tpu.memory_space<vmem>>
    %dma_wait3A_134 = tpu.memref_squeeze %dma_wait3A_133 : memref<1x1x8192xf32, #tpu.memory_space<vmem>> -> memref<8192xf32, #tpu.memory_space<vmem>>
    %dma_wait3A_135 = arith.constant 0 : i32
    %dma_wait3A_136 = tpu.memref_slice %arg2[%add3A_4, %dma_wait3A_135] : memref<128x32768xf32, #tpu.memory_space<hbm>> -> memref<1x8192xf32, #tpu.memory_space<hbm>>
    %dma_wait3A_137 = tpu.memref_squeeze %dma_wait3A_136 : memref<1x8192xf32, #tpu.memory_space<hbm>> -> memref<8192xf32, #tpu.memory_space<hbm>>
    %dma_wait3A_138 = arith.constant 0 : i32
    %dma_wait3A_139 = tpu.memref_slice %arg4[%dma_wait3A, %dma_wait3A_131, %dma_wait3A_138] : memref<2x4x8192xf32, #tpu.memory_space<vmem>> -> memref<1x1x8192xf32, #tpu.memory_space<vmem>>
    %dma_wait3A_140 = tpu.memref_squeeze %dma_wait3A_139 : memref<1x1x8192xf32, #tpu.memory_space<vmem>> -> memref<8192xf32, #tpu.memory_space<vmem>>
    %dma_wait3A_141 = arith.constant 0 : i32
    %dma_wait3A_142 = tpu.memref_slice %arg2[%add3A_4, %dma_wait3A_141] : memref<128x32768xf32, #tpu.memory_space<hbm>> -> memref<1x8192xf32, #tpu.memory_space<hbm>>
    %dma_wait3A_143 = tpu.memref_squeeze %dma_wait3A_142 : memref<1x8192xf32, #tpu.memory_space<hbm>> -> memref<8192xf32, #tpu.memory_space<hbm>>
    tpu.wait_dma2 semaphore(%arg6 : memref<!tpu.dma_semaphore, #tpu.memory_space<semaphore_mem>>) src(%dma_wait3A_143 : memref<8192xf32, #tpu.memory_space<hbm>>) dst(%dma_wait3A_140 : memref<8192xf32, #tpu.memory_space<vmem>>)
    %dma_wait3A_144 = arith.constant 0 : i32
    %dma_wait3A_145 = arith.constant 1 : i32
    %dma_wait3A_146 = arith.constant 0 : i32
    %dma_wait3A_147 = tpu.memref_slice %arg4[%dma_wait3A_144, %dma_wait3A_145, %dma_wait3A_146] : memref<2x4x8192xf32, #tpu.memory_space<vmem>> -> memref<1x1x8192xf32, #tpu.memory_space<vmem>>
    %dma_wait3A_148 = tpu.memref_squeeze %dma_wait3A_147 : memref<1x1x8192xf32, #tpu.memory_space<vmem>> -> memref<8192xf32, #tpu.memory_space<vmem>>
    %dma_wait3A_149 = arith.constant 0 : i32
    %dma_wait3A_150 = tpu.memref_slice %arg2[%add3A_19, %dma_wait3A_149] : memref<128x32768xf32, #tpu.memory_space<hbm>> -> memref<1x8192xf32, #tpu.memory_space<hbm>>
    %dma_wait3A_151 = tpu.memref_squeeze %dma_wait3A_150 : memref<1x8192xf32, #tpu.memory_space<hbm>> -> memref<8192xf32, #tpu.memory_space<hbm>>
    %dma_wait3A_152 = arith.constant 0 : i32
    %dma_wait3A_153 = tpu.memref_slice %arg4[%dma_wait3A_144, %dma_wait3A_145, %dma_wait3A_152] : memref<2x4x8192xf32, #tpu.memory_space<vmem>> -> memref<1x1x8192xf32, #tpu.memory_space<vmem>>
    %dma_wait3A_154 = tpu.memref_squeeze %dma_wait3A_153 : memref<1x1x8192xf32, #tpu.memory_space<vmem>> -> memref<8192xf32, #tpu.memory_space<vmem>>
    %dma_wait3A_155 = arith.constant 0 : i32
    %dma_wait3A_156 = tpu.memref_slice %arg2[%add3A_19, %dma_wait3A_155] : memref<128x32768xf32, #tpu.memory_space<hbm>> -> memref<1x8192xf32, #tpu.memory_space<hbm>>
    %dma_wait3A_157 = tpu.memref_squeeze %dma_wait3A_156 : memref<1x8192xf32, #tpu.memory_space<hbm>> -> memref<8192xf32, #tpu.memory_space<hbm>>
    tpu.wait_dma2 semaphore(%arg6 : memref<!tpu.dma_semaphore, #tpu.memory_space<semaphore_mem>>) src(%dma_wait3A_157 : memref<8192xf32, #tpu.memory_space<hbm>>) dst(%dma_wait3A_154 : memref<8192xf32, #tpu.memory_space<vmem>>)
    %dma_wait3A_158 = arith.constant 0 : i32
    %dma_wait3A_159 = arith.constant 2 : i32
    %dma_wait3A_160 = arith.constant 0 : i32
    %dma_wait3A_161 = tpu.memref_slice %arg4[%dma_wait3A_158, %dma_wait3A_159, %dma_wait3A_160] : memref<2x4x8192xf32, #tpu.memory_space<vmem>> -> memref<1x1x8192xf32, #tpu.memory_space<vmem>>
    %dma_wait3A_162 = tpu.memref_squeeze %dma_wait3A_161 : memref<1x1x8192xf32, #tpu.memory_space<vmem>> -> memref<8192xf32, #tpu.memory_space<vmem>>
    %dma_wait3A_163 = arith.constant 0 : i32
    %dma_wait3A_164 = tpu.memref_slice %arg2[%add3A_35, %dma_wait3A_163] : memref<128x32768xf32, #tpu.memory_space<hbm>> -> memref<1x8192xf32, #tpu.memory_space<hbm>>
    %dma_wait3A_165 = tpu.memref_squeeze %dma_wait3A_164 : memref<1x8192xf32, #tpu.memory_space<hbm>> -> memref<8192xf32, #tpu.memory_space<hbm>>
    %dma_wait3A_166 = arith.constant 0 : i32
    %dma_wait3A_167 = tpu.memref_slice %arg4[%dma_wait3A_158, %dma_wait3A_159, %dma_wait3A_166] : memref<2x4x8192xf32, #tpu.memory_space<vmem>> -> memref<1x1x8192xf32, #tpu.memory_space<vmem>>
    %dma_wait3A_168 = tpu.memref_squeeze %dma_wait3A_167 : memref<1x1x8192xf32, #tpu.memory_space<vmem>> -> memref<8192xf32, #tpu.memory_space<vmem>>
    %dma_wait3A_169 = arith.constant 0 : i32
    %dma_wait3A_170 = tpu.memref_slice %arg2[%add3A_35, %dma_wait3A_169] : memref<128x32768xf32, #tpu.memory_space<hbm>> -> memref<1x8192xf32, #tpu.memory_space<hbm>>
    %dma_wait3A_171 = tpu.memref_squeeze %dma_wait3A_170 : memref<1x8192xf32, #tpu.memory_space<hbm>> -> memref<8192xf32, #tpu.memory_space<hbm>>
    tpu.wait_dma2 semaphore(%arg6 : memref<!tpu.dma_semaphore, #tpu.memory_space<semaphore_mem>>) src(%dma_wait3A_171 : memref<8192xf32, #tpu.memory_space<hbm>>) dst(%dma_wait3A_168 : memref<8192xf32, #tpu.memory_space<vmem>>)
    %dma_wait3A_172 = arith.constant 0 : i32
    %dma_wait3A_173 = arith.constant 3 : i32
    %dma_wait3A_174 = arith.constant 0 : i32
    %dma_wait3A_175 = tpu.memref_slice %arg4[%dma_wait3A_172, %dma_wait3A_173, %dma_wait3A_174] : memref<2x4x8192xf32, #tpu.memory_space<vmem>> -> memref<1x1x8192xf32, #tpu.memory_space<vmem>>
    %dma_wait3A_176 = tpu.memref_squeeze %dma_wait3A_175 : memref<1x1x8192xf32, #tpu.memory_space<vmem>> -> memref<8192xf32, #tpu.memory_space<vmem>>
    %dma_wait3A_177 = arith.constant 0 : i32
    %dma_wait3A_178 = tpu.memref_slice %arg2[%add3A_51, %dma_wait3A_177] : memref<128x32768xf32, #tpu.memory_space<hbm>> -> memref<1x8192xf32, #tpu.memory_space<hbm>>
    %dma_wait3A_179 = tpu.memref_squeeze %dma_wait3A_178 : memref<1x8192xf32, #tpu.memory_space<hbm>> -> memref<8192xf32, #tpu.memory_space<hbm>>
    %dma_wait3A_180 = arith.constant 0 : i32
    %dma_wait3A_181 = tpu.memref_slice %arg4[%dma_wait3A_172, %dma_wait3A_173, %dma_wait3A_180] : memref<2x4x8192xf32, #tpu.memory_space<vmem>> -> memref<1x1x8192xf32, #tpu.memory_space<vmem>>
    %dma_wait3A_182 = tpu.memref_squeeze %dma_wait3A_181 : memref<1x1x8192xf32, #tpu.memory_space<vmem>> -> memref<8192xf32, #tpu.memory_space<vmem>>
    %dma_wait3A_183 = arith.constant 0 : i32
    %dma_wait3A_184 = tpu.memref_slice %arg2[%add3A_51, %dma_wait3A_183] : memref<128x32768xf32, #tpu.memory_space<hbm>> -> memref<1x8192xf32, #tpu.memory_space<hbm>>
    %dma_wait3A_185 = tpu.memref_squeeze %dma_wait3A_184 : memref<1x8192xf32, #tpu.memory_space<hbm>> -> memref<8192xf32, #tpu.memory_space<hbm>>
    tpu.wait_dma2 semaphore(%arg6 : memref<!tpu.dma_semaphore, #tpu.memory_space<semaphore_mem>>) src(%dma_wait3A_185 : memref<8192xf32, #tpu.memory_space<hbm>>) dst(%dma_wait3A_182 : memref<8192xf32, #tpu.memory_space<vmem>>)
    %scan3A = arith.constant 0 : i32
    %scan3A_186 = arith.constant 64 : i32
    %scan3A_187 = arith.addi %scan3A, %scan3A_186 : i32
    %scan3A_188 = arith.constant 1 : i32
    %scan3A_189:20 = scf.for %scan3A_666 = %scan3A to %scan3A_187 step %scan3A_188 iter_args(%scan3A_667 = %broadcast_in_dim3A_66, %scan3A_668 = %broadcast_in_dim3A_66, %scan3A_669 = %broadcast_in_dim3A_66, %scan3A_670 = %broadcast_in_dim3A_66, %scan3A_671 = %broadcast_in_dim3A_66, %scan3A_672 = %broadcast_in_dim3A_66, %scan3A_673 = %broadcast_in_dim3A_66, %scan3A_674 = %broadcast_in_dim3A_66, %scan3A_675 = %broadcast_in_dim3A_66, %scan3A_676 = %broadcast_in_dim3A_66, %scan3A_677 = %broadcast_in_dim3A_66, %scan3A_678 = %broadcast_in_dim3A_66, %scan3A_679 = %broadcast_in_dim3A_66, %scan3A_680 = %broadcast_in_dim3A_66, %scan3A_681 = %broadcast_in_dim3A_66, %scan3A_682 = %broadcast_in_dim3A_66, %scan3A_683 = %broadcast_in_dim3A_66, %scan3A_684 = %broadcast_in_dim3A_66, %scan3A_685 = %broadcast_in_dim3A_66, %scan3A_686 = %broadcast_in_dim3A_66) -> (vector<16xf32>, vector<16xf32>, vector<16xf32>, vector<16xf32>, vector<16xf32>, vector<16xf32>, vector<16xf32>, vector<16xf32>, vector<16xf32>, vector<16xf32>, vector<16xf32>, vector<16xf32>, vector<16xf32>, vector<16xf32>, vector<16xf32>, vector<16xf32>, vector<16xf32>, vector<16xf32>, vector<16xf32>, vector<16xf32>)  : i32 {
      %mul3A_687 = arith.constant 128 : i32
      %mul3A_688 = arith.muli %scan3A_666, %mul3A_687 : i32
      %add3A_689 = arith.constant 0 : i32
      %add3A_690 = arith.addi %mul3A_688, %add3A_689 : i32
      %get3A = arith.constant 0 : i32
      %get3A_691 = arith.constant 0 : i32
      %get3A_692 = arith.index_cast %get3A : i32 to index
      %get3A_693 = arith.index_cast %get3A_691 : i32 to index
      %get3A_694 = arith.index_cast %add3A_690 : i32 to index
      %get3A_695 = tpu.vector_load %arg4[%get3A_692, %get3A_693, %get3A_694] {strides = array<i32>} : memref<2x4x8192xf32, #tpu.memory_space<vmem>>, vector<16xf32>,
      %add3A_696 = arith.constant 16 : i32
      %add3A_697 = arith.addi %mul3A_688, %add3A_696 : i32
      %get3A_698 = arith.constant 0 : i32
      %get3A_699 = arith.constant 0 : i32
      %get3A_700 = arith.index_cast %get3A_698 : i32 to index
      %get3A_701 = arith.index_cast %get3A_699 : i32 to index
      %get3A_702 = arith.index_cast %add3A_697 : i32 to index
      %get3A_703 = tpu.vector_load %arg4[%get3A_700, %get3A_701, %get3A_702] {strides = array<i32>} : memref<2x4x8192xf32, #tpu.memory_space<vmem>>, vector<16xf32>,
      %add3A_704 = arith.constant 32 : i32
      %add3A_705 = arith.addi %mul3A_688, %add3A_704 : i32
      %get3A_706 = arith.constant 0 : i32
      %get3A_707 = arith.constant 0 : i32
      %get3A_708 = arith.index_cast %get3A_706 : i32 to index
      %get3A_709 = arith.index_cast %get3A_707 : i32 to index
      %get3A_710 = arith.index_cast %add3A_705 : i32 to index
      %get3A_711 = tpu.vector_load %arg4[%get3A_708, %get3A_709, %get3A_710] {strides = array<i32>} : memref<2x4x8192xf32, #tpu.memory_space<vmem>>, vector<16xf32>,
      %add3A_712 = arith.constant 48 : i32
      %add3A_713 = arith.addi %mul3A_688, %add3A_712 : i32
      %get3A_714 = arith.constant 0 : i32
      %get3A_715 = arith.constant 0 : i32
      %get3A_716 = arith.index_cast %get3A_714 : i32 to index
      %get3A_717 = arith.index_cast %get3A_715 : i32 to index
      %get3A_718 = arith.index_cast %add3A_713 : i32 to index
      %get3A_719 = tpu.vector_load %arg4[%get3A_716, %get3A_717, %get3A_718] {strides = array<i32>} : memref<2x4x8192xf32, #tpu.memory_space<vmem>>, vector<16xf32>,
      %add3A_720 = arith.constant 64 : i32
      %add3A_721 = arith.addi %mul3A_688, %add3A_720 : i32
      %get3A_722 = arith.constant 0 : i32
      %get3A_723 = arith.constant 0 : i32
      %get3A_724 = arith.index_cast %get3A_722 : i32 to index
      %get3A_725 = arith.index_cast %get3A_723 : i32 to index
      %get3A_726 = arith.index_cast %add3A_721 : i32 to index
      %get3A_727 = tpu.vector_load %arg4[%get3A_724, %get3A_725, %get3A_726] {strides = array<i32>} : memref<2x4x8192xf32, #tpu.memory_space<vmem>>, vector<16xf32>,
      %add3A_728 = arith.constant 80 : i32
      %add3A_729 = arith.addi %mul3A_688, %add3A_728 : i32
      %get3A_730 = arith.constant 0 : i32
      %get3A_731 = arith.constant 0 : i32
      %get3A_732 = arith.index_cast %get3A_730 : i32 to index
      %get3A_733 = arith.index_cast %get3A_731 : i32 to index
      %get3A_734 = arith.index_cast %add3A_729 : i32 to index
      %get3A_735 = tpu.vector_load %arg4[%get3A_732, %get3A_733, %get3A_734] {strides = array<i32>} : memref<2x4x8192xf32, #tpu.memory_space<vmem>>, vector<16xf32>,
      %add3A_736 = arith.constant 96 : i32
      %add3A_737 = arith.addi %mul3A_688, %add3A_736 : i32
      %get3A_738 = arith.constant 0 : i32
      %get3A_739 = arith.constant 0 : i32
      %get3A_740 = arith.index_cast %get3A_738 : i32 to index
      %get3A_741 = arith.index_cast %get3A_739 : i32 to index
      %get3A_742 = arith.index_cast %add3A_737 : i32 to index
      %get3A_743 = tpu.vector_load %arg4[%get3A_740, %get3A_741, %get3A_742] {strides = array<i32>} : memref<2x4x8192xf32, #tpu.memory_space<vmem>>, vector<16xf32>,
      %add3A_744 = arith.constant 112 : i32
      %add3A_745 = arith.addi %mul3A_688, %add3A_744 : i32
      %get3A_746 = arith.constant 0 : i32
      %get3A_747 = arith.constant 0 : i32
      %get3A_748 = arith.index_cast %get3A_746 : i32 to index
      %get3A_749 = arith.index_cast %get3A_747 : i32 to index
      %get3A_750 = arith.index_cast %add3A_745 : i32 to index
      %get3A_751 = tpu.vector_load %arg4[%get3A_748, %get3A_749, %get3A_750] {strides = array<i32>} : memref<2x4x8192xf32, #tpu.memory_space<vmem>>, vector<16xf32>,
      %max3A_752 = arith.maximumf %get3A_695, %get3A_703 : vector<16xf32>
      %min3A = arith.minimumf %get3A_695, %get3A_703 : vector<16xf32>
      %max3A_753 = arith.maximumf %get3A_711, %get3A_719 : vector<16xf32>
      %min3A_754 = arith.minimumf %get3A_711, %get3A_719 : vector<16xf32>
      %max3A_755 = arith.maximumf %get3A_727, %get3A_735 : vector<16xf32>
      %min3A_756 = arith.minimumf %get3A_727, %get3A_735 : vector<16xf32>
      %max3A_757 = arith.maximumf %get3A_743, %get3A_751 : vector<16xf32>
      %min3A_758 = arith.minimumf %get3A_743, %get3A_751 : vector<16xf32>
      %max3A_759 = arith.maximumf %max3A_752, %max3A_753 : vector<16xf32>
      %min3A_760 = arith.minimumf %max3A_752, %max3A_753 : vector<16xf32>
      %max3A_761 = arith.maximumf %min3A, %min3A_754 : vector<16xf32>
      %min3A_762 = arith.minimumf %min3A, %min3A_754 : vector<16xf32>
      %max3A_763 = arith.maximumf %max3A_755, %max3A_757 : vector<16xf32>
      %min3A_764 = arith.minimumf %max3A_755, %max3A_757 : vector<16xf32>
      %max3A_765 = arith.maximumf %min3A_756, %min3A_758 : vector<16xf32>
      %min3A_766 = arith.minimumf %min3A_756, %min3A_758 : vector<16xf32>
      %max3A_767 = arith.maximumf %max3A_761, %min3A_760 : vector<16xf32>
      %min3A_768 = arith.minimumf %max3A_761, %min3A_760 : vector<16xf32>
      %max3A_769 = arith.maximumf %max3A_765, %min3A_764 : vector<16xf32>
      %min3A_770 = arith.minimumf %max3A_765, %min3A_764 : vector<16xf32>
      %max3A_771 = arith.maximumf %max3A_759, %max3A_763 : vector<16xf32>
      %min3A_772 = arith.minimumf %max3A_759, %max3A_763 : vector<16xf32>
      %max3A_773 = arith.maximumf %max3A_767, %max3A_769 : vector<16xf32>
      %min3A_774 = arith.minimumf %max3A_767, %max3A_769 : vector<16xf32>
      %max3A_775 = arith.maximumf %min3A_768, %min3A_770 : vector<16xf32>
      %min3A_776 = arith.minimumf %min3A_768, %min3A_770 : vector<16xf32>
      %max3A_777 = arith.maximumf %min3A_762, %min3A_766 : vector<16xf32>
      %min3A_778 = arith.minimumf %min3A_762, %min3A_766 : vector<16xf32>
      %max3A_779 = arith.maximumf %max3A_775, %min3A_772 : vector<16xf32>
      %min3A_780 = arith.minimumf %max3A_775, %min3A_772 : vector<16xf32>
      %max3A_781 = arith.maximumf %max3A_777, %min3A_774 : vector<16xf32>
      %min3A_782 = arith.minimumf %max3A_777, %min3A_774 : vector<16xf32>
      %max3A_783 = arith.maximumf %max3A_773, %max3A_779 : vector<16xf32>
      %min3A_784 = arith.minimumf %max3A_773, %max3A_779 : vector<16xf32>
      %max3A_785 = arith.maximumf %max3A_781, %min3A_780 : vector<16xf32>
      %min3A_786 = arith.minimumf %max3A_781, %min3A_780 : vector<16xf32>
      %max3A_787 = arith.maximumf %min3A_782, %min3A_776 : vector<16xf32>
      %min3A_788 = arith.minimumf %min3A_782, %min3A_776 : vector<16xf32>
      %max3A_789 = arith.maximumf %scan3A_667, %min3A_778 : vector<16xf32>
      %max3A_790 = arith.maximumf %scan3A_668, %min3A_788 : vector<16xf32>
      %max3A_791 = arith.maximumf %scan3A_669, %max3A_787 : vector<16xf32>
      %max3A_792 = arith.maximumf %scan3A_670, %min3A_786 : vector<16xf32>
      %max3A_793 = arith.maximumf %scan3A_671, %max3A_785 : vector<16xf32>
      %max3A_794 = arith.maximumf %scan3A_672, %min3A_784 : vector<16xf32>
      %max3A_795 = arith.maximumf %scan3A_673, %max3A_783 : vector<16xf32>
      %max3A_796 = arith.maximumf %scan3A_674, %max3A_771 : vector<16xf32>
      %max3A_797 = arith.maximumf %max3A_789, %max3A_793 : vector<16xf32>
      %min3A_798 = arith.minimumf %max3A_789, %max3A_793 : vector<16xf32>
      %max3A_799 = arith.maximumf %max3A_790, %max3A_794 : vector<16xf32>
      %min3A_800 = arith.minimumf %max3A_790, %max3A_794 : vector<16xf32>
      %max3A_801 = arith.maximumf %max3A_791, %max3A_795 : vector<16xf32>
      %min3A_802 = arith.minimumf %max3A_791, %max3A_795 : vector<16xf32>
      %max3A_803 = arith.maximumf %max3A_792, %max3A_796 : vector<16xf32>
      %min3A_804 = arith.minimumf %max3A_792, %max3A_796 : vector<16xf32>
      %max3A_805 = arith.maximumf %max3A_797, %max3A_801 : vector<16xf32>
      %min3A_806 = arith.minimumf %max3A_797, %max3A_801 : vector<16xf32>
      %max3A_807 = arith.maximumf %max3A_799, %max3A_803 : vector<16xf32>
      %min3A_808 = arith.minimumf %max3A_799, %max3A_803 : vector<16xf32>
      %max3A_809 = arith.maximumf %min3A_798, %min3A_802 : vector<16xf32>
      %min3A_810 = arith.minimumf %min3A_798, %min3A_802 : vector<16xf32>
      %max3A_811 = arith.maximumf %min3A_800, %min3A_804 : vector<16xf32>
      %min3A_812 = arith.minimumf %min3A_800, %min3A_804 : vector<16xf32>
      %max3A_813 = arith.maximumf %max3A_805, %max3A_807 : vector<16xf32>
      %min3A_814 = arith.minimumf %max3A_805, %max3A_807 : vector<16xf32>
      %max3A_815 = arith.maximumf %min3A_806, %min3A_808 : vector<16xf32>
      %min3A_816 = arith.minimumf %min3A_806, %min3A_808 : vector<16xf32>
      %max3A_817 = arith.maximumf %max3A_809, %max3A_811 : vector<16xf32>
      %min3A_818 = arith.minimumf %max3A_809, %max3A_811 : vector<16xf32>
      %max3A_819 = arith.maximumf %min3A_810, %min3A_812 : vector<16xf32>
      %min3A_820 = arith.minimumf %min3A_810, %min3A_812 : vector<16xf32>
      %mul3A_821 = arith.constant 2 : i32
      %mul3A_822 = arith.muli %mul3A_821, %scan3A_666 : i32
      %add3A_823 = arith.constant 0 : i32
      %add3A_824 = arith.addi %add3A_823, %mul3A_822 : i32
      %add3A_825 = arith.constant 0 : i32
      %add3A_826 = arith.addi %add3A_824, %add3A_825 : i32
      %mul3A_827 = arith.constant 16 : i32
      %mul3A_828 = arith.muli %add3A_826, %mul3A_827 : i32
      %get3A_829 = arith.constant 0 : i32
      %get3A_830 = arith.constant 1 : i32
      %get3A_831 = arith.index_cast %get3A_829 : i32 to index
      %get3A_832 = arith.index_cast %get3A_830 : i32 to index
      %get3A_833 = arith.index_cast %mul3A_828 : i32 to index
      %get3A_834 = tpu.vector_load %arg4[%get3A_831, %get3A_832, %get3A_833] {strides = array<i32>} : memref<2x4x8192xf32, #tpu.memory_space<vmem>>, vector<16xf32>,
      %masked_sort3A_835 = arith.constant dense<true> : vector<16xi1>
      %masked_sort3A_836, %masked_sort3A_837, %masked_sort3A_838 = tpu.sort %get3A_834, %get3A_834 masked %masked_sort3A_835 : (vector<16xf32>, vector<16xf32>, vector<16xi1>) -> (vector<16xi1>, vector<16xf32>, vector<16xf32>)
      %max3A_839 = arith.maximumf %scan3A_675, %masked_sort3A_837 : vector<16xf32>
      %masked_sort3A_840 = arith.constant dense<true> : vector<16xi1>
      %masked_sort3A_841, %masked_sort3A_842, %masked_sort3A_843 = tpu.sort %max3A_839, %max3A_839 masked %masked_sort3A_840 {descending = true} : (vector<16xf32>, vector<16xf32>, vector<16xi1>) -> (vector<16xi1>, vector<16xf32>, vector<16xf32>)
      %mul3A_844 = arith.constant 2 : i32
      %mul3A_845 = arith.muli %mul3A_844, %scan3A_666 : i32
      %add3A_846 = arith.constant 0 : i32
      %add3A_847 = arith.addi %add3A_846, %mul3A_845 : i32
      %add3A_848 = arith.constant 1 : i32
      %add3A_849 = arith.addi %add3A_847, %add3A_848 : i32
      %mul3A_850 = arith.constant 16 : i32
      %mul3A_851 = arith.muli %add3A_849, %mul3A_850 : i32
      %get3A_852 = arith.constant 0 : i32
      %get3A_853 = arith.constant 1 : i32
      %get3A_854 = arith.index_cast %get3A_852 : i32 to index
      %get3A_855 = arith.index_cast %get3A_853 : i32 to index
      %get3A_856 = arith.index_cast %mul3A_851 : i32 to index
      %get3A_857 = tpu.vector_load %arg4[%get3A_854, %get3A_855, %get3A_856] {strides = array<i32>} : memref<2x4x8192xf32, #tpu.memory_space<vmem>>, vector<16xf32>,
      %masked_sort3A_858 = arith.constant dense<true> : vector<16xi1>
      %masked_sort3A_859, %masked_sort3A_860, %masked_sort3A_861 = tpu.sort %get3A_857, %get3A_857 masked %masked_sort3A_858 : (vector<16xf32>, vector<16xf32>, vector<16xi1>) -> (vector<16xi1>, vector<16xf32>, vector<16xf32>)
      %max3A_862 = arith.maximumf %masked_sort3A_842, %masked_sort3A_860 : vector<16xf32>
      %masked_sort3A_863 = arith.constant dense<true> : vector<16xi1>
      %masked_sort3A_864, %masked_sort3A_865, %masked_sort3A_866 = tpu.sort %max3A_862, %max3A_862 masked %masked_sort3A_863 {descending = true} : (vector<16xf32>, vector<16xf32>, vector<16xi1>) -> (vector<16xi1>, vector<16xf32>, vector<16xf32>)
      %mul3A_867 = arith.constant 2 : i32
      %mul3A_868 = arith.muli %mul3A_867, %scan3A_666 : i32
      %add3A_869 = arith.constant 128 : i32
      %add3A_870 = arith.addi %add3A_869, %mul3A_868 : i32
      %add3A_871 = arith.constant 0 : i32
      %add3A_872 = arith.addi %add3A_870, %add3A_871 : i32
      %mul3A_873 = arith.constant 16 : i32
      %mul3A_874 = arith.muli %add3A_872, %mul3A_873 : i32
      %get3A_875 = arith.constant 0 : i32
      %get3A_876 = arith.constant 1 : i32
      %get3A_877 = arith.index_cast %get3A_875 : i32 to index
      %get3A_878 = arith.index_cast %get3A_876 : i32 to index
      %get3A_879 = arith.index_cast %mul3A_874 : i32 to index
      %get3A_880 = tpu.vector_load %arg4[%get3A_877, %get3A_878, %get3A_879] {strides = array<i32>} : memref<2x4x8192xf32, #tpu.memory_space<vmem>>, vector<16xf32>,
      %masked_sort3A_881 = arith.constant dense<true> : vector<16xi1>
      %masked_sort3A_882, %masked_sort3A_883, %masked_sort3A_884 = tpu.sort %get3A_880, %get3A_880 masked %masked_sort3A_881 : (vector<16xf32>, vector<16xf32>, vector<16xi1>) -> (vector<16xi1>, vector<16xf32>, vector<16xf32>)
      %max3A_885 = arith.maximumf %scan3A_676, %masked_sort3A_883 : vector<16xf32>
      %masked_sort3A_886 = arith.constant dense<true> : vector<16xi1>
      %masked_sort3A_887, %masked_sort3A_888, %masked_sort3A_889 = tpu.sort %max3A_885, %max3A_885 masked %masked_sort3A_886 {descending = true} : (vector<16xf32>, vector<16xf32>, vector<16xi1>) -> (vector<16xi1>, vector<16xf32>, vector<16xf32>)
      %mul3A_890 = arith.constant 2 : i32
      %mul3A_891 = arith.muli %mul3A_890, %scan3A_666 : i32
      %add3A_892 = arith.constant 128 : i32
      %add3A_893 = arith.addi %add3A_892, %mul3A_891 : i32
      %add3A_894 = arith.constant 1 : i32
      %add3A_895 = arith.addi %add3A_893, %add3A_894 : i32
      %mul3A_896 = arith.constant 16 : i32
      %mul3A_897 = arith.muli %add3A_895, %mul3A_896 : i32
      %get3A_898 = arith.constant 0 : i32
      %get3A_899 = arith.constant 1 : i32
      %get3A_900 = arith.index_cast %get3A_898 : i32 to index
      %get3A_901 = arith.index_cast %get3A_899 : i32 to index
      %get3A_902 = arith.index_cast %mul3A_897 : i32 to index
      %get3A_903 = tpu.vector_load %arg4[%get3A_900, %get3A_901, %get3A_902] {strides = array<i32>} : memref<2x4x8192xf32, #tpu.memory_space<vmem>>, vector<16xf32>,
      %masked_sort3A_904 = arith.constant dense<true> : vector<16xi1>
      %masked_sort3A_905, %masked_sort3A_906, %masked_sort3A_907 = tpu.sort %get3A_903, %get3A_903 masked %masked_sort3A_904 : (vector<16xf32>, vector<16xf32>, vector<16xi1>) -> (vector<16xi1>, vector<16xf32>, vector<16xf32>)
      %max3A_908 = arith.maximumf %masked_sort3A_888, %masked_sort3A_906 : vector<16xf32>
      %masked_sort3A_909 = arith.constant dense<true> : vector<16xi1>
      %masked_sort3A_910, %masked_sort3A_911, %masked_sort3A_912 = tpu.sort %max3A_908, %max3A_908 masked %masked_sort3A_909 {descending = true} : (vector<16xf32>, vector<16xf32>, vector<16xi1>) -> (vector<16xi1>, vector<16xf32>, vector<16xf32>)
      %mul3A_913 = arith.constant 2 : i32
      %mul3A_914 = arith.muli %mul3A_913, %scan3A_666 : i32
      %add3A_915 = arith.constant 256 : i32
      %add3A_916 = arith.addi %add3A_915, %mul3A_914 : i32
      %add3A_917 = arith.constant 0 : i32
      %add3A_918 = arith.addi %add3A_916, %add3A_917 : i32
      %mul3A_919 = arith.constant 16 : i32
      %mul3A_920 = arith.muli %add3A_918, %mul3A_919 : i32
      %get3A_921 = arith.constant 0 : i32
      %get3A_922 = arith.constant 1 : i32
      %get3A_923 = arith.index_cast %get3A_921 : i32 to index
      %get3A_924 = arith.index_cast %get3A_922 : i32 to index
      %get3A_925 = arith.index_cast %mul3A_920 : i32 to index
      %get3A_926 = tpu.vector_load %arg4[%get3A_923, %get3A_924, %get3A_925] {strides = array<i32>} : memref<2x4x8192xf32, #tpu.memory_space<vmem>>, vector<16xf32>,
      %masked_sort3A_927 = arith.constant dense<true> : vector<16xi1>
      %masked_sort3A_928, %masked_sort3A_929, %masked_sort3A_930 = tpu.sort %get3A_926, %get3A_926 masked %masked_sort3A_927 : (vector<16xf32>, vector<16xf32>, vector<16xi1>) -> (vector<16xi1>, vector<16xf32>, vector<16xf32>)
      %max3A_931 = arith.maximumf %scan3A_677, %masked_sort3A_929 : vector<16xf32>
      %masked_sort3A_932 = arith.constant dense<true> : vector<16xi1>
      %masked_sort3A_933, %masked_sort3A_934, %masked_sort3A_935 = tpu.sort %max3A_931, %max3A_931 masked %masked_sort3A_932 {descending = true} : (vector<16xf32>, vector<16xf32>, vector<16xi1>) -> (vector<16xi1>, vector<16xf32>, vector<16xf32>)
      %mul3A_936 = arith.constant 2 : i32
      %mul3A_937 = arith.muli %mul3A_936, %scan3A_666 : i32
      %add3A_938 = arith.constant 256 : i32
      %add3A_939 = arith.addi %add3A_938, %mul3A_937 : i32
      %add3A_940 = arith.constant 1 : i32
      %add3A_941 = arith.addi %add3A_939, %add3A_940 : i32
      %mul3A_942 = arith.constant 16 : i32
      %mul3A_943 = arith.muli %add3A_941, %mul3A_942 : i32
      %get3A_944 = arith.constant 0 : i32
      %get3A_945 = arith.constant 1 : i32
      %get3A_946 = arith.index_cast %get3A_944 : i32 to index
      %get3A_947 = arith.index_cast %get3A_945 : i32 to index
      %get3A_948 = arith.index_cast %mul3A_943 : i32 to index
      %get3A_949 = tpu.vector_load %arg4[%get3A_946, %get3A_947, %get3A_948] {strides = array<i32>} : memref<2x4x8192xf32, #tpu.memory_space<vmem>>, vector<16xf32>,
      %masked_sort3A_950 = arith.constant dense<true> : vector<16xi1>
      %masked_sort3A_951, %masked_sort3A_952, %masked_sort3A_953 = tpu.sort %get3A_949, %get3A_949 masked %masked_sort3A_950 : (vector<16xf32>, vector<16xf32>, vector<16xi1>) -> (vector<16xi1>, vector<16xf32>, vector<16xf32>)
      %max3A_954 = arith.maximumf %masked_sort3A_934, %masked_sort3A_952 : vector<16xf32>
      %masked_sort3A_955 = arith.constant dense<true> : vector<16xi1>
      %masked_sort3A_956, %masked_sort3A_957, %masked_sort3A_958 = tpu.sort %max3A_954, %max3A_954 masked %masked_sort3A_955 {descending = true} : (vector<16xf32>, vector<16xf32>, vector<16xi1>) -> (vector<16xi1>, vector<16xf32>, vector<16xf32>)
      %mul3A_959 = arith.constant 2 : i32
      %mul3A_960 = arith.muli %mul3A_959, %scan3A_666 : i32
      %add3A_961 = arith.constant 384 : i32
      %add3A_962 = arith.addi %add3A_961, %mul3A_960 : i32
      %add3A_963 = arith.constant 0 : i32
      %add3A_964 = arith.addi %add3A_962, %add3A_963 : i32
      %mul3A_965 = arith.constant 16 : i32
      %mul3A_966 = arith.muli %add3A_964, %mul3A_965 : i32
      %get3A_967 = arith.constant 0 : i32
      %get3A_968 = arith.constant 1 : i32
      %get3A_969 = arith.index_cast %get3A_967 : i32 to index
      %get3A_970 = arith.index_cast %get3A_968 : i32 to index
      %get3A_971 = arith.index_cast %mul3A_966 : i32 to index
      %get3A_972 = tpu.vector_load %arg4[%get3A_969, %get3A_970, %get3A_971] {strides = array<i32>} : memref<2x4x8192xf32, #tpu.memory_space<vmem>>, vector<16xf32>,
      %masked_sort3A_973 = arith.constant dense<true> : vector<16xi1>
      %masked_sort3A_974, %masked_sort3A_975, %masked_sort3A_976 = tpu.sort %get3A_972, %get3A_972 masked %masked_sort3A_973 : (vector<16xf32>, vector<16xf32>, vector<16xi1>) -> (vector<16xi1>, vector<16xf32>, vector<16xf32>)
      %max3A_977 = arith.maximumf %scan3A_678, %masked_sort3A_975 : vector<16xf32>
      %masked_sort3A_978 = arith.constant dense<true> : vector<16xi1>
      %masked_sort3A_979, %masked_sort3A_980, %masked_sort3A_981 = tpu.sort %max3A_977, %max3A_977 masked %masked_sort3A_978 {descending = true} : (vector<16xf32>, vector<16xf32>, vector<16xi1>) -> (vector<16xi1>, vector<16xf32>, vector<16xf32>)
      %mul3A_982 = arith.constant 2 : i32
      %mul3A_983 = arith.muli %mul3A_982, %scan3A_666 : i32
      %add3A_984 = arith.constant 384 : i32
      %add3A_985 = arith.addi %add3A_984, %mul3A_983 : i32
      %add3A_986 = arith.constant 1 : i32
      %add3A_987 = arith.addi %add3A_985, %add3A_986 : i32
      %mul3A_988 = arith.constant 16 : i32
      %mul3A_989 = arith.muli %add3A_987, %mul3A_988 : i32
      %get3A_990 = arith.constant 0 : i32
      %get3A_991 = arith.constant 1 : i32
      %get3A_992 = arith.index_cast %get3A_990 : i32 to index
      %get3A_993 = arith.index_cast %get3A_991 : i32 to index
      %get3A_994 = arith.index_cast %mul3A_989 : i32 to index
      %get3A_995 = tpu.vector_load %arg4[%get3A_992, %get3A_993, %get3A_994] {strides = array<i32>} : memref<2x4x8192xf32, #tpu.memory_space<vmem>>, vector<16xf32>,
      %masked_sort3A_996 = arith.constant dense<true> : vector<16xi1>
      %masked_sort3A_997, %masked_sort3A_998, %masked_sort3A_999 = tpu.sort %get3A_995, %get3A_995 masked %masked_sort3A_996 : (vector<16xf32>, vector<16xf32>, vector<16xi1>) -> (vector<16xi1>, vector<16xf32>, vector<16xf32>)
      %max3A_1000 = arith.maximumf %masked_sort3A_980, %masked_sort3A_998 : vector<16xf32>
      %masked_sort3A_1001 = arith.constant dense<true> : vector<16xi1>
      %masked_sort3A_1002, %masked_sort3A_1003, %masked_sort3A_1004 = tpu.sort %max3A_1000, %max3A_1000 masked %masked_sort3A_1001 {descending = true} : (vector<16xf32>, vector<16xf32>, vector<16xi1>) -> (vector<16xi1>, vector<16xf32>, vector<16xf32>)
      %mul3A_1005 = arith.constant 2 : i32
      %mul3A_1006 = arith.muli %mul3A_1005, %scan3A_666 : i32
      %add3A_1007 = arith.constant 0 : i32
      %add3A_1008 = arith.addi %add3A_1007, %mul3A_1006 : i32
      %add3A_1009 = arith.constant 0 : i32
      %add3A_1010 = arith.addi %add3A_1008, %add3A_1009 : i32
      %mul3A_1011 = arith.constant 16 : i32
      %mul3A_1012 = arith.muli %add3A_1010, %mul3A_1011 : i32
      %get3A_1013 = arith.constant 0 : i32
      %get3A_1014 = arith.constant 2 : i32
      %get3A_1015 = arith.index_cast %get3A_1013 : i32 to index
      %get3A_1016 = arith.index_cast %get3A_1014 : i32 to index
      %get3A_1017 = arith.index_cast %mul3A_1012 : i32 to index
      %get3A_1018 = tpu.vector_load %arg4[%get3A_1015, %get3A_1016, %get3A_1017] {strides = array<i32>} : memref<2x4x8192xf32, #tpu.memory_space<vmem>>, vector<16xf32>,
      %masked_sort3A_1019 = arith.constant dense<true> : vector<16xi1>
      %masked_sort3A_1020, %masked_sort3A_1021, %masked_sort3A_1022 = tpu.sort %get3A_1018, %get3A_1018 masked %masked_sort3A_1019 : (vector<16xf32>, vector<16xf32>, vector<16xi1>) -> (vector<16xi1>, vector<16xf32>, vector<16xf32>)
      %max3A_1023 = arith.maximumf %scan3A_679, %masked_sort3A_1021 : vector<16xf32>
      %masked_sort3A_1024 = arith.constant dense<true> : vector<16xi1>
      %masked_sort3A_1025, %masked_sort3A_1026, %masked_sort3A_1027 = tpu.sort %max3A_1023, %max3A_1023 masked %masked_sort3A_1024 {descending = true} : (vector<16xf32>, vector<16xf32>, vector<16xi1>) -> (vector<16xi1>, vector<16xf32>, vector<16xf32>)
      %mul3A_1028 = arith.constant 2 : i32
      %mul3A_1029 = arith.muli %mul3A_1028, %scan3A_666 : i32
      %add3A_1030 = arith.constant 0 : i32
      %add3A_1031 = arith.addi %add3A_1030, %mul3A_1029 : i32
      %add3A_1032 = arith.constant 1 : i32
      %add3A_1033 = arith.addi %add3A_1031, %add3A_1032 : i32
      %mul3A_1034 = arith.constant 16 : i32
      %mul3A_1035 = arith.muli %add3A_1033, %mul3A_1034 : i32
      %get3A_1036 = arith.constant 0 : i32
      %get3A_1037 = arith.constant 2 : i32
      %get3A_1038 = arith.index_cast %get3A_1036 : i32 to index
      %get3A_1039 = arith.index_cast %get3A_1037 : i32 to index
      %get3A_1040 = arith.index_cast %mul3A_1035 : i32 to index
      %get3A_1041 = tpu.vector_load %arg4[%get3A_1038, %get3A_1039, %get3A_1040] {strides = array<i32>} : memref<2x4x8192xf32, #tpu.memory_space<vmem>>, vector<16xf32>,
      %masked_sort3A_1042 = arith.constant dense<true> : vector<16xi1>
      %masked_sort3A_1043, %masked_sort3A_1044, %masked_sort3A_1045 = tpu.sort %get3A_1041, %get3A_1041 masked %masked_sort3A_1042 : (vector<16xf32>, vector<16xf32>, vector<16xi1>) -> (vector<16xi1>, vector<16xf32>, vector<16xf32>)
      %max3A_1046 = arith.maximumf %masked_sort3A_1026, %masked_sort3A_1044 : vector<16xf32>
      %masked_sort3A_1047 = arith.constant dense<true> : vector<16xi1>
      %masked_sort3A_1048, %masked_sort3A_1049, %masked_sort3A_1050 = tpu.sort %max3A_1046, %max3A_1046 masked %masked_sort3A_1047 {descending = true} : (vector<16xf32>, vector<16xf32>, vector<16xi1>) -> (vector<16xi1>, vector<16xf32>, vector<16xf32>)
      %mul3A_1051 = arith.constant 2 : i32
      %mul3A_1052 = arith.muli %mul3A_1051, %scan3A_666 : i32
      %add3A_1053 = arith.constant 128 : i32
      %add3A_1054 = arith.addi %add3A_1053, %mul3A_1052 : i32
      %add3A_1055 = arith.constant 0 : i32
      %add3A_1056 = arith.addi %add3A_1054, %add3A_1055 : i32
      %mul3A_1057 = arith.constant 16 : i32
      %mul3A_1058 = arith.muli %add3A_1056, %mul3A_1057 : i32
      %get3A_1059 = arith.constant 0 : i32
      %get3A_1060 = arith.constant 2 : i32
      %get3A_1061 = arith.index_cast %get3A_1059 : i32 to index
      %get3A_1062 = arith.index_cast %get3A_1060 : i32 to index
      %get3A_1063 = arith.index_cast %mul3A_1058 : i32 to index
      %get3A_1064 = tpu.vector_load %arg4[%get3A_1061, %get3A_1062, %get3A_1063] {strides = array<i32>} : memref<2x4x8192xf32, #tpu.memory_space<vmem>>, vector<16xf32>,
      %masked_sort3A_1065 = arith.constant dense<true> : vector<16xi1>
      %masked_sort3A_1066, %masked_sort3A_1067, %masked_sort3A_1068 = tpu.sort %get3A_1064, %get3A_1064 masked %masked_sort3A_1065 : (vector<16xf32>, vector<16xf32>, vector<16xi1>) -> (vector<16xi1>, vector<16xf32>, vector<16xf32>)
      %max3A_1069 = arith.maximumf %scan3A_680, %masked_sort3A_1067 : vector<16xf32>
      %masked_sort3A_1070 = arith.constant dense<true> : vector<16xi1>
      %masked_sort3A_1071, %masked_sort3A_1072, %masked_sort3A_1073 = tpu.sort %max3A_1069, %max3A_1069 masked %masked_sort3A_1070 {descending = true} : (vector<16xf32>, vector<16xf32>, vector<16xi1>) -> (vector<16xi1>, vector<16xf32>, vector<16xf32>)
      %mul3A_1074 = arith.constant 2 : i32
      %mul3A_1075 = arith.muli %mul3A_1074, %scan3A_666 : i32
      %add3A_1076 = arith.constant 128 : i32
      %add3A_1077 = arith.addi %add3A_1076, %mul3A_1075 : i32
      %add3A_1078 = arith.constant 1 : i32
      %add3A_1079 = arith.addi %add3A_1077, %add3A_1078 : i32
      %mul3A_1080 = arith.constant 16 : i32
      %mul3A_1081 = arith.muli %add3A_1079, %mul3A_1080 : i32
      %get3A_1082 = arith.constant 0 : i32
      %get3A_1083 = arith.constant 2 : i32
      %get3A_1084 = arith.index_cast %get3A_1082 : i32 to index
      %get3A_1085 = arith.index_cast %get3A_1083 : i32 to index
      %get3A_1086 = arith.index_cast %mul3A_1081 : i32 to index
      %get3A_1087 = tpu.vector_load %arg4[%get3A_1084, %get3A_1085, %get3A_1086] {strides = array<i32>} : memref<2x4x8192xf32, #tpu.memory_space<vmem>>, vector<16xf32>,
      %masked_sort3A_1088 = arith.constant dense<true> : vector<16xi1>
      %masked_sort3A_1089, %masked_sort3A_1090, %masked_sort3A_1091 = tpu.sort %get3A_1087, %get3A_1087 masked %masked_sort3A_1088 : (vector<16xf32>, vector<16xf32>, vector<16xi1>) -> (vector<16xi1>, vector<16xf32>, vector<16xf32>)
      %max3A_1092 = arith.maximumf %masked_sort3A_1072, %masked_sort3A_1090 : vector<16xf32>
      %masked_sort3A_1093 = arith.constant dense<true> : vector<16xi1>
      %masked_sort3A_1094, %masked_sort3A_1095, %masked_sort3A_1096 = tpu.sort %max3A_1092, %max3A_1092 masked %masked_sort3A_1093 {descending = true} : (vector<16xf32>, vector<16xf32>, vector<16xi1>) -> (vector<16xi1>, vector<16xf32>, vector<16xf32>)
      %mul3A_1097 = arith.constant 2 : i32
      %mul3A_1098 = arith.muli %mul3A_1097, %scan3A_666 : i32
      %add3A_1099 = arith.constant 256 : i32
      %add3A_1100 = arith.addi %add3A_1099, %mul3A_1098 : i32
      %add3A_1101 = arith.constant 0 : i32
      %add3A_1102 = arith.addi %add3A_1100, %add3A_1101 : i32
      %mul3A_1103 = arith.constant 16 : i32
      %mul3A_1104 = arith.muli %add3A_1102, %mul3A_1103 : i32
      %get3A_1105 = arith.constant 0 : i32
      %get3A_1106 = arith.constant 2 : i32
      %get3A_1107 = arith.index_cast %get3A_1105 : i32 to index
      %get3A_1108 = arith.index_cast %get3A_1106 : i32 to index
      %get3A_1109 = arith.index_cast %mul3A_1104 : i32 to index
      %get3A_1110 = tpu.vector_load %arg4[%get3A_1107, %get3A_1108, %get3A_1109] {strides = array<i32>} : memref<2x4x8192xf32, #tpu.memory_space<vmem>>, vector<16xf32>,
      %masked_sort3A_1111 = arith.constant dense<true> : vector<16xi1>
      %masked_sort3A_1112, %masked_sort3A_1113, %masked_sort3A_1114 = tpu.sort %get3A_1110, %get3A_1110 masked %masked_sort3A_1111 : (vector<16xf32>, vector<16xf32>, vector<16xi1>) -> (vector<16xi1>, vector<16xf32>, vector<16xf32>)
      %max3A_1115 = arith.maximumf %scan3A_681, %masked_sort3A_1113 : vector<16xf32>
      %masked_sort3A_1116 = arith.constant dense<true> : vector<16xi1>
      %masked_sort3A_1117, %masked_sort3A_1118, %masked_sort3A_1119 = tpu.sort %max3A_1115, %max3A_1115 masked %masked_sort3A_1116 {descending = true} : (vector<16xf32>, vector<16xf32>, vector<16xi1>) -> (vector<16xi1>, vector<16xf32>, vector<16xf32>)
      %mul3A_1120 = arith.constant 2 : i32
      %mul3A_1121 = arith.muli %mul3A_1120, %scan3A_666 : i32
      %add3A_1122 = arith.constant 256 : i32
      %add3A_1123 = arith.addi %add3A_1122, %mul3A_1121 : i32
      %add3A_1124 = arith.constant 1 : i32
      %add3A_1125 = arith.addi %add3A_1123, %add3A_1124 : i32
      %mul3A_1126 = arith.constant 16 : i32
      %mul3A_1127 = arith.muli %add3A_1125, %mul3A_1126 : i32
      %get3A_1128 = arith.constant 0 : i32
      %get3A_1129 = arith.constant 2 : i32
      %get3A_1130 = arith.index_cast %get3A_1128 : i32 to index
      %get3A_1131 = arith.index_cast %get3A_1129 : i32 to index
      %get3A_1132 = arith.index_cast %mul3A_1127 : i32 to index
      %get3A_1133 = tpu.vector_load %arg4[%get3A_1130, %get3A_1131, %get3A_1132] {strides = array<i32>} : memref<2x4x8192xf32, #tpu.memory_space<vmem>>, vector<16xf32>,
      %masked_sort3A_1134 = arith.constant dense<true> : vector<16xi1>
      %masked_sort3A_1135, %masked_sort3A_1136, %masked_sort3A_1137 = tpu.sort %get3A_1133, %get3A_1133 masked %masked_sort3A_1134 : (vector<16xf32>, vector<16xf32>, vector<16xi1>) -> (vector<16xi1>, vector<16xf32>, vector<16xf32>)
      %max3A_1138 = arith.maximumf %masked_sort3A_1118, %masked_sort3A_1136 : vector<16xf32>
      %masked_sort3A_1139 = arith.constant dense<true> : vector<16xi1>
      %masked_sort3A_1140, %masked_sort3A_1141, %masked_sort3A_1142 = tpu.sort %max3A_1138, %max3A_1138 masked %masked_sort3A_1139 {descending = true} : (vector<16xf32>, vector<16xf32>, vector<16xi1>) -> (vector<16xi1>, vector<16xf32>, vector<16xf32>)
      %mul3A_1143 = arith.constant 2 : i32
      %mul3A_1144 = arith.muli %mul3A_1143, %scan3A_666 : i32
      %add3A_1145 = arith.constant 384 : i32
      %add3A_1146 = arith.addi %add3A_1145, %mul3A_1144 : i32
      %add3A_1147 = arith.constant 0 : i32
      %add3A_1148 = arith.addi %add3A_1146, %add3A_1147 : i32
      %mul3A_1149 = arith.constant 16 : i32
      %mul3A_1150 = arith.muli %add3A_1148, %mul3A_1149 : i32
      %get3A_1151 = arith.constant 0 : i32
      %get3A_1152 = arith.constant 2 : i32
      %get3A_1153 = arith.index_cast %get3A_1151 : i32 to index
      %get3A_1154 = arith.index_cast %get3A_1152 : i32 to index
      %get3A_1155 = arith.index_cast %mul3A_1150 : i32 to index
      %get3A_1156 = tpu.vector_load %arg4[%get3A_1153, %get3A_1154, %get3A_1155] {strides = array<i32>} : memref<2x4x8192xf32, #tpu.memory_space<vmem>>, vector<16xf32>,
      %masked_sort3A_1157 = arith.constant dense<true> : vector<16xi1>
      %masked_sort3A_1158, %masked_sort3A_1159, %masked_sort3A_1160 = tpu.sort %get3A_1156, %get3A_1156 masked %masked_sort3A_1157 : (vector<16xf32>, vector<16xf32>, vector<16xi1>) -> (vector<16xi1>, vector<16xf32>, vector<16xf32>)
      %max3A_1161 = arith.maximumf %scan3A_682, %masked_sort3A_1159 : vector<16xf32>
      %masked_sort3A_1162 = arith.constant dense<true> : vector<16xi1>
      %masked_sort3A_1163, %masked_sort3A_1164, %masked_sort3A_1165 = tpu.sort %max3A_1161, %max3A_1161 masked %masked_sort3A_1162 {descending = true} : (vector<16xf32>, vector<16xf32>, vector<16xi1>) -> (vector<16xi1>, vector<16xf32>, vector<16xf32>)
      %mul3A_1166 = arith.constant 2 : i32
      %mul3A_1167 = arith.muli %mul3A_1166, %scan3A_666 : i32
      %add3A_1168 = arith.constant 384 : i32
      %add3A_1169 = arith.addi %add3A_1168, %mul3A_1167 : i32
      %add3A_1170 = arith.constant 1 : i32
      %add3A_1171 = arith.addi %add3A_1169, %add3A_1170 : i32
      %mul3A_1172 = arith.constant 16 : i32
      %mul3A_1173 = arith.muli %add3A_1171, %mul3A_1172 : i32
      %get3A_1174 = arith.constant 0 : i32
      %get3A_1175 = arith.constant 2 : i32
      %get3A_1176 = arith.index_cast %get3A_1174 : i32 to index
      %get3A_1177 = arith.index_cast %get3A_1175 : i32 to index
      %get3A_1178 = arith.index_cast %mul3A_1173 : i32 to index
      %get3A_1179 = tpu.vector_load %arg4[%get3A_1176, %get3A_1177, %get3A_1178] {strides = array<i32>} : memref<2x4x8192xf32, #tpu.memory_space<vmem>>, vector<16xf32>,
      %masked_sort3A_1180 = arith.constant dense<true> : vector<16xi1>
      %masked_sort3A_1181, %masked_sort3A_1182, %masked_sort3A_1183 = tpu.sort %get3A_1179, %get3A_1179 masked %masked_sort3A_1180 : (vector<16xf32>, vector<16xf32>, vector<16xi1>) -> (vector<16xi1>, vector<16xf32>, vector<16xf32>)
      %max3A_1184 = arith.maximumf %masked_sort3A_1164, %masked_sort3A_1182 : vector<16xf32>
      %masked_sort3A_1185 = arith.constant dense<true> : vector<16xi1>
      %masked_sort3A_1186, %masked_sort3A_1187, %masked_sort3A_1188 = tpu.sort %max3A_1184, %max3A_1184 masked %masked_sort3A_1185 {descending = true} : (vector<16xf32>, vector<16xf32>, vector<16xi1>) -> (vector<16xi1>, vector<16xf32>, vector<16xf32>)
      %mul3A_1189 = arith.constant 2 : i32
      %mul3A_1190 = arith.muli %mul3A_1189, %scan3A_666 : i32
      %add3A_1191 = arith.constant 0 : i32
      %add3A_1192 = arith.addi %add3A_1191, %mul3A_1190 : i32
      %add3A_1193 = arith.constant 0 : i32
      %add3A_1194 = arith.addi %add3A_1192, %add3A_1193 : i32
      %mul3A_1195 = arith.constant 16 : i32
      %mul3A_1196 = arith.muli %add3A_1194, %mul3A_1195 : i32
      %get3A_1197 = arith.constant 0 : i32
      %get3A_1198 = arith.constant 3 : i32
      %get3A_1199 = arith.index_cast %get3A_1197 : i32 to index
      %get3A_1200 = arith.index_cast %get3A_1198 : i32 to index
      %get3A_1201 = arith.index_cast %mul3A_1196 : i32 to index
      %get3A_1202 = tpu.vector_load %arg4[%get3A_1199, %get3A_1200, %get3A_1201] {strides = array<i32>} : memref<2x4x8192xf32, #tpu.memory_space<vmem>>, vector<16xf32>,
      %masked_sort3A_1203 = arith.constant dense<true> : vector<16xi1>
      %masked_sort3A_1204, %masked_sort3A_1205, %masked_sort3A_1206 = tpu.sort %get3A_1202, %get3A_1202 masked %masked_sort3A_1203 : (vector<16xf32>, vector<16xf32>, vector<16xi1>) -> (vector<16xi1>, vector<16xf32>, vector<16xf32>)
      %max3A_1207 = arith.maximumf %scan3A_683, %masked_sort3A_1205 : vector<16xf32>
      %masked_sort3A_1208 = arith.constant dense<true> : vector<16xi1>
      %masked_sort3A_1209, %masked_sort3A_1210, %masked_sort3A_1211 = tpu.sort %max3A_1207, %max3A_1207 masked %masked_sort3A_1208 {descending = true} : (vector<16xf32>, vector<16xf32>, vector<16xi1>) -> (vector<16xi1>, vector<16xf32>, vector<16xf32>)
      %mul3A_1212 = arith.constant 2 : i32
      %mul3A_1213 = arith.muli %mul3A_1212, %scan3A_666 : i32
      %add3A_1214 = arith.constant 0 : i32
      %add3A_1215 = arith.addi %add3A_1214, %mul3A_1213 : i32
      %add3A_1216 = arith.constant 1 : i32
      %add3A_1217 = arith.addi %add3A_1215, %add3A_1216 : i32
      %mul3A_1218 = arith.constant 16 : i32
      %mul3A_1219 = arith.muli %add3A_1217, %mul3A_1218 : i32
      %get3A_1220 = arith.constant 0 : i32
      %get3A_1221 = arith.constant 3 : i32
      %get3A_1222 = arith.index_cast %get3A_1220 : i32 to index
      %get3A_1223 = arith.index_cast %get3A_1221 : i32 to index
      %get3A_1224 = arith.index_cast %mul3A_1219 : i32 to index
      %get3A_1225 = tpu.vector_load %arg4[%get3A_1222, %get3A_1223, %get3A_1224] {strides = array<i32>} : memref<2x4x8192xf32, #tpu.memory_space<vmem>>, vector<16xf32>,
      %masked_sort3A_1226 = arith.constant dense<true> : vector<16xi1>
      %masked_sort3A_1227, %masked_sort3A_1228, %masked_sort3A_1229 = tpu.sort %get3A_1225, %get3A_1225 masked %masked_sort3A_1226 : (vector<16xf32>, vector<16xf32>, vector<16xi1>) -> (vector<16xi1>, vector<16xf32>, vector<16xf32>)
      %max3A_1230 = arith.maximumf %masked_sort3A_1210, %masked_sort3A_1228 : vector<16xf32>
      %masked_sort3A_1231 = arith.constant dense<true> : vector<16xi1>
      %masked_sort3A_1232, %masked_sort3A_1233, %masked_sort3A_1234 = tpu.sort %max3A_1230, %max3A_1230 masked %masked_sort3A_1231 {descending = true} : (vector<16xf32>, vector<16xf32>, vector<16xi1>) -> (vector<16xi1>, vector<16xf32>, vector<16xf32>)
      %mul3A_1235 = arith.constant 2 : i32
      %mul3A_1236 = arith.muli %mul3A_1235, %scan3A_666 : i32
      %add3A_1237 = arith.constant 128 : i32
      %add3A_1238 = arith.addi %add3A_1237, %mul3A_1236 : i32
      %add3A_1239 = arith.constant 0 : i32
      %add3A_1240 = arith.addi %add3A_1238, %add3A_1239 : i32
      %mul3A_1241 = arith.constant 16 : i32
      %mul3A_1242 = arith.muli %add3A_1240, %mul3A_1241 : i32
      %get3A_1243 = arith.constant 0 : i32
      %get3A_1244 = arith.constant 3 : i32
      %get3A_1245 = arith.index_cast %get3A_1243 : i32 to index
      %get3A_1246 = arith.index_cast %get3A_1244 : i32 to index
      %get3A_1247 = arith.index_cast %mul3A_1242 : i32 to index
      %get3A_1248 = tpu.vector_load %arg4[%get3A_1245, %get3A_1246, %get3A_1247] {strides = array<i32>} : memref<2x4x8192xf32, #tpu.memory_space<vmem>>, vector<16xf32>,
      %masked_sort3A_1249 = arith.constant dense<true> : vector<16xi1>
      %masked_sort3A_1250, %masked_sort3A_1251, %masked_sort3A_1252 = tpu.sort %get3A_1248, %get3A_1248 masked %masked_sort3A_1249 : (vector<16xf32>, vector<16xf32>, vector<16xi1>) -> (vector<16xi1>, vector<16xf32>, vector<16xf32>)
      %max3A_1253 = arith.maximumf %scan3A_684, %masked_sort3A_1251 : vector<16xf32>
      %masked_sort3A_1254 = arith.constant dense<true> : vector<16xi1>
      %masked_sort3A_1255, %masked_sort3A_1256, %masked_sort3A_1257 = tpu.sort %max3A_1253, %max3A_1253 masked %masked_sort3A_1254 {descending = true} : (vector<16xf32>, vector<16xf32>, vector<16xi1>) -> (vector<16xi1>, vector<16xf32>, vector<16xf32>)
      %mul3A_1258 = arith.constant 2 : i32
      %mul3A_1259 = arith.muli %mul3A_1258, %scan3A_666 : i32
      %add3A_1260 = arith.constant 128 : i32
      %add3A_1261 = arith.addi %add3A_1260, %mul3A_1259 : i32
      %add3A_1262 = arith.constant 1 : i32
      %add3A_1263 = arith.addi %add3A_1261, %add3A_1262 : i32
      %mul3A_1264 = arith.constant 16 : i32
      %mul3A_1265 = arith.muli %add3A_1263, %mul3A_1264 : i32
      %get3A_1266 = arith.constant 0 : i32
      %get3A_1267 = arith.constant 3 : i32
      %get3A_1268 = arith.index_cast %get3A_1266 : i32 to index
      %get3A_1269 = arith.index_cast %get3A_1267 : i32 to index
      %get3A_1270 = arith.index_cast %mul3A_1265 : i32 to index
      %get3A_1271 = tpu.vector_load %arg4[%get3A_1268, %get3A_1269, %get3A_1270] {strides = array<i32>} : memref<2x4x8192xf32, #tpu.memory_space<vmem>>, vector<16xf32>,
      %masked_sort3A_1272 = arith.constant dense<true> : vector<16xi1>
      %masked_sort3A_1273, %masked_sort3A_1274, %masked_sort3A_1275 = tpu.sort %get3A_1271, %get3A_1271 masked %masked_sort3A_1272 : (vector<16xf32>, vector<16xf32>, vector<16xi1>) -> (vector<16xi1>, vector<16xf32>, vector<16xf32>)
      %max3A_1276 = arith.maximumf %masked_sort3A_1256, %masked_sort3A_1274 : vector<16xf32>
      %masked_sort3A_1277 = arith.constant dense<true> : vector<16xi1>
      %masked_sort3A_1278, %masked_sort3A_1279, %masked_sort3A_1280 = tpu.sort %max3A_1276, %max3A_1276 masked %masked_sort3A_1277 {descending = true} : (vector<16xf32>, vector<16xf32>, vector<16xi1>) -> (vector<16xi1>, vector<16xf32>, vector<16xf32>)
      %mul3A_1281 = arith.constant 2 : i32
      %mul3A_1282 = arith.muli %mul3A_1281, %scan3A_666 : i32
      %add3A_1283 = arith.constant 256 : i32
      %add3A_1284 = arith.addi %add3A_1283, %mul3A_1282 : i32
      %add3A_1285 = arith.constant 0 : i32
      %add3A_1286 = arith.addi %add3A_1284, %add3A_1285 : i32
      %mul3A_1287 = arith.constant 16 : i32
      %mul3A_1288 = arith.muli %add3A_1286, %mul3A_1287 : i32
      %get3A_1289 = arith.constant 0 : i32
      %get3A_1290 = arith.constant 3 : i32
      %get3A_1291 = arith.index_cast %get3A_1289 : i32 to index
      %get3A_1292 = arith.index_cast %get3A_1290 : i32 to index
      %get3A_1293 = arith.index_cast %mul3A_1288 : i32 to index
      %get3A_1294 = tpu.vector_load %arg4[%get3A_1291, %get3A_1292, %get3A_1293] {strides = array<i32>} : memref<2x4x8192xf32, #tpu.memory_space<vmem>>, vector<16xf32>,
      %masked_sort3A_1295 = arith.constant dense<true> : vector<16xi1>
      %masked_sort3A_1296, %masked_sort3A_1297, %masked_sort3A_1298 = tpu.sort %get3A_1294, %get3A_1294 masked %masked_sort3A_1295 : (vector<16xf32>, vector<16xf32>, vector<16xi1>) -> (vector<16xi1>, vector<16xf32>, vector<16xf32>)
      %max3A_1299 = arith.maximumf %scan3A_685, %masked_sort3A_1297 : vector<16xf32>
      %masked_sort3A_1300 = arith.constant dense<true> : vector<16xi1>
      %masked_sort3A_1301, %masked_sort3A_1302, %masked_sort3A_1303 = tpu.sort %max3A_1299, %max3A_1299 masked %masked_sort3A_1300 {descending = true} : (vector<16xf32>, vector<16xf32>, vector<16xi1>) -> (vector<16xi1>, vector<16xf32>, vector<16xf32>)
      %mul3A_1304 = arith.constant 2 : i32
      %mul3A_1305 = arith.muli %mul3A_1304, %scan3A_666 : i32
      %add3A_1306 = arith.constant 256 : i32
      %add3A_1307 = arith.addi %add3A_1306, %mul3A_1305 : i32
      %add3A_1308 = arith.constant 1 : i32
      %add3A_1309 = arith.addi %add3A_1307, %add3A_1308 : i32
      %mul3A_1310 = arith.constant 16 : i32
      %mul3A_1311 = arith.muli %add3A_1309, %mul3A_1310 : i32
      %get3A_1312 = arith.constant 0 : i32
      %get3A_1313 = arith.constant 3 : i32
      %get3A_1314 = arith.index_cast %get3A_1312 : i32 to index
      %get3A_1315 = arith.index_cast %get3A_1313 : i32 to index
      %get3A_1316 = arith.index_cast %mul3A_1311 : i32 to index
      %get3A_1317 = tpu.vector_load %arg4[%get3A_1314, %get3A_1315, %get3A_1316] {strides = array<i32>} : memref<2x4x8192xf32, #tpu.memory_space<vmem>>, vector<16xf32>,
      %masked_sort3A_1318 = arith.constant dense<true> : vector<16xi1>
      %masked_sort3A_1319, %masked_sort3A_1320, %masked_sort3A_1321 = tpu.sort %get3A_1317, %get3A_1317 masked %masked_sort3A_1318 : (vector<16xf32>, vector<16xf32>, vector<16xi1>) -> (vector<16xi1>, vector<16xf32>, vector<16xf32>)
      %max3A_1322 = arith.maximumf %masked_sort3A_1302, %masked_sort3A_1320 : vector<16xf32>
      %masked_sort3A_1323 = arith.constant dense<true> : vector<16xi1>
      %masked_sort3A_1324, %masked_sort3A_1325, %masked_sort3A_1326 = tpu.sort %max3A_1322, %max3A_1322 masked %masked_sort3A_1323 {descending = true} : (vector<16xf32>, vector<16xf32>, vector<16xi1>) -> (vector<16xi1>, vector<16xf32>, vector<16xf32>)
      %mul3A_1327 = arith.constant 2 : i32
      %mul3A_1328 = arith.muli %mul3A_1327, %scan3A_666 : i32
      %add3A_1329 = arith.constant 384 : i32
      %add3A_1330 = arith.addi %add3A_1329, %mul3A_1328 : i32
      %add3A_1331 = arith.constant 0 : i32
      %add3A_1332 = arith.addi %add3A_1330, %add3A_1331 : i32
      %mul3A_1333 = arith.constant 16 : i32
      %mul3A_1334 = arith.muli %add3A_1332, %mul3A_1333 : i32
      %get3A_1335 = arith.constant 0 : i32
      %get3A_1336 = arith.constant 3 : i32
      %get3A_1337 = arith.index_cast %get3A_1335 : i32 to index
      %get3A_1338 = arith.index_cast %get3A_1336 : i32 to index
      %get3A_1339 = arith.index_cast %mul3A_1334 : i32 to index
      %get3A_1340 = tpu.vector_load %arg4[%get3A_1337, %get3A_1338, %get3A_1339] {strides = array<i32>} : memref<2x4x8192xf32, #tpu.memory_space<vmem>>, vector<16xf32>,
      %masked_sort3A_1341 = arith.constant dense<true> : vector<16xi1>
      %masked_sort3A_1342, %masked_sort3A_1343, %masked_sort3A_1344 = tpu.sort %get3A_1340, %get3A_1340 masked %masked_sort3A_1341 : (vector<16xf32>, vector<16xf32>, vector<16xi1>) -> (vector<16xi1>, vector<16xf32>, vector<16xf32>)
      %max3A_1345 = arith.maximumf %scan3A_686, %masked_sort3A_1343 : vector<16xf32>
      %masked_sort3A_1346 = arith.constant dense<true> : vector<16xi1>
      %masked_sort3A_1347, %masked_sort3A_1348, %masked_sort3A_1349 = tpu.sort %max3A_1345, %max3A_1345 masked %masked_sort3A_1346 {descending = true} : (vector<16xf32>, vector<16xf32>, vector<16xi1>) -> (vector<16xi1>, vector<16xf32>, vector<16xf32>)
      %mul3A_1350 = arith.constant 2 : i32
      %mul3A_1351 = arith.muli %mul3A_1350, %scan3A_666 : i32
      %add3A_1352 = arith.constant 384 : i32
      %add3A_1353 = arith.addi %add3A_1352, %mul3A_1351 : i32
      %add3A_1354 = arith.constant 1 : i32
      %add3A_1355 = arith.addi %add3A_1353, %add3A_1354 : i32
      %mul3A_1356 = arith.constant 16 : i32
      %mul3A_1357 = arith.muli %add3A_1355, %mul3A_1356 : i32
      %get3A_1358 = arith.constant 0 : i32
      %get3A_1359 = arith.constant 3 : i32
      %get3A_1360 = arith.index_cast %get3A_1358 : i32 to index
      %get3A_1361 = arith.index_cast %get3A_1359 : i32 to index
      %get3A_1362 = arith.index_cast %mul3A_1357 : i32 to index
      %get3A_1363 = tpu.vector_load %arg4[%get3A_1360, %get3A_1361, %get3A_1362] {strides = array<i32>} : memref<2x4x8192xf32, #tpu.memory_space<vmem>>, vector<16xf32>,
      %masked_sort3A_1364 = arith.constant dense<true> : vector<16xi1>
      %masked_sort3A_1365, %masked_sort3A_1366, %masked_sort3A_1367 = tpu.sort %get3A_1363, %get3A_1363 masked %masked_sort3A_1364 : (vector<16xf32>, vector<16xf32>, vector<16xi1>) -> (vector<16xi1>, vector<16xf32>, vector<16xf32>)
      %max3A_1368 = arith.maximumf %masked_sort3A_1348, %masked_sort3A_1366 : vector<16xf32>
      %masked_sort3A_1369 = arith.constant dense<true> : vector<16xi1>
      %masked_sort3A_1370, %masked_sort3A_1371, %masked_sort3A_1372 = tpu.sort %max3A_1368, %max3A_1368 masked %masked_sort3A_1369 {descending = true} : (vector<16xf32>, vector<16xf32>, vector<16xi1>) -> (vector<16xi1>, vector<16xf32>, vector<16xf32>)
      scf.yield %max3A_813, %min3A_814, %max3A_815, %min3A_816, %max3A_817, %min3A_818, %max3A_819, %min3A_820, %masked_sort3A_865, %masked_sort3A_911, %masked_sort3A_957, %masked_sort3A_1003, %masked_sort3A_1049, %masked_sort3A_1095, %masked_sort3A_1141, %masked_sort3A_1187, %masked_sort3A_1233, %masked_sort3A_1279, %masked_sort3A_1325, %masked_sort3A_1371 : vector<16xf32>, vector<16xf32>, vector<16xf32>, vector<16xf32>, vector<16xf32>, vector<16xf32>, vector<16xf32>, vector<16xf32>, vector<16xf32>, vector<16xf32>, vector<16xf32>, vector<16xf32>, vector<16xf32>, vector<16xf32>, vector<16xf32>, vector<16xf32>, vector<16xf32>, vector<16xf32>, vector<16xf32>, vector<16xf32>
    }
    %scan3A_190 = arith.constant 64 : i32
    %add3A_191 = arith.constant 0 : i32
    %add3A_192 = arith.addi %mul3A_2, %add3A_191 : i32
    %dma_start3A_193 = arith.constant 0 : i32
    %dma_start3A_194 = arith.constant 0 : i32
    %dma_start3A_195 = arith.constant 0 : i32
    %dma_start3A_196 = tpu.memref_slice %arg4[%dma_start3A_193, %dma_start3A_194, %dma_start3A_195] : memref<2x4x8192xf32, #tpu.memory_space<vmem>> -> memref<1x1x8192xf32, #tpu.memory_space<vmem>>
    %dma_start3A_197 = tpu.memref_squeeze %dma_start3A_196 : memref<1x1x8192xf32, #tpu.memory_space<vmem>> -> memref<8192xf32, #tpu.memory_space<vmem>>
    %dma_start3A_198 = arith.constant 16384 : i32
    %dma_start3A_199 = tpu.memref_slice %arg2[%add3A_192, %dma_start3A_198] : memref<128x32768xf32, #tpu.memory_space<hbm>> -> memref<1x8192xf32, #tpu.memory_space<hbm>>
    %dma_start3A_200 = tpu.memref_squeeze %dma_start3A_199 : memref<1x8192xf32, #tpu.memory_space<hbm>> -> memref<8192xf32, #tpu.memory_space<hbm>>
    %dma_start3A_201 = arith.constant 0 : i32
    %dma_start3A_202 = tpu.memref_slice %arg4[%dma_start3A_193, %dma_start3A_194, %dma_start3A_201] : memref<2x4x8192xf32, #tpu.memory_space<vmem>> -> memref<1x1x8192xf32, #tpu.memory_space<vmem>>
    %dma_start3A_203 = tpu.memref_squeeze %dma_start3A_202 : memref<1x1x8192xf32, #tpu.memory_space<vmem>> -> memref<8192xf32, #tpu.memory_space<vmem>>
    %dma_start3A_204 = arith.constant 16384 : i32
    %dma_start3A_205 = tpu.memref_slice %arg2[%add3A_192, %dma_start3A_204] : memref<128x32768xf32, #tpu.memory_space<hbm>> -> memref<1x8192xf32, #tpu.memory_space<hbm>>
    %dma_start3A_206 = tpu.memref_squeeze %dma_start3A_205 : memref<1x8192xf32, #tpu.memory_space<hbm>> -> memref<8192xf32, #tpu.memory_space<hbm>>
    tpu.enqueue_dma source(%dma_start3A_206 : memref<8192xf32, #tpu.memory_space<hbm>>) target(%dma_start3A_203 : memref<8192xf32, #tpu.memory_space<vmem>>) target_semaphore(%arg6 : memref<!tpu.dma_semaphore, #tpu.memory_space<semaphore_mem>>)
    %add3A_207 = arith.constant 1 : i32
    %add3A_208 = arith.addi %mul3A_2, %add3A_207 : i32
    %dma_start3A_209 = arith.constant 0 : i32
    %dma_start3A_210 = arith.constant 1 : i32
    %dma_start3A_211 = arith.constant 0 : i32
    %dma_start3A_212 = tpu.memref_slice %arg4[%dma_start3A_209, %dma_start3A_210, %dma_start3A_211] : memref<2x4x8192xf32, #tpu.memory_space<vmem>> -> memref<1x1x8192xf32, #tpu.memory_space<vmem>>
    %dma_start3A_213 = tpu.memref_squeeze %dma_start3A_212 : memref<1x1x8192xf32, #tpu.memory_space<vmem>> -> memref<8192xf32, #tpu.memory_space<vmem>>
    %dma_start3A_214 = arith.constant 16384 : i32
    %dma_start3A_215 = tpu.memref_slice %arg2[%add3A_208, %dma_start3A_214] : memref<128x32768xf32, #tpu.memory_space<hbm>> -> memref<1x8192xf32, #tpu.memory_space<hbm>>
    %dma_start3A_216 = tpu.memref_squeeze %dma_start3A_215 : memref<1x8192xf32, #tpu.memory_space<hbm>> -> memref<8192xf32, #tpu.memory_space<hbm>>
    %dma_start3A_217 = arith.constant 0 : i32
    %dma_start3A_218 = tpu.memref_slice %arg4[%dma_start3A_209, %dma_start3A_210, %dma_start3A_217] : memref<2x4x8192xf32, #tpu.memory_space<vmem>> -> memref<1x1x8192xf32, #tpu.memory_space<vmem>>
    %dma_start3A_219 = tpu.memref_squeeze %dma_start3A_218 : memref<1x1x8192xf32, #tpu.memory_space<vmem>> -> memref<8192xf32, #tpu.memory_space<vmem>>
    %dma_start3A_220 = arith.constant 16384 : i32
    %dma_start3A_221 = tpu.memref_slice %arg2[%add3A_208, %dma_start3A_220] : memref<128x32768xf32, #tpu.memory_space<hbm>> -> memref<1x8192xf32, #tpu.memory_space<hbm>>
    %dma_start3A_222 = tpu.memref_squeeze %dma_start3A_221 : memref<1x8192xf32, #tpu.memory_space<hbm>> -> memref<8192xf32, #tpu.memory_space<hbm>>
    tpu.enqueue_dma source(%dma_start3A_222 : memref<8192xf32, #tpu.memory_space<hbm>>) target(%dma_start3A_219 : memref<8192xf32, #tpu.memory_space<vmem>>) target_semaphore(%arg6 : memref<!tpu.dma_semaphore, #tpu.memory_space<semaphore_mem>>)
    %add3A_223 = arith.constant 2 : i32
    %add3A_224 = arith.addi %mul3A_2, %add3A_223 : i32
    %dma_start3A_225 = arith.constant 0 : i32
    %dma_start3A_226 = arith.constant 2 : i32
    %dma_start3A_227 = arith.constant 0 : i32
    %dma_start3A_228 = tpu.memref_slice %arg4[%dma_start3A_225, %dma_start3A_226, %dma_start3A_227] : memref<2x4x8192xf32, #tpu.memory_space<vmem>> -> memref<1x1x8192xf32, #tpu.memory_space<vmem>>
    %dma_start3A_229 = tpu.memref_squeeze %dma_start3A_228 : memref<1x1x8192xf32, #tpu.memory_space<vmem>> -> memref<8192xf32, #tpu.memory_space<vmem>>
    %dma_start3A_230 = arith.constant 16384 : i32
    %dma_start3A_231 = tpu.memref_slice %arg2[%add3A_224, %dma_start3A_230] : memref<128x32768xf32, #tpu.memory_space<hbm>> -> memref<1x8192xf32, #tpu.memory_space<hbm>>
    %dma_start3A_232 = tpu.memref_squeeze %dma_start3A_231 : memref<1x8192xf32, #tpu.memory_space<hbm>> -> memref<8192xf32, #tpu.memory_space<hbm>>
    %dma_start3A_233 = arith.constant 0 : i32
    %dma_start3A_234 = tpu.memref_slice %arg4[%dma_start3A_225, %dma_start3A_226, %dma_start3A_233] : memref<2x4x8192xf32, #tpu.memory_space<vmem>> -> memref<1x1x8192xf32, #tpu.memory_space<vmem>>
    %dma_start3A_235 = tpu.memref_squeeze %dma_start3A_234 : memref<1x1x8192xf32, #tpu.memory_space<vmem>> -> memref<8192xf32, #tpu.memory_space<vmem>>
    %dma_start3A_236 = arith.constant 16384 : i32
    %dma_start3A_237 = tpu.memref_slice %arg2[%add3A_224, %dma_start3A_236] : memref<128x32768xf32, #tpu.memory_space<hbm>> -> memref<1x8192xf32, #tpu.memory_space<hbm>>
    %dma_start3A_238 = tpu.memref_squeeze %dma_start3A_237 : memref<1x8192xf32, #tpu.memory_space<hbm>> -> memref<8192xf32, #tpu.memory_space<hbm>>
    tpu.enqueue_dma source(%dma_start3A_238 : memref<8192xf32, #tpu.memory_space<hbm>>) target(%dma_start3A_235 : memref<8192xf32, #tpu.memory_space<vmem>>) target_semaphore(%arg6 : memref<!tpu.dma_semaphore, #tpu.memory_space<semaphore_mem>>)
    %add3A_239 = arith.constant 3 : i32
    %add3A_240 = arith.addi %mul3A_2, %add3A_239 : i32
    %dma_start3A_241 = arith.constant 0 : i32
    %dma_start3A_242 = arith.constant 3 : i32
    %dma_start3A_243 = arith.constant 0 : i32
    %dma_start3A_244 = tpu.memref_slice %arg4[%dma_start3A_241, %dma_start3A_242, %dma_start3A_243] : memref<2x4x8192xf32, #tpu.memory_space<vmem>> -> memref<1x1x8192xf32, #tpu.memory_space<vmem>>
    %dma_start3A_245 = tpu.memref_squeeze %dma_start3A_244 : memref<1x1x8192xf32, #tpu.memory_space<vmem>> -> memref<8192xf32, #tpu.memory_space<vmem>>
    %dma_start3A_246 = arith.constant 16384 : i32
    %dma_start3A_247 = tpu.memref_slice %arg2[%add3A_240, %dma_start3A_246] : memref<128x32768xf32, #tpu.memory_space<hbm>> -> memref<1x8192xf32, #tpu.memory_space<hbm>>
    %dma_start3A_248 = tpu.memref_squeeze %dma_start3A_247 : memref<1x8192xf32, #tpu.memory_space<hbm>> -> memref<8192xf32, #tpu.memory_space<hbm>>
    %dma_start3A_249 = arith.constant 0 : i32
    %dma_start3A_250 = tpu.memref_slice %arg4[%dma_start3A_241, %dma_start3A_242, %dma_start3A_249] : memref<2x4x8192xf32, #tpu.memory_space<vmem>> -> memref<1x1x8192xf32, #tpu.memory_space<vmem>>
    %dma_start3A_251 = tpu.memref_squeeze %dma_start3A_250 : memref<1x1x8192xf32, #tpu.memory_space<vmem>> -> memref<8192xf32, #tpu.memory_space<vmem>>
    %dma_start3A_252 = arith.constant 16384 : i32
    %dma_start3A_253 = tpu.memref_slice %arg2[%add3A_240, %dma_start3A_252] : memref<128x32768xf32, #tpu.memory_space<hbm>> -> memref<1x8192xf32, #tpu.memory_space<hbm>>
    %dma_start3A_254 = tpu.memref_squeeze %dma_start3A_253 : memref<1x8192xf32, #tpu.memory_space<hbm>> -> memref<8192xf32, #tpu.memory_space<hbm>>
    tpu.enqueue_dma source(%dma_start3A_254 : memref<8192xf32, #tpu.memory_space<hbm>>) target(%dma_start3A_251 : memref<8192xf32, #tpu.memory_space<vmem>>) target_semaphore(%arg6 : memref<!tpu.dma_semaphore, #tpu.memory_space<semaphore_mem>>)
    %dma_wait3A_255 = arith.constant 1 : i32
    %dma_wait3A_256 = arith.constant 0 : i32
    %dma_wait3A_257 = arith.constant 0 : i32
    %dma_wait3A_258 = tpu.memref_slice %arg4[%dma_wait3A_255, %dma_wait3A_256, %dma_wait3A_257] : memref<2x4x8192xf32, #tpu.memory_space<vmem>> -> memref<1x1x8192xf32, #tpu.memory_space<vmem>>
    %dma_wait3A_259 = tpu.memref_squeeze %dma_wait3A_258 : memref<1x1x8192xf32, #tpu.memory_space<vmem>> -> memref<8192xf32, #tpu.memory_space<vmem>>
    %dma_wait3A_260 = arith.constant 8192 : i32
    %dma_wait3A_261 = tpu.memref_slice %arg2[%add3A_68, %dma_wait3A_260] : memref<128x32768xf32, #tpu.memory_space<hbm>> -> memref<1x8192xf32, #tpu.memory_space<hbm>>
    %dma_wait3A_262 = tpu.memref_squeeze %dma_wait3A_261 : memref<1x8192xf32, #tpu.memory_space<hbm>> -> memref<8192xf32, #tpu.memory_space<hbm>>
    %dma_wait3A_263 = arith.constant 0 : i32
    %dma_wait3A_264 = tpu.memref_slice %arg4[%dma_wait3A_255, %dma_wait3A_256, %dma_wait3A_263] : memref<2x4x8192xf32, #tpu.memory_space<vmem>> -> memref<1x1x8192xf32, #tpu.memory_space<vmem>>
    %dma_wait3A_265 = tpu.memref_squeeze %dma_wait3A_264 : memref<1x1x8192xf32, #tpu.memory_space<vmem>> -> memref<8192xf32, #tpu.memory_space<vmem>>
    %dma_wait3A_266 = arith.constant 8192 : i32
    %dma_wait3A_267 = tpu.memref_slice %arg2[%add3A_68, %dma_wait3A_266] : memref<128x32768xf32, #tpu.memory_space<hbm>> -> memref<1x8192xf32, #tpu.memory_space<hbm>>
    %dma_wait3A_268 = tpu.memref_squeeze %dma_wait3A_267 : memref<1x8192xf32, #tpu.memory_space<hbm>> -> memref<8192xf32, #tpu.memory_space<hbm>>
    tpu.wait_dma2 semaphore(%arg7 : memref<!tpu.dma_semaphore, #tpu.memory_space<semaphore_mem>>) src(%dma_wait3A_268 : memref<8192xf32, #tpu.memory_space<hbm>>) dst(%dma_wait3A_265 : memref<8192xf32, #tpu.memory_space<vmem>>)
    %dma_wait3A_269 = arith.constant 1 : i32
    %dma_wait3A_270 = arith.constant 1 : i32
    %dma_wait3A_271 = arith.constant 0 : i32
    %dma_wait3A_272 = tpu.memref_slice %arg4[%dma_wait3A_269, %dma_wait3A_270, %dma_wait3A_271] : memref<2x4x8192xf32, #tpu.memory_space<vmem>> -> memref<1x1x8192xf32, #tpu.memory_space<vmem>>
    %dma_wait3A_273 = tpu.memref_squeeze %dma_wait3A_272 : memref<1x1x8192xf32, #tpu.memory_space<vmem>> -> memref<8192xf32, #tpu.memory_space<vmem>>
    %dma_wait3A_274 = arith.constant 8192 : i32
    %dma_wait3A_275 = tpu.memref_slice %arg2[%add3A_84, %dma_wait3A_274] : memref<128x32768xf32, #tpu.memory_space<hbm>> -> memref<1x8192xf32, #tpu.memory_space<hbm>>
    %dma_wait3A_276 = tpu.memref_squeeze %dma_wait3A_275 : memref<1x8192xf32, #tpu.memory_space<hbm>> -> memref<8192xf32, #tpu.memory_space<hbm>>
    %dma_wait3A_277 = arith.constant 0 : i32
    %dma_wait3A_278 = tpu.memref_slice %arg4[%dma_wait3A_269, %dma_wait3A_270, %dma_wait3A_277] : memref<2x4x8192xf32, #tpu.memory_space<vmem>> -> memref<1x1x8192xf32, #tpu.memory_space<vmem>>
    %dma_wait3A_279 = tpu.memref_squeeze %dma_wait3A_278 : memref<1x1x8192xf32, #tpu.memory_space<vmem>> -> memref<8192xf32, #tpu.memory_space<vmem>>
    %dma_wait3A_280 = arith.constant 8192 : i32
    %dma_wait3A_281 = tpu.memref_slice %arg2[%add3A_84, %dma_wait3A_280] : memref<128x32768xf32, #tpu.memory_space<hbm>> -> memref<1x8192xf32, #tpu.memory_space<hbm>>
    %dma_wait3A_282 = tpu.memref_squeeze %dma_wait3A_281 : memref<1x8192xf32, #tpu.memory_space<hbm>> -> memref<8192xf32, #tpu.memory_space<hbm>>
    tpu.wait_dma2 semaphore(%arg7 : memref<!tpu.dma_semaphore, #tpu.memory_space<semaphore_mem>>) src(%dma_wait3A_282 : memref<8192xf32, #tpu.memory_space<hbm>>) dst(%dma_wait3A_279 : memref<8192xf32, #tpu.memory_space<vmem>>)
    %dma_wait3A_283 = arith.constant 1 : i32
    %dma_wait3A_284 = arith.constant 2 : i32
    %dma_wait3A_285 = arith.constant 0 : i32
    %dma_wait3A_286 = tpu.memref_slice %arg4[%dma_wait3A_283, %dma_wait3A_284, %dma_wait3A_285] : memref<2x4x8192xf32, #tpu.memory_space<vmem>> -> memref<1x1x8192xf32, #tpu.memory_space<vmem>>
    %dma_wait3A_287 = tpu.memref_squeeze %dma_wait3A_286 : memref<1x1x8192xf32, #tpu.memory_space<vmem>> -> memref<8192xf32, #tpu.memory_space<vmem>>
    %dma_wait3A_288 = arith.constant 8192 : i32
    %dma_wait3A_289 = tpu.memref_slice %arg2[%add3A_100, %dma_wait3A_288] : memref<128x32768xf32, #tpu.memory_space<hbm>> -> memref<1x8192xf32, #tpu.memory_space<hbm>>
    %dma_wait3A_290 = tpu.memref_squeeze %dma_wait3A_289 : memref<1x8192xf32, #tpu.memory_space<hbm>> -> memref<8192xf32, #tpu.memory_space<hbm>>
    %dma_wait3A_291 = arith.constant 0 : i32
    %dma_wait3A_292 = tpu.memref_slice %arg4[%dma_wait3A_283, %dma_wait3A_284, %dma_wait3A_291] : memref<2x4x8192xf32, #tpu.memory_space<vmem>> -> memref<1x1x8192xf32, #tpu.memory_space<vmem>>
    %dma_wait3A_293 = tpu.memref_squeeze %dma_wait3A_292 : memref<1x1x8192xf32, #tpu.memory_space<vmem>> -> memref<8192xf32, #tpu.memory_space<vmem>>
    %dma_wait3A_294 = arith.constant 8192 : i32
    %dma_wait3A_295 = tpu.memref_slice %arg2[%add3A_100, %dma_wait3A_294] : memref<128x32768xf32, #tpu.memory_space<hbm>> -> memref<1x8192xf32, #tpu.memory_space<hbm>>
    %dma_wait3A_296 = tpu.memref_squeeze %dma_wait3A_295 : memref<1x8192xf32, #tpu.memory_space<hbm>> -> memref<8192xf32, #tpu.memory_space<hbm>>
    tpu.wait_dma2 semaphore(%arg7 : memref<!tpu.dma_semaphore, #tpu.memory_space<semaphore_mem>>) src(%dma_wait3A_296 : memref<8192xf32, #tpu.memory_space<hbm>>) dst(%dma_wait3A_293 : memref<8192xf32, #tpu.memory_space<vmem>>)
    %dma_wait3A_297 = arith.constant 1 : i32
    %dma_wait3A_298 = arith.constant 3 : i32
    %dma_wait3A_299 = arith.constant 0 : i32
    %dma_wait3A_300 = tpu.memref_slice %arg4[%dma_wait3A_297, %dma_wait3A_298, %dma_wait3A_299] : memref<2x4x8192xf32, #tpu.memory_space<vmem>> -> memref<1x1x8192xf32, #tpu.memory_space<vmem>>
    %dma_wait3A_301 = tpu.memref_squeeze %dma_wait3A_300 : memref<1x1x8192xf32, #tpu.memory_space<vmem>> -> memref<8192xf32, #tpu.memory_space<vmem>>
    %dma_wait3A_302 = arith.constant 8192 : i32
    %dma_wait3A_303 = tpu.memref_slice %arg2[%add3A_116, %dma_wait3A_302] : memref<128x32768xf32, #tpu.memory_space<hbm>> -> memref<1x8192xf32, #tpu.memory_space<hbm>>
    %dma_wait3A_304 = tpu.memref_squeeze %dma_wait3A_303 : memref<1x8192xf32, #tpu.memory_space<hbm>> -> memref<8192xf32, #tpu.memory_space<hbm>>
    %dma_wait3A_305 = arith.constant 0 : i32
    %dma_wait3A_306 = tpu.memref_slice %arg4[%dma_wait3A_297, %dma_wait3A_298, %dma_wait3A_305] : memref<2x4x8192xf32, #tpu.memory_space<vmem>> -> memref<1x1x8192xf32, #tpu.memory_space<vmem>>
    %dma_wait3A_307 = tpu.memref_squeeze %dma_wait3A_306 : memref<1x1x8192xf32, #tpu.memory_space<vmem>> -> memref<8192xf32, #tpu.memory_space<vmem>>
    %dma_wait3A_308 = arith.constant 8192 : i32
    %dma_wait3A_309 = tpu.memref_slice %arg2[%add3A_116, %dma_wait3A_308] : memref<128x32768xf32, #tpu.memory_space<hbm>> -> memref<1x8192xf32, #tpu.memory_space<hbm>>
    %dma_wait3A_310 = tpu.memref_squeeze %dma_wait3A_309 : memref<1x8192xf32, #tpu.memory_space<hbm>> -> memref<8192xf32, #tpu.memory_space<hbm>>
    tpu.wait_dma2 semaphore(%arg7 : memref<!tpu.dma_semaphore, #tpu.memory_space<semaphore_mem>>) src(%dma_wait3A_310 : memref<8192xf32, #tpu.memory_space<hbm>>) dst(%dma_wait3A_307 : memref<8192xf32, #tpu.memory_space<vmem>>)
    %scan3A_311 = arith.constant 0 : i32
    %scan3A_312 = arith.constant 64 : i32
    %scan3A_313 = arith.addi %scan3A_311, %scan3A_312 : i32
    %scan3A_314 = arith.constant 1 : i32
    %scan3A_315:20 = scf.for %scan3A_666 = %scan3A_311 to %scan3A_313 step %scan3A_314 iter_args(%scan3A_667 = %scan3A_189#0, %scan3A_668 = %scan3A_189#1, %scan3A_669 = %scan3A_189#2, %scan3A_670 = %scan3A_189#3, %scan3A_671 = %scan3A_189#4, %scan3A_672 = %scan3A_189#5, %scan3A_673 = %scan3A_189#6, %scan3A_674 = %scan3A_189#7, %scan3A_675 = %scan3A_189#8, %scan3A_676 = %scan3A_189#9, %scan3A_677 = %scan3A_189#10, %scan3A_678 = %scan3A_189#11, %scan3A_679 = %scan3A_189#12, %scan3A_680 = %scan3A_189#13, %scan3A_681 = %scan3A_189#14, %scan3A_682 = %scan3A_189#15, %scan3A_683 = %scan3A_189#16, %scan3A_684 = %scan3A_189#17, %scan3A_685 = %scan3A_189#18, %scan3A_686 = %scan3A_189#19) -> (vector<16xf32>, vector<16xf32>, vector<16xf32>, vector<16xf32>, vector<16xf32>, vector<16xf32>, vector<16xf32>, vector<16xf32>, vector<16xf32>, vector<16xf32>, vector<16xf32>, vector<16xf32>, vector<16xf32>, vector<16xf32>, vector<16xf32>, vector<16xf32>, vector<16xf32>, vector<16xf32>, vector<16xf32>, vector<16xf32>)  : i32 {
      %mul3A_687 = arith.constant 128 : i32
      %mul3A_688 = arith.muli %scan3A_666, %mul3A_687 : i32
      %add3A_689 = arith.constant 0 : i32
      %add3A_690 = arith.addi %mul3A_688, %add3A_689 : i32
      %get3A = arith.constant 1 : i32
      %get3A_691 = arith.constant 0 : i32
      %get3A_692 = arith.index_cast %get3A : i32 to index
      %get3A_693 = arith.index_cast %get3A_691 : i32 to index
      %get3A_694 = arith.index_cast %add3A_690 : i32 to index
      %get3A_695 = tpu.vector_load %arg4[%get3A_692, %get3A_693, %get3A_694] {strides = array<i32>} : memref<2x4x8192xf32, #tpu.memory_space<vmem>>, vector<16xf32>,
      %add3A_696 = arith.constant 16 : i32
      %add3A_697 = arith.addi %mul3A_688, %add3A_696 : i32
      %get3A_698 = arith.constant 1 : i32
      %get3A_699 = arith.constant 0 : i32
      %get3A_700 = arith.index_cast %get3A_698 : i32 to index
      %get3A_701 = arith.index_cast %get3A_699 : i32 to index
      %get3A_702 = arith.index_cast %add3A_697 : i32 to index
      %get3A_703 = tpu.vector_load %arg4[%get3A_700, %get3A_701, %get3A_702] {strides = array<i32>} : memref<2x4x8192xf32, #tpu.memory_space<vmem>>, vector<16xf32>,
      %add3A_704 = arith.constant 32 : i32
      %add3A_705 = arith.addi %mul3A_688, %add3A_704 : i32
      %get3A_706 = arith.constant 1 : i32
      %get3A_707 = arith.constant 0 : i32
      %get3A_708 = arith.index_cast %get3A_706 : i32 to index
      %get3A_709 = arith.index_cast %get3A_707 : i32 to index
      %get3A_710 = arith.index_cast %add3A_705 : i32 to index
      %get3A_711 = tpu.vector_load %arg4[%get3A_708, %get3A_709, %get3A_710] {strides = array<i32>} : memref<2x4x8192xf32, #tpu.memory_space<vmem>>, vector<16xf32>,
      %add3A_712 = arith.constant 48 : i32
      %add3A_713 = arith.addi %mul3A_688, %add3A_712 : i32
      %get3A_714 = arith.constant 1 : i32
      %get3A_715 = arith.constant 0 : i32
      %get3A_716 = arith.index_cast %get3A_714 : i32 to index
      %get3A_717 = arith.index_cast %get3A_715 : i32 to index
      %get3A_718 = arith.index_cast %add3A_713 : i32 to index
      %get3A_719 = tpu.vector_load %arg4[%get3A_716, %get3A_717, %get3A_718] {strides = array<i32>} : memref<2x4x8192xf32, #tpu.memory_space<vmem>>, vector<16xf32>,
      %add3A_720 = arith.constant 64 : i32
      %add3A_721 = arith.addi %mul3A_688, %add3A_720 : i32
      %get3A_722 = arith.constant 1 : i32
      %get3A_723 = arith.constant 0 : i32
      %get3A_724 = arith.index_cast %get3A_722 : i32 to index
      %get3A_725 = arith.index_cast %get3A_723 : i32 to index
      %get3A_726 = arith.index_cast %add3A_721 : i32 to index
      %get3A_727 = tpu.vector_load %arg4[%get3A_724, %get3A_725, %get3A_726] {strides = array<i32>} : memref<2x4x8192xf32, #tpu.memory_space<vmem>>, vector<16xf32>,
      %add3A_728 = arith.constant 80 : i32
      %add3A_729 = arith.addi %mul3A_688, %add3A_728 : i32
      %get3A_730 = arith.constant 1 : i32
      %get3A_731 = arith.constant 0 : i32
      %get3A_732 = arith.index_cast %get3A_730 : i32 to index
      %get3A_733 = arith.index_cast %get3A_731 : i32 to index
      %get3A_734 = arith.index_cast %add3A_729 : i32 to index
      %get3A_735 = tpu.vector_load %arg4[%get3A_732, %get3A_733, %get3A_734] {strides = array<i32>} : memref<2x4x8192xf32, #tpu.memory_space<vmem>>, vector<16xf32>,
      %add3A_736 = arith.constant 96 : i32
      %add3A_737 = arith.addi %mul3A_688, %add3A_736 : i32
      %get3A_738 = arith.constant 1 : i32
      %get3A_739 = arith.constant 0 : i32
      %get3A_740 = arith.index_cast %get3A_738 : i32 to index
      %get3A_741 = arith.index_cast %get3A_739 : i32 to index
      %get3A_742 = arith.index_cast %add3A_737 : i32 to index
      %get3A_743 = tpu.vector_load %arg4[%get3A_740, %get3A_741, %get3A_742] {strides = array<i32>} : memref<2x4x8192xf32, #tpu.memory_space<vmem>>, vector<16xf32>,
      %add3A_744 = arith.constant 112 : i32
      %add3A_745 = arith.addi %mul3A_688, %add3A_744 : i32
      %get3A_746 = arith.constant 1 : i32
      %get3A_747 = arith.constant 0 : i32
      %get3A_748 = arith.index_cast %get3A_746 : i32 to index
      %get3A_749 = arith.index_cast %get3A_747 : i32 to index
      %get3A_750 = arith.index_cast %add3A_745 : i32 to index
      %get3A_751 = tpu.vector_load %arg4[%get3A_748, %get3A_749, %get3A_750] {strides = array<i32>} : memref<2x4x8192xf32, #tpu.memory_space<vmem>>, vector<16xf32>,
      %max3A_752 = arith.maximumf %get3A_695, %get3A_703 : vector<16xf32>
      %min3A = arith.minimumf %get3A_695, %get3A_703 : vector<16xf32>
      %max3A_753 = arith.maximumf %get3A_711, %get3A_719 : vector<16xf32>
      %min3A_754 = arith.minimumf %get3A_711, %get3A_719 : vector<16xf32>
      %max3A_755 = arith.maximumf %get3A_727, %get3A_735 : vector<16xf32>
      %min3A_756 = arith.minimumf %get3A_727, %get3A_735 : vector<16xf32>
      %max3A_757 = arith.maximumf %get3A_743, %get3A_751 : vector<16xf32>
      %min3A_758 = arith.minimumf %get3A_743, %get3A_751 : vector<16xf32>
      %max3A_759 = arith.maximumf %max3A_752, %max3A_753 : vector<16xf32>
      %min3A_760 = arith.minimumf %max3A_752, %max3A_753 : vector<16xf32>
      %max3A_761 = arith.maximumf %min3A, %min3A_754 : vector<16xf32>
      %min3A_762 = arith.minimumf %min3A, %min3A_754 : vector<16xf32>
      %max3A_763 = arith.maximumf %max3A_755, %max3A_757 : vector<16xf32>
      %min3A_764 = arith.minimumf %max3A_755, %max3A_757 : vector<16xf32>
      %max3A_765 = arith.maximumf %min3A_756, %min3A_758 : vector<16xf32>
      %min3A_766 = arith.minimumf %min3A_756, %min3A_758 : vector<16xf32>
      %max3A_767 = arith.maximumf %max3A_761, %min3A_760 : vector<16xf32>
      %min3A_768 = arith.minimumf %max3A_761, %min3A_760 : vector<16xf32>
      %max3A_769 = arith.maximumf %max3A_765, %min3A_764 : vector<16xf32>
      %min3A_770 = arith.minimumf %max3A_765, %min3A_764 : vector<16xf32>
      %max3A_771 = arith.maximumf %max3A_759, %max3A_763 : vector<16xf32>
      %min3A_772 = arith.minimumf %max3A_759, %max3A_763 : vector<16xf32>
      %max3A_773 = arith.maximumf %max3A_767, %max3A_769 : vector<16xf32>
      %min3A_774 = arith.minimumf %max3A_767, %max3A_769 : vector<16xf32>
      %max3A_775 = arith.maximumf %min3A_768, %min3A_770 : vector<16xf32>
      %min3A_776 = arith.minimumf %min3A_768, %min3A_770 : vector<16xf32>
      %max3A_777 = arith.maximumf %min3A_762, %min3A_766 : vector<16xf32>
      %min3A_778 = arith.minimumf %min3A_762, %min3A_766 : vector<16xf32>
      %max3A_779 = arith.maximumf %max3A_775, %min3A_772 : vector<16xf32>
      %min3A_780 = arith.minimumf %max3A_775, %min3A_772 : vector<16xf32>
      %max3A_781 = arith.maximumf %max3A_777, %min3A_774 : vector<16xf32>
      %min3A_782 = arith.minimumf %max3A_777, %min3A_774 : vector<16xf32>
      %max3A_783 = arith.maximumf %max3A_773, %max3A_779 : vector<16xf32>
      %min3A_784 = arith.minimumf %max3A_773, %max3A_779 : vector<16xf32>
      %max3A_785 = arith.maximumf %max3A_781, %min3A_780 : vector<16xf32>
      %min3A_786 = arith.minimumf %max3A_781, %min3A_780 : vector<16xf32>
      %max3A_787 = arith.maximumf %min3A_782, %min3A_776 : vector<16xf32>
      %min3A_788 = arith.minimumf %min3A_782, %min3A_776 : vector<16xf32>
      %max3A_789 = arith.maximumf %scan3A_667, %min3A_778 : vector<16xf32>
      %max3A_790 = arith.maximumf %scan3A_668, %min3A_788 : vector<16xf32>
      %max3A_791 = arith.maximumf %scan3A_669, %max3A_787 : vector<16xf32>
      %max3A_792 = arith.maximumf %scan3A_670, %min3A_786 : vector<16xf32>
      %max3A_793 = arith.maximumf %scan3A_671, %max3A_785 : vector<16xf32>
      %max3A_794 = arith.maximumf %scan3A_672, %min3A_784 : vector<16xf32>
      %max3A_795 = arith.maximumf %scan3A_673, %max3A_783 : vector<16xf32>
      %max3A_796 = arith.maximumf %scan3A_674, %max3A_771 : vector<16xf32>
      %max3A_797 = arith.maximumf %max3A_789, %max3A_793 : vector<16xf32>
      %min3A_798 = arith.minimumf %max3A_789, %max3A_793 : vector<16xf32>
      %max3A_799 = arith.maximumf %max3A_790, %max3A_794 : vector<16xf32>
      %min3A_800 = arith.minimumf %max3A_790, %max3A_794 : vector<16xf32>
      %max3A_801 = arith.maximumf %max3A_791, %max3A_795 : vector<16xf32>
      %min3A_802 = arith.minimumf %max3A_791, %max3A_795 : vector<16xf32>
      %max3A_803 = arith.maximumf %max3A_792, %max3A_796 : vector<16xf32>
      %min3A_804 = arith.minimumf %max3A_792, %max3A_796 : vector<16xf32>
      %max3A_805 = arith.maximumf %max3A_797, %max3A_801 : vector<16xf32>
      %min3A_806 = arith.minimumf %max3A_797, %max3A_801 : vector<16xf32>
      %max3A_807 = arith.maximumf %max3A_799, %max3A_803 : vector<16xf32>
      %min3A_808 = arith.minimumf %max3A_799, %max3A_803 : vector<16xf32>
      %max3A_809 = arith.maximumf %min3A_798, %min3A_802 : vector<16xf32>
      %min3A_810 = arith.minimumf %min3A_798, %min3A_802 : vector<16xf32>
      %max3A_811 = arith.maximumf %min3A_800, %min3A_804 : vector<16xf32>
      %min3A_812 = arith.minimumf %min3A_800, %min3A_804 : vector<16xf32>
      %max3A_813 = arith.maximumf %max3A_805, %max3A_807 : vector<16xf32>
      %min3A_814 = arith.minimumf %max3A_805, %max3A_807 : vector<16xf32>
      %max3A_815 = arith.maximumf %min3A_806, %min3A_808 : vector<16xf32>
      %min3A_816 = arith.minimumf %min3A_806, %min3A_808 : vector<16xf32>
      %max3A_817 = arith.maximumf %max3A_809, %max3A_811 : vector<16xf32>
      %min3A_818 = arith.minimumf %max3A_809, %max3A_811 : vector<16xf32>
      %max3A_819 = arith.maximumf %min3A_810, %min3A_812 : vector<16xf32>
      %min3A_820 = arith.minimumf %min3A_810, %min3A_812 : vector<16xf32>
      %mul3A_821 = arith.constant 2 : i32
      %mul3A_822 = arith.muli %mul3A_821, %scan3A_666 : i32
      %add3A_823 = arith.constant 0 : i32
      %add3A_824 = arith.addi %add3A_823, %mul3A_822 : i32
      %add3A_825 = arith.constant 0 : i32
      %add3A_826 = arith.addi %add3A_824, %add3A_825 : i32
      %mul3A_827 = arith.constant 16 : i32
      %mul3A_828 = arith.muli %add3A_826, %mul3A_827 : i32
      %get3A_829 = arith.constant 1 : i32
      %get3A_830 = arith.constant 1 : i32
      %get3A_831 = arith.index_cast %get3A_829 : i32 to index
      %get3A_832 = arith.index_cast %get3A_830 : i32 to index
      %get3A_833 = arith.index_cast %mul3A_828 : i32 to index
      %get3A_834 = tpu.vector_load %arg4[%get3A_831, %get3A_832, %get3A_833] {strides = array<i32>} : memref<2x4x8192xf32, #tpu.memory_space<vmem>>, vector<16xf32>,
      %masked_sort3A_835 = arith.constant dense<true> : vector<16xi1>
      %masked_sort3A_836, %masked_sort3A_837, %masked_sort3A_838 = tpu.sort %get3A_834, %get3A_834 masked %masked_sort3A_835 : (vector<16xf32>, vector<16xf32>, vector<16xi1>) -> (vector<16xi1>, vector<16xf32>, vector<16xf32>)
      %max3A_839 = arith.maximumf %scan3A_675, %masked_sort3A_837 : vector<16xf32>
      %masked_sort3A_840 = arith.constant dense<true> : vector<16xi1>
      %masked_sort3A_841, %masked_sort3A_842, %masked_sort3A_843 = tpu.sort %max3A_839, %max3A_839 masked %masked_sort3A_840 {descending = true} : (vector<16xf32>, vector<16xf32>, vector<16xi1>) -> (vector<16xi1>, vector<16xf32>, vector<16xf32>)
      %mul3A_844 = arith.constant 2 : i32
      %mul3A_845 = arith.muli %mul3A_844, %scan3A_666 : i32
      %add3A_846 = arith.constant 0 : i32
      %add3A_847 = arith.addi %add3A_846, %mul3A_845 : i32
      %add3A_848 = arith.constant 1 : i32
      %add3A_849 = arith.addi %add3A_847, %add3A_848 : i32
      %mul3A_850 = arith.constant 16 : i32
      %mul3A_851 = arith.muli %add3A_849, %mul3A_850 : i32
      %get3A_852 = arith.constant 1 : i32
      %get3A_853 = arith.constant 1 : i32
      %get3A_854 = arith.index_cast %get3A_852 : i32 to index
      %get3A_855 = arith.index_cast %get3A_853 : i32 to index
      %get3A_856 = arith.index_cast %mul3A_851 : i32 to index
      %get3A_857 = tpu.vector_load %arg4[%get3A_854, %get3A_855, %get3A_856] {strides = array<i32>} : memref<2x4x8192xf32, #tpu.memory_space<vmem>>, vector<16xf32>,
      %masked_sort3A_858 = arith.constant dense<true> : vector<16xi1>
      %masked_sort3A_859, %masked_sort3A_860, %masked_sort3A_861 = tpu.sort %get3A_857, %get3A_857 masked %masked_sort3A_858 : (vector<16xf32>, vector<16xf32>, vector<16xi1>) -> (vector<16xi1>, vector<16xf32>, vector<16xf32>)
      %max3A_862 = arith.maximumf %masked_sort3A_842, %masked_sort3A_860 : vector<16xf32>
      %masked_sort3A_863 = arith.constant dense<true> : vector<16xi1>
      %masked_sort3A_864, %masked_sort3A_865, %masked_sort3A_866 = tpu.sort %max3A_862, %max3A_862 masked %masked_sort3A_863 {descending = true} : (vector<16xf32>, vector<16xf32>, vector<16xi1>) -> (vector<16xi1>, vector<16xf32>, vector<16xf32>)
      %mul3A_867 = arith.constant 2 : i32
      %mul3A_868 = arith.muli %mul3A_867, %scan3A_666 : i32
      %add3A_869 = arith.constant 128 : i32
      %add3A_870 = arith.addi %add3A_869, %mul3A_868 : i32
      %add3A_871 = arith.constant 0 : i32
      %add3A_872 = arith.addi %add3A_870, %add3A_871 : i32
      %mul3A_873 = arith.constant 16 : i32
      %mul3A_874 = arith.muli %add3A_872, %mul3A_873 : i32
      %get3A_875 = arith.constant 1 : i32
      %get3A_876 = arith.constant 1 : i32
      %get3A_877 = arith.index_cast %get3A_875 : i32 to index
      %get3A_878 = arith.index_cast %get3A_876 : i32 to index
      %get3A_879 = arith.index_cast %mul3A_874 : i32 to index
      %get3A_880 = tpu.vector_load %arg4[%get3A_877, %get3A_878, %get3A_879] {strides = array<i32>} : memref<2x4x8192xf32, #tpu.memory_space<vmem>>, vector<16xf32>,
      %masked_sort3A_881 = arith.constant dense<true> : vector<16xi1>
      %masked_sort3A_882, %masked_sort3A_883, %masked_sort3A_884 = tpu.sort %get3A_880, %get3A_880 masked %masked_sort3A_881 : (vector<16xf32>, vector<16xf32>, vector<16xi1>) -> (vector<16xi1>, vector<16xf32>, vector<16xf32>)
      %max3A_885 = arith.maximumf %scan3A_676, %masked_sort3A_883 : vector<16xf32>
      %masked_sort3A_886 = arith.constant dense<true> : vector<16xi1>
      %masked_sort3A_887, %masked_sort3A_888, %masked_sort3A_889 = tpu.sort %max3A_885, %max3A_885 masked %masked_sort3A_886 {descending = true} : (vector<16xf32>, vector<16xf32>, vector<16xi1>) -> (vector<16xi1>, vector<16xf32>, vector<16xf32>)
      %mul3A_890 = arith.constant 2 : i32
      %mul3A_891 = arith.muli %mul3A_890, %scan3A_666 : i32
      %add3A_892 = arith.constant 128 : i32
      %add3A_893 = arith.addi %add3A_892, %mul3A_891 : i32
      %add3A_894 = arith.constant 1 : i32
      %add3A_895 = arith.addi %add3A_893, %add3A_894 : i32
      %mul3A_896 = arith.constant 16 : i32
      %mul3A_897 = arith.muli %add3A_895, %mul3A_896 : i32
      %get3A_898 = arith.constant 1 : i32
      %get3A_899 = arith.constant 1 : i32
      %get3A_900 = arith.index_cast %get3A_898 : i32 to index
      %get3A_901 = arith.index_cast %get3A_899 : i32 to index
      %get3A_902 = arith.index_cast %mul3A_897 : i32 to index
      %get3A_903 = tpu.vector_load %arg4[%get3A_900, %get3A_901, %get3A_902] {strides = array<i32>} : memref<2x4x8192xf32, #tpu.memory_space<vmem>>, vector<16xf32>,
      %masked_sort3A_904 = arith.constant dense<true> : vector<16xi1>
      %masked_sort3A_905, %masked_sort3A_906, %masked_sort3A_907 = tpu.sort %get3A_903, %get3A_903 masked %masked_sort3A_904 : (vector<16xf32>, vector<16xf32>, vector<16xi1>) -> (vector<16xi1>, vector<16xf32>, vector<16xf32>)
      %max3A_908 = arith.maximumf %masked_sort3A_888, %masked_sort3A_906 : vector<16xf32>
      %masked_sort3A_909 = arith.constant dense<true> : vector<16xi1>
      %masked_sort3A_910, %masked_sort3A_911, %masked_sort3A_912 = tpu.sort %max3A_908, %max3A_908 masked %masked_sort3A_909 {descending = true} : (vector<16xf32>, vector<16xf32>, vector<16xi1>) -> (vector<16xi1>, vector<16xf32>, vector<16xf32>)
      %mul3A_913 = arith.constant 2 : i32
      %mul3A_914 = arith.muli %mul3A_913, %scan3A_666 : i32
      %add3A_915 = arith.constant 256 : i32
      %add3A_916 = arith.addi %add3A_915, %mul3A_914 : i32
      %add3A_917 = arith.constant 0 : i32
      %add3A_918 = arith.addi %add3A_916, %add3A_917 : i32
      %mul3A_919 = arith.constant 16 : i32
      %mul3A_920 = arith.muli %add3A_918, %mul3A_919 : i32
      %get3A_921 = arith.constant 1 : i32
      %get3A_922 = arith.constant 1 : i32
      %get3A_923 = arith.index_cast %get3A_921 : i32 to index
      %get3A_924 = arith.index_cast %get3A_922 : i32 to index
      %get3A_925 = arith.index_cast %mul3A_920 : i32 to index
      %get3A_926 = tpu.vector_load %arg4[%get3A_923, %get3A_924, %get3A_925] {strides = array<i32>} : memref<2x4x8192xf32, #tpu.memory_space<vmem>>, vector<16xf32>,
      %masked_sort3A_927 = arith.constant dense<true> : vector<16xi1>
      %masked_sort3A_928, %masked_sort3A_929, %masked_sort3A_930 = tpu.sort %get3A_926, %get3A_926 masked %masked_sort3A_927 : (vector<16xf32>, vector<16xf32>, vector<16xi1>) -> (vector<16xi1>, vector<16xf32>, vector<16xf32>)
      %max3A_931 = arith.maximumf %scan3A_677, %masked_sort3A_929 : vector<16xf32>
      %masked_sort3A_932 = arith.constant dense<true> : vector<16xi1>
      %masked_sort3A_933, %masked_sort3A_934, %masked_sort3A_935 = tpu.sort %max3A_931, %max3A_931 masked %masked_sort3A_932 {descending = true} : (vector<16xf32>, vector<16xf32>, vector<16xi1>) -> (vector<16xi1>, vector<16xf32>, vector<16xf32>)
      %mul3A_936 = arith.constant 2 : i32
      %mul3A_937 = arith.muli %mul3A_936, %scan3A_666 : i32
      %add3A_938 = arith.constant 256 : i32
      %add3A_939 = arith.addi %add3A_938, %mul3A_937 : i32
      %add3A_940 = arith.constant 1 : i32
      %add3A_941 = arith.addi %add3A_939, %add3A_940 : i32
      %mul3A_942 = arith.constant 16 : i32
      %mul3A_943 = arith.muli %add3A_941, %mul3A_942 : i32
      %get3A_944 = arith.constant 1 : i32
      %get3A_945 = arith.constant 1 : i32
      %get3A_946 = arith.index_cast %get3A_944 : i32 to index
      %get3A_947 = arith.index_cast %get3A_945 : i32 to index
      %get3A_948 = arith.index_cast %mul3A_943 : i32 to index
      %get3A_949 = tpu.vector_load %arg4[%get3A_946, %get3A_947, %get3A_948] {strides = array<i32>} : memref<2x4x8192xf32, #tpu.memory_space<vmem>>, vector<16xf32>,
      %masked_sort3A_950 = arith.constant dense<true> : vector<16xi1>
      %masked_sort3A_951, %masked_sort3A_952, %masked_sort3A_953 = tpu.sort %get3A_949, %get3A_949 masked %masked_sort3A_950 : (vector<16xf32>, vector<16xf32>, vector<16xi1>) -> (vector<16xi1>, vector<16xf32>, vector<16xf32>)
      %max3A_954 = arith.maximumf %masked_sort3A_934, %masked_sort3A_952 : vector<16xf32>
      %masked_sort3A_955 = arith.constant dense<true> : vector<16xi1>
      %masked_sort3A_956, %masked_sort3A_957, %masked_sort3A_958 = tpu.sort %max3A_954, %max3A_954 masked %masked_sort3A_955 {descending = true} : (vector<16xf32>, vector<16xf32>, vector<16xi1>) -> (vector<16xi1>, vector<16xf32>, vector<16xf32>)
      %mul3A_959 = arith.constant 2 : i32
      %mul3A_960 = arith.muli %mul3A_959, %scan3A_666 : i32
      %add3A_961 = arith.constant 384 : i32
      %add3A_962 = arith.addi %add3A_961, %mul3A_960 : i32
      %add3A_963 = arith.constant 0 : i32
      %add3A_964 = arith.addi %add3A_962, %add3A_963 : i32
      %mul3A_965 = arith.constant 16 : i32
      %mul3A_966 = arith.muli %add3A_964, %mul3A_965 : i32
      %get3A_967 = arith.constant 1 : i32
      %get3A_968 = arith.constant 1 : i32
      %get3A_969 = arith.index_cast %get3A_967 : i32 to index
      %get3A_970 = arith.index_cast %get3A_968 : i32 to index
      %get3A_971 = arith.index_cast %mul3A_966 : i32 to index
      %get3A_972 = tpu.vector_load %arg4[%get3A_969, %get3A_970, %get3A_971] {strides = array<i32>} : memref<2x4x8192xf32, #tpu.memory_space<vmem>>, vector<16xf32>,
      %masked_sort3A_973 = arith.constant dense<true> : vector<16xi1>
      %masked_sort3A_974, %masked_sort3A_975, %masked_sort3A_976 = tpu.sort %get3A_972, %get3A_972 masked %masked_sort3A_973 : (vector<16xf32>, vector<16xf32>, vector<16xi1>) -> (vector<16xi1>, vector<16xf32>, vector<16xf32>)
      %max3A_977 = arith.maximumf %scan3A_678, %masked_sort3A_975 : vector<16xf32>
      %masked_sort3A_978 = arith.constant dense<true> : vector<16xi1>
      %masked_sort3A_979, %masked_sort3A_980, %masked_sort3A_981 = tpu.sort %max3A_977, %max3A_977 masked %masked_sort3A_978 {descending = true} : (vector<16xf32>, vector<16xf32>, vector<16xi1>) -> (vector<16xi1>, vector<16xf32>, vector<16xf32>)
      %mul3A_982 = arith.constant 2 : i32
      %mul3A_983 = arith.muli %mul3A_982, %scan3A_666 : i32
      %add3A_984 = arith.constant 384 : i32
      %add3A_985 = arith.addi %add3A_984, %mul3A_983 : i32
      %add3A_986 = arith.constant 1 : i32
      %add3A_987 = arith.addi %add3A_985, %add3A_986 : i32
      %mul3A_988 = arith.constant 16 : i32
      %mul3A_989 = arith.muli %add3A_987, %mul3A_988 : i32
      %get3A_990 = arith.constant 1 : i32
      %get3A_991 = arith.constant 1 : i32
      %get3A_992 = arith.index_cast %get3A_990 : i32 to index
      %get3A_993 = arith.index_cast %get3A_991 : i32 to index
      %get3A_994 = arith.index_cast %mul3A_989 : i32 to index
      %get3A_995 = tpu.vector_load %arg4[%get3A_992, %get3A_993, %get3A_994] {strides = array<i32>} : memref<2x4x8192xf32, #tpu.memory_space<vmem>>, vector<16xf32>,
      %masked_sort3A_996 = arith.constant dense<true> : vector<16xi1>
      %masked_sort3A_997, %masked_sort3A_998, %masked_sort3A_999 = tpu.sort %get3A_995, %get3A_995 masked %masked_sort3A_996 : (vector<16xf32>, vector<16xf32>, vector<16xi1>) -> (vector<16xi1>, vector<16xf32>, vector<16xf32>)
      %max3A_1000 = arith.maximumf %masked_sort3A_980, %masked_sort3A_998 : vector<16xf32>
      %masked_sort3A_1001 = arith.constant dense<true> : vector<16xi1>
      %masked_sort3A_1002, %masked_sort3A_1003, %masked_sort3A_1004 = tpu.sort %max3A_1000, %max3A_1000 masked %masked_sort3A_1001 {descending = true} : (vector<16xf32>, vector<16xf32>, vector<16xi1>) -> (vector<16xi1>, vector<16xf32>, vector<16xf32>)
      %mul3A_1005 = arith.constant 2 : i32
      %mul3A_1006 = arith.muli %mul3A_1005, %scan3A_666 : i32
      %add3A_1007 = arith.constant 0 : i32
      %add3A_1008 = arith.addi %add3A_1007, %mul3A_1006 : i32
      %add3A_1009 = arith.constant 0 : i32
      %add3A_1010 = arith.addi %add3A_1008, %add3A_1009 : i32
      %mul3A_1011 = arith.constant 16 : i32
      %mul3A_1012 = arith.muli %add3A_1010, %mul3A_1011 : i32
      %get3A_1013 = arith.constant 1 : i32
      %get3A_1014 = arith.constant 2 : i32
      %get3A_1015 = arith.index_cast %get3A_1013 : i32 to index
      %get3A_1016 = arith.index_cast %get3A_1014 : i32 to index
      %get3A_1017 = arith.index_cast %mul3A_1012 : i32 to index
      %get3A_1018 = tpu.vector_load %arg4[%get3A_1015, %get3A_1016, %get3A_1017] {strides = array<i32>} : memref<2x4x8192xf32, #tpu.memory_space<vmem>>, vector<16xf32>,
      %masked_sort3A_1019 = arith.constant dense<true> : vector<16xi1>
      %masked_sort3A_1020, %masked_sort3A_1021, %masked_sort3A_1022 = tpu.sort %get3A_1018, %get3A_1018 masked %masked_sort3A_1019 : (vector<16xf32>, vector<16xf32>, vector<16xi1>) -> (vector<16xi1>, vector<16xf32>, vector<16xf32>)
      %max3A_1023 = arith.maximumf %scan3A_679, %masked_sort3A_1021 : vector<16xf32>
      %masked_sort3A_1024 = arith.constant dense<true> : vector<16xi1>
      %masked_sort3A_1025, %masked_sort3A_1026, %masked_sort3A_1027 = tpu.sort %max3A_1023, %max3A_1023 masked %masked_sort3A_1024 {descending = true} : (vector<16xf32>, vector<16xf32>, vector<16xi1>) -> (vector<16xi1>, vector<16xf32>, vector<16xf32>)
      %mul3A_1028 = arith.constant 2 : i32
      %mul3A_1029 = arith.muli %mul3A_1028, %scan3A_666 : i32
      %add3A_1030 = arith.constant 0 : i32
      %add3A_1031 = arith.addi %add3A_1030, %mul3A_1029 : i32
      %add3A_1032 = arith.constant 1 : i32
      %add3A_1033 = arith.addi %add3A_1031, %add3A_1032 : i32
      %mul3A_1034 = arith.constant 16 : i32
      %mul3A_1035 = arith.muli %add3A_1033, %mul3A_1034 : i32
      %get3A_1036 = arith.constant 1 : i32
      %get3A_1037 = arith.constant 2 : i32
      %get3A_1038 = arith.index_cast %get3A_1036 : i32 to index
      %get3A_1039 = arith.index_cast %get3A_1037 : i32 to index
      %get3A_1040 = arith.index_cast %mul3A_1035 : i32 to index
      %get3A_1041 = tpu.vector_load %arg4[%get3A_1038, %get3A_1039, %get3A_1040] {strides = array<i32>} : memref<2x4x8192xf32, #tpu.memory_space<vmem>>, vector<16xf32>,
      %masked_sort3A_1042 = arith.constant dense<true> : vector<16xi1>
      %masked_sort3A_1043, %masked_sort3A_1044, %masked_sort3A_1045 = tpu.sort %get3A_1041, %get3A_1041 masked %masked_sort3A_1042 : (vector<16xf32>, vector<16xf32>, vector<16xi1>) -> (vector<16xi1>, vector<16xf32>, vector<16xf32>)
      %max3A_1046 = arith.maximumf %masked_sort3A_1026, %masked_sort3A_1044 : vector<16xf32>
      %masked_sort3A_1047 = arith.constant dense<true> : vector<16xi1>
      %masked_sort3A_1048, %masked_sort3A_1049, %masked_sort3A_1050 = tpu.sort %max3A_1046, %max3A_1046 masked %masked_sort3A_1047 {descending = true} : (vector<16xf32>, vector<16xf32>, vector<16xi1>) -> (vector<16xi1>, vector<16xf32>, vector<16xf32>)
      %mul3A_1051 = arith.constant 2 : i32
      %mul3A_1052 = arith.muli %mul3A_1051, %scan3A_666 : i32
      %add3A_1053 = arith.constant 128 : i32
      %add3A_1054 = arith.addi %add3A_1053, %mul3A_1052 : i32
      %add3A_1055 = arith.constant 0 : i32
      %add3A_1056 = arith.addi %add3A_1054, %add3A_1055 : i32
      %mul3A_1057 = arith.constant 16 : i32
      %mul3A_1058 = arith.muli %add3A_1056, %mul3A_1057 : i32
      %get3A_1059 = arith.constant 1 : i32
      %get3A_1060 = arith.constant 2 : i32
      %get3A_1061 = arith.index_cast %get3A_1059 : i32 to index
      %get3A_1062 = arith.index_cast %get3A_1060 : i32 to index
      %get3A_1063 = arith.index_cast %mul3A_1058 : i32 to index
      %get3A_1064 = tpu.vector_load %arg4[%get3A_1061, %get3A_1062, %get3A_1063] {strides = array<i32>} : memref<2x4x8192xf32, #tpu.memory_space<vmem>>, vector<16xf32>,
      %masked_sort3A_1065 = arith.constant dense<true> : vector<16xi1>
      %masked_sort3A_1066, %masked_sort3A_1067, %masked_sort3A_1068 = tpu.sort %get3A_1064, %get3A_1064 masked %masked_sort3A_1065 : (vector<16xf32>, vector<16xf32>, vector<16xi1>) -> (vector<16xi1>, vector<16xf32>, vector<16xf32>)
      %max3A_1069 = arith.maximumf %scan3A_680, %masked_sort3A_1067 : vector<16xf32>
      %masked_sort3A_1070 = arith.constant dense<true> : vector<16xi1>
      %masked_sort3A_1071, %masked_sort3A_1072, %masked_sort3A_1073 = tpu.sort %max3A_1069, %max3A_1069 masked %masked_sort3A_1070 {descending = true} : (vector<16xf32>, vector<16xf32>, vector<16xi1>) -> (vector<16xi1>, vector<16xf32>, vector<16xf32>)
      %mul3A_1074 = arith.constant 2 : i32
      %mul3A_1075 = arith.muli %mul3A_1074, %scan3A_666 : i32
      %add3A_1076 = arith.constant 128 : i32
      %add3A_1077 = arith.addi %add3A_1076, %mul3A_1075 : i32
      %add3A_1078 = arith.constant 1 : i32
      %add3A_1079 = arith.addi %add3A_1077, %add3A_1078 : i32
      %mul3A_1080 = arith.constant 16 : i32
      %mul3A_1081 = arith.muli %add3A_1079, %mul3A_1080 : i32
      %get3A_1082 = arith.constant 1 : i32
      %get3A_1083 = arith.constant 2 : i32
      %get3A_1084 = arith.index_cast %get3A_1082 : i32 to index
      %get3A_1085 = arith.index_cast %get3A_1083 : i32 to index
      %get3A_1086 = arith.index_cast %mul3A_1081 : i32 to index
      %get3A_1087 = tpu.vector_load %arg4[%get3A_1084, %get3A_1085, %get3A_1086] {strides = array<i32>} : memref<2x4x8192xf32, #tpu.memory_space<vmem>>, vector<16xf32>,
      %masked_sort3A_1088 = arith.constant dense<true> : vector<16xi1>
      %masked_sort3A_1089, %masked_sort3A_1090, %masked_sort3A_1091 = tpu.sort %get3A_1087, %get3A_1087 masked %masked_sort3A_1088 : (vector<16xf32>, vector<16xf32>, vector<16xi1>) -> (vector<16xi1>, vector<16xf32>, vector<16xf32>)
      %max3A_1092 = arith.maximumf %masked_sort3A_1072, %masked_sort3A_1090 : vector<16xf32>
      %masked_sort3A_1093 = arith.constant dense<true> : vector<16xi1>
      %masked_sort3A_1094, %masked_sort3A_1095, %masked_sort3A_1096 = tpu.sort %max3A_1092, %max3A_1092 masked %masked_sort3A_1093 {descending = true} : (vector<16xf32>, vector<16xf32>, vector<16xi1>) -> (vector<16xi1>, vector<16xf32>, vector<16xf32>)
      %mul3A_1097 = arith.constant 2 : i32
      %mul3A_1098 = arith.muli %mul3A_1097, %scan3A_666 : i32
      %add3A_1099 = arith.constant 256 : i32
      %add3A_1100 = arith.addi %add3A_1099, %mul3A_1098 : i32
      %add3A_1101 = arith.constant 0 : i32
      %add3A_1102 = arith.addi %add3A_1100, %add3A_1101 : i32
      %mul3A_1103 = arith.constant 16 : i32
      %mul3A_1104 = arith.muli %add3A_1102, %mul3A_1103 : i32
      %get3A_1105 = arith.constant 1 : i32
      %get3A_1106 = arith.constant 2 : i32
      %get3A_1107 = arith.index_cast %get3A_1105 : i32 to index
      %get3A_1108 = arith.index_cast %get3A_1106 : i32 to index
      %get3A_1109 = arith.index_cast %mul3A_1104 : i32 to index
      %get3A_1110 = tpu.vector_load %arg4[%get3A_1107, %get3A_1108, %get3A_1109] {strides = array<i32>} : memref<2x4x8192xf32, #tpu.memory_space<vmem>>, vector<16xf32>,
      %masked_sort3A_1111 = arith.constant dense<true> : vector<16xi1>
      %masked_sort3A_1112, %masked_sort3A_1113, %masked_sort3A_1114 = tpu.sort %get3A_1110, %get3A_1110 masked %masked_sort3A_1111 : (vector<16xf32>, vector<16xf32>, vector<16xi1>) -> (vector<16xi1>, vector<16xf32>, vector<16xf32>)
      %max3A_1115 = arith.maximumf %scan3A_681, %masked_sort3A_1113 : vector<16xf32>
      %masked_sort3A_1116 = arith.constant dense<true> : vector<16xi1>
      %masked_sort3A_1117, %masked_sort3A_1118, %masked_sort3A_1119 = tpu.sort %max3A_1115, %max3A_1115 masked %masked_sort3A_1116 {descending = true} : (vector<16xf32>, vector<16xf32>, vector<16xi1>) -> (vector<16xi1>, vector<16xf32>, vector<16xf32>)
      %mul3A_1120 = arith.constant 2 : i32
      %mul3A_1121 = arith.muli %mul3A_1120, %scan3A_666 : i32
      %add3A_1122 = arith.constant 256 : i32
      %add3A_1123 = arith.addi %add3A_1122, %mul3A_1121 : i32
      %add3A_1124 = arith.constant 1 : i32
      %add3A_1125 = arith.addi %add3A_1123, %add3A_1124 : i32
      %mul3A_1126 = arith.constant 16 : i32
      %mul3A_1127 = arith.muli %add3A_1125, %mul3A_1126 : i32
      %get3A_1128 = arith.constant 1 : i32
      %get3A_1129 = arith.constant 2 : i32
      %get3A_1130 = arith.index_cast %get3A_1128 : i32 to index
      %get3A_1131 = arith.index_cast %get3A_1129 : i32 to index
      %get3A_1132 = arith.index_cast %mul3A_1127 : i32 to index
      %get3A_1133 = tpu.vector_load %arg4[%get3A_1130, %get3A_1131, %get3A_1132] {strides = array<i32>} : memref<2x4x8192xf32, #tpu.memory_space<vmem>>, vector<16xf32>,
      %masked_sort3A_1134 = arith.constant dense<true> : vector<16xi1>
      %masked_sort3A_1135, %masked_sort3A_1136, %masked_sort3A_1137 = tpu.sort %get3A_1133, %get3A_1133 masked %masked_sort3A_1134 : (vector<16xf32>, vector<16xf32>, vector<16xi1>) -> (vector<16xi1>, vector<16xf32>, vector<16xf32>)
      %max3A_1138 = arith.maximumf %masked_sort3A_1118, %masked_sort3A_1136 : vector<16xf32>
      %masked_sort3A_1139 = arith.constant dense<true> : vector<16xi1>
      %masked_sort3A_1140, %masked_sort3A_1141, %masked_sort3A_1142 = tpu.sort %max3A_1138, %max3A_1138 masked %masked_sort3A_1139 {descending = true} : (vector<16xf32>, vector<16xf32>, vector<16xi1>) -> (vector<16xi1>, vector<16xf32>, vector<16xf32>)
      %mul3A_1143 = arith.constant 2 : i32
      %mul3A_1144 = arith.muli %mul3A_1143, %scan3A_666 : i32
      %add3A_1145 = arith.constant 384 : i32
      %add3A_1146 = arith.addi %add3A_1145, %mul3A_1144 : i32
      %add3A_1147 = arith.constant 0 : i32
      %add3A_1148 = arith.addi %add3A_1146, %add3A_1147 : i32
      %mul3A_1149 = arith.constant 16 : i32
      %mul3A_1150 = arith.muli %add3A_1148, %mul3A_1149 : i32
      %get3A_1151 = arith.constant 1 : i32
      %get3A_1152 = arith.constant 2 : i32
      %get3A_1153 = arith.index_cast %get3A_1151 : i32 to index
      %get3A_1154 = arith.index_cast %get3A_1152 : i32 to index
      %get3A_1155 = arith.index_cast %mul3A_1150 : i32 to index
      %get3A_1156 = tpu.vector_load %arg4[%get3A_1153, %get3A_1154, %get3A_1155] {strides = array<i32>} : memref<2x4x8192xf32, #tpu.memory_space<vmem>>, vector<16xf32>,
      %masked_sort3A_1157 = arith.constant dense<true> : vector<16xi1>
      %masked_sort3A_1158, %masked_sort3A_1159, %masked_sort3A_1160 = tpu.sort %get3A_1156, %get3A_1156 masked %masked_sort3A_1157 : (vector<16xf32>, vector<16xf32>, vector<16xi1>) -> (vector<16xi1>, vector<16xf32>, vector<16xf32>)
      %max3A_1161 = arith.maximumf %scan3A_682, %masked_sort3A_1159 : vector<16xf32>
      %masked_sort3A_1162 = arith.constant dense<true> : vector<16xi1>
      %masked_sort3A_1163, %masked_sort3A_1164, %masked_sort3A_1165 = tpu.sort %max3A_1161, %max3A_1161 masked %masked_sort3A_1162 {descending = true} : (vector<16xf32>, vector<16xf32>, vector<16xi1>) -> (vector<16xi1>, vector<16xf32>, vector<16xf32>)
      %mul3A_1166 = arith.constant 2 : i32
      %mul3A_1167 = arith.muli %mul3A_1166, %scan3A_666 : i32
      %add3A_1168 = arith.constant 384 : i32
      %add3A_1169 = arith.addi %add3A_1168, %mul3A_1167 : i32
      %add3A_1170 = arith.constant 1 : i32
      %add3A_1171 = arith.addi %add3A_1169, %add3A_1170 : i32
      %mul3A_1172 = arith.constant 16 : i32
      %mul3A_1173 = arith.muli %add3A_1171, %mul3A_1172 : i32
      %get3A_1174 = arith.constant 1 : i32
      %get3A_1175 = arith.constant 2 : i32
      %get3A_1176 = arith.index_cast %get3A_1174 : i32 to index
      %get3A_1177 = arith.index_cast %get3A_1175 : i32 to index
      %get3A_1178 = arith.index_cast %mul3A_1173 : i32 to index
      %get3A_1179 = tpu.vector_load %arg4[%get3A_1176, %get3A_1177, %get3A_1178] {strides = array<i32>} : memref<2x4x8192xf32, #tpu.memory_space<vmem>>, vector<16xf32>,
      %masked_sort3A_1180 = arith.constant dense<true> : vector<16xi1>
      %masked_sort3A_1181, %masked_sort3A_1182, %masked_sort3A_1183 = tpu.sort %get3A_1179, %get3A_1179 masked %masked_sort3A_1180 : (vector<16xf32>, vector<16xf32>, vector<16xi1>) -> (vector<16xi1>, vector<16xf32>, vector<16xf32>)
      %max3A_1184 = arith.maximumf %masked_sort3A_1164, %masked_sort3A_1182 : vector<16xf32>
      %masked_sort3A_1185 = arith.constant dense<true> : vector<16xi1>
      %masked_sort3A_1186, %masked_sort3A_1187, %masked_sort3A_1188 = tpu.sort %max3A_1184, %max3A_1184 masked %masked_sort3A_1185 {descending = true} : (vector<16xf32>, vector<16xf32>, vector<16xi1>) -> (vector<16xi1>, vector<16xf32>, vector<16xf32>)
      %mul3A_1189 = arith.constant 2 : i32
      %mul3A_1190 = arith.muli %mul3A_1189, %scan3A_666 : i32
      %add3A_1191 = arith.constant 0 : i32
      %add3A_1192 = arith.addi %add3A_1191, %mul3A_1190 : i32
      %add3A_1193 = arith.constant 0 : i32
      %add3A_1194 = arith.addi %add3A_1192, %add3A_1193 : i32
      %mul3A_1195 = arith.constant 16 : i32
      %mul3A_1196 = arith.muli %add3A_1194, %mul3A_1195 : i32
      %get3A_1197 = arith.constant 1 : i32
      %get3A_1198 = arith.constant 3 : i32
      %get3A_1199 = arith.index_cast %get3A_1197 : i32 to index
      %get3A_1200 = arith.index_cast %get3A_1198 : i32 to index
      %get3A_1201 = arith.index_cast %mul3A_1196 : i32 to index
      %get3A_1202 = tpu.vector_load %arg4[%get3A_1199, %get3A_1200, %get3A_1201] {strides = array<i32>} : memref<2x4x8192xf32, #tpu.memory_space<vmem>>, vector<16xf32>,
      %masked_sort3A_1203 = arith.constant dense<true> : vector<16xi1>
      %masked_sort3A_1204, %masked_sort3A_1205, %masked_sort3A_1206 = tpu.sort %get3A_1202, %get3A_1202 masked %masked_sort3A_1203 : (vector<16xf32>, vector<16xf32>, vector<16xi1>) -> (vector<16xi1>, vector<16xf32>, vector<16xf32>)
      %max3A_1207 = arith.maximumf %scan3A_683, %masked_sort3A_1205 : vector<16xf32>
      %masked_sort3A_1208 = arith.constant dense<true> : vector<16xi1>
      %masked_sort3A_1209, %masked_sort3A_1210, %masked_sort3A_1211 = tpu.sort %max3A_1207, %max3A_1207 masked %masked_sort3A_1208 {descending = true} : (vector<16xf32>, vector<16xf32>, vector<16xi1>) -> (vector<16xi1>, vector<16xf32>, vector<16xf32>)
      %mul3A_1212 = arith.constant 2 : i32
      %mul3A_1213 = arith.muli %mul3A_1212, %scan3A_666 : i32
      %add3A_1214 = arith.constant 0 : i32
      %add3A_1215 = arith.addi %add3A_1214, %mul3A_1213 : i32
      %add3A_1216 = arith.constant 1 : i32
      %add3A_1217 = arith.addi %add3A_1215, %add3A_1216 : i32
      %mul3A_1218 = arith.constant 16 : i32
      %mul3A_1219 = arith.muli %add3A_1217, %mul3A_1218 : i32
      %get3A_1220 = arith.constant 1 : i32
      %get3A_1221 = arith.constant 3 : i32
      %get3A_1222 = arith.index_cast %get3A_1220 : i32 to index
      %get3A_1223 = arith.index_cast %get3A_1221 : i32 to index
      %get3A_1224 = arith.index_cast %mul3A_1219 : i32 to index
      %get3A_1225 = tpu.vector_load %arg4[%get3A_1222, %get3A_1223, %get3A_1224] {strides = array<i32>} : memref<2x4x8192xf32, #tpu.memory_space<vmem>>, vector<16xf32>,
      %masked_sort3A_1226 = arith.constant dense<true> : vector<16xi1>
      %masked_sort3A_1227, %masked_sort3A_1228, %masked_sort3A_1229 = tpu.sort %get3A_1225, %get3A_1225 masked %masked_sort3A_1226 : (vector<16xf32>, vector<16xf32>, vector<16xi1>) -> (vector<16xi1>, vector<16xf32>, vector<16xf32>)
      %max3A_1230 = arith.maximumf %masked_sort3A_1210, %masked_sort3A_1228 : vector<16xf32>
      %masked_sort3A_1231 = arith.constant dense<true> : vector<16xi1>
      %masked_sort3A_1232, %masked_sort3A_1233, %masked_sort3A_1234 = tpu.sort %max3A_1230, %max3A_1230 masked %masked_sort3A_1231 {descending = true} : (vector<16xf32>, vector<16xf32>, vector<16xi1>) -> (vector<16xi1>, vector<16xf32>, vector<16xf32>)
      %mul3A_1235 = arith.constant 2 : i32
      %mul3A_1236 = arith.muli %mul3A_1235, %scan3A_666 : i32
      %add3A_1237 = arith.constant 128 : i32
      %add3A_1238 = arith.addi %add3A_1237, %mul3A_1236 : i32
      %add3A_1239 = arith.constant 0 : i32
      %add3A_1240 = arith.addi %add3A_1238, %add3A_1239 : i32
      %mul3A_1241 = arith.constant 16 : i32
      %mul3A_1242 = arith.muli %add3A_1240, %mul3A_1241 : i32
      %get3A_1243 = arith.constant 1 : i32
      %get3A_1244 = arith.constant 3 : i32
      %get3A_1245 = arith.index_cast %get3A_1243 : i32 to index
      %get3A_1246 = arith.index_cast %get3A_1244 : i32 to index
      %get3A_1247 = arith.index_cast %mul3A_1242 : i32 to index
      %get3A_1248 = tpu.vector_load %arg4[%get3A_1245, %get3A_1246, %get3A_1247] {strides = array<i32>} : memref<2x4x8192xf32, #tpu.memory_space<vmem>>, vector<16xf32>,
      %masked_sort3A_1249 = arith.constant dense<true> : vector<16xi1>
      %masked_sort3A_1250, %masked_sort3A_1251, %masked_sort3A_1252 = tpu.sort %get3A_1248, %get3A_1248 masked %masked_sort3A_1249 : (vector<16xf32>, vector<16xf32>, vector<16xi1>) -> (vector<16xi1>, vector<16xf32>, vector<16xf32>)
      %max3A_1253 = arith.maximumf %scan3A_684, %masked_sort3A_1251 : vector<16xf32>
      %masked_sort3A_1254 = arith.constant dense<true> : vector<16xi1>
      %masked_sort3A_1255, %masked_sort3A_1256, %masked_sort3A_1257 = tpu.sort %max3A_1253, %max3A_1253 masked %masked_sort3A_1254 {descending = true} : (vector<16xf32>, vector<16xf32>, vector<16xi1>) -> (vector<16xi1>, vector<16xf32>, vector<16xf32>)
      %mul3A_1258 = arith.constant 2 : i32
      %mul3A_1259 = arith.muli %mul3A_1258, %scan3A_666 : i32
      %add3A_1260 = arith.constant 128 : i32
      %add3A_1261 = arith.addi %add3A_1260, %mul3A_1259 : i32
      %add3A_1262 = arith.constant 1 : i32
      %add3A_1263 = arith.addi %add3A_1261, %add3A_1262 : i32
      %mul3A_1264 = arith.constant 16 : i32
      %mul3A_1265 = arith.muli %add3A_1263, %mul3A_1264 : i32
      %get3A_1266 = arith.constant 1 : i32
      %get3A_1267 = arith.constant 3 : i32
      %get3A_1268 = arith.index_cast %get3A_1266 : i32 to index
      %get3A_1269 = arith.index_cast %get3A_1267 : i32 to index
      %get3A_1270 = arith.index_cast %mul3A_1265 : i32 to index
      %get3A_1271 = tpu.vector_load %arg4[%get3A_1268, %get3A_1269, %get3A_1270] {strides = array<i32>} : memref<2x4x8192xf32, #tpu.memory_space<vmem>>, vector<16xf32>,
      %masked_sort3A_1272 = arith.constant dense<true> : vector<16xi1>
      %masked_sort3A_1273, %masked_sort3A_1274, %masked_sort3A_1275 = tpu.sort %get3A_1271, %get3A_1271 masked %masked_sort3A_1272 : (vector<16xf32>, vector<16xf32>, vector<16xi1>) -> (vector<16xi1>, vector<16xf32>, vector<16xf32>)
      %max3A_1276 = arith.maximumf %masked_sort3A_1256, %masked_sort3A_1274 : vector<16xf32>
      %masked_sort3A_1277 = arith.constant dense<true> : vector<16xi1>
      %masked_sort3A_1278, %masked_sort3A_1279, %masked_sort3A_1280 = tpu.sort %max3A_1276, %max3A_1276 masked %masked_sort3A_1277 {descending = true} : (vector<16xf32>, vector<16xf32>, vector<16xi1>) -> (vector<16xi1>, vector<16xf32>, vector<16xf32>)
      %mul3A_1281 = arith.constant 2 : i32
      %mul3A_1282 = arith.muli %mul3A_1281, %scan3A_666 : i32
      %add3A_1283 = arith.constant 256 : i32
      %add3A_1284 = arith.addi %add3A_1283, %mul3A_1282 : i32
      %add3A_1285 = arith.constant 0 : i32
      %add3A_1286 = arith.addi %add3A_1284, %add3A_1285 : i32
      %mul3A_1287 = arith.constant 16 : i32
      %mul3A_1288 = arith.muli %add3A_1286, %mul3A_1287 : i32
      %get3A_1289 = arith.constant 1 : i32
      %get3A_1290 = arith.constant 3 : i32
      %get3A_1291 = arith.index_cast %get3A_1289 : i32 to index
      %get3A_1292 = arith.index_cast %get3A_1290 : i32 to index
      %get3A_1293 = arith.index_cast %mul3A_1288 : i32 to index
      %get3A_1294 = tpu.vector_load %arg4[%get3A_1291, %get3A_1292, %get3A_1293] {strides = array<i32>} : memref<2x4x8192xf32, #tpu.memory_space<vmem>>, vector<16xf32>,
      %masked_sort3A_1295 = arith.constant dense<true> : vector<16xi1>
      %masked_sort3A_1296, %masked_sort3A_1297, %masked_sort3A_1298 = tpu.sort %get3A_1294, %get3A_1294 masked %masked_sort3A_1295 : (vector<16xf32>, vector<16xf32>, vector<16xi1>) -> (vector<16xi1>, vector<16xf32>, vector<16xf32>)
      %max3A_1299 = arith.maximumf %scan3A_685, %masked_sort3A_1297 : vector<16xf32>
      %masked_sort3A_1300 = arith.constant dense<true> : vector<16xi1>
      %masked_sort3A_1301, %masked_sort3A_1302, %masked_sort3A_1303 = tpu.sort %max3A_1299, %max3A_1299 masked %masked_sort3A_1300 {descending = true} : (vector<16xf32>, vector<16xf32>, vector<16xi1>) -> (vector<16xi1>, vector<16xf32>, vector<16xf32>)
      %mul3A_1304 = arith.constant 2 : i32
      %mul3A_1305 = arith.muli %mul3A_1304, %scan3A_666 : i32
      %add3A_1306 = arith.constant 256 : i32
      %add3A_1307 = arith.addi %add3A_1306, %mul3A_1305 : i32
      %add3A_1308 = arith.constant 1 : i32
      %add3A_1309 = arith.addi %add3A_1307, %add3A_1308 : i32
      %mul3A_1310 = arith.constant 16 : i32
      %mul3A_1311 = arith.muli %add3A_1309, %mul3A_1310 : i32
      %get3A_1312 = arith.constant 1 : i32
      %get3A_1313 = arith.constant 3 : i32
      %get3A_1314 = arith.index_cast %get3A_1312 : i32 to index
      %get3A_1315 = arith.index_cast %get3A_1313 : i32 to index
      %get3A_1316 = arith.index_cast %mul3A_1311 : i32 to index
      %get3A_1317 = tpu.vector_load %arg4[%get3A_1314, %get3A_1315, %get3A_1316] {strides = array<i32>} : memref<2x4x8192xf32, #tpu.memory_space<vmem>>, vector<16xf32>,
      %masked_sort3A_1318 = arith.constant dense<true> : vector<16xi1>
      %masked_sort3A_1319, %masked_sort3A_1320, %masked_sort3A_1321 = tpu.sort %get3A_1317, %get3A_1317 masked %masked_sort3A_1318 : (vector<16xf32>, vector<16xf32>, vector<16xi1>) -> (vector<16xi1>, vector<16xf32>, vector<16xf32>)
      %max3A_1322 = arith.maximumf %masked_sort3A_1302, %masked_sort3A_1320 : vector<16xf32>
      %masked_sort3A_1323 = arith.constant dense<true> : vector<16xi1>
      %masked_sort3A_1324, %masked_sort3A_1325, %masked_sort3A_1326 = tpu.sort %max3A_1322, %max3A_1322 masked %masked_sort3A_1323 {descending = true} : (vector<16xf32>, vector<16xf32>, vector<16xi1>) -> (vector<16xi1>, vector<16xf32>, vector<16xf32>)
      %mul3A_1327 = arith.constant 2 : i32
      %mul3A_1328 = arith.muli %mul3A_1327, %scan3A_666 : i32
      %add3A_1329 = arith.constant 384 : i32
      %add3A_1330 = arith.addi %add3A_1329, %mul3A_1328 : i32
      %add3A_1331 = arith.constant 0 : i32
      %add3A_1332 = arith.addi %add3A_1330, %add3A_1331 : i32
      %mul3A_1333 = arith.constant 16 : i32
      %mul3A_1334 = arith.muli %add3A_1332, %mul3A_1333 : i32
      %get3A_1335 = arith.constant 1 : i32
      %get3A_1336 = arith.constant 3 : i32
      %get3A_1337 = arith.index_cast %get3A_1335 : i32 to index
      %get3A_1338 = arith.index_cast %get3A_1336 : i32 to index
      %get3A_1339 = arith.index_cast %mul3A_1334 : i32 to index
      %get3A_1340 = tpu.vector_load %arg4[%get3A_1337, %get3A_1338, %get3A_1339] {strides = array<i32>} : memref<2x4x8192xf32, #tpu.memory_space<vmem>>, vector<16xf32>,
      %masked_sort3A_1341 = arith.constant dense<true> : vector<16xi1>
      %masked_sort3A_1342, %masked_sort3A_1343, %masked_sort3A_1344 = tpu.sort %get3A_1340, %get3A_1340 masked %masked_sort3A_1341 : (vector<16xf32>, vector<16xf32>, vector<16xi1>) -> (vector<16xi1>, vector<16xf32>, vector<16xf32>)
      %max3A_1345 = arith.maximumf %scan3A_686, %masked_sort3A_1343 : vector<16xf32>
      %masked_sort3A_1346 = arith.constant dense<true> : vector<16xi1>
      %masked_sort3A_1347, %masked_sort3A_1348, %masked_sort3A_1349 = tpu.sort %max3A_1345, %max3A_1345 masked %masked_sort3A_1346 {descending = true} : (vector<16xf32>, vector<16xf32>, vector<16xi1>) -> (vector<16xi1>, vector<16xf32>, vector<16xf32>)
      %mul3A_1350 = arith.constant 2 : i32
      %mul3A_1351 = arith.muli %mul3A_1350, %scan3A_666 : i32
      %add3A_1352 = arith.constant 384 : i32
      %add3A_1353 = arith.addi %add3A_1352, %mul3A_1351 : i32
      %add3A_1354 = arith.constant 1 : i32
      %add3A_1355 = arith.addi %add3A_1353, %add3A_1354 : i32
      %mul3A_1356 = arith.constant 16 : i32
      %mul3A_1357 = arith.muli %add3A_1355, %mul3A_1356 : i32
      %get3A_1358 = arith.constant 1 : i32
      %get3A_1359 = arith.constant 3 : i32
      %get3A_1360 = arith.index_cast %get3A_1358 : i32 to index
      %get3A_1361 = arith.index_cast %get3A_1359 : i32 to index
      %get3A_1362 = arith.index_cast %mul3A_1357 : i32 to index
      %get3A_1363 = tpu.vector_load %arg4[%get3A_1360, %get3A_1361, %get3A_1362] {strides = array<i32>} : memref<2x4x8192xf32, #tpu.memory_space<vmem>>, vector<16xf32>,
      %masked_sort3A_1364 = arith.constant dense<true> : vector<16xi1>
      %masked_sort3A_1365, %masked_sort3A_1366, %masked_sort3A_1367 = tpu.sort %get3A_1363, %get3A_1363 masked %masked_sort3A_1364 : (vector<16xf32>, vector<16xf32>, vector<16xi1>) -> (vector<16xi1>, vector<16xf32>, vector<16xf32>)
      %max3A_1368 = arith.maximumf %masked_sort3A_1348, %masked_sort3A_1366 : vector<16xf32>
      %masked_sort3A_1369 = arith.constant dense<true> : vector<16xi1>
      %masked_sort3A_1370, %masked_sort3A_1371, %masked_sort3A_1372 = tpu.sort %max3A_1368, %max3A_1368 masked %masked_sort3A_1369 {descending = true} : (vector<16xf32>, vector<16xf32>, vector<16xi1>) -> (vector<16xi1>, vector<16xf32>, vector<16xf32>)
      scf.yield %max3A_813, %min3A_814, %max3A_815, %min3A_816, %max3A_817, %min3A_818, %max3A_819, %min3A_820, %masked_sort3A_865, %masked_sort3A_911, %masked_sort3A_957, %masked_sort3A_1003, %masked_sort3A_1049, %masked_sort3A_1095, %masked_sort3A_1141, %masked_sort3A_1187, %masked_sort3A_1233, %masked_sort3A_1279, %masked_sort3A_1325, %masked_sort3A_1371 : vector<16xf32>, vector<16xf32>, vector<16xf32>, vector<16xf32>, vector<16xf32>, vector<16xf32>, vector<16xf32>, vector<16xf32>, vector<16xf32>, vector<16xf32>, vector<16xf32>, vector<16xf32>, vector<16xf32>, vector<16xf32>, vector<16xf32>, vector<16xf32>, vector<16xf32>, vector<16xf32>, vector<16xf32>, vector<16xf32>
    }
    %scan3A_316 = arith.constant 64 : i32
    %add3A_317 = arith.constant 0 : i32
    %add3A_318 = arith.addi %mul3A_2, %add3A_317 : i32
    %dma_start3A_319 = arith.constant 1 : i32
    %dma_start3A_320 = arith.constant 0 : i32
    %dma_start3A_321 = arith.constant 0 : i32
    %dma_start3A_322 = tpu.memref_slice %arg4[%dma_start3A_319, %dma_start3A_320, %dma_start3A_321] : memref<2x4x8192xf32, #tpu.memory_space<vmem>> -> memref<1x1x8192xf32, #tpu.memory_space<vmem>>
    %dma_start3A_323 = tpu.memref_squeeze %dma_start3A_322 : memref<1x1x8192xf32, #tpu.memory_space<vmem>> -> memref<8192xf32, #tpu.memory_space<vmem>>
    %dma_start3A_324 = arith.constant 24576 : i32
    %dma_start3A_325 = tpu.memref_slice %arg2[%add3A_318, %dma_start3A_324] : memref<128x32768xf32, #tpu.memory_space<hbm>> -> memref<1x8192xf32, #tpu.memory_space<hbm>>
    %dma_start3A_326 = tpu.memref_squeeze %dma_start3A_325 : memref<1x8192xf32, #tpu.memory_space<hbm>> -> memref<8192xf32, #tpu.memory_space<hbm>>
    %dma_start3A_327 = arith.constant 0 : i32
    %dma_start3A_328 = tpu.memref_slice %arg4[%dma_start3A_319, %dma_start3A_320, %dma_start3A_327] : memref<2x4x8192xf32, #tpu.memory_space<vmem>> -> memref<1x1x8192xf32, #tpu.memory_space<vmem>>
    %dma_start3A_329 = tpu.memref_squeeze %dma_start3A_328 : memref<1x1x8192xf32, #tpu.memory_space<vmem>> -> memref<8192xf32, #tpu.memory_space<vmem>>
    %dma_start3A_330 = arith.constant 24576 : i32
    %dma_start3A_331 = tpu.memref_slice %arg2[%add3A_318, %dma_start3A_330] : memref<128x32768xf32, #tpu.memory_space<hbm>> -> memref<1x8192xf32, #tpu.memory_space<hbm>>
    %dma_start3A_332 = tpu.memref_squeeze %dma_start3A_331 : memref<1x8192xf32, #tpu.memory_space<hbm>> -> memref<8192xf32, #tpu.memory_space<hbm>>
    tpu.enqueue_dma source(%dma_start3A_332 : memref<8192xf32, #tpu.memory_space<hbm>>) target(%dma_start3A_329 : memref<8192xf32, #tpu.memory_space<vmem>>) target_semaphore(%arg7 : memref<!tpu.dma_semaphore, #tpu.memory_space<semaphore_mem>>)
    %add3A_333 = arith.constant 1 : i32
    %add3A_334 = arith.addi %mul3A_2, %add3A_333 : i32
    %dma_start3A_335 = arith.constant 1 : i32
    %dma_start3A_336 = arith.constant 1 : i32
    %dma_start3A_337 = arith.constant 0 : i32
    %dma_start3A_338 = tpu.memref_slice %arg4[%dma_start3A_335, %dma_start3A_336, %dma_start3A_337] : memref<2x4x8192xf32, #tpu.memory_space<vmem>> -> memref<1x1x8192xf32, #tpu.memory_space<vmem>>
    %dma_start3A_339 = tpu.memref_squeeze %dma_start3A_338 : memref<1x1x8192xf32, #tpu.memory_space<vmem>> -> memref<8192xf32, #tpu.memory_space<vmem>>
    %dma_start3A_340 = arith.constant 24576 : i32
    %dma_start3A_341 = tpu.memref_slice %arg2[%add3A_334, %dma_start3A_340] : memref<128x32768xf32, #tpu.memory_space<hbm>> -> memref<1x8192xf32, #tpu.memory_space<hbm>>
    %dma_start3A_342 = tpu.memref_squeeze %dma_start3A_341 : memref<1x8192xf32, #tpu.memory_space<hbm>> -> memref<8192xf32, #tpu.memory_space<hbm>>
    %dma_start3A_343 = arith.constant 0 : i32
    %dma_start3A_344 = tpu.memref_slice %arg4[%dma_start3A_335, %dma_start3A_336, %dma_start3A_343] : memref<2x4x8192xf32, #tpu.memory_space<vmem>> -> memref<1x1x8192xf32, #tpu.memory_space<vmem>>
    %dma_start3A_345 = tpu.memref_squeeze %dma_start3A_344 : memref<1x1x8192xf32, #tpu.memory_space<vmem>> -> memref<8192xf32, #tpu.memory_space<vmem>>
    %dma_start3A_346 = arith.constant 24576 : i32
    %dma_start3A_347 = tpu.memref_slice %arg2[%add3A_334, %dma_start3A_346] : memref<128x32768xf32, #tpu.memory_space<hbm>> -> memref<1x8192xf32, #tpu.memory_space<hbm>>
    %dma_start3A_348 = tpu.memref_squeeze %dma_start3A_347 : memref<1x8192xf32, #tpu.memory_space<hbm>> -> memref<8192xf32, #tpu.memory_space<hbm>>
    tpu.enqueue_dma source(%dma_start3A_348 : memref<8192xf32, #tpu.memory_space<hbm>>) target(%dma_start3A_345 : memref<8192xf32, #tpu.memory_space<vmem>>) target_semaphore(%arg7 : memref<!tpu.dma_semaphore, #tpu.memory_space<semaphore_mem>>)
    %add3A_349 = arith.constant 2 : i32
    %add3A_350 = arith.addi %mul3A_2, %add3A_349 : i32
    %dma_start3A_351 = arith.constant 1 : i32
    %dma_start3A_352 = arith.constant 2 : i32
    %dma_start3A_353 = arith.constant 0 : i32
    %dma_start3A_354 = tpu.memref_slice %arg4[%dma_start3A_351, %dma_start3A_352, %dma_start3A_353] : memref<2x4x8192xf32, #tpu.memory_space<vmem>> -> memref<1x1x8192xf32, #tpu.memory_space<vmem>>
    %dma_start3A_355 = tpu.memref_squeeze %dma_start3A_354 : memref<1x1x8192xf32, #tpu.memory_space<vmem>> -> memref<8192xf32, #tpu.memory_space<vmem>>
    %dma_start3A_356 = arith.constant 24576 : i32
    %dma_start3A_357 = tpu.memref_slice %arg2[%add3A_350, %dma_start3A_356] : memref<128x32768xf32, #tpu.memory_space<hbm>> -> memref<1x8192xf32, #tpu.memory_space<hbm>>
    %dma_start3A_358 = tpu.memref_squeeze %dma_start3A_357 : memref<1x8192xf32, #tpu.memory_space<hbm>> -> memref<8192xf32, #tpu.memory_space<hbm>>
    %dma_start3A_359 = arith.constant 0 : i32
    %dma_start3A_360 = tpu.memref_slice %arg4[%dma_start3A_351, %dma_start3A_352, %dma_start3A_359] : memref<2x4x8192xf32, #tpu.memory_space<vmem>> -> memref<1x1x8192xf32, #tpu.memory_space<vmem>>
    %dma_start3A_361 = tpu.memref_squeeze %dma_start3A_360 : memref<1x1x8192xf32, #tpu.memory_space<vmem>> -> memref<8192xf32, #tpu.memory_space<vmem>>
    %dma_start3A_362 = arith.constant 24576 : i32
    %dma_start3A_363 = tpu.memref_slice %arg2[%add3A_350, %dma_start3A_362] : memref<128x32768xf32, #tpu.memory_space<hbm>> -> memref<1x8192xf32, #tpu.memory_space<hbm>>
    %dma_start3A_364 = tpu.memref_squeeze %dma_start3A_363 : memref<1x8192xf32, #tpu.memory_space<hbm>> -> memref<8192xf32, #tpu.memory_space<hbm>>
    tpu.enqueue_dma source(%dma_start3A_364 : memref<8192xf32, #tpu.memory_space<hbm>>) target(%dma_start3A_361 : memref<8192xf32, #tpu.memory_space<vmem>>) target_semaphore(%arg7 : memref<!tpu.dma_semaphore, #tpu.memory_space<semaphore_mem>>)
    %add3A_365 = arith.constant 3 : i32
    %add3A_366 = arith.addi %mul3A_2, %add3A_365 : i32
    %dma_start3A_367 = arith.constant 1 : i32
    %dma_start3A_368 = arith.constant 3 : i32
    %dma_start3A_369 = arith.constant 0 : i32
    %dma_start3A_370 = tpu.memref_slice %arg4[%dma_start3A_367, %dma_start3A_368, %dma_start3A_369] : memref<2x4x8192xf32, #tpu.memory_space<vmem>> -> memref<1x1x8192xf32, #tpu.memory_space<vmem>>
    %dma_start3A_371 = tpu.memref_squeeze %dma_start3A_370 : memref<1x1x8192xf32, #tpu.memory_space<vmem>> -> memref<8192xf32, #tpu.memory_space<vmem>>
    %dma_start3A_372 = arith.constant 24576 : i32
    %dma_start3A_373 = tpu.memref_slice %arg2[%add3A_366, %dma_start3A_372] : memref<128x32768xf32, #tpu.memory_space<hbm>> -> memref<1x8192xf32, #tpu.memory_space<hbm>>
    %dma_start3A_374 = tpu.memref_squeeze %dma_start3A_373 : memref<1x8192xf32, #tpu.memory_space<hbm>> -> memref<8192xf32, #tpu.memory_space<hbm>>
    %dma_start3A_375 = arith.constant 0 : i32
    %dma_start3A_376 = tpu.memref_slice %arg4[%dma_start3A_367, %dma_start3A_368, %dma_start3A_375] : memref<2x4x8192xf32, #tpu.memory_space<vmem>> -> memref<1x1x8192xf32, #tpu.memory_space<vmem>>
    %dma_start3A_377 = tpu.memref_squeeze %dma_start3A_376 : memref<1x1x8192xf32, #tpu.memory_space<vmem>> -> memref<8192xf32, #tpu.memory_space<vmem>>
    %dma_start3A_378 = arith.constant 24576 : i32
    %dma_start3A_379 = tpu.memref_slice %arg2[%add3A_366, %dma_start3A_378] : memref<128x32768xf32, #tpu.memory_space<hbm>> -> memref<1x8192xf32, #tpu.memory_space<hbm>>
    %dma_start3A_380 = tpu.memref_squeeze %dma_start3A_379 : memref<1x8192xf32, #tpu.memory_space<hbm>> -> memref<8192xf32, #tpu.memory_space<hbm>>
    tpu.enqueue_dma source(%dma_start3A_380 : memref<8192xf32, #tpu.memory_space<hbm>>) target(%dma_start3A_377 : memref<8192xf32, #tpu.memory_space<vmem>>) target_semaphore(%arg7 : memref<!tpu.dma_semaphore, #tpu.memory_space<semaphore_mem>>)
    %dma_wait3A_381 = arith.constant 0 : i32
    %dma_wait3A_382 = arith.constant 0 : i32
    %dma_wait3A_383 = arith.constant 0 : i32
    %dma_wait3A_384 = tpu.memref_slice %arg4[%dma_wait3A_381, %dma_wait3A_382, %dma_wait3A_383] : memref<2x4x8192xf32, #tpu.memory_space<vmem>> -> memref<1x1x8192xf32, #tpu.memory_space<vmem>>
    %dma_wait3A_385 = tpu.memref_squeeze %dma_wait3A_384 : memref<1x1x8192xf32, #tpu.memory_space<vmem>> -> memref<8192xf32, #tpu.memory_space<vmem>>
    %dma_wait3A_386 = arith.constant 16384 : i32
    %dma_wait3A_387 = tpu.memref_slice %arg2[%add3A_192, %dma_wait3A_386] : memref<128x32768xf32, #tpu.memory_space<hbm>> -> memref<1x8192xf32, #tpu.memory_space<hbm>>
    %dma_wait3A_388 = tpu.memref_squeeze %dma_wait3A_387 : memref<1x8192xf32, #tpu.memory_space<hbm>> -> memref<8192xf32, #tpu.memory_space<hbm>>
    %dma_wait3A_389 = arith.constant 0 : i32
    %dma_wait3A_390 = tpu.memref_slice %arg4[%dma_wait3A_381, %dma_wait3A_382, %dma_wait3A_389] : memref<2x4x8192xf32, #tpu.memory_space<vmem>> -> memref<1x1x8192xf32, #tpu.memory_space<vmem>>
    %dma_wait3A_391 = tpu.memref_squeeze %dma_wait3A_390 : memref<1x1x8192xf32, #tpu.memory_space<vmem>> -> memref<8192xf32, #tpu.memory_space<vmem>>
    %dma_wait3A_392 = arith.constant 16384 : i32
    %dma_wait3A_393 = tpu.memref_slice %arg2[%add3A_192, %dma_wait3A_392] : memref<128x32768xf32, #tpu.memory_space<hbm>> -> memref<1x8192xf32, #tpu.memory_space<hbm>>
    %dma_wait3A_394 = tpu.memref_squeeze %dma_wait3A_393 : memref<1x8192xf32, #tpu.memory_space<hbm>> -> memref<8192xf32, #tpu.memory_space<hbm>>
    tpu.wait_dma2 semaphore(%arg6 : memref<!tpu.dma_semaphore, #tpu.memory_space<semaphore_mem>>) src(%dma_wait3A_394 : memref<8192xf32, #tpu.memory_space<hbm>>) dst(%dma_wait3A_391 : memref<8192xf32, #tpu.memory_space<vmem>>)
    %dma_wait3A_395 = arith.constant 0 : i32
    %dma_wait3A_396 = arith.constant 1 : i32
    %dma_wait3A_397 = arith.constant 0 : i32
    %dma_wait3A_398 = tpu.memref_slice %arg4[%dma_wait3A_395, %dma_wait3A_396, %dma_wait3A_397] : memref<2x4x8192xf32, #tpu.memory_space<vmem>> -> memref<1x1x8192xf32, #tpu.memory_space<vmem>>
    %dma_wait3A_399 = tpu.memref_squeeze %dma_wait3A_398 : memref<1x1x8192xf32, #tpu.memory_space<vmem>> -> memref<8192xf32, #tpu.memory_space<vmem>>
    %dma_wait3A_400 = arith.constant 16384 : i32
    %dma_wait3A_401 = tpu.memref_slice %arg2[%add3A_208, %dma_wait3A_400] : memref<128x32768xf32, #tpu.memory_space<hbm>> -> memref<1x8192xf32, #tpu.memory_space<hbm>>
    %dma_wait3A_402 = tpu.memref_squeeze %dma_wait3A_401 : memref<1x8192xf32, #tpu.memory_space<hbm>> -> memref<8192xf32, #tpu.memory_space<hbm>>
    %dma_wait3A_403 = arith.constant 0 : i32
    %dma_wait3A_404 = tpu.memref_slice %arg4[%dma_wait3A_395, %dma_wait3A_396, %dma_wait3A_403] : memref<2x4x8192xf32, #tpu.memory_space<vmem>> -> memref<1x1x8192xf32, #tpu.memory_space<vmem>>
    %dma_wait3A_405 = tpu.memref_squeeze %dma_wait3A_404 : memref<1x1x8192xf32, #tpu.memory_space<vmem>> -> memref<8192xf32, #tpu.memory_space<vmem>>
    %dma_wait3A_406 = arith.constant 16384 : i32
    %dma_wait3A_407 = tpu.memref_slice %arg2[%add3A_208, %dma_wait3A_406] : memref<128x32768xf32, #tpu.memory_space<hbm>> -> memref<1x8192xf32, #tpu.memory_space<hbm>>
    %dma_wait3A_408 = tpu.memref_squeeze %dma_wait3A_407 : memref<1x8192xf32, #tpu.memory_space<hbm>> -> memref<8192xf32, #tpu.memory_space<hbm>>
    tpu.wait_dma2 semaphore(%arg6 : memref<!tpu.dma_semaphore, #tpu.memory_space<semaphore_mem>>) src(%dma_wait3A_408 : memref<8192xf32, #tpu.memory_space<hbm>>) dst(%dma_wait3A_405 : memref<8192xf32, #tpu.memory_space<vmem>>)
    %dma_wait3A_409 = arith.constant 0 : i32
    %dma_wait3A_410 = arith.constant 2 : i32
    %dma_wait3A_411 = arith.constant 0 : i32
    %dma_wait3A_412 = tpu.memref_slice %arg4[%dma_wait3A_409, %dma_wait3A_410, %dma_wait3A_411] : memref<2x4x8192xf32, #tpu.memory_space<vmem>> -> memref<1x1x8192xf32, #tpu.memory_space<vmem>>
    %dma_wait3A_413 = tpu.memref_squeeze %dma_wait3A_412 : memref<1x1x8192xf32, #tpu.memory_space<vmem>> -> memref<8192xf32, #tpu.memory_space<vmem>>
    %dma_wait3A_414 = arith.constant 16384 : i32
    %dma_wait3A_415 = tpu.memref_slice %arg2[%add3A_224, %dma_wait3A_414] : memref<128x32768xf32, #tpu.memory_space<hbm>> -> memref<1x8192xf32, #tpu.memory_space<hbm>>
    %dma_wait3A_416 = tpu.memref_squeeze %dma_wait3A_415 : memref<1x8192xf32, #tpu.memory_space<hbm>> -> memref<8192xf32, #tpu.memory_space<hbm>>
    %dma_wait3A_417 = arith.constant 0 : i32
    %dma_wait3A_418 = tpu.memref_slice %arg4[%dma_wait3A_409, %dma_wait3A_410, %dma_wait3A_417] : memref<2x4x8192xf32, #tpu.memory_space<vmem>> -> memref<1x1x8192xf32, #tpu.memory_space<vmem>>
    %dma_wait3A_419 = tpu.memref_squeeze %dma_wait3A_418 : memref<1x1x8192xf32, #tpu.memory_space<vmem>> -> memref<8192xf32, #tpu.memory_space<vmem>>
    %dma_wait3A_420 = arith.constant 16384 : i32
    %dma_wait3A_421 = tpu.memref_slice %arg2[%add3A_224, %dma_wait3A_420] : memref<128x32768xf32, #tpu.memory_space<hbm>> -> memref<1x8192xf32, #tpu.memory_space<hbm>>
    %dma_wait3A_422 = tpu.memref_squeeze %dma_wait3A_421 : memref<1x8192xf32, #tpu.memory_space<hbm>> -> memref<8192xf32, #tpu.memory_space<hbm>>
    tpu.wait_dma2 semaphore(%arg6 : memref<!tpu.dma_semaphore, #tpu.memory_space<semaphore_mem>>) src(%dma_wait3A_422 : memref<8192xf32, #tpu.memory_space<hbm>>) dst(%dma_wait3A_419 : memref<8192xf32, #tpu.memory_space<vmem>>)
    %dma_wait3A_423 = arith.constant 0 : i32
    %dma_wait3A_424 = arith.constant 3 : i32
    %dma_wait3A_425 = arith.constant 0 : i32
    %dma_wait3A_426 = tpu.memref_slice %arg4[%dma_wait3A_423, %dma_wait3A_424, %dma_wait3A_425] : memref<2x4x8192xf32, #tpu.memory_space<vmem>> -> memref<1x1x8192xf32, #tpu.memory_space<vmem>>
    %dma_wait3A_427 = tpu.memref_squeeze %dma_wait3A_426 : memref<1x1x8192xf32, #tpu.memory_space<vmem>> -> memref<8192xf32, #tpu.memory_space<vmem>>
    %dma_wait3A_428 = arith.constant 16384 : i32
    %dma_wait3A_429 = tpu.memref_slice %arg2[%add3A_240, %dma_wait3A_428] : memref<128x32768xf32, #tpu.memory_space<hbm>> -> memref<1x8192xf32, #tpu.memory_space<hbm>>
    %dma_wait3A_430 = tpu.memref_squeeze %dma_wait3A_429 : memref<1x8192xf32, #tpu.memory_space<hbm>> -> memref<8192xf32, #tpu.memory_space<hbm>>
    %dma_wait3A_431 = arith.constant 0 : i32
    %dma_wait3A_432 = tpu.memref_slice %arg4[%dma_wait3A_423, %dma_wait3A_424, %dma_wait3A_431] : memref<2x4x8192xf32, #tpu.memory_space<vmem>> -> memref<1x1x8192xf32, #tpu.memory_space<vmem>>
    %dma_wait3A_433 = tpu.memref_squeeze %dma_wait3A_432 : memref<1x1x8192xf32, #tpu.memory_space<vmem>> -> memref<8192xf32, #tpu.memory_space<vmem>>
    %dma_wait3A_434 = arith.constant 16384 : i32
    %dma_wait3A_435 = tpu.memref_slice %arg2[%add3A_240, %dma_wait3A_434] : memref<128x32768xf32, #tpu.memory_space<hbm>> -> memref<1x8192xf32, #tpu.memory_space<hbm>>
    %dma_wait3A_436 = tpu.memref_squeeze %dma_wait3A_435 : memref<1x8192xf32, #tpu.memory_space<hbm>> -> memref<8192xf32, #tpu.memory_space<hbm>>
    tpu.wait_dma2 semaphore(%arg6 : memref<!tpu.dma_semaphore, #tpu.memory_space<semaphore_mem>>) src(%dma_wait3A_436 : memref<8192xf32, #tpu.memory_space<hbm>>) dst(%dma_wait3A_433 : memref<8192xf32, #tpu.memory_space<vmem>>)
    %scan3A_437 = arith.constant 0 : i32
    %scan3A_438 = arith.constant 64 : i32
    %scan3A_439 = arith.addi %scan3A_437, %scan3A_438 : i32
    %scan3A_440 = arith.constant 1 : i32
    %scan3A_441:20 = scf.for %scan3A_666 = %scan3A_437 to %scan3A_439 step %scan3A_440 iter_args(%scan3A_667 = %scan3A_315#0, %scan3A_668 = %scan3A_315#1, %scan3A_669 = %scan3A_315#2, %scan3A_670 = %scan3A_315#3, %scan3A_671 = %scan3A_315#4, %scan3A_672 = %scan3A_315#5, %scan3A_673 = %scan3A_315#6, %scan3A_674 = %scan3A_315#7, %scan3A_675 = %scan3A_315#8, %scan3A_676 = %scan3A_315#9, %scan3A_677 = %scan3A_315#10, %scan3A_678 = %scan3A_315#11, %scan3A_679 = %scan3A_315#12, %scan3A_680 = %scan3A_315#13, %scan3A_681 = %scan3A_315#14, %scan3A_682 = %scan3A_315#15, %scan3A_683 = %scan3A_315#16, %scan3A_684 = %scan3A_315#17, %scan3A_685 = %scan3A_315#18, %scan3A_686 = %scan3A_315#19) -> (vector<16xf32>, vector<16xf32>, vector<16xf32>, vector<16xf32>, vector<16xf32>, vector<16xf32>, vector<16xf32>, vector<16xf32>, vector<16xf32>, vector<16xf32>, vector<16xf32>, vector<16xf32>, vector<16xf32>, vector<16xf32>, vector<16xf32>, vector<16xf32>, vector<16xf32>, vector<16xf32>, vector<16xf32>, vector<16xf32>)  : i32 {
      %mul3A_687 = arith.constant 128 : i32
      %mul3A_688 = arith.muli %scan3A_666, %mul3A_687 : i32
      %add3A_689 = arith.constant 0 : i32
      %add3A_690 = arith.addi %mul3A_688, %add3A_689 : i32
      %get3A = arith.constant 0 : i32
      %get3A_691 = arith.constant 0 : i32
      %get3A_692 = arith.index_cast %get3A : i32 to index
      %get3A_693 = arith.index_cast %get3A_691 : i32 to index
      %get3A_694 = arith.index_cast %add3A_690 : i32 to index
      %get3A_695 = tpu.vector_load %arg4[%get3A_692, %get3A_693, %get3A_694] {strides = array<i32>} : memref<2x4x8192xf32, #tpu.memory_space<vmem>>, vector<16xf32>,
      %add3A_696 = arith.constant 16 : i32
      %add3A_697 = arith.addi %mul3A_688, %add3A_696 : i32
      %get3A_698 = arith.constant 0 : i32
      %get3A_699 = arith.constant 0 : i32
      %get3A_700 = arith.index_cast %get3A_698 : i32 to index
      %get3A_701 = arith.index_cast %get3A_699 : i32 to index
      %get3A_702 = arith.index_cast %add3A_697 : i32 to index
      %get3A_703 = tpu.vector_load %arg4[%get3A_700, %get3A_701, %get3A_702] {strides = array<i32>} : memref<2x4x8192xf32, #tpu.memory_space<vmem>>, vector<16xf32>,
      %add3A_704 = arith.constant 32 : i32
      %add3A_705 = arith.addi %mul3A_688, %add3A_704 : i32
      %get3A_706 = arith.constant 0 : i32
      %get3A_707 = arith.constant 0 : i32
      %get3A_708 = arith.index_cast %get3A_706 : i32 to index
      %get3A_709 = arith.index_cast %get3A_707 : i32 to index
      %get3A_710 = arith.index_cast %add3A_705 : i32 to index
      %get3A_711 = tpu.vector_load %arg4[%get3A_708, %get3A_709, %get3A_710] {strides = array<i32>} : memref<2x4x8192xf32, #tpu.memory_space<vmem>>, vector<16xf32>,
      %add3A_712 = arith.constant 48 : i32
      %add3A_713 = arith.addi %mul3A_688, %add3A_712 : i32
      %get3A_714 = arith.constant 0 : i32
      %get3A_715 = arith.constant 0 : i32
      %get3A_716 = arith.index_cast %get3A_714 : i32 to index
      %get3A_717 = arith.index_cast %get3A_715 : i32 to index
      %get3A_718 = arith.index_cast %add3A_713 : i32 to index
      %get3A_719 = tpu.vector_load %arg4[%get3A_716, %get3A_717, %get3A_718] {strides = array<i32>} : memref<2x4x8192xf32, #tpu.memory_space<vmem>>, vector<16xf32>,
      %add3A_720 = arith.constant 64 : i32
      %add3A_721 = arith.addi %mul3A_688, %add3A_720 : i32
      %get3A_722 = arith.constant 0 : i32
      %get3A_723 = arith.constant 0 : i32
      %get3A_724 = arith.index_cast %get3A_722 : i32 to index
      %get3A_725 = arith.index_cast %get3A_723 : i32 to index
      %get3A_726 = arith.index_cast %add3A_721 : i32 to index
      %get3A_727 = tpu.vector_load %arg4[%get3A_724, %get3A_725, %get3A_726] {strides = array<i32>} : memref<2x4x8192xf32, #tpu.memory_space<vmem>>, vector<16xf32>,
      %add3A_728 = arith.constant 80 : i32
      %add3A_729 = arith.addi %mul3A_688, %add3A_728 : i32
      %get3A_730 = arith.constant 0 : i32
      %get3A_731 = arith.constant 0 : i32
      %get3A_732 = arith.index_cast %get3A_730 : i32 to index
      %get3A_733 = arith.index_cast %get3A_731 : i32 to index
      %get3A_734 = arith.index_cast %add3A_729 : i32 to index
      %get3A_735 = tpu.vector_load %arg4[%get3A_732, %get3A_733, %get3A_734] {strides = array<i32>} : memref<2x4x8192xf32, #tpu.memory_space<vmem>>, vector<16xf32>,
      %add3A_736 = arith.constant 96 : i32
      %add3A_737 = arith.addi %mul3A_688, %add3A_736 : i32
      %get3A_738 = arith.constant 0 : i32
      %get3A_739 = arith.constant 0 : i32
      %get3A_740 = arith.index_cast %get3A_738 : i32 to index
      %get3A_741 = arith.index_cast %get3A_739 : i32 to index
      %get3A_742 = arith.index_cast %add3A_737 : i32 to index
      %get3A_743 = tpu.vector_load %arg4[%get3A_740, %get3A_741, %get3A_742] {strides = array<i32>} : memref<2x4x8192xf32, #tpu.memory_space<vmem>>, vector<16xf32>,
      %add3A_744 = arith.constant 112 : i32
      %add3A_745 = arith.addi %mul3A_688, %add3A_744 : i32
      %get3A_746 = arith.constant 0 : i32
      %get3A_747 = arith.constant 0 : i32
      %get3A_748 = arith.index_cast %get3A_746 : i32 to index
      %get3A_749 = arith.index_cast %get3A_747 : i32 to index
      %get3A_750 = arith.index_cast %add3A_745 : i32 to index
      %get3A_751 = tpu.vector_load %arg4[%get3A_748, %get3A_749, %get3A_750] {strides = array<i32>} : memref<2x4x8192xf32, #tpu.memory_space<vmem>>, vector<16xf32>,
      %max3A_752 = arith.maximumf %get3A_695, %get3A_703 : vector<16xf32>
      %min3A = arith.minimumf %get3A_695, %get3A_703 : vector<16xf32>
      %max3A_753 = arith.maximumf %get3A_711, %get3A_719 : vector<16xf32>
      %min3A_754 = arith.minimumf %get3A_711, %get3A_719 : vector<16xf32>
      %max3A_755 = arith.maximumf %get3A_727, %get3A_735 : vector<16xf32>
      %min3A_756 = arith.minimumf %get3A_727, %get3A_735 : vector<16xf32>
      %max3A_757 = arith.maximumf %get3A_743, %get3A_751 : vector<16xf32>
      %min3A_758 = arith.minimumf %get3A_743, %get3A_751 : vector<16xf32>
      %max3A_759 = arith.maximumf %max3A_752, %max3A_753 : vector<16xf32>
      %min3A_760 = arith.minimumf %max3A_752, %max3A_753 : vector<16xf32>
      %max3A_761 = arith.maximumf %min3A, %min3A_754 : vector<16xf32>
      %min3A_762 = arith.minimumf %min3A, %min3A_754 : vector<16xf32>
      %max3A_763 = arith.maximumf %max3A_755, %max3A_757 : vector<16xf32>
      %min3A_764 = arith.minimumf %max3A_755, %max3A_757 : vector<16xf32>
      %max3A_765 = arith.maximumf %min3A_756, %min3A_758 : vector<16xf32>
      %min3A_766 = arith.minimumf %min3A_756, %min3A_758 : vector<16xf32>
      %max3A_767 = arith.maximumf %max3A_761, %min3A_760 : vector<16xf32>
      %min3A_768 = arith.minimumf %max3A_761, %min3A_760 : vector<16xf32>
      %max3A_769 = arith.maximumf %max3A_765, %min3A_764 : vector<16xf32>
      %min3A_770 = arith.minimumf %max3A_765, %min3A_764 : vector<16xf32>
      %max3A_771 = arith.maximumf %max3A_759, %max3A_763 : vector<16xf32>
      %min3A_772 = arith.minimumf %max3A_759, %max3A_763 : vector<16xf32>
      %max3A_773 = arith.maximumf %max3A_767, %max3A_769 : vector<16xf32>
      %min3A_774 = arith.minimumf %max3A_767, %max3A_769 : vector<16xf32>
      %max3A_775 = arith.maximumf %min3A_768, %min3A_770 : vector<16xf32>
      %min3A_776 = arith.minimumf %min3A_768, %min3A_770 : vector<16xf32>
      %max3A_777 = arith.maximumf %min3A_762, %min3A_766 : vector<16xf32>
      %min3A_778 = arith.minimumf %min3A_762, %min3A_766 : vector<16xf32>
      %max3A_779 = arith.maximumf %max3A_775, %min3A_772 : vector<16xf32>
      %min3A_780 = arith.minimumf %max3A_775, %min3A_772 : vector<16xf32>
      %max3A_781 = arith.maximumf %max3A_777, %min3A_774 : vector<16xf32>
      %min3A_782 = arith.minimumf %max3A_777, %min3A_774 : vector<16xf32>
      %max3A_783 = arith.maximumf %max3A_773, %max3A_779 : vector<16xf32>
      %min3A_784 = arith.minimumf %max3A_773, %max3A_779 : vector<16xf32>
      %max3A_785 = arith.maximumf %max3A_781, %min3A_780 : vector<16xf32>
      %min3A_786 = arith.minimumf %max3A_781, %min3A_780 : vector<16xf32>
      %max3A_787 = arith.maximumf %min3A_782, %min3A_776 : vector<16xf32>
      %min3A_788 = arith.minimumf %min3A_782, %min3A_776 : vector<16xf32>
      %max3A_789 = arith.maximumf %scan3A_667, %min3A_778 : vector<16xf32>
      %max3A_790 = arith.maximumf %scan3A_668, %min3A_788 : vector<16xf32>
      %max3A_791 = arith.maximumf %scan3A_669, %max3A_787 : vector<16xf32>
      %max3A_792 = arith.maximumf %scan3A_670, %min3A_786 : vector<16xf32>
      %max3A_793 = arith.maximumf %scan3A_671, %max3A_785 : vector<16xf32>
      %max3A_794 = arith.maximumf %scan3A_672, %min3A_784 : vector<16xf32>
      %max3A_795 = arith.maximumf %scan3A_673, %max3A_783 : vector<16xf32>
      %max3A_796 = arith.maximumf %scan3A_674, %max3A_771 : vector<16xf32>
      %max3A_797 = arith.maximumf %max3A_789, %max3A_793 : vector<16xf32>
      %min3A_798 = arith.minimumf %max3A_789, %max3A_793 : vector<16xf32>
      %max3A_799 = arith.maximumf %max3A_790, %max3A_794 : vector<16xf32>
      %min3A_800 = arith.minimumf %max3A_790, %max3A_794 : vector<16xf32>
      %max3A_801 = arith.maximumf %max3A_791, %max3A_795 : vector<16xf32>
      %min3A_802 = arith.minimumf %max3A_791, %max3A_795 : vector<16xf32>
      %max3A_803 = arith.maximumf %max3A_792, %max3A_796 : vector<16xf32>
      %min3A_804 = arith.minimumf %max3A_792, %max3A_796 : vector<16xf32>
      %max3A_805 = arith.maximumf %max3A_797, %max3A_801 : vector<16xf32>
      %min3A_806 = arith.minimumf %max3A_797, %max3A_801 : vector<16xf32>
      %max3A_807 = arith.maximumf %max3A_799, %max3A_803 : vector<16xf32>
      %min3A_808 = arith.minimumf %max3A_799, %max3A_803 : vector<16xf32>
      %max3A_809 = arith.maximumf %min3A_798, %min3A_802 : vector<16xf32>
      %min3A_810 = arith.minimumf %min3A_798, %min3A_802 : vector<16xf32>
      %max3A_811 = arith.maximumf %min3A_800, %min3A_804 : vector<16xf32>
      %min3A_812 = arith.minimumf %min3A_800, %min3A_804 : vector<16xf32>
      %max3A_813 = arith.maximumf %max3A_805, %max3A_807 : vector<16xf32>
      %min3A_814 = arith.minimumf %max3A_805, %max3A_807 : vector<16xf32>
      %max3A_815 = arith.maximumf %min3A_806, %min3A_808 : vector<16xf32>
      %min3A_816 = arith.minimumf %min3A_806, %min3A_808 : vector<16xf32>
      %max3A_817 = arith.maximumf %max3A_809, %max3A_811 : vector<16xf32>
      %min3A_818 = arith.minimumf %max3A_809, %max3A_811 : vector<16xf32>
      %max3A_819 = arith.maximumf %min3A_810, %min3A_812 : vector<16xf32>
      %min3A_820 = arith.minimumf %min3A_810, %min3A_812 : vector<16xf32>
      %mul3A_821 = arith.constant 2 : i32
      %mul3A_822 = arith.muli %mul3A_821, %scan3A_666 : i32
      %add3A_823 = arith.constant 0 : i32
      %add3A_824 = arith.addi %add3A_823, %mul3A_822 : i32
      %add3A_825 = arith.constant 0 : i32
      %add3A_826 = arith.addi %add3A_824, %add3A_825 : i32
      %mul3A_827 = arith.constant 16 : i32
      %mul3A_828 = arith.muli %add3A_826, %mul3A_827 : i32
      %get3A_829 = arith.constant 0 : i32
      %get3A_830 = arith.constant 1 : i32
      %get3A_831 = arith.index_cast %get3A_829 : i32 to index
      %get3A_832 = arith.index_cast %get3A_830 : i32 to index
      %get3A_833 = arith.index_cast %mul3A_828 : i32 to index
      %get3A_834 = tpu.vector_load %arg4[%get3A_831, %get3A_832, %get3A_833] {strides = array<i32>} : memref<2x4x8192xf32, #tpu.memory_space<vmem>>, vector<16xf32>,
      %masked_sort3A_835 = arith.constant dense<true> : vector<16xi1>
      %masked_sort3A_836, %masked_sort3A_837, %masked_sort3A_838 = tpu.sort %get3A_834, %get3A_834 masked %masked_sort3A_835 : (vector<16xf32>, vector<16xf32>, vector<16xi1>) -> (vector<16xi1>, vector<16xf32>, vector<16xf32>)
      %max3A_839 = arith.maximumf %scan3A_675, %masked_sort3A_837 : vector<16xf32>
      %masked_sort3A_840 = arith.constant dense<true> : vector<16xi1>
      %masked_sort3A_841, %masked_sort3A_842, %masked_sort3A_843 = tpu.sort %max3A_839, %max3A_839 masked %masked_sort3A_840 {descending = true} : (vector<16xf32>, vector<16xf32>, vector<16xi1>) -> (vector<16xi1>, vector<16xf32>, vector<16xf32>)
      %mul3A_844 = arith.constant 2 : i32
      %mul3A_845 = arith.muli %mul3A_844, %scan3A_666 : i32
      %add3A_846 = arith.constant 0 : i32
      %add3A_847 = arith.addi %add3A_846, %mul3A_845 : i32
      %add3A_848 = arith.constant 1 : i32
      %add3A_849 = arith.addi %add3A_847, %add3A_848 : i32
      %mul3A_850 = arith.constant 16 : i32
      %mul3A_851 = arith.muli %add3A_849, %mul3A_850 : i32
      %get3A_852 = arith.constant 0 : i32
      %get3A_853 = arith.constant 1 : i32
      %get3A_854 = arith.index_cast %get3A_852 : i32 to index
      %get3A_855 = arith.index_cast %get3A_853 : i32 to index
      %get3A_856 = arith.index_cast %mul3A_851 : i32 to index
      %get3A_857 = tpu.vector_load %arg4[%get3A_854, %get3A_855, %get3A_856] {strides = array<i32>} : memref<2x4x8192xf32, #tpu.memory_space<vmem>>, vector<16xf32>,
      %masked_sort3A_858 = arith.constant dense<true> : vector<16xi1>
      %masked_sort3A_859, %masked_sort3A_860, %masked_sort3A_861 = tpu.sort %get3A_857, %get3A_857 masked %masked_sort3A_858 : (vector<16xf32>, vector<16xf32>, vector<16xi1>) -> (vector<16xi1>, vector<16xf32>, vector<16xf32>)
      %max3A_862 = arith.maximumf %masked_sort3A_842, %masked_sort3A_860 : vector<16xf32>
      %masked_sort3A_863 = arith.constant dense<true> : vector<16xi1>
      %masked_sort3A_864, %masked_sort3A_865, %masked_sort3A_866 = tpu.sort %max3A_862, %max3A_862 masked %masked_sort3A_863 {descending = true} : (vector<16xf32>, vector<16xf32>, vector<16xi1>) -> (vector<16xi1>, vector<16xf32>, vector<16xf32>)
      %mul3A_867 = arith.constant 2 : i32
      %mul3A_868 = arith.muli %mul3A_867, %scan3A_666 : i32
      %add3A_869 = arith.constant 128 : i32
      %add3A_870 = arith.addi %add3A_869, %mul3A_868 : i32
      %add3A_871 = arith.constant 0 : i32
      %add3A_872 = arith.addi %add3A_870, %add3A_871 : i32
      %mul3A_873 = arith.constant 16 : i32
      %mul3A_874 = arith.muli %add3A_872, %mul3A_873 : i32
      %get3A_875 = arith.constant 0 : i32
      %get3A_876 = arith.constant 1 : i32
      %get3A_877 = arith.index_cast %get3A_875 : i32 to index
      %get3A_878 = arith.index_cast %get3A_876 : i32 to index
      %get3A_879 = arith.index_cast %mul3A_874 : i32 to index
      %get3A_880 = tpu.vector_load %arg4[%get3A_877, %get3A_878, %get3A_879] {strides = array<i32>} : memref<2x4x8192xf32, #tpu.memory_space<vmem>>, vector<16xf32>,
      %masked_sort3A_881 = arith.constant dense<true> : vector<16xi1>
      %masked_sort3A_882, %masked_sort3A_883, %masked_sort3A_884 = tpu.sort %get3A_880, %get3A_880 masked %masked_sort3A_881 : (vector<16xf32>, vector<16xf32>, vector<16xi1>) -> (vector<16xi1>, vector<16xf32>, vector<16xf32>)
      %max3A_885 = arith.maximumf %scan3A_676, %masked_sort3A_883 : vector<16xf32>
      %masked_sort3A_886 = arith.constant dense<true> : vector<16xi1>
      %masked_sort3A_887, %masked_sort3A_888, %masked_sort3A_889 = tpu.sort %max3A_885, %max3A_885 masked %masked_sort3A_886 {descending = true} : (vector<16xf32>, vector<16xf32>, vector<16xi1>) -> (vector<16xi1>, vector<16xf32>, vector<16xf32>)
      %mul3A_890 = arith.constant 2 : i32
      %mul3A_891 = arith.muli %mul3A_890, %scan3A_666 : i32
      %add3A_892 = arith.constant 128 : i32
      %add3A_893 = arith.addi %add3A_892, %mul3A_891 : i32
      %add3A_894 = arith.constant 1 : i32
      %add3A_895 = arith.addi %add3A_893, %add3A_894 : i32
      %mul3A_896 = arith.constant 16 : i32
      %mul3A_897 = arith.muli %add3A_895, %mul3A_896 : i32
      %get3A_898 = arith.constant 0 : i32
      %get3A_899 = arith.constant 1 : i32
      %get3A_900 = arith.index_cast %get3A_898 : i32 to index
      %get3A_901 = arith.index_cast %get3A_899 : i32 to index
      %get3A_902 = arith.index_cast %mul3A_897 : i32 to index
      %get3A_903 = tpu.vector_load %arg4[%get3A_900, %get3A_901, %get3A_902] {strides = array<i32>} : memref<2x4x8192xf32, #tpu.memory_space<vmem>>, vector<16xf32>,
      %masked_sort3A_904 = arith.constant dense<true> : vector<16xi1>
      %masked_sort3A_905, %masked_sort3A_906, %masked_sort3A_907 = tpu.sort %get3A_903, %get3A_903 masked %masked_sort3A_904 : (vector<16xf32>, vector<16xf32>, vector<16xi1>) -> (vector<16xi1>, vector<16xf32>, vector<16xf32>)
      %max3A_908 = arith.maximumf %masked_sort3A_888, %masked_sort3A_906 : vector<16xf32>
      %masked_sort3A_909 = arith.constant dense<true> : vector<16xi1>
      %masked_sort3A_910, %masked_sort3A_911, %masked_sort3A_912 = tpu.sort %max3A_908, %max3A_908 masked %masked_sort3A_909 {descending = true} : (vector<16xf32>, vector<16xf32>, vector<16xi1>) -> (vector<16xi1>, vector<16xf32>, vector<16xf32>)
      %mul3A_913 = arith.constant 2 : i32
      %mul3A_914 = arith.muli %mul3A_913, %scan3A_666 : i32
      %add3A_915 = arith.constant 256 : i32
      %add3A_916 = arith.addi %add3A_915, %mul3A_914 : i32
      %add3A_917 = arith.constant 0 : i32
      %add3A_918 = arith.addi %add3A_916, %add3A_917 : i32
      %mul3A_919 = arith.constant 16 : i32
      %mul3A_920 = arith.muli %add3A_918, %mul3A_919 : i32
      %get3A_921 = arith.constant 0 : i32
      %get3A_922 = arith.constant 1 : i32
      %get3A_923 = arith.index_cast %get3A_921 : i32 to index
      %get3A_924 = arith.index_cast %get3A_922 : i32 to index
      %get3A_925 = arith.index_cast %mul3A_920 : i32 to index
      %get3A_926 = tpu.vector_load %arg4[%get3A_923, %get3A_924, %get3A_925] {strides = array<i32>} : memref<2x4x8192xf32, #tpu.memory_space<vmem>>, vector<16xf32>,
      %masked_sort3A_927 = arith.constant dense<true> : vector<16xi1>
      %masked_sort3A_928, %masked_sort3A_929, %masked_sort3A_930 = tpu.sort %get3A_926, %get3A_926 masked %masked_sort3A_927 : (vector<16xf32>, vector<16xf32>, vector<16xi1>) -> (vector<16xi1>, vector<16xf32>, vector<16xf32>)
      %max3A_931 = arith.maximumf %scan3A_677, %masked_sort3A_929 : vector<16xf32>
      %masked_sort3A_932 = arith.constant dense<true> : vector<16xi1>
      %masked_sort3A_933, %masked_sort3A_934, %masked_sort3A_935 = tpu.sort %max3A_931, %max3A_931 masked %masked_sort3A_932 {descending = true} : (vector<16xf32>, vector<16xf32>, vector<16xi1>) -> (vector<16xi1>, vector<16xf32>, vector<16xf32>)
      %mul3A_936 = arith.constant 2 : i32
      %mul3A_937 = arith.muli %mul3A_936, %scan3A_666 : i32
      %add3A_938 = arith.constant 256 : i32
      %add3A_939 = arith.addi %add3A_938, %mul3A_937 : i32
      %add3A_940 = arith.constant 1 : i32
      %add3A_941 = arith.addi %add3A_939, %add3A_940 : i32
      %mul3A_942 = arith.constant 16 : i32
      %mul3A_943 = arith.muli %add3A_941, %mul3A_942 : i32
      %get3A_944 = arith.constant 0 : i32
      %get3A_945 = arith.constant 1 : i32
      %get3A_946 = arith.index_cast %get3A_944 : i32 to index
      %get3A_947 = arith.index_cast %get3A_945 : i32 to index
      %get3A_948 = arith.index_cast %mul3A_943 : i32 to index
      %get3A_949 = tpu.vector_load %arg4[%get3A_946, %get3A_947, %get3A_948] {strides = array<i32>} : memref<2x4x8192xf32, #tpu.memory_space<vmem>>, vector<16xf32>,
      %masked_sort3A_950 = arith.constant dense<true> : vector<16xi1>
      %masked_sort3A_951, %masked_sort3A_952, %masked_sort3A_953 = tpu.sort %get3A_949, %get3A_949 masked %masked_sort3A_950 : (vector<16xf32>, vector<16xf32>, vector<16xi1>) -> (vector<16xi1>, vector<16xf32>, vector<16xf32>)
      %max3A_954 = arith.maximumf %masked_sort3A_934, %masked_sort3A_952 : vector<16xf32>
      %masked_sort3A_955 = arith.constant dense<true> : vector<16xi1>
      %masked_sort3A_956, %masked_sort3A_957, %masked_sort3A_958 = tpu.sort %max3A_954, %max3A_954 masked %masked_sort3A_955 {descending = true} : (vector<16xf32>, vector<16xf32>, vector<16xi1>) -> (vector<16xi1>, vector<16xf32>, vector<16xf32>)
      %mul3A_959 = arith.constant 2 : i32
      %mul3A_960 = arith.muli %mul3A_959, %scan3A_666 : i32
      %add3A_961 = arith.constant 384 : i32
      %add3A_962 = arith.addi %add3A_961, %mul3A_960 : i32
      %add3A_963 = arith.constant 0 : i32
      %add3A_964 = arith.addi %add3A_962, %add3A_963 : i32
      %mul3A_965 = arith.constant 16 : i32
      %mul3A_966 = arith.muli %add3A_964, %mul3A_965 : i32
      %get3A_967 = arith.constant 0 : i32
      %get3A_968 = arith.constant 1 : i32
      %get3A_969 = arith.index_cast %get3A_967 : i32 to index
      %get3A_970 = arith.index_cast %get3A_968 : i32 to index
      %get3A_971 = arith.index_cast %mul3A_966 : i32 to index
      %get3A_972 = tpu.vector_load %arg4[%get3A_969, %get3A_970, %get3A_971] {strides = array<i32>} : memref<2x4x8192xf32, #tpu.memory_space<vmem>>, vector<16xf32>,
      %masked_sort3A_973 = arith.constant dense<true> : vector<16xi1>
      %masked_sort3A_974, %masked_sort3A_975, %masked_sort3A_976 = tpu.sort %get3A_972, %get3A_972 masked %masked_sort3A_973 : (vector<16xf32>, vector<16xf32>, vector<16xi1>) -> (vector<16xi1>, vector<16xf32>, vector<16xf32>)
      %max3A_977 = arith.maximumf %scan3A_678, %masked_sort3A_975 : vector<16xf32>
      %masked_sort3A_978 = arith.constant dense<true> : vector<16xi1>
      %masked_sort3A_979, %masked_sort3A_980, %masked_sort3A_981 = tpu.sort %max3A_977, %max3A_977 masked %masked_sort3A_978 {descending = true} : (vector<16xf32>, vector<16xf32>, vector<16xi1>) -> (vector<16xi1>, vector<16xf32>, vector<16xf32>)
      %mul3A_982 = arith.constant 2 : i32
      %mul3A_983 = arith.muli %mul3A_982, %scan3A_666 : i32
      %add3A_984 = arith.constant 384 : i32
      %add3A_985 = arith.addi %add3A_984, %mul3A_983 : i32
      %add3A_986 = arith.constant 1 : i32
      %add3A_987 = arith.addi %add3A_985, %add3A_986 : i32
      %mul3A_988 = arith.constant 16 : i32
      %mul3A_989 = arith.muli %add3A_987, %mul3A_988 : i32
      %get3A_990 = arith.constant 0 : i32
      %get3A_991 = arith.constant 1 : i32
      %get3A_992 = arith.index_cast %get3A_990 : i32 to index
      %get3A_993 = arith.index_cast %get3A_991 : i32 to index
      %get3A_994 = arith.index_cast %mul3A_989 : i32 to index
      %get3A_995 = tpu.vector_load %arg4[%get3A_992, %get3A_993, %get3A_994] {strides = array<i32>} : memref<2x4x8192xf32, #tpu.memory_space<vmem>>, vector<16xf32>,
      %masked_sort3A_996 = arith.constant dense<true> : vector<16xi1>
      %masked_sort3A_997, %masked_sort3A_998, %masked_sort3A_999 = tpu.sort %get3A_995, %get3A_995 masked %masked_sort3A_996 : (vector<16xf32>, vector<16xf32>, vector<16xi1>) -> (vector<16xi1>, vector<16xf32>, vector<16xf32>)
      %max3A_1000 = arith.maximumf %masked_sort3A_980, %masked_sort3A_998 : vector<16xf32>
      %masked_sort3A_1001 = arith.constant dense<true> : vector<16xi1>
      %masked_sort3A_1002, %masked_sort3A_1003, %masked_sort3A_1004 = tpu.sort %max3A_1000, %max3A_1000 masked %masked_sort3A_1001 {descending = true} : (vector<16xf32>, vector<16xf32>, vector<16xi1>) -> (vector<16xi1>, vector<16xf32>, vector<16xf32>)
      %mul3A_1005 = arith.constant 2 : i32
      %mul3A_1006 = arith.muli %mul3A_1005, %scan3A_666 : i32
      %add3A_1007 = arith.constant 0 : i32
      %add3A_1008 = arith.addi %add3A_1007, %mul3A_1006 : i32
      %add3A_1009 = arith.constant 0 : i32
      %add3A_1010 = arith.addi %add3A_1008, %add3A_1009 : i32
      %mul3A_1011 = arith.constant 16 : i32
      %mul3A_1012 = arith.muli %add3A_1010, %mul3A_1011 : i32
      %get3A_1013 = arith.constant 0 : i32
      %get3A_1014 = arith.constant 2 : i32
      %get3A_1015 = arith.index_cast %get3A_1013 : i32 to index
      %get3A_1016 = arith.index_cast %get3A_1014 : i32 to index
      %get3A_1017 = arith.index_cast %mul3A_1012 : i32 to index
      %get3A_1018 = tpu.vector_load %arg4[%get3A_1015, %get3A_1016, %get3A_1017] {strides = array<i32>} : memref<2x4x8192xf32, #tpu.memory_space<vmem>>, vector<16xf32>,
      %masked_sort3A_1019 = arith.constant dense<true> : vector<16xi1>
      %masked_sort3A_1020, %masked_sort3A_1021, %masked_sort3A_1022 = tpu.sort %get3A_1018, %get3A_1018 masked %masked_sort3A_1019 : (vector<16xf32>, vector<16xf32>, vector<16xi1>) -> (vector<16xi1>, vector<16xf32>, vector<16xf32>)
      %max3A_1023 = arith.maximumf %scan3A_679, %masked_sort3A_1021 : vector<16xf32>
      %masked_sort3A_1024 = arith.constant dense<true> : vector<16xi1>
      %masked_sort3A_1025, %masked_sort3A_1026, %masked_sort3A_1027 = tpu.sort %max3A_1023, %max3A_1023 masked %masked_sort3A_1024 {descending = true} : (vector<16xf32>, vector<16xf32>, vector<16xi1>) -> (vector<16xi1>, vector<16xf32>, vector<16xf32>)
      %mul3A_1028 = arith.constant 2 : i32
      %mul3A_1029 = arith.muli %mul3A_1028, %scan3A_666 : i32
      %add3A_1030 = arith.constant 0 : i32
      %add3A_1031 = arith.addi %add3A_1030, %mul3A_1029 : i32
      %add3A_1032 = arith.constant 1 : i32
      %add3A_1033 = arith.addi %add3A_1031, %add3A_1032 : i32
      %mul3A_1034 = arith.constant 16 : i32
      %mul3A_1035 = arith.muli %add3A_1033, %mul3A_1034 : i32
      %get3A_1036 = arith.constant 0 : i32
      %get3A_1037 = arith.constant 2 : i32
      %get3A_1038 = arith.index_cast %get3A_1036 : i32 to index
      %get3A_1039 = arith.index_cast %get3A_1037 : i32 to index
      %get3A_1040 = arith.index_cast %mul3A_1035 : i32 to index
      %get3A_1041 = tpu.vector_load %arg4[%get3A_1038, %get3A_1039, %get3A_1040] {strides = array<i32>} : memref<2x4x8192xf32, #tpu.memory_space<vmem>>, vector<16xf32>,
      %masked_sort3A_1042 = arith.constant dense<true> : vector<16xi1>
      %masked_sort3A_1043, %masked_sort3A_1044, %masked_sort3A_1045 = tpu.sort %get3A_1041, %get3A_1041 masked %masked_sort3A_1042 : (vector<16xf32>, vector<16xf32>, vector<16xi1>) -> (vector<16xi1>, vector<16xf32>, vector<16xf32>)
      %max3A_1046 = arith.maximumf %masked_sort3A_1026, %masked_sort3A_1044 : vector<16xf32>
      %masked_sort3A_1047 = arith.constant dense<true> : vector<16xi1>
      %masked_sort3A_1048, %masked_sort3A_1049, %masked_sort3A_1050 = tpu.sort %max3A_1046, %max3A_1046 masked %masked_sort3A_1047 {descending = true} : (vector<16xf32>, vector<16xf32>, vector<16xi1>) -> (vector<16xi1>, vector<16xf32>, vector<16xf32>)
      %mul3A_1051 = arith.constant 2 : i32
      %mul3A_1052 = arith.muli %mul3A_1051, %scan3A_666 : i32
      %add3A_1053 = arith.constant 128 : i32
      %add3A_1054 = arith.addi %add3A_1053, %mul3A_1052 : i32
      %add3A_1055 = arith.constant 0 : i32
      %add3A_1056 = arith.addi %add3A_1054, %add3A_1055 : i32
      %mul3A_1057 = arith.constant 16 : i32
      %mul3A_1058 = arith.muli %add3A_1056, %mul3A_1057 : i32
      %get3A_1059 = arith.constant 0 : i32
      %get3A_1060 = arith.constant 2 : i32
      %get3A_1061 = arith.index_cast %get3A_1059 : i32 to index
      %get3A_1062 = arith.index_cast %get3A_1060 : i32 to index
      %get3A_1063 = arith.index_cast %mul3A_1058 : i32 to index
      %get3A_1064 = tpu.vector_load %arg4[%get3A_1061, %get3A_1062, %get3A_1063] {strides = array<i32>} : memref<2x4x8192xf32, #tpu.memory_space<vmem>>, vector<16xf32>,
      %masked_sort3A_1065 = arith.constant dense<true> : vector<16xi1>
      %masked_sort3A_1066, %masked_sort3A_1067, %masked_sort3A_1068 = tpu.sort %get3A_1064, %get3A_1064 masked %masked_sort3A_1065 : (vector<16xf32>, vector<16xf32>, vector<16xi1>) -> (vector<16xi1>, vector<16xf32>, vector<16xf32>)
      %max3A_1069 = arith.maximumf %scan3A_680, %masked_sort3A_1067 : vector<16xf32>
      %masked_sort3A_1070 = arith.constant dense<true> : vector<16xi1>
      %masked_sort3A_1071, %masked_sort3A_1072, %masked_sort3A_1073 = tpu.sort %max3A_1069, %max3A_1069 masked %masked_sort3A_1070 {descending = true} : (vector<16xf32>, vector<16xf32>, vector<16xi1>) -> (vector<16xi1>, vector<16xf32>, vector<16xf32>)
      %mul3A_1074 = arith.constant 2 : i32
      %mul3A_1075 = arith.muli %mul3A_1074, %scan3A_666 : i32
      %add3A_1076 = arith.constant 128 : i32
      %add3A_1077 = arith.addi %add3A_1076, %mul3A_1075 : i32
      %add3A_1078 = arith.constant 1 : i32
      %add3A_1079 = arith.addi %add3A_1077, %add3A_1078 : i32
      %mul3A_1080 = arith.constant 16 : i32
      %mul3A_1081 = arith.muli %add3A_1079, %mul3A_1080 : i32
      %get3A_1082 = arith.constant 0 : i32
      %get3A_1083 = arith.constant 2 : i32
      %get3A_1084 = arith.index_cast %get3A_1082 : i32 to index
      %get3A_1085 = arith.index_cast %get3A_1083 : i32 to index
      %get3A_1086 = arith.index_cast %mul3A_1081 : i32 to index
      %get3A_1087 = tpu.vector_load %arg4[%get3A_1084, %get3A_1085, %get3A_1086] {strides = array<i32>} : memref<2x4x8192xf32, #tpu.memory_space<vmem>>, vector<16xf32>,
      %masked_sort3A_1088 = arith.constant dense<true> : vector<16xi1>
      %masked_sort3A_1089, %masked_sort3A_1090, %masked_sort3A_1091 = tpu.sort %get3A_1087, %get3A_1087 masked %masked_sort3A_1088 : (vector<16xf32>, vector<16xf32>, vector<16xi1>) -> (vector<16xi1>, vector<16xf32>, vector<16xf32>)
      %max3A_1092 = arith.maximumf %masked_sort3A_1072, %masked_sort3A_1090 : vector<16xf32>
      %masked_sort3A_1093 = arith.constant dense<true> : vector<16xi1>
      %masked_sort3A_1094, %masked_sort3A_1095, %masked_sort3A_1096 = tpu.sort %max3A_1092, %max3A_1092 masked %masked_sort3A_1093 {descending = true} : (vector<16xf32>, vector<16xf32>, vector<16xi1>) -> (vector<16xi1>, vector<16xf32>, vector<16xf32>)
      %mul3A_1097 = arith.constant 2 : i32
      %mul3A_1098 = arith.muli %mul3A_1097, %scan3A_666 : i32
      %add3A_1099 = arith.constant 256 : i32
      %add3A_1100 = arith.addi %add3A_1099, %mul3A_1098 : i32
      %add3A_1101 = arith.constant 0 : i32
      %add3A_1102 = arith.addi %add3A_1100, %add3A_1101 : i32
      %mul3A_1103 = arith.constant 16 : i32
      %mul3A_1104 = arith.muli %add3A_1102, %mul3A_1103 : i32
      %get3A_1105 = arith.constant 0 : i32
      %get3A_1106 = arith.constant 2 : i32
      %get3A_1107 = arith.index_cast %get3A_1105 : i32 to index
      %get3A_1108 = arith.index_cast %get3A_1106 : i32 to index
      %get3A_1109 = arith.index_cast %mul3A_1104 : i32 to index
      %get3A_1110 = tpu.vector_load %arg4[%get3A_1107, %get3A_1108, %get3A_1109] {strides = array<i32>} : memref<2x4x8192xf32, #tpu.memory_space<vmem>>, vector<16xf32>,
      %masked_sort3A_1111 = arith.constant dense<true> : vector<16xi1>
      %masked_sort3A_1112, %masked_sort3A_1113, %masked_sort3A_1114 = tpu.sort %get3A_1110, %get3A_1110 masked %masked_sort3A_1111 : (vector<16xf32>, vector<16xf32>, vector<16xi1>) -> (vector<16xi1>, vector<16xf32>, vector<16xf32>)
      %max3A_1115 = arith.maximumf %scan3A_681, %masked_sort3A_1113 : vector<16xf32>
      %masked_sort3A_1116 = arith.constant dense<true> : vector<16xi1>
      %masked_sort3A_1117, %masked_sort3A_1118, %masked_sort3A_1119 = tpu.sort %max3A_1115, %max3A_1115 masked %masked_sort3A_1116 {descending = true} : (vector<16xf32>, vector<16xf32>, vector<16xi1>) -> (vector<16xi1>, vector<16xf32>, vector<16xf32>)
      %mul3A_1120 = arith.constant 2 : i32
      %mul3A_1121 = arith.muli %mul3A_1120, %scan3A_666 : i32
      %add3A_1122 = arith.constant 256 : i32
      %add3A_1123 = arith.addi %add3A_1122, %mul3A_1121 : i32
      %add3A_1124 = arith.constant 1 : i32
      %add3A_1125 = arith.addi %add3A_1123, %add3A_1124 : i32
      %mul3A_1126 = arith.constant 16 : i32
      %mul3A_1127 = arith.muli %add3A_1125, %mul3A_1126 : i32
      %get3A_1128 = arith.constant 0 : i32
      %get3A_1129 = arith.constant 2 : i32
      %get3A_1130 = arith.index_cast %get3A_1128 : i32 to index
      %get3A_1131 = arith.index_cast %get3A_1129 : i32 to index
      %get3A_1132 = arith.index_cast %mul3A_1127 : i32 to index
      %get3A_1133 = tpu.vector_load %arg4[%get3A_1130, %get3A_1131, %get3A_1132] {strides = array<i32>} : memref<2x4x8192xf32, #tpu.memory_space<vmem>>, vector<16xf32>,
      %masked_sort3A_1134 = arith.constant dense<true> : vector<16xi1>
      %masked_sort3A_1135, %masked_sort3A_1136, %masked_sort3A_1137 = tpu.sort %get3A_1133, %get3A_1133 masked %masked_sort3A_1134 : (vector<16xf32>, vector<16xf32>, vector<16xi1>) -> (vector<16xi1>, vector<16xf32>, vector<16xf32>)
      %max3A_1138 = arith.maximumf %masked_sort3A_1118, %masked_sort3A_1136 : vector<16xf32>
      %masked_sort3A_1139 = arith.constant dense<true> : vector<16xi1>
      %masked_sort3A_1140, %masked_sort3A_1141, %masked_sort3A_1142 = tpu.sort %max3A_1138, %max3A_1138 masked %masked_sort3A_1139 {descending = true} : (vector<16xf32>, vector<16xf32>, vector<16xi1>) -> (vector<16xi1>, vector<16xf32>, vector<16xf32>)
      %mul3A_1143 = arith.constant 2 : i32
      %mul3A_1144 = arith.muli %mul3A_1143, %scan3A_666 : i32
      %add3A_1145 = arith.constant 384 : i32
      %add3A_1146 = arith.addi %add3A_1145, %mul3A_1144 : i32
      %add3A_1147 = arith.constant 0 : i32
      %add3A_1148 = arith.addi %add3A_1146, %add3A_1147 : i32
      %mul3A_1149 = arith.constant 16 : i32
      %mul3A_1150 = arith.muli %add3A_1148, %mul3A_1149 : i32
      %get3A_1151 = arith.constant 0 : i32
      %get3A_1152 = arith.constant 2 : i32
      %get3A_1153 = arith.index_cast %get3A_1151 : i32 to index
      %get3A_1154 = arith.index_cast %get3A_1152 : i32 to index
      %get3A_1155 = arith.index_cast %mul3A_1150 : i32 to index
      %get3A_1156 = tpu.vector_load %arg4[%get3A_1153, %get3A_1154, %get3A_1155] {strides = array<i32>} : memref<2x4x8192xf32, #tpu.memory_space<vmem>>, vector<16xf32>,
      %masked_sort3A_1157 = arith.constant dense<true> : vector<16xi1>
      %masked_sort3A_1158, %masked_sort3A_1159, %masked_sort3A_1160 = tpu.sort %get3A_1156, %get3A_1156 masked %masked_sort3A_1157 : (vector<16xf32>, vector<16xf32>, vector<16xi1>) -> (vector<16xi1>, vector<16xf32>, vector<16xf32>)
      %max3A_1161 = arith.maximumf %scan3A_682, %masked_sort3A_1159 : vector<16xf32>
      %masked_sort3A_1162 = arith.constant dense<true> : vector<16xi1>
      %masked_sort3A_1163, %masked_sort3A_1164, %masked_sort3A_1165 = tpu.sort %max3A_1161, %max3A_1161 masked %masked_sort3A_1162 {descending = true} : (vector<16xf32>, vector<16xf32>, vector<16xi1>) -> (vector<16xi1>, vector<16xf32>, vector<16xf32>)
      %mul3A_1166 = arith.constant 2 : i32
      %mul3A_1167 = arith.muli %mul3A_1166, %scan3A_666 : i32
      %add3A_1168 = arith.constant 384 : i32
      %add3A_1169 = arith.addi %add3A_1168, %mul3A_1167 : i32
      %add3A_1170 = arith.constant 1 : i32
      %add3A_1171 = arith.addi %add3A_1169, %add3A_1170 : i32
      %mul3A_1172 = arith.constant 16 : i32
      %mul3A_1173 = arith.muli %add3A_1171, %mul3A_1172 : i32
      %get3A_1174 = arith.constant 0 : i32
      %get3A_1175 = arith.constant 2 : i32
      %get3A_1176 = arith.index_cast %get3A_1174 : i32 to index
      %get3A_1177 = arith.index_cast %get3A_1175 : i32 to index
      %get3A_1178 = arith.index_cast %mul3A_1173 : i32 to index
      %get3A_1179 = tpu.vector_load %arg4[%get3A_1176, %get3A_1177, %get3A_1178] {strides = array<i32>} : memref<2x4x8192xf32, #tpu.memory_space<vmem>>, vector<16xf32>,
      %masked_sort3A_1180 = arith.constant dense<true> : vector<16xi1>
      %masked_sort3A_1181, %masked_sort3A_1182, %masked_sort3A_1183 = tpu.sort %get3A_1179, %get3A_1179 masked %masked_sort3A_1180 : (vector<16xf32>, vector<16xf32>, vector<16xi1>) -> (vector<16xi1>, vector<16xf32>, vector<16xf32>)
      %max3A_1184 = arith.maximumf %masked_sort3A_1164, %masked_sort3A_1182 : vector<16xf32>
      %masked_sort3A_1185 = arith.constant dense<true> : vector<16xi1>
      %masked_sort3A_1186, %masked_sort3A_1187, %masked_sort3A_1188 = tpu.sort %max3A_1184, %max3A_1184 masked %masked_sort3A_1185 {descending = true} : (vector<16xf32>, vector<16xf32>, vector<16xi1>) -> (vector<16xi1>, vector<16xf32>, vector<16xf32>)
      %mul3A_1189 = arith.constant 2 : i32
      %mul3A_1190 = arith.muli %mul3A_1189, %scan3A_666 : i32
      %add3A_1191 = arith.constant 0 : i32
      %add3A_1192 = arith.addi %add3A_1191, %mul3A_1190 : i32
      %add3A_1193 = arith.constant 0 : i32
      %add3A_1194 = arith.addi %add3A_1192, %add3A_1193 : i32
      %mul3A_1195 = arith.constant 16 : i32
      %mul3A_1196 = arith.muli %add3A_1194, %mul3A_1195 : i32
      %get3A_1197 = arith.constant 0 : i32
      %get3A_1198 = arith.constant 3 : i32
      %get3A_1199 = arith.index_cast %get3A_1197 : i32 to index
      %get3A_1200 = arith.index_cast %get3A_1198 : i32 to index
      %get3A_1201 = arith.index_cast %mul3A_1196 : i32 to index
      %get3A_1202 = tpu.vector_load %arg4[%get3A_1199, %get3A_1200, %get3A_1201] {strides = array<i32>} : memref<2x4x8192xf32, #tpu.memory_space<vmem>>, vector<16xf32>,
      %masked_sort3A_1203 = arith.constant dense<true> : vector<16xi1>
      %masked_sort3A_1204, %masked_sort3A_1205, %masked_sort3A_1206 = tpu.sort %get3A_1202, %get3A_1202 masked %masked_sort3A_1203 : (vector<16xf32>, vector<16xf32>, vector<16xi1>) -> (vector<16xi1>, vector<16xf32>, vector<16xf32>)
      %max3A_1207 = arith.maximumf %scan3A_683, %masked_sort3A_1205 : vector<16xf32>
      %masked_sort3A_1208 = arith.constant dense<true> : vector<16xi1>
      %masked_sort3A_1209, %masked_sort3A_1210, %masked_sort3A_1211 = tpu.sort %max3A_1207, %max3A_1207 masked %masked_sort3A_1208 {descending = true} : (vector<16xf32>, vector<16xf32>, vector<16xi1>) -> (vector<16xi1>, vector<16xf32>, vector<16xf32>)
      %mul3A_1212 = arith.constant 2 : i32
      %mul3A_1213 = arith.muli %mul3A_1212, %scan3A_666 : i32
      %add3A_1214 = arith.constant 0 : i32
      %add3A_1215 = arith.addi %add3A_1214, %mul3A_1213 : i32
      %add3A_1216 = arith.constant 1 : i32
      %add3A_1217 = arith.addi %add3A_1215, %add3A_1216 : i32
      %mul3A_1218 = arith.constant 16 : i32
      %mul3A_1219 = arith.muli %add3A_1217, %mul3A_1218 : i32
      %get3A_1220 = arith.constant 0 : i32
      %get3A_1221 = arith.constant 3 : i32
      %get3A_1222 = arith.index_cast %get3A_1220 : i32 to index
      %get3A_1223 = arith.index_cast %get3A_1221 : i32 to index
      %get3A_1224 = arith.index_cast %mul3A_1219 : i32 to index
      %get3A_1225 = tpu.vector_load %arg4[%get3A_1222, %get3A_1223, %get3A_1224] {strides = array<i32>} : memref<2x4x8192xf32, #tpu.memory_space<vmem>>, vector<16xf32>,
      %masked_sort3A_1226 = arith.constant dense<true> : vector<16xi1>
      %masked_sort3A_1227, %masked_sort3A_1228, %masked_sort3A_1229 = tpu.sort %get3A_1225, %get3A_1225 masked %masked_sort3A_1226 : (vector<16xf32>, vector<16xf32>, vector<16xi1>) -> (vector<16xi1>, vector<16xf32>, vector<16xf32>)
      %max3A_1230 = arith.maximumf %masked_sort3A_1210, %masked_sort3A_1228 : vector<16xf32>
      %masked_sort3A_1231 = arith.constant dense<true> : vector<16xi1>
      %masked_sort3A_1232, %masked_sort3A_1233, %masked_sort3A_1234 = tpu.sort %max3A_1230, %max3A_1230 masked %masked_sort3A_1231 {descending = true} : (vector<16xf32>, vector<16xf32>, vector<16xi1>) -> (vector<16xi1>, vector<16xf32>, vector<16xf32>)
      %mul3A_1235 = arith.constant 2 : i32
      %mul3A_1236 = arith.muli %mul3A_1235, %scan3A_666 : i32
      %add3A_1237 = arith.constant 128 : i32
      %add3A_1238 = arith.addi %add3A_1237, %mul3A_1236 : i32
      %add3A_1239 = arith.constant 0 : i32
      %add3A_1240 = arith.addi %add3A_1238, %add3A_1239 : i32
      %mul3A_1241 = arith.constant 16 : i32
      %mul3A_1242 = arith.muli %add3A_1240, %mul3A_1241 : i32
      %get3A_1243 = arith.constant 0 : i32
      %get3A_1244 = arith.constant 3 : i32
      %get3A_1245 = arith.index_cast %get3A_1243 : i32 to index
      %get3A_1246 = arith.index_cast %get3A_1244 : i32 to index
      %get3A_1247 = arith.index_cast %mul3A_1242 : i32 to index
      %get3A_1248 = tpu.vector_load %arg4[%get3A_1245, %get3A_1246, %get3A_1247] {strides = array<i32>} : memref<2x4x8192xf32, #tpu.memory_space<vmem>>, vector<16xf32>,
      %masked_sort3A_1249 = arith.constant dense<true> : vector<16xi1>
      %masked_sort3A_1250, %masked_sort3A_1251, %masked_sort3A_1252 = tpu.sort %get3A_1248, %get3A_1248 masked %masked_sort3A_1249 : (vector<16xf32>, vector<16xf32>, vector<16xi1>) -> (vector<16xi1>, vector<16xf32>, vector<16xf32>)
      %max3A_1253 = arith.maximumf %scan3A_684, %masked_sort3A_1251 : vector<16xf32>
      %masked_sort3A_1254 = arith.constant dense<true> : vector<16xi1>
      %masked_sort3A_1255, %masked_sort3A_1256, %masked_sort3A_1257 = tpu.sort %max3A_1253, %max3A_1253 masked %masked_sort3A_1254 {descending = true} : (vector<16xf32>, vector<16xf32>, vector<16xi1>) -> (vector<16xi1>, vector<16xf32>, vector<16xf32>)
      %mul3A_1258 = arith.constant 2 : i32
      %mul3A_1259 = arith.muli %mul3A_1258, %scan3A_666 : i32
      %add3A_1260 = arith.constant 128 : i32
      %add3A_1261 = arith.addi %add3A_1260, %mul3A_1259 : i32
      %add3A_1262 = arith.constant 1 : i32
      %add3A_1263 = arith.addi %add3A_1261, %add3A_1262 : i32
      %mul3A_1264 = arith.constant 16 : i32
      %mul3A_1265 = arith.muli %add3A_1263, %mul3A_1264 : i32
      %get3A_1266 = arith.constant 0 : i32
      %get3A_1267 = arith.constant 3 : i32
      %get3A_1268 = arith.index_cast %get3A_1266 : i32 to index
      %get3A_1269 = arith.index_cast %get3A_1267 : i32 to index
      %get3A_1270 = arith.index_cast %mul3A_1265 : i32 to index
      %get3A_1271 = tpu.vector_load %arg4[%get3A_1268, %get3A_1269, %get3A_1270] {strides = array<i32>} : memref<2x4x8192xf32, #tpu.memory_space<vmem>>, vector<16xf32>,
      %masked_sort3A_1272 = arith.constant dense<true> : vector<16xi1>
      %masked_sort3A_1273, %masked_sort3A_1274, %masked_sort3A_1275 = tpu.sort %get3A_1271, %get3A_1271 masked %masked_sort3A_1272 : (vector<16xf32>, vector<16xf32>, vector<16xi1>) -> (vector<16xi1>, vector<16xf32>, vector<16xf32>)
      %max3A_1276 = arith.maximumf %masked_sort3A_1256, %masked_sort3A_1274 : vector<16xf32>
      %masked_sort3A_1277 = arith.constant dense<true> : vector<16xi1>
      %masked_sort3A_1278, %masked_sort3A_1279, %masked_sort3A_1280 = tpu.sort %max3A_1276, %max3A_1276 masked %masked_sort3A_1277 {descending = true} : (vector<16xf32>, vector<16xf32>, vector<16xi1>) -> (vector<16xi1>, vector<16xf32>, vector<16xf32>)
      %mul3A_1281 = arith.constant 2 : i32
      %mul3A_1282 = arith.muli %mul3A_1281, %scan3A_666 : i32
      %add3A_1283 = arith.constant 256 : i32
      %add3A_1284 = arith.addi %add3A_1283, %mul3A_1282 : i32
      %add3A_1285 = arith.constant 0 : i32
      %add3A_1286 = arith.addi %add3A_1284, %add3A_1285 : i32
      %mul3A_1287 = arith.constant 16 : i32
      %mul3A_1288 = arith.muli %add3A_1286, %mul3A_1287 : i32
      %get3A_1289 = arith.constant 0 : i32
      %get3A_1290 = arith.constant 3 : i32
      %get3A_1291 = arith.index_cast %get3A_1289 : i32 to index
      %get3A_1292 = arith.index_cast %get3A_1290 : i32 to index
      %get3A_1293 = arith.index_cast %mul3A_1288 : i32 to index
      %get3A_1294 = tpu.vector_load %arg4[%get3A_1291, %get3A_1292, %get3A_1293] {strides = array<i32>} : memref<2x4x8192xf32, #tpu.memory_space<vmem>>, vector<16xf32>,
      %masked_sort3A_1295 = arith.constant dense<true> : vector<16xi1>
      %masked_sort3A_1296, %masked_sort3A_1297, %masked_sort3A_1298 = tpu.sort %get3A_1294, %get3A_1294 masked %masked_sort3A_1295 : (vector<16xf32>, vector<16xf32>, vector<16xi1>) -> (vector<16xi1>, vector<16xf32>, vector<16xf32>)
      %max3A_1299 = arith.maximumf %scan3A_685, %masked_sort3A_1297 : vector<16xf32>
      %masked_sort3A_1300 = arith.constant dense<true> : vector<16xi1>
      %masked_sort3A_1301, %masked_sort3A_1302, %masked_sort3A_1303 = tpu.sort %max3A_1299, %max3A_1299 masked %masked_sort3A_1300 {descending = true} : (vector<16xf32>, vector<16xf32>, vector<16xi1>) -> (vector<16xi1>, vector<16xf32>, vector<16xf32>)
      %mul3A_1304 = arith.constant 2 : i32
      %mul3A_1305 = arith.muli %mul3A_1304, %scan3A_666 : i32
      %add3A_1306 = arith.constant 256 : i32
      %add3A_1307 = arith.addi %add3A_1306, %mul3A_1305 : i32
      %add3A_1308 = arith.constant 1 : i32
      %add3A_1309 = arith.addi %add3A_1307, %add3A_1308 : i32
      %mul3A_1310 = arith.constant 16 : i32
      %mul3A_1311 = arith.muli %add3A_1309, %mul3A_1310 : i32
      %get3A_1312 = arith.constant 0 : i32
      %get3A_1313 = arith.constant 3 : i32
      %get3A_1314 = arith.index_cast %get3A_1312 : i32 to index
      %get3A_1315 = arith.index_cast %get3A_1313 : i32 to index
      %get3A_1316 = arith.index_cast %mul3A_1311 : i32 to index
      %get3A_1317 = tpu.vector_load %arg4[%get3A_1314, %get3A_1315, %get3A_1316] {strides = array<i32>} : memref<2x4x8192xf32, #tpu.memory_space<vmem>>, vector<16xf32>,
      %masked_sort3A_1318 = arith.constant dense<true> : vector<16xi1>
      %masked_sort3A_1319, %masked_sort3A_1320, %masked_sort3A_1321 = tpu.sort %get3A_1317, %get3A_1317 masked %masked_sort3A_1318 : (vector<16xf32>, vector<16xf32>, vector<16xi1>) -> (vector<16xi1>, vector<16xf32>, vector<16xf32>)
      %max3A_1322 = arith.maximumf %masked_sort3A_1302, %masked_sort3A_1320 : vector<16xf32>
      %masked_sort3A_1323 = arith.constant dense<true> : vector<16xi1>
      %masked_sort3A_1324, %masked_sort3A_1325, %masked_sort3A_1326 = tpu.sort %max3A_1322, %max3A_1322 masked %masked_sort3A_1323 {descending = true} : (vector<16xf32>, vector<16xf32>, vector<16xi1>) -> (vector<16xi1>, vector<16xf32>, vector<16xf32>)
      %mul3A_1327 = arith.constant 2 : i32
      %mul3A_1328 = arith.muli %mul3A_1327, %scan3A_666 : i32
      %add3A_1329 = arith.constant 384 : i32
      %add3A_1330 = arith.addi %add3A_1329, %mul3A_1328 : i32
      %add3A_1331 = arith.constant 0 : i32
      %add3A_1332 = arith.addi %add3A_1330, %add3A_1331 : i32
      %mul3A_1333 = arith.constant 16 : i32
      %mul3A_1334 = arith.muli %add3A_1332, %mul3A_1333 : i32
      %get3A_1335 = arith.constant 0 : i32
      %get3A_1336 = arith.constant 3 : i32
      %get3A_1337 = arith.index_cast %get3A_1335 : i32 to index
      %get3A_1338 = arith.index_cast %get3A_1336 : i32 to index
      %get3A_1339 = arith.index_cast %mul3A_1334 : i32 to index
      %get3A_1340 = tpu.vector_load %arg4[%get3A_1337, %get3A_1338, %get3A_1339] {strides = array<i32>} : memref<2x4x8192xf32, #tpu.memory_space<vmem>>, vector<16xf32>,
      %masked_sort3A_1341 = arith.constant dense<true> : vector<16xi1>
      %masked_sort3A_1342, %masked_sort3A_1343, %masked_sort3A_1344 = tpu.sort %get3A_1340, %get3A_1340 masked %masked_sort3A_1341 : (vector<16xf32>, vector<16xf32>, vector<16xi1>) -> (vector<16xi1>, vector<16xf32>, vector<16xf32>)
      %max3A_1345 = arith.maximumf %scan3A_686, %masked_sort3A_1343 : vector<16xf32>
      %masked_sort3A_1346 = arith.constant dense<true> : vector<16xi1>
      %masked_sort3A_1347, %masked_sort3A_1348, %masked_sort3A_1349 = tpu.sort %max3A_1345, %max3A_1345 masked %masked_sort3A_1346 {descending = true} : (vector<16xf32>, vector<16xf32>, vector<16xi1>) -> (vector<16xi1>, vector<16xf32>, vector<16xf32>)
      %mul3A_1350 = arith.constant 2 : i32
      %mul3A_1351 = arith.muli %mul3A_1350, %scan3A_666 : i32
      %add3A_1352 = arith.constant 384 : i32
      %add3A_1353 = arith.addi %add3A_1352, %mul3A_1351 : i32
      %add3A_1354 = arith.constant 1 : i32
      %add3A_1355 = arith.addi %add3A_1353, %add3A_1354 : i32
      %mul3A_1356 = arith.constant 16 : i32
      %mul3A_1357 = arith.muli %add3A_1355, %mul3A_1356 : i32
      %get3A_1358 = arith.constant 0 : i32
      %get3A_1359 = arith.constant 3 : i32
      %get3A_1360 = arith.index_cast %get3A_1358 : i32 to index
      %get3A_1361 = arith.index_cast %get3A_1359 : i32 to index
      %get3A_1362 = arith.index_cast %mul3A_1357 : i32 to index
      %get3A_1363 = tpu.vector_load %arg4[%get3A_1360, %get3A_1361, %get3A_1362] {strides = array<i32>} : memref<2x4x8192xf32, #tpu.memory_space<vmem>>, vector<16xf32>,
      %masked_sort3A_1364 = arith.constant dense<true> : vector<16xi1>
      %masked_sort3A_1365, %masked_sort3A_1366, %masked_sort3A_1367 = tpu.sort %get3A_1363, %get3A_1363 masked %masked_sort3A_1364 : (vector<16xf32>, vector<16xf32>, vector<16xi1>) -> (vector<16xi1>, vector<16xf32>, vector<16xf32>)
      %max3A_1368 = arith.maximumf %masked_sort3A_1348, %masked_sort3A_1366 : vector<16xf32>
      %masked_sort3A_1369 = arith.constant dense<true> : vector<16xi1>
      %masked_sort3A_1370, %masked_sort3A_1371, %masked_sort3A_1372 = tpu.sort %max3A_1368, %max3A_1368 masked %masked_sort3A_1369 {descending = true} : (vector<16xf32>, vector<16xf32>, vector<16xi1>) -> (vector<16xi1>, vector<16xf32>, vector<16xf32>)
      scf.yield %max3A_813, %min3A_814, %max3A_815, %min3A_816, %max3A_817, %min3A_818, %max3A_819, %min3A_820, %masked_sort3A_865, %masked_sort3A_911, %masked_sort3A_957, %masked_sort3A_1003, %masked_sort3A_1049, %masked_sort3A_1095, %masked_sort3A_1141, %masked_sort3A_1187, %masked_sort3A_1233, %masked_sort3A_1279, %masked_sort3A_1325, %masked_sort3A_1371 : vector<16xf32>, vector<16xf32>, vector<16xf32>, vector<16xf32>, vector<16xf32>, vector<16xf32>, vector<16xf32>, vector<16xf32>, vector<16xf32>, vector<16xf32>, vector<16xf32>, vector<16xf32>, vector<16xf32>, vector<16xf32>, vector<16xf32>, vector<16xf32>, vector<16xf32>, vector<16xf32>, vector<16xf32>, vector<16xf32>
    }
    %scan3A_442 = arith.constant 64 : i32
    %dma_wait3A_443 = arith.constant 1 : i32
    %dma_wait3A_444 = arith.constant 0 : i32
    %dma_wait3A_445 = arith.constant 0 : i32
    %dma_wait3A_446 = tpu.memref_slice %arg4[%dma_wait3A_443, %dma_wait3A_444, %dma_wait3A_445] : memref<2x4x8192xf32, #tpu.memory_space<vmem>> -> memref<1x1x8192xf32, #tpu.memory_space<vmem>>
    %dma_wait3A_447 = tpu.memref_squeeze %dma_wait3A_446 : memref<1x1x8192xf32, #tpu.memory_space<vmem>> -> memref<8192xf32, #tpu.memory_space<vmem>>
    %dma_wait3A_448 = arith.constant 24576 : i32
    %dma_wait3A_449 = tpu.memref_slice %arg2[%add3A_318, %dma_wait3A_448] : memref<128x32768xf32, #tpu.memory_space<hbm>> -> memref<1x8192xf32, #tpu.memory_space<hbm>>
    %dma_wait3A_450 = tpu.memref_squeeze %dma_wait3A_449 : memref<1x8192xf32, #tpu.memory_space<hbm>> -> memref<8192xf32, #tpu.memory_space<hbm>>
    %dma_wait3A_451 = arith.constant 0 : i32
    %dma_wait3A_452 = tpu.memref_slice %arg4[%dma_wait3A_443, %dma_wait3A_444, %dma_wait3A_451] : memref<2x4x8192xf32, #tpu.memory_space<vmem>> -> memref<1x1x8192xf32, #tpu.memory_space<vmem>>
    %dma_wait3A_453 = tpu.memref_squeeze %dma_wait3A_452 : memref<1x1x8192xf32, #tpu.memory_space<vmem>> -> memref<8192xf32, #tpu.memory_space<vmem>>
    %dma_wait3A_454 = arith.constant 24576 : i32
    %dma_wait3A_455 = tpu.memref_slice %arg2[%add3A_318, %dma_wait3A_454] : memref<128x32768xf32, #tpu.memory_space<hbm>> -> memref<1x8192xf32, #tpu.memory_space<hbm>>
    %dma_wait3A_456 = tpu.memref_squeeze %dma_wait3A_455 : memref<1x8192xf32, #tpu.memory_space<hbm>> -> memref<8192xf32, #tpu.memory_space<hbm>>
    tpu.wait_dma2 semaphore(%arg7 : memref<!tpu.dma_semaphore, #tpu.memory_space<semaphore_mem>>) src(%dma_wait3A_456 : memref<8192xf32, #tpu.memory_space<hbm>>) dst(%dma_wait3A_453 : memref<8192xf32, #tpu.memory_space<vmem>>)
    %dma_wait3A_457 = arith.constant 1 : i32
    %dma_wait3A_458 = arith.constant 1 : i32
    %dma_wait3A_459 = arith.constant 0 : i32
    %dma_wait3A_460 = tpu.memref_slice %arg4[%dma_wait3A_457, %dma_wait3A_458, %dma_wait3A_459] : memref<2x4x8192xf32, #tpu.memory_space<vmem>> -> memref<1x1x8192xf32, #tpu.memory_space<vmem>>
    %dma_wait3A_461 = tpu.memref_squeeze %dma_wait3A_460 : memref<1x1x8192xf32, #tpu.memory_space<vmem>> -> memref<8192xf32, #tpu.memory_space<vmem>>
    %dma_wait3A_462 = arith.constant 24576 : i32
    %dma_wait3A_463 = tpu.memref_slice %arg2[%add3A_334, %dma_wait3A_462] : memref<128x32768xf32, #tpu.memory_space<hbm>> -> memref<1x8192xf32, #tpu.memory_space<hbm>>
    %dma_wait3A_464 = tpu.memref_squeeze %dma_wait3A_463 : memref<1x8192xf32, #tpu.memory_space<hbm>> -> memref<8192xf32, #tpu.memory_space<hbm>>
    %dma_wait3A_465 = arith.constant 0 : i32
    %dma_wait3A_466 = tpu.memref_slice %arg4[%dma_wait3A_457, %dma_wait3A_458, %dma_wait3A_465] : memref<2x4x8192xf32, #tpu.memory_space<vmem>> -> memref<1x1x8192xf32, #tpu.memory_space<vmem>>
    %dma_wait3A_467 = tpu.memref_squeeze %dma_wait3A_466 : memref<1x1x8192xf32, #tpu.memory_space<vmem>> -> memref<8192xf32, #tpu.memory_space<vmem>>
    %dma_wait3A_468 = arith.constant 24576 : i32
    %dma_wait3A_469 = tpu.memref_slice %arg2[%add3A_334, %dma_wait3A_468] : memref<128x32768xf32, #tpu.memory_space<hbm>> -> memref<1x8192xf32, #tpu.memory_space<hbm>>
    %dma_wait3A_470 = tpu.memref_squeeze %dma_wait3A_469 : memref<1x8192xf32, #tpu.memory_space<hbm>> -> memref<8192xf32, #tpu.memory_space<hbm>>
    tpu.wait_dma2 semaphore(%arg7 : memref<!tpu.dma_semaphore, #tpu.memory_space<semaphore_mem>>) src(%dma_wait3A_470 : memref<8192xf32, #tpu.memory_space<hbm>>) dst(%dma_wait3A_467 : memref<8192xf32, #tpu.memory_space<vmem>>)
    %dma_wait3A_471 = arith.constant 1 : i32
    %dma_wait3A_472 = arith.constant 2 : i32
    %dma_wait3A_473 = arith.constant 0 : i32
    %dma_wait3A_474 = tpu.memref_slice %arg4[%dma_wait3A_471, %dma_wait3A_472, %dma_wait3A_473] : memref<2x4x8192xf32, #tpu.memory_space<vmem>> -> memref<1x1x8192xf32, #tpu.memory_space<vmem>>
    %dma_wait3A_475 = tpu.memref_squeeze %dma_wait3A_474 : memref<1x1x8192xf32, #tpu.memory_space<vmem>> -> memref<8192xf32, #tpu.memory_space<vmem>>
    %dma_wait3A_476 = arith.constant 24576 : i32
    %dma_wait3A_477 = tpu.memref_slice %arg2[%add3A_350, %dma_wait3A_476] : memref<128x32768xf32, #tpu.memory_space<hbm>> -> memref<1x8192xf32, #tpu.memory_space<hbm>>
    %dma_wait3A_478 = tpu.memref_squeeze %dma_wait3A_477 : memref<1x8192xf32, #tpu.memory_space<hbm>> -> memref<8192xf32, #tpu.memory_space<hbm>>
    %dma_wait3A_479 = arith.constant 0 : i32
    %dma_wait3A_480 = tpu.memref_slice %arg4[%dma_wait3A_471, %dma_wait3A_472, %dma_wait3A_479] : memref<2x4x8192xf32, #tpu.memory_space<vmem>> -> memref<1x1x8192xf32, #tpu.memory_space<vmem>>
    %dma_wait3A_481 = tpu.memref_squeeze %dma_wait3A_480 : memref<1x1x8192xf32, #tpu.memory_space<vmem>> -> memref<8192xf32, #tpu.memory_space<vmem>>
    %dma_wait3A_482 = arith.constant 24576 : i32
    %dma_wait3A_483 = tpu.memref_slice %arg2[%add3A_350, %dma_wait3A_482] : memref<128x32768xf32, #tpu.memory_space<hbm>> -> memref<1x8192xf32, #tpu.memory_space<hbm>>
    %dma_wait3A_484 = tpu.memref_squeeze %dma_wait3A_483 : memref<1x8192xf32, #tpu.memory_space<hbm>> -> memref<8192xf32, #tpu.memory_space<hbm>>
    tpu.wait_dma2 semaphore(%arg7 : memref<!tpu.dma_semaphore, #tpu.memory_space<semaphore_mem>>) src(%dma_wait3A_484 : memref<8192xf32, #tpu.memory_space<hbm>>) dst(%dma_wait3A_481 : memref<8192xf32, #tpu.memory_space<vmem>>)
    %dma_wait3A_485 = arith.constant 1 : i32
    %dma_wait3A_486 = arith.constant 3 : i32
    %dma_wait3A_487 = arith.constant 0 : i32
    %dma_wait3A_488 = tpu.memref_slice %arg4[%dma_wait3A_485, %dma_wait3A_486, %dma_wait3A_487] : memref<2x4x8192xf32, #tpu.memory_space<vmem>> -> memref<1x1x8192xf32, #tpu.memory_space<vmem>>
    %dma_wait3A_489 = tpu.memref_squeeze %dma_wait3A_488 : memref<1x1x8192xf32, #tpu.memory_space<vmem>> -> memref<8192xf32, #tpu.memory_space<vmem>>
    %dma_wait3A_490 = arith.constant 24576 : i32
    %dma_wait3A_491 = tpu.memref_slice %arg2[%add3A_366, %dma_wait3A_490] : memref<128x32768xf32, #tpu.memory_space<hbm>> -> memref<1x8192xf32, #tpu.memory_space<hbm>>
    %dma_wait3A_492 = tpu.memref_squeeze %dma_wait3A_491 : memref<1x8192xf32, #tpu.memory_space<hbm>> -> memref<8192xf32, #tpu.memory_space<hbm>>
    %dma_wait3A_493 = arith.constant 0 : i32
    %dma_wait3A_494 = tpu.memref_slice %arg4[%dma_wait3A_485, %dma_wait3A_486, %dma_wait3A_493] : memref<2x4x8192xf32, #tpu.memory_space<vmem>> -> memref<1x1x8192xf32, #tpu.memory_space<vmem>>
    %dma_wait3A_495 = tpu.memref_squeeze %dma_wait3A_494 : memref<1x1x8192xf32, #tpu.memory_space<vmem>> -> memref<8192xf32, #tpu.memory_space<vmem>>
    %dma_wait3A_496 = arith.constant 24576 : i32
    %dma_wait3A_497 = tpu.memref_slice %arg2[%add3A_366, %dma_wait3A_496] : memref<128x32768xf32, #tpu.memory_space<hbm>> -> memref<1x8192xf32, #tpu.memory_space<hbm>>
    %dma_wait3A_498 = tpu.memref_squeeze %dma_wait3A_497 : memref<1x8192xf32, #tpu.memory_space<hbm>> -> memref<8192xf32, #tpu.memory_space<hbm>>
    tpu.wait_dma2 semaphore(%arg7 : memref<!tpu.dma_semaphore, #tpu.memory_space<semaphore_mem>>) src(%dma_wait3A_498 : memref<8192xf32, #tpu.memory_space<hbm>>) dst(%dma_wait3A_495 : memref<8192xf32, #tpu.memory_space<vmem>>)
    %scan3A_499 = arith.constant 0 : i32
    %scan3A_500 = arith.constant 64 : i32
    %scan3A_501 = arith.addi %scan3A_499, %scan3A_500 : i32
    %scan3A_502 = arith.constant 1 : i32
    %scan3A_503:20 = scf.for %scan3A_666 = %scan3A_499 to %scan3A_501 step %scan3A_502 iter_args(%scan3A_667 = %scan3A_441#0, %scan3A_668 = %scan3A_441#1, %scan3A_669 = %scan3A_441#2, %scan3A_670 = %scan3A_441#3, %scan3A_671 = %scan3A_441#4, %scan3A_672 = %scan3A_441#5, %scan3A_673 = %scan3A_441#6, %scan3A_674 = %scan3A_441#7, %scan3A_675 = %scan3A_441#8, %scan3A_676 = %scan3A_441#9, %scan3A_677 = %scan3A_441#10, %scan3A_678 = %scan3A_441#11, %scan3A_679 = %scan3A_441#12, %scan3A_680 = %scan3A_441#13, %scan3A_681 = %scan3A_441#14, %scan3A_682 = %scan3A_441#15, %scan3A_683 = %scan3A_441#16, %scan3A_684 = %scan3A_441#17, %scan3A_685 = %scan3A_441#18, %scan3A_686 = %scan3A_441#19) -> (vector<16xf32>, vector<16xf32>, vector<16xf32>, vector<16xf32>, vector<16xf32>, vector<16xf32>, vector<16xf32>, vector<16xf32>, vector<16xf32>, vector<16xf32>, vector<16xf32>, vector<16xf32>, vector<16xf32>, vector<16xf32>, vector<16xf32>, vector<16xf32>, vector<16xf32>, vector<16xf32>, vector<16xf32>, vector<16xf32>)  : i32 {
      %mul3A_687 = arith.constant 128 : i32
      %mul3A_688 = arith.muli %scan3A_666, %mul3A_687 : i32
      %add3A_689 = arith.constant 0 : i32
      %add3A_690 = arith.addi %mul3A_688, %add3A_689 : i32
      %get3A = arith.constant 1 : i32
      %get3A_691 = arith.constant 0 : i32
      %get3A_692 = arith.index_cast %get3A : i32 to index
      %get3A_693 = arith.index_cast %get3A_691 : i32 to index
      %get3A_694 = arith.index_cast %add3A_690 : i32 to index
      %get3A_695 = tpu.vector_load %arg4[%get3A_692, %get3A_693, %get3A_694] {strides = array<i32>} : memref<2x4x8192xf32, #tpu.memory_space<vmem>>, vector<16xf32>,
      %add3A_696 = arith.constant 16 : i32
      %add3A_697 = arith.addi %mul3A_688, %add3A_696 : i32
      %get3A_698 = arith.constant 1 : i32
      %get3A_699 = arith.constant 0 : i32
      %get3A_700 = arith.index_cast %get3A_698 : i32 to index
      %get3A_701 = arith.index_cast %get3A_699 : i32 to index
      %get3A_702 = arith.index_cast %add3A_697 : i32 to index
      %get3A_703 = tpu.vector_load %arg4[%get3A_700, %get3A_701, %get3A_702] {strides = array<i32>} : memref<2x4x8192xf32, #tpu.memory_space<vmem>>, vector<16xf32>,
      %add3A_704 = arith.constant 32 : i32
      %add3A_705 = arith.addi %mul3A_688, %add3A_704 : i32
      %get3A_706 = arith.constant 1 : i32
      %get3A_707 = arith.constant 0 : i32
      %get3A_708 = arith.index_cast %get3A_706 : i32 to index
      %get3A_709 = arith.index_cast %get3A_707 : i32 to index
      %get3A_710 = arith.index_cast %add3A_705 : i32 to index
      %get3A_711 = tpu.vector_load %arg4[%get3A_708, %get3A_709, %get3A_710] {strides = array<i32>} : memref<2x4x8192xf32, #tpu.memory_space<vmem>>, vector<16xf32>,
      %add3A_712 = arith.constant 48 : i32
      %add3A_713 = arith.addi %mul3A_688, %add3A_712 : i32
      %get3A_714 = arith.constant 1 : i32
      %get3A_715 = arith.constant 0 : i32
      %get3A_716 = arith.index_cast %get3A_714 : i32 to index
      %get3A_717 = arith.index_cast %get3A_715 : i32 to index
      %get3A_718 = arith.index_cast %add3A_713 : i32 to index
      %get3A_719 = tpu.vector_load %arg4[%get3A_716, %get3A_717, %get3A_718] {strides = array<i32>} : memref<2x4x8192xf32, #tpu.memory_space<vmem>>, vector<16xf32>,
      %add3A_720 = arith.constant 64 : i32
      %add3A_721 = arith.addi %mul3A_688, %add3A_720 : i32
      %get3A_722 = arith.constant 1 : i32
      %get3A_723 = arith.constant 0 : i32
      %get3A_724 = arith.index_cast %get3A_722 : i32 to index
      %get3A_725 = arith.index_cast %get3A_723 : i32 to index
      %get3A_726 = arith.index_cast %add3A_721 : i32 to index
      %get3A_727 = tpu.vector_load %arg4[%get3A_724, %get3A_725, %get3A_726] {strides = array<i32>} : memref<2x4x8192xf32, #tpu.memory_space<vmem>>, vector<16xf32>,
      %add3A_728 = arith.constant 80 : i32
      %add3A_729 = arith.addi %mul3A_688, %add3A_728 : i32
      %get3A_730 = arith.constant 1 : i32
      %get3A_731 = arith.constant 0 : i32
      %get3A_732 = arith.index_cast %get3A_730 : i32 to index
      %get3A_733 = arith.index_cast %get3A_731 : i32 to index
      %get3A_734 = arith.index_cast %add3A_729 : i32 to index
      %get3A_735 = tpu.vector_load %arg4[%get3A_732, %get3A_733, %get3A_734] {strides = array<i32>} : memref<2x4x8192xf32, #tpu.memory_space<vmem>>, vector<16xf32>,
      %add3A_736 = arith.constant 96 : i32
      %add3A_737 = arith.addi %mul3A_688, %add3A_736 : i32
      %get3A_738 = arith.constant 1 : i32
      %get3A_739 = arith.constant 0 : i32
      %get3A_740 = arith.index_cast %get3A_738 : i32 to index
      %get3A_741 = arith.index_cast %get3A_739 : i32 to index
      %get3A_742 = arith.index_cast %add3A_737 : i32 to index
      %get3A_743 = tpu.vector_load %arg4[%get3A_740, %get3A_741, %get3A_742] {strides = array<i32>} : memref<2x4x8192xf32, #tpu.memory_space<vmem>>, vector<16xf32>,
      %add3A_744 = arith.constant 112 : i32
      %add3A_745 = arith.addi %mul3A_688, %add3A_744 : i32
      %get3A_746 = arith.constant 1 : i32
      %get3A_747 = arith.constant 0 : i32
      %get3A_748 = arith.index_cast %get3A_746 : i32 to index
      %get3A_749 = arith.index_cast %get3A_747 : i32 to index
      %get3A_750 = arith.index_cast %add3A_745 : i32 to index
      %get3A_751 = tpu.vector_load %arg4[%get3A_748, %get3A_749, %get3A_750] {strides = array<i32>} : memref<2x4x8192xf32, #tpu.memory_space<vmem>>, vector<16xf32>,
      %max3A_752 = arith.maximumf %get3A_695, %get3A_703 : vector<16xf32>
      %min3A = arith.minimumf %get3A_695, %get3A_703 : vector<16xf32>
      %max3A_753 = arith.maximumf %get3A_711, %get3A_719 : vector<16xf32>
      %min3A_754 = arith.minimumf %get3A_711, %get3A_719 : vector<16xf32>
      %max3A_755 = arith.maximumf %get3A_727, %get3A_735 : vector<16xf32>
      %min3A_756 = arith.minimumf %get3A_727, %get3A_735 : vector<16xf32>
      %max3A_757 = arith.maximumf %get3A_743, %get3A_751 : vector<16xf32>
      %min3A_758 = arith.minimumf %get3A_743, %get3A_751 : vector<16xf32>
      %max3A_759 = arith.maximumf %max3A_752, %max3A_753 : vector<16xf32>
      %min3A_760 = arith.minimumf %max3A_752, %max3A_753 : vector<16xf32>
      %max3A_761 = arith.maximumf %min3A, %min3A_754 : vector<16xf32>
      %min3A_762 = arith.minimumf %min3A, %min3A_754 : vector<16xf32>
      %max3A_763 = arith.maximumf %max3A_755, %max3A_757 : vector<16xf32>
      %min3A_764 = arith.minimumf %max3A_755, %max3A_757 : vector<16xf32>
      %max3A_765 = arith.maximumf %min3A_756, %min3A_758 : vector<16xf32>
      %min3A_766 = arith.minimumf %min3A_756, %min3A_758 : vector<16xf32>
      %max3A_767 = arith.maximumf %max3A_761, %min3A_760 : vector<16xf32>
      %min3A_768 = arith.minimumf %max3A_761, %min3A_760 : vector<16xf32>
      %max3A_769 = arith.maximumf %max3A_765, %min3A_764 : vector<16xf32>
      %min3A_770 = arith.minimumf %max3A_765, %min3A_764 : vector<16xf32>
      %max3A_771 = arith.maximumf %max3A_759, %max3A_763 : vector<16xf32>
      %min3A_772 = arith.minimumf %max3A_759, %max3A_763 : vector<16xf32>
      %max3A_773 = arith.maximumf %max3A_767, %max3A_769 : vector<16xf32>
      %min3A_774 = arith.minimumf %max3A_767, %max3A_769 : vector<16xf32>
      %max3A_775 = arith.maximumf %min3A_768, %min3A_770 : vector<16xf32>
      %min3A_776 = arith.minimumf %min3A_768, %min3A_770 : vector<16xf32>
      %max3A_777 = arith.maximumf %min3A_762, %min3A_766 : vector<16xf32>
      %min3A_778 = arith.minimumf %min3A_762, %min3A_766 : vector<16xf32>
      %max3A_779 = arith.maximumf %max3A_775, %min3A_772 : vector<16xf32>
      %min3A_780 = arith.minimumf %max3A_775, %min3A_772 : vector<16xf32>
      %max3A_781 = arith.maximumf %max3A_777, %min3A_774 : vector<16xf32>
      %min3A_782 = arith.minimumf %max3A_777, %min3A_774 : vector<16xf32>
      %max3A_783 = arith.maximumf %max3A_773, %max3A_779 : vector<16xf32>
      %min3A_784 = arith.minimumf %max3A_773, %max3A_779 : vector<16xf32>
      %max3A_785 = arith.maximumf %max3A_781, %min3A_780 : vector<16xf32>
      %min3A_786 = arith.minimumf %max3A_781, %min3A_780 : vector<16xf32>
      %max3A_787 = arith.maximumf %min3A_782, %min3A_776 : vector<16xf32>
      %min3A_788 = arith.minimumf %min3A_782, %min3A_776 : vector<16xf32>
      %max3A_789 = arith.maximumf %scan3A_667, %min3A_778 : vector<16xf32>
      %max3A_790 = arith.maximumf %scan3A_668, %min3A_788 : vector<16xf32>
      %max3A_791 = arith.maximumf %scan3A_669, %max3A_787 : vector<16xf32>
      %max3A_792 = arith.maximumf %scan3A_670, %min3A_786 : vector<16xf32>
      %max3A_793 = arith.maximumf %scan3A_671, %max3A_785 : vector<16xf32>
      %max3A_794 = arith.maximumf %scan3A_672, %min3A_784 : vector<16xf32>
      %max3A_795 = arith.maximumf %scan3A_673, %max3A_783 : vector<16xf32>
      %max3A_796 = arith.maximumf %scan3A_674, %max3A_771 : vector<16xf32>
      %max3A_797 = arith.maximumf %max3A_789, %max3A_793 : vector<16xf32>
      %min3A_798 = arith.minimumf %max3A_789, %max3A_793 : vector<16xf32>
      %max3A_799 = arith.maximumf %max3A_790, %max3A_794 : vector<16xf32>
      %min3A_800 = arith.minimumf %max3A_790, %max3A_794 : vector<16xf32>
      %max3A_801 = arith.maximumf %max3A_791, %max3A_795 : vector<16xf32>
      %min3A_802 = arith.minimumf %max3A_791, %max3A_795 : vector<16xf32>
      %max3A_803 = arith.maximumf %max3A_792, %max3A_796 : vector<16xf32>
      %min3A_804 = arith.minimumf %max3A_792, %max3A_796 : vector<16xf32>
      %max3A_805 = arith.maximumf %max3A_797, %max3A_801 : vector<16xf32>
      %min3A_806 = arith.minimumf %max3A_797, %max3A_801 : vector<16xf32>
      %max3A_807 = arith.maximumf %max3A_799, %max3A_803 : vector<16xf32>
      %min3A_808 = arith.minimumf %max3A_799, %max3A_803 : vector<16xf32>
      %max3A_809 = arith.maximumf %min3A_798, %min3A_802 : vector<16xf32>
      %min3A_810 = arith.minimumf %min3A_798, %min3A_802 : vector<16xf32>
      %max3A_811 = arith.maximumf %min3A_800, %min3A_804 : vector<16xf32>
      %min3A_812 = arith.minimumf %min3A_800, %min3A_804 : vector<16xf32>
      %max3A_813 = arith.maximumf %max3A_805, %max3A_807 : vector<16xf32>
      %min3A_814 = arith.minimumf %max3A_805, %max3A_807 : vector<16xf32>
      %max3A_815 = arith.maximumf %min3A_806, %min3A_808 : vector<16xf32>
      %min3A_816 = arith.minimumf %min3A_806, %min3A_808 : vector<16xf32>
      %max3A_817 = arith.maximumf %max3A_809, %max3A_811 : vector<16xf32>
      %min3A_818 = arith.minimumf %max3A_809, %max3A_811 : vector<16xf32>
      %max3A_819 = arith.maximumf %min3A_810, %min3A_812 : vector<16xf32>
      %min3A_820 = arith.minimumf %min3A_810, %min3A_812 : vector<16xf32>
      %mul3A_821 = arith.constant 2 : i32
      %mul3A_822 = arith.muli %mul3A_821, %scan3A_666 : i32
      %add3A_823 = arith.constant 0 : i32
      %add3A_824 = arith.addi %add3A_823, %mul3A_822 : i32
      %add3A_825 = arith.constant 0 : i32
      %add3A_826 = arith.addi %add3A_824, %add3A_825 : i32
      %mul3A_827 = arith.constant 16 : i32
      %mul3A_828 = arith.muli %add3A_826, %mul3A_827 : i32
      %get3A_829 = arith.constant 1 : i32
      %get3A_830 = arith.constant 1 : i32
      %get3A_831 = arith.index_cast %get3A_829 : i32 to index
      %get3A_832 = arith.index_cast %get3A_830 : i32 to index
      %get3A_833 = arith.index_cast %mul3A_828 : i32 to index
      %get3A_834 = tpu.vector_load %arg4[%get3A_831, %get3A_832, %get3A_833] {strides = array<i32>} : memref<2x4x8192xf32, #tpu.memory_space<vmem>>, vector<16xf32>,
      %masked_sort3A_835 = arith.constant dense<true> : vector<16xi1>
      %masked_sort3A_836, %masked_sort3A_837, %masked_sort3A_838 = tpu.sort %get3A_834, %get3A_834 masked %masked_sort3A_835 : (vector<16xf32>, vector<16xf32>, vector<16xi1>) -> (vector<16xi1>, vector<16xf32>, vector<16xf32>)
      %max3A_839 = arith.maximumf %scan3A_675, %masked_sort3A_837 : vector<16xf32>
      %masked_sort3A_840 = arith.constant dense<true> : vector<16xi1>
      %masked_sort3A_841, %masked_sort3A_842, %masked_sort3A_843 = tpu.sort %max3A_839, %max3A_839 masked %masked_sort3A_840 {descending = true} : (vector<16xf32>, vector<16xf32>, vector<16xi1>) -> (vector<16xi1>, vector<16xf32>, vector<16xf32>)
      %mul3A_844 = arith.constant 2 : i32
      %mul3A_845 = arith.muli %mul3A_844, %scan3A_666 : i32
      %add3A_846 = arith.constant 0 : i32
      %add3A_847 = arith.addi %add3A_846, %mul3A_845 : i32
      %add3A_848 = arith.constant 1 : i32
      %add3A_849 = arith.addi %add3A_847, %add3A_848 : i32
      %mul3A_850 = arith.constant 16 : i32
      %mul3A_851 = arith.muli %add3A_849, %mul3A_850 : i32
      %get3A_852 = arith.constant 1 : i32
      %get3A_853 = arith.constant 1 : i32
      %get3A_854 = arith.index_cast %get3A_852 : i32 to index
      %get3A_855 = arith.index_cast %get3A_853 : i32 to index
      %get3A_856 = arith.index_cast %mul3A_851 : i32 to index
      %get3A_857 = tpu.vector_load %arg4[%get3A_854, %get3A_855, %get3A_856] {strides = array<i32>} : memref<2x4x8192xf32, #tpu.memory_space<vmem>>, vector<16xf32>,
      %masked_sort3A_858 = arith.constant dense<true> : vector<16xi1>
      %masked_sort3A_859, %masked_sort3A_860, %masked_sort3A_861 = tpu.sort %get3A_857, %get3A_857 masked %masked_sort3A_858 : (vector<16xf32>, vector<16xf32>, vector<16xi1>) -> (vector<16xi1>, vector<16xf32>, vector<16xf32>)
      %max3A_862 = arith.maximumf %masked_sort3A_842, %masked_sort3A_860 : vector<16xf32>
      %masked_sort3A_863 = arith.constant dense<true> : vector<16xi1>
      %masked_sort3A_864, %masked_sort3A_865, %masked_sort3A_866 = tpu.sort %max3A_862, %max3A_862 masked %masked_sort3A_863 {descending = true} : (vector<16xf32>, vector<16xf32>, vector<16xi1>) -> (vector<16xi1>, vector<16xf32>, vector<16xf32>)
      %mul3A_867 = arith.constant 2 : i32
      %mul3A_868 = arith.muli %mul3A_867, %scan3A_666 : i32
      %add3A_869 = arith.constant 128 : i32
      %add3A_870 = arith.addi %add3A_869, %mul3A_868 : i32
      %add3A_871 = arith.constant 0 : i32
      %add3A_872 = arith.addi %add3A_870, %add3A_871 : i32
      %mul3A_873 = arith.constant 16 : i32
      %mul3A_874 = arith.muli %add3A_872, %mul3A_873 : i32
      %get3A_875 = arith.constant 1 : i32
      %get3A_876 = arith.constant 1 : i32
      %get3A_877 = arith.index_cast %get3A_875 : i32 to index
      %get3A_878 = arith.index_cast %get3A_876 : i32 to index
      %get3A_879 = arith.index_cast %mul3A_874 : i32 to index
      %get3A_880 = tpu.vector_load %arg4[%get3A_877, %get3A_878, %get3A_879] {strides = array<i32>} : memref<2x4x8192xf32, #tpu.memory_space<vmem>>, vector<16xf32>,
      %masked_sort3A_881 = arith.constant dense<true> : vector<16xi1>
      %masked_sort3A_882, %masked_sort3A_883, %masked_sort3A_884 = tpu.sort %get3A_880, %get3A_880 masked %masked_sort3A_881 : (vector<16xf32>, vector<16xf32>, vector<16xi1>) -> (vector<16xi1>, vector<16xf32>, vector<16xf32>)
      %max3A_885 = arith.maximumf %scan3A_676, %masked_sort3A_883 : vector<16xf32>
      %masked_sort3A_886 = arith.constant dense<true> : vector<16xi1>
      %masked_sort3A_887, %masked_sort3A_888, %masked_sort3A_889 = tpu.sort %max3A_885, %max3A_885 masked %masked_sort3A_886 {descending = true} : (vector<16xf32>, vector<16xf32>, vector<16xi1>) -> (vector<16xi1>, vector<16xf32>, vector<16xf32>)
      %mul3A_890 = arith.constant 2 : i32
      %mul3A_891 = arith.muli %mul3A_890, %scan3A_666 : i32
      %add3A_892 = arith.constant 128 : i32
      %add3A_893 = arith.addi %add3A_892, %mul3A_891 : i32
      %add3A_894 = arith.constant 1 : i32
      %add3A_895 = arith.addi %add3A_893, %add3A_894 : i32
      %mul3A_896 = arith.constant 16 : i32
      %mul3A_897 = arith.muli %add3A_895, %mul3A_896 : i32
      %get3A_898 = arith.constant 1 : i32
      %get3A_899 = arith.constant 1 : i32
      %get3A_900 = arith.index_cast %get3A_898 : i32 to index
      %get3A_901 = arith.index_cast %get3A_899 : i32 to index
      %get3A_902 = arith.index_cast %mul3A_897 : i32 to index
      %get3A_903 = tpu.vector_load %arg4[%get3A_900, %get3A_901, %get3A_902] {strides = array<i32>} : memref<2x4x8192xf32, #tpu.memory_space<vmem>>, vector<16xf32>,
      %masked_sort3A_904 = arith.constant dense<true> : vector<16xi1>
      %masked_sort3A_905, %masked_sort3A_906, %masked_sort3A_907 = tpu.sort %get3A_903, %get3A_903 masked %masked_sort3A_904 : (vector<16xf32>, vector<16xf32>, vector<16xi1>) -> (vector<16xi1>, vector<16xf32>, vector<16xf32>)
      %max3A_908 = arith.maximumf %masked_sort3A_888, %masked_sort3A_906 : vector<16xf32>
      %masked_sort3A_909 = arith.constant dense<true> : vector<16xi1>
      %masked_sort3A_910, %masked_sort3A_911, %masked_sort3A_912 = tpu.sort %max3A_908, %max3A_908 masked %masked_sort3A_909 {descending = true} : (vector<16xf32>, vector<16xf32>, vector<16xi1>) -> (vector<16xi1>, vector<16xf32>, vector<16xf32>)
      %mul3A_913 = arith.constant 2 : i32
      %mul3A_914 = arith.muli %mul3A_913, %scan3A_666 : i32
      %add3A_915 = arith.constant 256 : i32
      %add3A_916 = arith.addi %add3A_915, %mul3A_914 : i32
      %add3A_917 = arith.constant 0 : i32
      %add3A_918 = arith.addi %add3A_916, %add3A_917 : i32
      %mul3A_919 = arith.constant 16 : i32
      %mul3A_920 = arith.muli %add3A_918, %mul3A_919 : i32
      %get3A_921 = arith.constant 1 : i32
      %get3A_922 = arith.constant 1 : i32
      %get3A_923 = arith.index_cast %get3A_921 : i32 to index
      %get3A_924 = arith.index_cast %get3A_922 : i32 to index
      %get3A_925 = arith.index_cast %mul3A_920 : i32 to index
      %get3A_926 = tpu.vector_load %arg4[%get3A_923, %get3A_924, %get3A_925] {strides = array<i32>} : memref<2x4x8192xf32, #tpu.memory_space<vmem>>, vector<16xf32>,
      %masked_sort3A_927 = arith.constant dense<true> : vector<16xi1>
      %masked_sort3A_928, %masked_sort3A_929, %masked_sort3A_930 = tpu.sort %get3A_926, %get3A_926 masked %masked_sort3A_927 : (vector<16xf32>, vector<16xf32>, vector<16xi1>) -> (vector<16xi1>, vector<16xf32>, vector<16xf32>)
      %max3A_931 = arith.maximumf %scan3A_677, %masked_sort3A_929 : vector<16xf32>
      %masked_sort3A_932 = arith.constant dense<true> : vector<16xi1>
      %masked_sort3A_933, %masked_sort3A_934, %masked_sort3A_935 = tpu.sort %max3A_931, %max3A_931 masked %masked_sort3A_932 {descending = true} : (vector<16xf32>, vector<16xf32>, vector<16xi1>) -> (vector<16xi1>, vector<16xf32>, vector<16xf32>)
      %mul3A_936 = arith.constant 2 : i32
      %mul3A_937 = arith.muli %mul3A_936, %scan3A_666 : i32
      %add3A_938 = arith.constant 256 : i32
      %add3A_939 = arith.addi %add3A_938, %mul3A_937 : i32
      %add3A_940 = arith.constant 1 : i32
      %add3A_941 = arith.addi %add3A_939, %add3A_940 : i32
      %mul3A_942 = arith.constant 16 : i32
      %mul3A_943 = arith.muli %add3A_941, %mul3A_942 : i32
      %get3A_944 = arith.constant 1 : i32
      %get3A_945 = arith.constant 1 : i32
      %get3A_946 = arith.index_cast %get3A_944 : i32 to index
      %get3A_947 = arith.index_cast %get3A_945 : i32 to index
      %get3A_948 = arith.index_cast %mul3A_943 : i32 to index
      %get3A_949 = tpu.vector_load %arg4[%get3A_946, %get3A_947, %get3A_948] {strides = array<i32>} : memref<2x4x8192xf32, #tpu.memory_space<vmem>>, vector<16xf32>,
      %masked_sort3A_950 = arith.constant dense<true> : vector<16xi1>
      %masked_sort3A_951, %masked_sort3A_952, %masked_sort3A_953 = tpu.sort %get3A_949, %get3A_949 masked %masked_sort3A_950 : (vector<16xf32>, vector<16xf32>, vector<16xi1>) -> (vector<16xi1>, vector<16xf32>, vector<16xf32>)
      %max3A_954 = arith.maximumf %masked_sort3A_934, %masked_sort3A_952 : vector<16xf32>
      %masked_sort3A_955 = arith.constant dense<true> : vector<16xi1>
      %masked_sort3A_956, %masked_sort3A_957, %masked_sort3A_958 = tpu.sort %max3A_954, %max3A_954 masked %masked_sort3A_955 {descending = true} : (vector<16xf32>, vector<16xf32>, vector<16xi1>) -> (vector<16xi1>, vector<16xf32>, vector<16xf32>)
      %mul3A_959 = arith.constant 2 : i32
      %mul3A_960 = arith.muli %mul3A_959, %scan3A_666 : i32
      %add3A_961 = arith.constant 384 : i32
      %add3A_962 = arith.addi %add3A_961, %mul3A_960 : i32
      %add3A_963 = arith.constant 0 : i32
      %add3A_964 = arith.addi %add3A_962, %add3A_963 : i32
      %mul3A_965 = arith.constant 16 : i32
      %mul3A_966 = arith.muli %add3A_964, %mul3A_965 : i32
      %get3A_967 = arith.constant 1 : i32
      %get3A_968 = arith.constant 1 : i32
      %get3A_969 = arith.index_cast %get3A_967 : i32 to index
      %get3A_970 = arith.index_cast %get3A_968 : i32 to index
      %get3A_971 = arith.index_cast %mul3A_966 : i32 to index
      %get3A_972 = tpu.vector_load %arg4[%get3A_969, %get3A_970, %get3A_971] {strides = array<i32>} : memref<2x4x8192xf32, #tpu.memory_space<vmem>>, vector<16xf32>,
      %masked_sort3A_973 = arith.constant dense<true> : vector<16xi1>
      %masked_sort3A_974, %masked_sort3A_975, %masked_sort3A_976 = tpu.sort %get3A_972, %get3A_972 masked %masked_sort3A_973 : (vector<16xf32>, vector<16xf32>, vector<16xi1>) -> (vector<16xi1>, vector<16xf32>, vector<16xf32>)
      %max3A_977 = arith.maximumf %scan3A_678, %masked_sort3A_975 : vector<16xf32>
      %masked_sort3A_978 = arith.constant dense<true> : vector<16xi1>
      %masked_sort3A_979, %masked_sort3A_980, %masked_sort3A_981 = tpu.sort %max3A_977, %max3A_977 masked %masked_sort3A_978 {descending = true} : (vector<16xf32>, vector<16xf32>, vector<16xi1>) -> (vector<16xi1>, vector<16xf32>, vector<16xf32>)
      %mul3A_982 = arith.constant 2 : i32
      %mul3A_983 = arith.muli %mul3A_982, %scan3A_666 : i32
      %add3A_984 = arith.constant 384 : i32
      %add3A_985 = arith.addi %add3A_984, %mul3A_983 : i32
      %add3A_986 = arith.constant 1 : i32
      %add3A_987 = arith.addi %add3A_985, %add3A_986 : i32
      %mul3A_988 = arith.constant 16 : i32
      %mul3A_989 = arith.muli %add3A_987, %mul3A_988 : i32
      %get3A_990 = arith.constant 1 : i32
      %get3A_991 = arith.constant 1 : i32
      %get3A_992 = arith.index_cast %get3A_990 : i32 to index
      %get3A_993 = arith.index_cast %get3A_991 : i32 to index
      %get3A_994 = arith.index_cast %mul3A_989 : i32 to index
      %get3A_995 = tpu.vector_load %arg4[%get3A_992, %get3A_993, %get3A_994] {strides = array<i32>} : memref<2x4x8192xf32, #tpu.memory_space<vmem>>, vector<16xf32>,
      %masked_sort3A_996 = arith.constant dense<true> : vector<16xi1>
      %masked_sort3A_997, %masked_sort3A_998, %masked_sort3A_999 = tpu.sort %get3A_995, %get3A_995 masked %masked_sort3A_996 : (vector<16xf32>, vector<16xf32>, vector<16xi1>) -> (vector<16xi1>, vector<16xf32>, vector<16xf32>)
      %max3A_1000 = arith.maximumf %masked_sort3A_980, %masked_sort3A_998 : vector<16xf32>
      %masked_sort3A_1001 = arith.constant dense<true> : vector<16xi1>
      %masked_sort3A_1002, %masked_sort3A_1003, %masked_sort3A_1004 = tpu.sort %max3A_1000, %max3A_1000 masked %masked_sort3A_1001 {descending = true} : (vector<16xf32>, vector<16xf32>, vector<16xi1>) -> (vector<16xi1>, vector<16xf32>, vector<16xf32>)
      %mul3A_1005 = arith.constant 2 : i32
      %mul3A_1006 = arith.muli %mul3A_1005, %scan3A_666 : i32
      %add3A_1007 = arith.constant 0 : i32
      %add3A_1008 = arith.addi %add3A_1007, %mul3A_1006 : i32
      %add3A_1009 = arith.constant 0 : i32
      %add3A_1010 = arith.addi %add3A_1008, %add3A_1009 : i32
      %mul3A_1011 = arith.constant 16 : i32
      %mul3A_1012 = arith.muli %add3A_1010, %mul3A_1011 : i32
      %get3A_1013 = arith.constant 1 : i32
      %get3A_1014 = arith.constant 2 : i32
      %get3A_1015 = arith.index_cast %get3A_1013 : i32 to index
      %get3A_1016 = arith.index_cast %get3A_1014 : i32 to index
      %get3A_1017 = arith.index_cast %mul3A_1012 : i32 to index
      %get3A_1018 = tpu.vector_load %arg4[%get3A_1015, %get3A_1016, %get3A_1017] {strides = array<i32>} : memref<2x4x8192xf32, #tpu.memory_space<vmem>>, vector<16xf32>,
      %masked_sort3A_1019 = arith.constant dense<true> : vector<16xi1>
      %masked_sort3A_1020, %masked_sort3A_1021, %masked_sort3A_1022 = tpu.sort %get3A_1018, %get3A_1018 masked %masked_sort3A_1019 : (vector<16xf32>, vector<16xf32>, vector<16xi1>) -> (vector<16xi1>, vector<16xf32>, vector<16xf32>)
      %max3A_1023 = arith.maximumf %scan3A_679, %masked_sort3A_1021 : vector<16xf32>
      %masked_sort3A_1024 = arith.constant dense<true> : vector<16xi1>
      %masked_sort3A_1025, %masked_sort3A_1026, %masked_sort3A_1027 = tpu.sort %max3A_1023, %max3A_1023 masked %masked_sort3A_1024 {descending = true} : (vector<16xf32>, vector<16xf32>, vector<16xi1>) -> (vector<16xi1>, vector<16xf32>, vector<16xf32>)
      %mul3A_1028 = arith.constant 2 : i32
      %mul3A_1029 = arith.muli %mul3A_1028, %scan3A_666 : i32
      %add3A_1030 = arith.constant 0 : i32
      %add3A_1031 = arith.addi %add3A_1030, %mul3A_1029 : i32
      %add3A_1032 = arith.constant 1 : i32
      %add3A_1033 = arith.addi %add3A_1031, %add3A_1032 : i32
      %mul3A_1034 = arith.constant 16 : i32
      %mul3A_1035 = arith.muli %add3A_1033, %mul3A_1034 : i32
      %get3A_1036 = arith.constant 1 : i32
      %get3A_1037 = arith.constant 2 : i32
      %get3A_1038 = arith.index_cast %get3A_1036 : i32 to index
      %get3A_1039 = arith.index_cast %get3A_1037 : i32 to index
      %get3A_1040 = arith.index_cast %mul3A_1035 : i32 to index
      %get3A_1041 = tpu.vector_load %arg4[%get3A_1038, %get3A_1039, %get3A_1040] {strides = array<i32>} : memref<2x4x8192xf32, #tpu.memory_space<vmem>>, vector<16xf32>,
      %masked_sort3A_1042 = arith.constant dense<true> : vector<16xi1>
      %masked_sort3A_1043, %masked_sort3A_1044, %masked_sort3A_1045 = tpu.sort %get3A_1041, %get3A_1041 masked %masked_sort3A_1042 : (vector<16xf32>, vector<16xf32>, vector<16xi1>) -> (vector<16xi1>, vector<16xf32>, vector<16xf32>)
      %max3A_1046 = arith.maximumf %masked_sort3A_1026, %masked_sort3A_1044 : vector<16xf32>
      %masked_sort3A_1047 = arith.constant dense<true> : vector<16xi1>
      %masked_sort3A_1048, %masked_sort3A_1049, %masked_sort3A_1050 = tpu.sort %max3A_1046, %max3A_1046 masked %masked_sort3A_1047 {descending = true} : (vector<16xf32>, vector<16xf32>, vector<16xi1>) -> (vector<16xi1>, vector<16xf32>, vector<16xf32>)
      %mul3A_1051 = arith.constant 2 : i32
      %mul3A_1052 = arith.muli %mul3A_1051, %scan3A_666 : i32
      %add3A_1053 = arith.constant 128 : i32
      %add3A_1054 = arith.addi %add3A_1053, %mul3A_1052 : i32
      %add3A_1055 = arith.constant 0 : i32
      %add3A_1056 = arith.addi %add3A_1054, %add3A_1055 : i32
      %mul3A_1057 = arith.constant 16 : i32
      %mul3A_1058 = arith.muli %add3A_1056, %mul3A_1057 : i32
      %get3A_1059 = arith.constant 1 : i32
      %get3A_1060 = arith.constant 2 : i32
      %get3A_1061 = arith.index_cast %get3A_1059 : i32 to index
      %get3A_1062 = arith.index_cast %get3A_1060 : i32 to index
      %get3A_1063 = arith.index_cast %mul3A_1058 : i32 to index
      %get3A_1064 = tpu.vector_load %arg4[%get3A_1061, %get3A_1062, %get3A_1063] {strides = array<i32>} : memref<2x4x8192xf32, #tpu.memory_space<vmem>>, vector<16xf32>,
      %masked_sort3A_1065 = arith.constant dense<true> : vector<16xi1>
      %masked_sort3A_1066, %masked_sort3A_1067, %masked_sort3A_1068 = tpu.sort %get3A_1064, %get3A_1064 masked %masked_sort3A_1065 : (vector<16xf32>, vector<16xf32>, vector<16xi1>) -> (vector<16xi1>, vector<16xf32>, vector<16xf32>)
      %max3A_1069 = arith.maximumf %scan3A_680, %masked_sort3A_1067 : vector<16xf32>
      %masked_sort3A_1070 = arith.constant dense<true> : vector<16xi1>
      %masked_sort3A_1071, %masked_sort3A_1072, %masked_sort3A_1073 = tpu.sort %max3A_1069, %max3A_1069 masked %masked_sort3A_1070 {descending = true} : (vector<16xf32>, vector<16xf32>, vector<16xi1>) -> (vector<16xi1>, vector<16xf32>, vector<16xf32>)
      %mul3A_1074 = arith.constant 2 : i32
      %mul3A_1075 = arith.muli %mul3A_1074, %scan3A_666 : i32
      %add3A_1076 = arith.constant 128 : i32
      %add3A_1077 = arith.addi %add3A_1076, %mul3A_1075 : i32
      %add3A_1078 = arith.constant 1 : i32
      %add3A_1079 = arith.addi %add3A_1077, %add3A_1078 : i32
      %mul3A_1080 = arith.constant 16 : i32
      %mul3A_1081 = arith.muli %add3A_1079, %mul3A_1080 : i32
      %get3A_1082 = arith.constant 1 : i32
      %get3A_1083 = arith.constant 2 : i32
      %get3A_1084 = arith.index_cast %get3A_1082 : i32 to index
      %get3A_1085 = arith.index_cast %get3A_1083 : i32 to index
      %get3A_1086 = arith.index_cast %mul3A_1081 : i32 to index
      %get3A_1087 = tpu.vector_load %arg4[%get3A_1084, %get3A_1085, %get3A_1086] {strides = array<i32>} : memref<2x4x8192xf32, #tpu.memory_space<vmem>>, vector<16xf32>,
      %masked_sort3A_1088 = arith.constant dense<true> : vector<16xi1>
      %masked_sort3A_1089, %masked_sort3A_1090, %masked_sort3A_1091 = tpu.sort %get3A_1087, %get3A_1087 masked %masked_sort3A_1088 : (vector<16xf32>, vector<16xf32>, vector<16xi1>) -> (vector<16xi1>, vector<16xf32>, vector<16xf32>)
      %max3A_1092 = arith.maximumf %masked_sort3A_1072, %masked_sort3A_1090 : vector<16xf32>
      %masked_sort3A_1093 = arith.constant dense<true> : vector<16xi1>
      %masked_sort3A_1094, %masked_sort3A_1095, %masked_sort3A_1096 = tpu.sort %max3A_1092, %max3A_1092 masked %masked_sort3A_1093 {descending = true} : (vector<16xf32>, vector<16xf32>, vector<16xi1>) -> (vector<16xi1>, vector<16xf32>, vector<16xf32>)
      %mul3A_1097 = arith.constant 2 : i32
      %mul3A_1098 = arith.muli %mul3A_1097, %scan3A_666 : i32
      %add3A_1099 = arith.constant 256 : i32
      %add3A_1100 = arith.addi %add3A_1099, %mul3A_1098 : i32
      %add3A_1101 = arith.constant 0 : i32
      %add3A_1102 = arith.addi %add3A_1100, %add3A_1101 : i32
      %mul3A_1103 = arith.constant 16 : i32
      %mul3A_1104 = arith.muli %add3A_1102, %mul3A_1103 : i32
      %get3A_1105 = arith.constant 1 : i32
      %get3A_1106 = arith.constant 2 : i32
      %get3A_1107 = arith.index_cast %get3A_1105 : i32 to index
      %get3A_1108 = arith.index_cast %get3A_1106 : i32 to index
      %get3A_1109 = arith.index_cast %mul3A_1104 : i32 to index
      %get3A_1110 = tpu.vector_load %arg4[%get3A_1107, %get3A_1108, %get3A_1109] {strides = array<i32>} : memref<2x4x8192xf32, #tpu.memory_space<vmem>>, vector<16xf32>,
      %masked_sort3A_1111 = arith.constant dense<true> : vector<16xi1>
      %masked_sort3A_1112, %masked_sort3A_1113, %masked_sort3A_1114 = tpu.sort %get3A_1110, %get3A_1110 masked %masked_sort3A_1111 : (vector<16xf32>, vector<16xf32>, vector<16xi1>) -> (vector<16xi1>, vector<16xf32>, vector<16xf32>)
      %max3A_1115 = arith.maximumf %scan3A_681, %masked_sort3A_1113 : vector<16xf32>
      %masked_sort3A_1116 = arith.constant dense<true> : vector<16xi1>
      %masked_sort3A_1117, %masked_sort3A_1118, %masked_sort3A_1119 = tpu.sort %max3A_1115, %max3A_1115 masked %masked_sort3A_1116 {descending = true} : (vector<16xf32>, vector<16xf32>, vector<16xi1>) -> (vector<16xi1>, vector<16xf32>, vector<16xf32>)
      %mul3A_1120 = arith.constant 2 : i32
      %mul3A_1121 = arith.muli %mul3A_1120, %scan3A_666 : i32
      %add3A_1122 = arith.constant 256 : i32
      %add3A_1123 = arith.addi %add3A_1122, %mul3A_1121 : i32
      %add3A_1124 = arith.constant 1 : i32
      %add3A_1125 = arith.addi %add3A_1123, %add3A_1124 : i32
      %mul3A_1126 = arith.constant 16 : i32
      %mul3A_1127 = arith.muli %add3A_1125, %mul3A_1126 : i32
      %get3A_1128 = arith.constant 1 : i32
      %get3A_1129 = arith.constant 2 : i32
      %get3A_1130 = arith.index_cast %get3A_1128 : i32 to index
      %get3A_1131 = arith.index_cast %get3A_1129 : i32 to index
      %get3A_1132 = arith.index_cast %mul3A_1127 : i32 to index
      %get3A_1133 = tpu.vector_load %arg4[%get3A_1130, %get3A_1131, %get3A_1132] {strides = array<i32>} : memref<2x4x8192xf32, #tpu.memory_space<vmem>>, vector<16xf32>,
      %masked_sort3A_1134 = arith.constant dense<true> : vector<16xi1>
      %masked_sort3A_1135, %masked_sort3A_1136, %masked_sort3A_1137 = tpu.sort %get3A_1133, %get3A_1133 masked %masked_sort3A_1134 : (vector<16xf32>, vector<16xf32>, vector<16xi1>) -> (vector<16xi1>, vector<16xf32>, vector<16xf32>)
      %max3A_1138 = arith.maximumf %masked_sort3A_1118, %masked_sort3A_1136 : vector<16xf32>
      %masked_sort3A_1139 = arith.constant dense<true> : vector<16xi1>
      %masked_sort3A_1140, %masked_sort3A_1141, %masked_sort3A_1142 = tpu.sort %max3A_1138, %max3A_1138 masked %masked_sort3A_1139 {descending = true} : (vector<16xf32>, vector<16xf32>, vector<16xi1>) -> (vector<16xi1>, vector<16xf32>, vector<16xf32>)
      %mul3A_1143 = arith.constant 2 : i32
      %mul3A_1144 = arith.muli %mul3A_1143, %scan3A_666 : i32
      %add3A_1145 = arith.constant 384 : i32
      %add3A_1146 = arith.addi %add3A_1145, %mul3A_1144 : i32
      %add3A_1147 = arith.constant 0 : i32
      %add3A_1148 = arith.addi %add3A_1146, %add3A_1147 : i32
      %mul3A_1149 = arith.constant 16 : i32
      %mul3A_1150 = arith.muli %add3A_1148, %mul3A_1149 : i32
      %get3A_1151 = arith.constant 1 : i32
      %get3A_1152 = arith.constant 2 : i32
      %get3A_1153 = arith.index_cast %get3A_1151 : i32 to index
      %get3A_1154 = arith.index_cast %get3A_1152 : i32 to index
      %get3A_1155 = arith.index_cast %mul3A_1150 : i32 to index
      %get3A_1156 = tpu.vector_load %arg4[%get3A_1153, %get3A_1154, %get3A_1155] {strides = array<i32>} : memref<2x4x8192xf32, #tpu.memory_space<vmem>>, vector<16xf32>,
      %masked_sort3A_1157 = arith.constant dense<true> : vector<16xi1>
      %masked_sort3A_1158, %masked_sort3A_1159, %masked_sort3A_1160 = tpu.sort %get3A_1156, %get3A_1156 masked %masked_sort3A_1157 : (vector<16xf32>, vector<16xf32>, vector<16xi1>) -> (vector<16xi1>, vector<16xf32>, vector<16xf32>)
      %max3A_1161 = arith.maximumf %scan3A_682, %masked_sort3A_1159 : vector<16xf32>
      %masked_sort3A_1162 = arith.constant dense<true> : vector<16xi1>
      %masked_sort3A_1163, %masked_sort3A_1164, %masked_sort3A_1165 = tpu.sort %max3A_1161, %max3A_1161 masked %masked_sort3A_1162 {descending = true} : (vector<16xf32>, vector<16xf32>, vector<16xi1>) -> (vector<16xi1>, vector<16xf32>, vector<16xf32>)
      %mul3A_1166 = arith.constant 2 : i32
      %mul3A_1167 = arith.muli %mul3A_1166, %scan3A_666 : i32
      %add3A_1168 = arith.constant 384 : i32
      %add3A_1169 = arith.addi %add3A_1168, %mul3A_1167 : i32
      %add3A_1170 = arith.constant 1 : i32
      %add3A_1171 = arith.addi %add3A_1169, %add3A_1170 : i32
      %mul3A_1172 = arith.constant 16 : i32
      %mul3A_1173 = arith.muli %add3A_1171, %mul3A_1172 : i32
      %get3A_1174 = arith.constant 1 : i32
      %get3A_1175 = arith.constant 2 : i32
      %get3A_1176 = arith.index_cast %get3A_1174 : i32 to index
      %get3A_1177 = arith.index_cast %get3A_1175 : i32 to index
      %get3A_1178 = arith.index_cast %mul3A_1173 : i32 to index
      %get3A_1179 = tpu.vector_load %arg4[%get3A_1176, %get3A_1177, %get3A_1178] {strides = array<i32>} : memref<2x4x8192xf32, #tpu.memory_space<vmem>>, vector<16xf32>,
      %masked_sort3A_1180 = arith.constant dense<true> : vector<16xi1>
      %masked_sort3A_1181, %masked_sort3A_1182, %masked_sort3A_1183 = tpu.sort %get3A_1179, %get3A_1179 masked %masked_sort3A_1180 : (vector<16xf32>, vector<16xf32>, vector<16xi1>) -> (vector<16xi1>, vector<16xf32>, vector<16xf32>)
      %max3A_1184 = arith.maximumf %masked_sort3A_1164, %masked_sort3A_1182 : vector<16xf32>
      %masked_sort3A_1185 = arith.constant dense<true> : vector<16xi1>
      %masked_sort3A_1186, %masked_sort3A_1187, %masked_sort3A_1188 = tpu.sort %max3A_1184, %max3A_1184 masked %masked_sort3A_1185 {descending = true} : (vector<16xf32>, vector<16xf32>, vector<16xi1>) -> (vector<16xi1>, vector<16xf32>, vector<16xf32>)
      %mul3A_1189 = arith.constant 2 : i32
      %mul3A_1190 = arith.muli %mul3A_1189, %scan3A_666 : i32
      %add3A_1191 = arith.constant 0 : i32
      %add3A_1192 = arith.addi %add3A_1191, %mul3A_1190 : i32
      %add3A_1193 = arith.constant 0 : i32
      %add3A_1194 = arith.addi %add3A_1192, %add3A_1193 : i32
      %mul3A_1195 = arith.constant 16 : i32
      %mul3A_1196 = arith.muli %add3A_1194, %mul3A_1195 : i32
      %get3A_1197 = arith.constant 1 : i32
      %get3A_1198 = arith.constant 3 : i32
      %get3A_1199 = arith.index_cast %get3A_1197 : i32 to index
      %get3A_1200 = arith.index_cast %get3A_1198 : i32 to index
      %get3A_1201 = arith.index_cast %mul3A_1196 : i32 to index
      %get3A_1202 = tpu.vector_load %arg4[%get3A_1199, %get3A_1200, %get3A_1201] {strides = array<i32>} : memref<2x4x8192xf32, #tpu.memory_space<vmem>>, vector<16xf32>,
      %masked_sort3A_1203 = arith.constant dense<true> : vector<16xi1>
      %masked_sort3A_1204, %masked_sort3A_1205, %masked_sort3A_1206 = tpu.sort %get3A_1202, %get3A_1202 masked %masked_sort3A_1203 : (vector<16xf32>, vector<16xf32>, vector<16xi1>) -> (vector<16xi1>, vector<16xf32>, vector<16xf32>)
      %max3A_1207 = arith.maximumf %scan3A_683, %masked_sort3A_1205 : vector<16xf32>
      %masked_sort3A_1208 = arith.constant dense<true> : vector<16xi1>
      %masked_sort3A_1209, %masked_sort3A_1210, %masked_sort3A_1211 = tpu.sort %max3A_1207, %max3A_1207 masked %masked_sort3A_1208 {descending = true} : (vector<16xf32>, vector<16xf32>, vector<16xi1>) -> (vector<16xi1>, vector<16xf32>, vector<16xf32>)
      %mul3A_1212 = arith.constant 2 : i32
      %mul3A_1213 = arith.muli %mul3A_1212, %scan3A_666 : i32
      %add3A_1214 = arith.constant 0 : i32
      %add3A_1215 = arith.addi %add3A_1214, %mul3A_1213 : i32
      %add3A_1216 = arith.constant 1 : i32
      %add3A_1217 = arith.addi %add3A_1215, %add3A_1216 : i32
      %mul3A_1218 = arith.constant 16 : i32
      %mul3A_1219 = arith.muli %add3A_1217, %mul3A_1218 : i32
      %get3A_1220 = arith.constant 1 : i32
      %get3A_1221 = arith.constant 3 : i32
      %get3A_1222 = arith.index_cast %get3A_1220 : i32 to index
      %get3A_1223 = arith.index_cast %get3A_1221 : i32 to index
      %get3A_1224 = arith.index_cast %mul3A_1219 : i32 to index
      %get3A_1225 = tpu.vector_load %arg4[%get3A_1222, %get3A_1223, %get3A_1224] {strides = array<i32>} : memref<2x4x8192xf32, #tpu.memory_space<vmem>>, vector<16xf32>,
      %masked_sort3A_1226 = arith.constant dense<true> : vector<16xi1>
      %masked_sort3A_1227, %masked_sort3A_1228, %masked_sort3A_1229 = tpu.sort %get3A_1225, %get3A_1225 masked %masked_sort3A_1226 : (vector<16xf32>, vector<16xf32>, vector<16xi1>) -> (vector<16xi1>, vector<16xf32>, vector<16xf32>)
      %max3A_1230 = arith.maximumf %masked_sort3A_1210, %masked_sort3A_1228 : vector<16xf32>
      %masked_sort3A_1231 = arith.constant dense<true> : vector<16xi1>
      %masked_sort3A_1232, %masked_sort3A_1233, %masked_sort3A_1234 = tpu.sort %max3A_1230, %max3A_1230 masked %masked_sort3A_1231 {descending = true} : (vector<16xf32>, vector<16xf32>, vector<16xi1>) -> (vector<16xi1>, vector<16xf32>, vector<16xf32>)
      %mul3A_1235 = arith.constant 2 : i32
      %mul3A_1236 = arith.muli %mul3A_1235, %scan3A_666 : i32
      %add3A_1237 = arith.constant 128 : i32
      %add3A_1238 = arith.addi %add3A_1237, %mul3A_1236 : i32
      %add3A_1239 = arith.constant 0 : i32
      %add3A_1240 = arith.addi %add3A_1238, %add3A_1239 : i32
      %mul3A_1241 = arith.constant 16 : i32
      %mul3A_1242 = arith.muli %add3A_1240, %mul3A_1241 : i32
      %get3A_1243 = arith.constant 1 : i32
      %get3A_1244 = arith.constant 3 : i32
      %get3A_1245 = arith.index_cast %get3A_1243 : i32 to index
      %get3A_1246 = arith.index_cast %get3A_1244 : i32 to index
      %get3A_1247 = arith.index_cast %mul3A_1242 : i32 to index
      %get3A_1248 = tpu.vector_load %arg4[%get3A_1245, %get3A_1246, %get3A_1247] {strides = array<i32>} : memref<2x4x8192xf32, #tpu.memory_space<vmem>>, vector<16xf32>,
      %masked_sort3A_1249 = arith.constant dense<true> : vector<16xi1>
      %masked_sort3A_1250, %masked_sort3A_1251, %masked_sort3A_1252 = tpu.sort %get3A_1248, %get3A_1248 masked %masked_sort3A_1249 : (vector<16xf32>, vector<16xf32>, vector<16xi1>) -> (vector<16xi1>, vector<16xf32>, vector<16xf32>)
      %max3A_1253 = arith.maximumf %scan3A_684, %masked_sort3A_1251 : vector<16xf32>
      %masked_sort3A_1254 = arith.constant dense<true> : vector<16xi1>
      %masked_sort3A_1255, %masked_sort3A_1256, %masked_sort3A_1257 = tpu.sort %max3A_1253, %max3A_1253 masked %masked_sort3A_1254 {descending = true} : (vector<16xf32>, vector<16xf32>, vector<16xi1>) -> (vector<16xi1>, vector<16xf32>, vector<16xf32>)
      %mul3A_1258 = arith.constant 2 : i32
      %mul3A_1259 = arith.muli %mul3A_1258, %scan3A_666 : i32
      %add3A_1260 = arith.constant 128 : i32
      %add3A_1261 = arith.addi %add3A_1260, %mul3A_1259 : i32
      %add3A_1262 = arith.constant 1 : i32
      %add3A_1263 = arith.addi %add3A_1261, %add3A_1262 : i32
      %mul3A_1264 = arith.constant 16 : i32
      %mul3A_1265 = arith.muli %add3A_1263, %mul3A_1264 : i32
      %get3A_1266 = arith.constant 1 : i32
      %get3A_1267 = arith.constant 3 : i32
      %get3A_1268 = arith.index_cast %get3A_1266 : i32 to index
      %get3A_1269 = arith.index_cast %get3A_1267 : i32 to index
      %get3A_1270 = arith.index_cast %mul3A_1265 : i32 to index
      %get3A_1271 = tpu.vector_load %arg4[%get3A_1268, %get3A_1269, %get3A_1270] {strides = array<i32>} : memref<2x4x8192xf32, #tpu.memory_space<vmem>>, vector<16xf32>,
      %masked_sort3A_1272 = arith.constant dense<true> : vector<16xi1>
      %masked_sort3A_1273, %masked_sort3A_1274, %masked_sort3A_1275 = tpu.sort %get3A_1271, %get3A_1271 masked %masked_sort3A_1272 : (vector<16xf32>, vector<16xf32>, vector<16xi1>) -> (vector<16xi1>, vector<16xf32>, vector<16xf32>)
      %max3A_1276 = arith.maximumf %masked_sort3A_1256, %masked_sort3A_1274 : vector<16xf32>
      %masked_sort3A_1277 = arith.constant dense<true> : vector<16xi1>
      %masked_sort3A_1278, %masked_sort3A_1279, %masked_sort3A_1280 = tpu.sort %max3A_1276, %max3A_1276 masked %masked_sort3A_1277 {descending = true} : (vector<16xf32>, vector<16xf32>, vector<16xi1>) -> (vector<16xi1>, vector<16xf32>, vector<16xf32>)
      %mul3A_1281 = arith.constant 2 : i32
      %mul3A_1282 = arith.muli %mul3A_1281, %scan3A_666 : i32
      %add3A_1283 = arith.constant 256 : i32
      %add3A_1284 = arith.addi %add3A_1283, %mul3A_1282 : i32
      %add3A_1285 = arith.constant 0 : i32
      %add3A_1286 = arith.addi %add3A_1284, %add3A_1285 : i32
      %mul3A_1287 = arith.constant 16 : i32
      %mul3A_1288 = arith.muli %add3A_1286, %mul3A_1287 : i32
      %get3A_1289 = arith.constant 1 : i32
      %get3A_1290 = arith.constant 3 : i32
      %get3A_1291 = arith.index_cast %get3A_1289 : i32 to index
      %get3A_1292 = arith.index_cast %get3A_1290 : i32 to index
      %get3A_1293 = arith.index_cast %mul3A_1288 : i32 to index
      %get3A_1294 = tpu.vector_load %arg4[%get3A_1291, %get3A_1292, %get3A_1293] {strides = array<i32>} : memref<2x4x8192xf32, #tpu.memory_space<vmem>>, vector<16xf32>,
      %masked_sort3A_1295 = arith.constant dense<true> : vector<16xi1>
      %masked_sort3A_1296, %masked_sort3A_1297, %masked_sort3A_1298 = tpu.sort %get3A_1294, %get3A_1294 masked %masked_sort3A_1295 : (vector<16xf32>, vector<16xf32>, vector<16xi1>) -> (vector<16xi1>, vector<16xf32>, vector<16xf32>)
      %max3A_1299 = arith.maximumf %scan3A_685, %masked_sort3A_1297 : vector<16xf32>
      %masked_sort3A_1300 = arith.constant dense<true> : vector<16xi1>
      %masked_sort3A_1301, %masked_sort3A_1302, %masked_sort3A_1303 = tpu.sort %max3A_1299, %max3A_1299 masked %masked_sort3A_1300 {descending = true} : (vector<16xf32>, vector<16xf32>, vector<16xi1>) -> (vector<16xi1>, vector<16xf32>, vector<16xf32>)
      %mul3A_1304 = arith.constant 2 : i32
      %mul3A_1305 = arith.muli %mul3A_1304, %scan3A_666 : i32
      %add3A_1306 = arith.constant 256 : i32
      %add3A_1307 = arith.addi %add3A_1306, %mul3A_1305 : i32
      %add3A_1308 = arith.constant 1 : i32
      %add3A_1309 = arith.addi %add3A_1307, %add3A_1308 : i32
      %mul3A_1310 = arith.constant 16 : i32
      %mul3A_1311 = arith.muli %add3A_1309, %mul3A_1310 : i32
      %get3A_1312 = arith.constant 1 : i32
      %get3A_1313 = arith.constant 3 : i32
      %get3A_1314 = arith.index_cast %get3A_1312 : i32 to index
      %get3A_1315 = arith.index_cast %get3A_1313 : i32 to index
      %get3A_1316 = arith.index_cast %mul3A_1311 : i32 to index
      %get3A_1317 = tpu.vector_load %arg4[%get3A_1314, %get3A_1315, %get3A_1316] {strides = array<i32>} : memref<2x4x8192xf32, #tpu.memory_space<vmem>>, vector<16xf32>,
      %masked_sort3A_1318 = arith.constant dense<true> : vector<16xi1>
      %masked_sort3A_1319, %masked_sort3A_1320, %masked_sort3A_1321 = tpu.sort %get3A_1317, %get3A_1317 masked %masked_sort3A_1318 : (vector<16xf32>, vector<16xf32>, vector<16xi1>) -> (vector<16xi1>, vector<16xf32>, vector<16xf32>)
      %max3A_1322 = arith.maximumf %masked_sort3A_1302, %masked_sort3A_1320 : vector<16xf32>
      %masked_sort3A_1323 = arith.constant dense<true> : vector<16xi1>
      %masked_sort3A_1324, %masked_sort3A_1325, %masked_sort3A_1326 = tpu.sort %max3A_1322, %max3A_1322 masked %masked_sort3A_1323 {descending = true} : (vector<16xf32>, vector<16xf32>, vector<16xi1>) -> (vector<16xi1>, vector<16xf32>, vector<16xf32>)
      %mul3A_1327 = arith.constant 2 : i32
      %mul3A_1328 = arith.muli %mul3A_1327, %scan3A_666 : i32
      %add3A_1329 = arith.constant 384 : i32
      %add3A_1330 = arith.addi %add3A_1329, %mul3A_1328 : i32
      %add3A_1331 = arith.constant 0 : i32
      %add3A_1332 = arith.addi %add3A_1330, %add3A_1331 : i32
      %mul3A_1333 = arith.constant 16 : i32
      %mul3A_1334 = arith.muli %add3A_1332, %mul3A_1333 : i32
      %get3A_1335 = arith.constant 1 : i32
      %get3A_1336 = arith.constant 3 : i32
      %get3A_1337 = arith.index_cast %get3A_1335 : i32 to index
      %get3A_1338 = arith.index_cast %get3A_1336 : i32 to index
      %get3A_1339 = arith.index_cast %mul3A_1334 : i32 to index
      %get3A_1340 = tpu.vector_load %arg4[%get3A_1337, %get3A_1338, %get3A_1339] {strides = array<i32>} : memref<2x4x8192xf32, #tpu.memory_space<vmem>>, vector<16xf32>,
      %masked_sort3A_1341 = arith.constant dense<true> : vector<16xi1>
      %masked_sort3A_1342, %masked_sort3A_1343, %masked_sort3A_1344 = tpu.sort %get3A_1340, %get3A_1340 masked %masked_sort3A_1341 : (vector<16xf32>, vector<16xf32>, vector<16xi1>) -> (vector<16xi1>, vector<16xf32>, vector<16xf32>)
      %max3A_1345 = arith.maximumf %scan3A_686, %masked_sort3A_1343 : vector<16xf32>
      %masked_sort3A_1346 = arith.constant dense<true> : vector<16xi1>
      %masked_sort3A_1347, %masked_sort3A_1348, %masked_sort3A_1349 = tpu.sort %max3A_1345, %max3A_1345 masked %masked_sort3A_1346 {descending = true} : (vector<16xf32>, vector<16xf32>, vector<16xi1>) -> (vector<16xi1>, vector<16xf32>, vector<16xf32>)
      %mul3A_1350 = arith.constant 2 : i32
      %mul3A_1351 = arith.muli %mul3A_1350, %scan3A_666 : i32
      %add3A_1352 = arith.constant 384 : i32
      %add3A_1353 = arith.addi %add3A_1352, %mul3A_1351 : i32
      %add3A_1354 = arith.constant 1 : i32
      %add3A_1355 = arith.addi %add3A_1353, %add3A_1354 : i32
      %mul3A_1356 = arith.constant 16 : i32
      %mul3A_1357 = arith.muli %add3A_1355, %mul3A_1356 : i32
      %get3A_1358 = arith.constant 1 : i32
      %get3A_1359 = arith.constant 3 : i32
      %get3A_1360 = arith.index_cast %get3A_1358 : i32 to index
      %get3A_1361 = arith.index_cast %get3A_1359 : i32 to index
      %get3A_1362 = arith.index_cast %mul3A_1357 : i32 to index
      %get3A_1363 = tpu.vector_load %arg4[%get3A_1360, %get3A_1361, %get3A_1362] {strides = array<i32>} : memref<2x4x8192xf32, #tpu.memory_space<vmem>>, vector<16xf32>,
      %masked_sort3A_1364 = arith.constant dense<true> : vector<16xi1>
      %masked_sort3A_1365, %masked_sort3A_1366, %masked_sort3A_1367 = tpu.sort %get3A_1363, %get3A_1363 masked %masked_sort3A_1364 : (vector<16xf32>, vector<16xf32>, vector<16xi1>) -> (vector<16xi1>, vector<16xf32>, vector<16xf32>)
      %max3A_1368 = arith.maximumf %masked_sort3A_1348, %masked_sort3A_1366 : vector<16xf32>
      %masked_sort3A_1369 = arith.constant dense<true> : vector<16xi1>
      %masked_sort3A_1370, %masked_sort3A_1371, %masked_sort3A_1372 = tpu.sort %max3A_1368, %max3A_1368 masked %masked_sort3A_1369 {descending = true} : (vector<16xf32>, vector<16xf32>, vector<16xi1>) -> (vector<16xi1>, vector<16xf32>, vector<16xf32>)
      scf.yield %max3A_813, %min3A_814, %max3A_815, %min3A_816, %max3A_817, %min3A_818, %max3A_819, %min3A_820, %masked_sort3A_865, %masked_sort3A_911, %masked_sort3A_957, %masked_sort3A_1003, %masked_sort3A_1049, %masked_sort3A_1095, %masked_sort3A_1141, %masked_sort3A_1187, %masked_sort3A_1233, %masked_sort3A_1279, %masked_sort3A_1325, %masked_sort3A_1371 : vector<16xf32>, vector<16xf32>, vector<16xf32>, vector<16xf32>, vector<16xf32>, vector<16xf32>, vector<16xf32>, vector<16xf32>, vector<16xf32>, vector<16xf32>, vector<16xf32>, vector<16xf32>, vector<16xf32>, vector<16xf32>, vector<16xf32>, vector<16xf32>, vector<16xf32>, vector<16xf32>, vector<16xf32>, vector<16xf32>
    }
    %scan3A_504 = arith.constant 64 : i32
    %masked_sort3A = arith.constant dense<true> : vector<16xi1>
    %masked_sort3A_505, %masked_sort3A_506, %masked_sort3A_507 = tpu.sort %scan3A_503#0, %scan3A_503#0 masked %masked_sort3A {descending = true} : (vector<16xf32>, vector<16xf32>, vector<16xi1>) -> (vector<16xi1>, vector<16xf32>, vector<16xf32>)
    %masked_sort3A_508 = arith.constant dense<true> : vector<16xi1>
    %masked_sort3A_509, %masked_sort3A_510, %masked_sort3A_511 = tpu.sort %scan3A_503#1, %scan3A_503#1 masked %masked_sort3A_508 : (vector<16xf32>, vector<16xf32>, vector<16xi1>) -> (vector<16xi1>, vector<16xf32>, vector<16xf32>)
    %max3A = arith.maximumf %masked_sort3A_506, %masked_sort3A_510 : vector<16xf32>
    %masked_sort3A_512 = arith.constant dense<true> : vector<16xi1>
    %masked_sort3A_513, %masked_sort3A_514, %masked_sort3A_515 = tpu.sort %max3A, %max3A masked %masked_sort3A_512 {descending = true} : (vector<16xf32>, vector<16xf32>, vector<16xi1>) -> (vector<16xi1>, vector<16xf32>, vector<16xf32>)
    %masked_sort3A_516 = arith.constant dense<true> : vector<16xi1>
    %masked_sort3A_517, %masked_sort3A_518, %masked_sort3A_519 = tpu.sort %scan3A_503#2, %scan3A_503#2 masked %masked_sort3A_516 : (vector<16xf32>, vector<16xf32>, vector<16xi1>) -> (vector<16xi1>, vector<16xf32>, vector<16xf32>)
    %max3A_520 = arith.maximumf %masked_sort3A_514, %masked_sort3A_518 : vector<16xf32>
    %masked_sort3A_521 = arith.constant dense<true> : vector<16xi1>
    %masked_sort3A_522, %masked_sort3A_523, %masked_sort3A_524 = tpu.sort %max3A_520, %max3A_520 masked %masked_sort3A_521 {descending = true} : (vector<16xf32>, vector<16xf32>, vector<16xi1>) -> (vector<16xi1>, vector<16xf32>, vector<16xf32>)
    %masked_sort3A_525 = arith.constant dense<true> : vector<16xi1>
    %masked_sort3A_526, %masked_sort3A_527, %masked_sort3A_528 = tpu.sort %scan3A_503#3, %scan3A_503#3 masked %masked_sort3A_525 : (vector<16xf32>, vector<16xf32>, vector<16xi1>) -> (vector<16xi1>, vector<16xf32>, vector<16xf32>)
    %max3A_529 = arith.maximumf %masked_sort3A_523, %masked_sort3A_527 : vector<16xf32>
    %masked_sort3A_530 = arith.constant dense<true> : vector<16xi1>
    %masked_sort3A_531, %masked_sort3A_532, %masked_sort3A_533 = tpu.sort %max3A_529, %max3A_529 masked %masked_sort3A_530 {descending = true} : (vector<16xf32>, vector<16xf32>, vector<16xi1>) -> (vector<16xi1>, vector<16xf32>, vector<16xf32>)
    %masked_sort3A_534 = arith.constant dense<true> : vector<16xi1>
    %masked_sort3A_535, %masked_sort3A_536, %masked_sort3A_537 = tpu.sort %scan3A_503#4, %scan3A_503#4 masked %masked_sort3A_534 : (vector<16xf32>, vector<16xf32>, vector<16xi1>) -> (vector<16xi1>, vector<16xf32>, vector<16xf32>)
    %max3A_538 = arith.maximumf %masked_sort3A_532, %masked_sort3A_536 : vector<16xf32>
    %masked_sort3A_539 = arith.constant dense<true> : vector<16xi1>
    %masked_sort3A_540, %masked_sort3A_541, %masked_sort3A_542 = tpu.sort %max3A_538, %max3A_538 masked %masked_sort3A_539 {descending = true} : (vector<16xf32>, vector<16xf32>, vector<16xi1>) -> (vector<16xi1>, vector<16xf32>, vector<16xf32>)
    %masked_sort3A_543 = arith.constant dense<true> : vector<16xi1>
    %masked_sort3A_544, %masked_sort3A_545, %masked_sort3A_546 = tpu.sort %scan3A_503#5, %scan3A_503#5 masked %masked_sort3A_543 : (vector<16xf32>, vector<16xf32>, vector<16xi1>) -> (vector<16xi1>, vector<16xf32>, vector<16xf32>)
    %max3A_547 = arith.maximumf %masked_sort3A_541, %masked_sort3A_545 : vector<16xf32>
    %masked_sort3A_548 = arith.constant dense<true> : vector<16xi1>
    %masked_sort3A_549, %masked_sort3A_550, %masked_sort3A_551 = tpu.sort %max3A_547, %max3A_547 masked %masked_sort3A_548 {descending = true} : (vector<16xf32>, vector<16xf32>, vector<16xi1>) -> (vector<16xi1>, vector<16xf32>, vector<16xf32>)
    %masked_sort3A_552 = arith.constant dense<true> : vector<16xi1>
    %masked_sort3A_553, %masked_sort3A_554, %masked_sort3A_555 = tpu.sort %scan3A_503#6, %scan3A_503#6 masked %masked_sort3A_552 : (vector<16xf32>, vector<16xf32>, vector<16xi1>) -> (vector<16xi1>, vector<16xf32>, vector<16xf32>)
    %max3A_556 = arith.maximumf %masked_sort3A_550, %masked_sort3A_554 : vector<16xf32>
    %masked_sort3A_557 = arith.constant dense<true> : vector<16xi1>
    %masked_sort3A_558, %masked_sort3A_559, %masked_sort3A_560 = tpu.sort %max3A_556, %max3A_556 masked %masked_sort3A_557 {descending = true} : (vector<16xf32>, vector<16xf32>, vector<16xi1>) -> (vector<16xi1>, vector<16xf32>, vector<16xf32>)
    %masked_sort3A_561 = arith.constant dense<true> : vector<16xi1>
    %masked_sort3A_562, %masked_sort3A_563, %masked_sort3A_564 = tpu.sort %scan3A_503#7, %scan3A_503#7 masked %masked_sort3A_561 : (vector<16xf32>, vector<16xf32>, vector<16xi1>) -> (vector<16xi1>, vector<16xf32>, vector<16xf32>)
    %max3A_565 = arith.maximumf %masked_sort3A_559, %masked_sort3A_563 : vector<16xf32>
    %masked_sort3A_566 = arith.constant dense<true> : vector<16xi1>
    %masked_sort3A_567, %masked_sort3A_568, %masked_sort3A_569 = tpu.sort %max3A_565, %max3A_565 masked %masked_sort3A_566 {descending = true} : (vector<16xf32>, vector<16xf32>, vector<16xi1>) -> (vector<16xi1>, vector<16xf32>, vector<16xf32>)
    %swap3A = arith.constant 0 : i32
    %swap3A_570 = arith.index_cast %swap3A : i32 to index
    %swap3A_571 = arith.constant 0 : index
    %swap3A_572 = tpu.vector_load %arg5[%swap3A_570, %swap3A_571] {strides = array<i32>} : memref<4x16xf32, #tpu.memory_space<vmem>>, vector<16xf32>,
    tpu.vector_store %arg5[%swap3A_570, %swap3A_571], %masked_sort3A_568 {strides = array<i32>} : memref<4x16xf32, #tpu.memory_space<vmem>>, vector<16xf32>,
    %masked_sort3A_573 = arith.constant dense<true> : vector<16xi1>
    %masked_sort3A_574, %masked_sort3A_575, %masked_sort3A_576 = tpu.sort %scan3A_503#9, %scan3A_503#9 masked %masked_sort3A_573 : (vector<16xf32>, vector<16xf32>, vector<16xi1>) -> (vector<16xi1>, vector<16xf32>, vector<16xf32>)
    %max3A_577 = arith.maximumf %scan3A_503#8, %masked_sort3A_575 : vector<16xf32>
    %masked_sort3A_578 = arith.constant dense<true> : vector<16xi1>
    %masked_sort3A_579, %masked_sort3A_580, %masked_sort3A_581 = tpu.sort %max3A_577, %max3A_577 masked %masked_sort3A_578 {descending = true} : (vector<16xf32>, vector<16xf32>, vector<16xi1>) -> (vector<16xi1>, vector<16xf32>, vector<16xf32>)
    %masked_sort3A_582 = arith.constant dense<true> : vector<16xi1>
    %masked_sort3A_583, %masked_sort3A_584, %masked_sort3A_585 = tpu.sort %scan3A_503#10, %scan3A_503#10 masked %masked_sort3A_582 : (vector<16xf32>, vector<16xf32>, vector<16xi1>) -> (vector<16xi1>, vector<16xf32>, vector<16xf32>)
    %max3A_586 = arith.maximumf %masked_sort3A_580, %masked_sort3A_584 : vector<16xf32>
    %masked_sort3A_587 = arith.constant dense<true> : vector<16xi1>
    %masked_sort3A_588, %masked_sort3A_589, %masked_sort3A_590 = tpu.sort %max3A_586, %max3A_586 masked %masked_sort3A_587 {descending = true} : (vector<16xf32>, vector<16xf32>, vector<16xi1>) -> (vector<16xi1>, vector<16xf32>, vector<16xf32>)
    %masked_sort3A_591 = arith.constant dense<true> : vector<16xi1>
    %masked_sort3A_592, %masked_sort3A_593, %masked_sort3A_594 = tpu.sort %scan3A_503#11, %scan3A_503#11 masked %masked_sort3A_591 : (vector<16xf32>, vector<16xf32>, vector<16xi1>) -> (vector<16xi1>, vector<16xf32>, vector<16xf32>)
    %max3A_595 = arith.maximumf %masked_sort3A_589, %masked_sort3A_593 : vector<16xf32>
    %masked_sort3A_596 = arith.constant dense<true> : vector<16xi1>
    %masked_sort3A_597, %masked_sort3A_598, %masked_sort3A_599 = tpu.sort %max3A_595, %max3A_595 masked %masked_sort3A_596 {descending = true} : (vector<16xf32>, vector<16xf32>, vector<16xi1>) -> (vector<16xi1>, vector<16xf32>, vector<16xf32>)
    %swap3A_600 = arith.constant 1 : i32
    %swap3A_601 = arith.index_cast %swap3A_600 : i32 to index
    %swap3A_602 = arith.constant 0 : index
    %swap3A_603 = tpu.vector_load %arg5[%swap3A_601, %swap3A_602] {strides = array<i32>} : memref<4x16xf32, #tpu.memory_space<vmem>>, vector<16xf32>,
    tpu.vector_store %arg5[%swap3A_601, %swap3A_602], %masked_sort3A_598 {strides = array<i32>} : memref<4x16xf32, #tpu.memory_space<vmem>>, vector<16xf32>,
    %masked_sort3A_604 = arith.constant dense<true> : vector<16xi1>
    %masked_sort3A_605, %masked_sort3A_606, %masked_sort3A_607 = tpu.sort %scan3A_503#13, %scan3A_503#13 masked %masked_sort3A_604 : (vector<16xf32>, vector<16xf32>, vector<16xi1>) -> (vector<16xi1>, vector<16xf32>, vector<16xf32>)
    %max3A_608 = arith.maximumf %scan3A_503#12, %masked_sort3A_606 : vector<16xf32>
    %masked_sort3A_609 = arith.constant dense<true> : vector<16xi1>
    %masked_sort3A_610, %masked_sort3A_611, %masked_sort3A_612 = tpu.sort %max3A_608, %max3A_608 masked %masked_sort3A_609 {descending = true} : (vector<16xf32>, vector<16xf32>, vector<16xi1>) -> (vector<16xi1>, vector<16xf32>, vector<16xf32>)
    %masked_sort3A_613 = arith.constant dense<true> : vector<16xi1>
    %masked_sort3A_614, %masked_sort3A_615, %masked_sort3A_616 = tpu.sort %scan3A_503#14, %scan3A_503#14 masked %masked_sort3A_613 : (vector<16xf32>, vector<16xf32>, vector<16xi1>) -> (vector<16xi1>, vector<16xf32>, vector<16xf32>)
    %max3A_617 = arith.maximumf %masked_sort3A_611, %masked_sort3A_615 : vector<16xf32>
    %masked_sort3A_618 = arith.constant dense<true> : vector<16xi1>
    %masked_sort3A_619, %masked_sort3A_620, %masked_sort3A_621 = tpu.sort %max3A_617, %max3A_617 masked %masked_sort3A_618 {descending = true} : (vector<16xf32>, vector<16xf32>, vector<16xi1>) -> (vector<16xi1>, vector<16xf32>, vector<16xf32>)
    %masked_sort3A_622 = arith.constant dense<true> : vector<16xi1>
    %masked_sort3A_623, %masked_sort3A_624, %masked_sort3A_625 = tpu.sort %scan3A_503#15, %scan3A_503#15 masked %masked_sort3A_622 : (vector<16xf32>, vector<16xf32>, vector<16xi1>) -> (vector<16xi1>, vector<16xf32>, vector<16xf32>)
    %max3A_626 = arith.maximumf %masked_sort3A_620, %masked_sort3A_624 : vector<16xf32>
    %masked_sort3A_627 = arith.constant dense<true> : vector<16xi1>
    %masked_sort3A_628, %masked_sort3A_629, %masked_sort3A_630 = tpu.sort %max3A_626, %max3A_626 masked %masked_sort3A_627 {descending = true} : (vector<16xf32>, vector<16xf32>, vector<16xi1>) -> (vector<16xi1>, vector<16xf32>, vector<16xf32>)
    %swap3A_631 = arith.constant 2 : i32
    %swap3A_632 = arith.index_cast %swap3A_631 : i32 to index
    %swap3A_633 = arith.constant 0 : index
    %swap3A_634 = tpu.vector_load %arg5[%swap3A_632, %swap3A_633] {strides = array<i32>} : memref<4x16xf32, #tpu.memory_space<vmem>>, vector<16xf32>,
    tpu.vector_store %arg5[%swap3A_632, %swap3A_633], %masked_sort3A_629 {strides = array<i32>} : memref<4x16xf32, #tpu.memory_space<vmem>>, vector<16xf32>,
    %masked_sort3A_635 = arith.constant dense<true> : vector<16xi1>
    %masked_sort3A_636, %masked_sort3A_637, %masked_sort3A_638 = tpu.sort %scan3A_503#17, %scan3A_503#17 masked %masked_sort3A_635 : (vector<16xf32>, vector<16xf32>, vector<16xi1>) -> (vector<16xi1>, vector<16xf32>, vector<16xf32>)
    %max3A_639 = arith.maximumf %scan3A_503#16, %masked_sort3A_637 : vector<16xf32>
    %masked_sort3A_640 = arith.constant dense<true> : vector<16xi1>
    %masked_sort3A_641, %masked_sort3A_642, %masked_sort3A_643 = tpu.sort %max3A_639, %max3A_639 masked %masked_sort3A_640 {descending = true} : (vector<16xf32>, vector<16xf32>, vector<16xi1>) -> (vector<16xi1>, vector<16xf32>, vector<16xf32>)
    %masked_sort3A_644 = arith.constant dense<true> : vector<16xi1>
    %masked_sort3A_645, %masked_sort3A_646, %masked_sort3A_647 = tpu.sort %scan3A_503#18, %scan3A_503#18 masked %masked_sort3A_644 : (vector<16xf32>, vector<16xf32>, vector<16xi1>) -> (vector<16xi1>, vector<16xf32>, vector<16xf32>)
    %max3A_648 = arith.maximumf %masked_sort3A_642, %masked_sort3A_646 : vector<16xf32>
    %masked_sort3A_649 = arith.constant dense<true> : vector<16xi1>
    %masked_sort3A_650, %masked_sort3A_651, %masked_sort3A_652 = tpu.sort %max3A_648, %max3A_648 masked %masked_sort3A_649 {descending = true} : (vector<16xf32>, vector<16xf32>, vector<16xi1>) -> (vector<16xi1>, vector<16xf32>, vector<16xf32>)
    %masked_sort3A_653 = arith.constant dense<true> : vector<16xi1>
    %masked_sort3A_654, %masked_sort3A_655, %masked_sort3A_656 = tpu.sort %scan3A_503#19, %scan3A_503#19 masked %masked_sort3A_653 : (vector<16xf32>, vector<16xf32>, vector<16xi1>) -> (vector<16xi1>, vector<16xf32>, vector<16xf32>)
    %max3A_657 = arith.maximumf %masked_sort3A_651, %masked_sort3A_655 : vector<16xf32>
    %masked_sort3A_658 = arith.constant dense<true> : vector<16xi1>
    %masked_sort3A_659, %masked_sort3A_660, %masked_sort3A_661 = tpu.sort %max3A_657, %max3A_657 masked %masked_sort3A_658 {descending = true} : (vector<16xf32>, vector<16xf32>, vector<16xi1>) -> (vector<16xi1>, vector<16xf32>, vector<16xf32>)
    %swap3A_662 = arith.constant 3 : i32
    %swap3A_663 = arith.index_cast %swap3A_662 : i32 to index
    %swap3A_664 = arith.constant 0 : index
    %swap3A_665 = tpu.vector_load %arg5[%swap3A_663, %swap3A_664] {strides = array<i32>} : memref<4x16xf32, #tpu.memory_space<vmem>>, vector<16xf32>,
    tpu.vector_store %arg5[%swap3A_663, %swap3A_664], %masked_sort3A_660 {strides = array<i32>} : memref<4x16xf32, #tpu.memory_space<vmem>>, vector<16xf32>,
    "tpu.region"() ({
      %run_scoped3A = tpu.sem_alloc : memref<!tpu.dma_semaphore, #tpu.memory_space<semaphore_mem>>
      %dma_start3A_666 = arith.constant 0 : i32
      %dma_start3A_667 = tpu.memref_slice %arg3[%mul3A_2, %dma_start3A_666] : memref<128x16xf32, #tpu.memory_space<hbm>> -> memref<4x16xf32, #tpu.memory_space<hbm>>
      %dma_start3A_668 = arith.constant 0 : i32
      %dma_start3A_669 = tpu.memref_slice %arg3[%mul3A_2, %dma_start3A_668] : memref<128x16xf32, #tpu.memory_space<hbm>> -> memref<4x16xf32, #tpu.memory_space<hbm>>
      tpu.enqueue_dma source(%arg5 : memref<4x16xf32, #tpu.memory_space<vmem>>) target(%dma_start3A_669 : memref<4x16xf32, #tpu.memory_space<hbm>>) target_semaphore(%run_scoped3A : memref<!tpu.dma_semaphore, #tpu.memory_space<semaphore_mem>>)
      %dma_wait3A_670 = arith.constant 0 : i32
      %dma_wait3A_671 = tpu.memref_slice %arg3[%mul3A_2, %dma_wait3A_670] : memref<128x16xf32, #tpu.memory_space<hbm>> -> memref<4x16xf32, #tpu.memory_space<hbm>>
      %dma_wait3A_672 = arith.constant 0 : i32
      %dma_wait3A_673 = tpu.memref_slice %arg3[%mul3A_2, %dma_wait3A_672] : memref<128x16xf32, #tpu.memory_space<hbm>> -> memref<4x16xf32, #tpu.memory_space<hbm>>
      tpu.wait_dma2 semaphore(%run_scoped3A : memref<!tpu.dma_semaphore, #tpu.memory_space<semaphore_mem>>) src(%arg5 : memref<4x16xf32, #tpu.memory_space<vmem>>) dst(%dma_wait3A_673 : memref<4x16xf32, #tpu.memory_space<hbm>>)
      tpu.yield
    }) : () -> ()
    return
  }
}

</mosaic_0001>

<sc_bundles>
// kernel: kernel.3.cloned.1.call-start
scs
__scs_entry_jumppad:
0x0: {  	(pc) =	sbr.rel $0x88, $3  }
0x1: {  	(tag) =	ssettag $0x0;
	lr =	simm.s32 $0x1  }
0x2: {  	[smem:$0x3FA0] =	sst lr;
	_ =	strace $0xD0000000  }
0x3: {  	_ = 	snop  }
0x4: {  	_ = 	snop  }
0x5: {  	_ = 	snop  }
0x6: {  	_ = 	snop  }
0x7: {  	_ = 	snop  }
__scs_overlays_trampoline_lowered:
0x8: {  	[smem:$0x3FAF] =	sst s0  }
0x9: {  	[smem:$0x3FB0] =	sst s1  }
0xa: {  	[smem:$0x3FB1] =	sst s2  }
0xb: {  	[smem:$0x3FB2] =	sst s3  }
0xc: {  	[smem:$0x3FB3] =	sst s4  }
0xd: {  	[smem:$0x3FB4] =	sst s5  }
0xe: {  	[smem:$0x3FB5] =	sst s6  }
0xf: {  	[smem:$0x3FB6] =	sst s7  }
0x10: {  	[smem:$0x3FB7] =	sst s8  }
0x11: {  	[smem:$0x3FB8] =	sst s9;
	s0 =	simm.s32 @!p0 $0x0  }
0x12: {  	s1 =	sld [smem:$0x3F9E];
	s0 =	simm.s32 @p0 $0x1  }
0x13: {  	[smem:$0x3FB9] =	sst s0;
	s0 =	simm.s32 @!p1 $0x0  }
0x14: {  	s2 =	sld [smem:$0x3F9D];
	s0 =	simm.s32 @p1 $0x1  }
0x15: {  	[smem:$0x3FBA] =	sst s0;
	s0 =	simm.s32 @!p2 $0x0  }
0x16: {  	s3 =	sld [smem:$0x3FDB];
	s0 =	simm.s32 @p2 $0x1  }
0x17: {  	s4 =	simm.s32 $0x1BF5;
	[smem:$0x3FBC] =	sst s0  }
0x18: {  	s0 =	sld [smem:$0x3F9F];
	_ =	swait.ge [sflag:s4], $0x0  }
0x19: {  	s7 =	sld [smem:$0x3FA0]  }
0x1a: {  	s8 =	sadd.s32 $0xFFFFE003, lr  }
0x1b: {  	s9 =	sadd.s32 $0xFFFFFEF7, lr;
	s5 =	simm.s32 $0xFFFFFFFF;
	p2 =	slt.u32 s8, $0xFFFFF086  }
0x1c: {  	p1 =	slt.u32 s9, $0xF7A;
	s5 =	simm.s32 @!p2 $0x0  }
0x1d: {  	s5 =	simm.s32 @p1 $0x1;
	p0 =	seq.s32 s7, s2  }
0x1e: {  	s7 =	smul.u32 @!p0 $0xF7A, s2;
	p2 =	seq.s32 @!p0 s5, $0x0  }
0x1f: {  	s9 =	smul.u32 $0xF7A, s1;
	s8 =	simm.s32 @!p0 $0x1BF5;
	p2 =	por !p2, p0  }
0x20: {  	[sflag:s8] =	ssyncset.s32 @!p0 $0xFFFFF086;
	s6 =	sadd.s32 @!p0 s3, s7;
	s7 =	simm.s32 @!p0 $0x108  }
0x21: {  	s3 =	sadd.s32 s3, s9;
	s6 =	sadd.s32 @!p0 $0x88, s6;
	s7 =	simm.s32 @p2 $0x1082  }
0x22: {  	[simem:s7], [sflag:s8] =	dma.local @!p0 [hbm:s6], $0xF7A  }
0x23: {  	s9 =	sor.u32 $0xD0000000, s2;
	s6 =	simm.s32 $0x108;
	_ =	swait.ge @!p0 [sflag:s8], $0x0  }
0x24: {  	s3 =	sadd.s32 $0x88, s3;
	s6 =	simm.s32 @!p1 $0x1082;
	[sflag:s4] =	ssyncset.s32 $0xFFFFF086  }
0x25: {  	[simem:s6], [sflag:s4] =	dma.local [hbm:s3], $0xF7A  }
0x26: {  	[smem:$0x3FA0] =	sst s1;
	(tag) =	ssettag s2;
	_ =	strace s9  }
0x27: {  	s1 =	sld [smem:$0x3FB0]  }
0x28: {  	s2 =	sld [smem:$0x3FB1]  }
0x29: {  	s4 =	sld [smem:$0x3FB3]  }
0x2a: {  	p0 =	seq.s32 s5, $0x0;
	s5 =	sld [smem:$0x3FB4]  }
0x2b: {  	s6 =	sld [smem:$0x3FB5]  }
0x2c: {  	s7 =	sld [smem:$0x3FB6]  }
0x2d: {  	s3 =	simm.s32 $0x108;
	s8 =	sld [smem:$0x3FB7]  }
0x2e: {  	s3 =	simm.s32 @!p0 $0x1082;
	s9 =	sld [smem:$0x3FB8]  }
0x2f: {  	lr =	sadd.s32 s0, s3;
	s0 =	sld [smem:$0x3FAF]  }
0x30: {  	s3 =	sld [smem:$0x3FB2]  }
0x31: {  	[smem:$0x3FBB] =	sst s10  }
0x32: {  	s10 =	sld [smem:$0x3FB9];
	_ =	sdelay $0x3  }
0x33: {  	p0 =	seq.s32 s10, $0x1;
	s10 =	sld [smem:$0x3FBB];
	_ =	sdelay $0x3  }
0x34: {  	[smem:$0x3FBB] =	sst s10  }
0x35: {  	s10 =	sld [smem:$0x3FBA];
	_ =	sdelay $0x3  }
0x36: {  	p1 =	seq.s32 s10, $0x1;
	s10 =	sld [smem:$0x3FBB];
	_ =	sdelay $0x3  }
0x37: {  	[smem:$0x3FBB] =	sst s10  }
0x38: {  	s10 =	sld [smem:$0x3FBC]  }
0x39: {  	_ = 	snop;
	(pc) =	sbr.ind lr, $3  }
0x3a: {  	_ = 	snop  }
0x3b: {  	_ = 	snop  }
0x3c: {  	p2 =	seq.s32 s10, $0x1;
	s10 =	sld [smem:$0x3FBB]  }
0x3d: {  	_ =	shalt  }
0x3e: {  	_ =	shalt  }
0x3f: {  	_ =	shalt  }
0x40: {  	_ =	shalt  }
0x41: {  	_ =	shalt  }
0x42: {  	_ =	shalt  }
0x43: {  	_ =	shalt  }
0x44: {  	_ =	shalt  }
0x45: {  	_ =	shalt  }
0x46: {  	_ =	shalt  }
0x47: {  	_ =	shalt  }
0x48: {  	_ =	shalt  }
0x49: {  	_ =	shalt  }
0x4a: {  	_ =	shalt  }
0x4b: {  	_ =	shalt  }
0x4c: {  	_ =	shalt  }
0x4d: {  	_ =	shalt  }
0x4e: {  	_ =	shalt  }
0x4f: {  	_ =	shalt  }
0x50: {  	_ =	shalt  }
0x51: {  	_ =	shalt  }
0x52: {  	_ =	shalt  }
0x53: {  	_ =	shalt  }
0x54: {  	_ =	shalt  }
0x55: {  	_ =	shalt  }
0x56: {  	_ =	shalt  }
0x57: {  	_ =	shalt  }
0x58: {  	_ =	shalt  }
0x59: {  	_ =	shalt  }
0x5a: {  	_ =	shalt  }
0x5b: {  	_ =	shalt  }
0x5c: {  	_ =	shalt  }
0x5d: {  	_ =	shalt  }
0x5e: {  	_ =	shalt  }
0x5f: {  	_ =	shalt  }
0x60: {  	_ =	shalt  }
0x61: {  	_ =	shalt  }
0x62: {  	_ =	shalt  }
0x63: {  	_ =	shalt  }
0x64: {  	_ =	shalt  }
0x65: {  	_ =	shalt  }
0x66: {  	_ =	shalt  }
0x67: {  	_ =	shalt  }
0x68: {  	_ =	shalt  }
0x69: {  	_ =	shalt  }
0x6a: {  	_ =	shalt  }
0x6b: {  	_ =	shalt  }
0x6c: {  	_ =	shalt  }
0x6d: {  	_ =	shalt  }
0x6e: {  	_ =	shalt  }
0x6f: {  	_ =	shalt  }
0x70: {  	_ =	shalt  }
0x71: {  	_ =	shalt  }
0x72: {  	_ =	shalt  }
0x73: {  	_ =	shalt  }
0x74: {  	_ =	shalt  }
0x75: {  	_ =	shalt  }
0x76: {  	_ =	shalt  }
0x77: {  	_ =	shalt  }
0x78: {  	_ =	shalt  }
0x79: {  	_ =	shalt  }
0x7a: {  	_ =	shalt  }
0x7b: {  	_ =	shalt  }
0x7c: {  	_ =	shalt  }
0x7d: {  	_ =	shalt  }
0x7e: {  	_ =	shalt  }
0x7f: {  	_ =	shalt  }
0x80: {  	_ =	shalt  }
0x81: {  	_ =	shalt  }
0x82: {  	_ =	shalt  }
0x83: {  	_ =	shalt  }
0x84: {  	_ =	shalt  }
0x85: {  	_ =	shalt  }
0x86: {  	_ =	shalt  }
0x87: {  	_ =	shalt  }
.Lfunc_end0:
.L_simem_size_0:
called_computation_lowered:
.L_overlay_start_0:
0x88: {  	s2 =	sld [smem:$0x3FD9]  }
0x89: {  	s3 =	sld [smem:$0x3FFE];
	_ =	sdelay $0x1  }
0x8a: {  	s1 =	srdreg.scid  }
0x8b: {  	s0 =	sand.u32 $0x1, s1  }
0x8c: {  	s17 =	sshll.u32 s0, $0xA;
	s2 =	sadd.s32 s3, s2  }
0x8d: {  	s2 =	sadd.s32 s2, s17  }
0x8e: {  	[smem:$0x3FC7] =	sst s2  }
0x8f: {  	_ = 	snop  }
0x90: {  	s2 =	sld [smem:$0x3FC9];
	(tm) =	ssettm $0x1  }
0x91: {  	s18 =	sld [smem:$0x3FFB];
	_ =	sdelay $0x3  }
0x92: {  	_ =	strace s18  }
0x93: {  	s3 =	sld [smem:$0x3FFC];
	_ =	sdelay $0x3  }
0x94: {  	_ =	strace s3  }
0x95: {  	s3 =	sld [smem:$0x3FFD];
	_ =	sdelay $0x3  }
0x96: {  	_ =	strace s3  }
0x97: {  	_ =	strace $0x8FFFFFFF  }
0x98: {  	s19 =	sld [smem:$0x3FDB];
	_ =	sdelay $0x1  }
0x99: {  	s4 =	simm.s32 $_scs_section_size  }
0x9a: {  	s5 =	simm.s32 $_size__tile_overlayer_lowered;
	s6 =	simm.s32 $_tile_overlayer_lowered  }
0x9b: {  	s22 =	simm.s32 $0x1BFF;
	s21 =	sshll.u32 s6, $0x1;
	s3 =	sadd.s32 s4, s19  }
0x9c: {  	s7 =	simm.s32 $0x0;
	s20 =	sshll.u32 s5, $0x1;
	s5 =	sadd.s32 s21, s3  }
0x9d: {  	[timem:s7], [sflag:s22] =	dma.local [hbm:s5], s20  }
0x9e: {  	_ =	swait.ge [sflag:s22], s20  }
0x9f: {  	s4 =	ssub.s32 $0x0, s20;
	[sflag:s22] =	ssyncset.done $0x0  }
0xa0: {  	[sflag:s22] =	ssyncadd.s32 s4;
	_ =	sdelay $0x1  }
0xa1: {  	s23 =	simm.s32 $0x1B8B  }
0xa2: {  	_ =	swait.ge [sflag:s23], $0x1  }
0xa3: {  	[sflag:s23] =	ssyncset.done $0x0  }
0xa4: {  	s25 =	simm.s32 $0x1B8E;
	s24 =	sld [smem:$0x3FFE];
	[sflag:s23] =	ssyncadd.s32 $0xFFFFFFFF  }
0xa5: {  	s26 =	simm.s32 $execute0_lowered;
	[smem:$0x3FD2] =	sst s25  }
0xa6: {  	s5 =	sshll.u32 s26, $0x1;
	_ =	strace $0x80000046;
	[dreg:$0x1] =	wrdreg $0xFFFFFFFF  }
0xa7: {  	s28 =	simm.s32 $_size_execute0_lowered;
	s3 =	sadd.s32 s3, s5;
	[dreg:$0x0] =	wrdreg $0x0  }
0xa8: {  	s5 =	sshll.u32 s28, $0x1;
	[dreg:$0x2] =	wrdreg s3  }
0xa9: {  	[dreg:$0x3] =	wrdreg s5  }
0xaa: {  	[dreg:$0x4] =	wrdreg $0xC0  }
0xab: {  	_ =	task [dreg:s7], $0x5FFFF  }
0xac: {  	[dreg:$0x1] =	wrdreg $0xFFFFFFFF  }
0xad: {  	[dreg:$0x0] =	wrdreg $0x60  }
0xae: {  	[dreg:$0x2] =	wrdreg s2  }
0xaf: {  	[dreg:$0x3] =	wrdreg s24  }
0xb0: {  	[dreg:$0x4] =	wrdreg $0x9  }
0xb1: {  	_ =	task.clear_ibuf [dreg:s7], $0x5FFFF;
	_ =	strace $0x90000046  }
0xb2: {  	s29 =	simm.s32 $0x9;
	_ =	strace $0x80000048  }
0xb3: {  	_ =	swait.ge [sflag:s29], $0x1  }
0xb4: {  	[sflag:s29] =	ssyncadd.s32 $0xFFFFFFFF  }
0xb5: {  	_ =	strace $0x90000048  }
0xb6: {  	_ =	sfence  }
0xb7: {  	s30 =	sld [smem:$0x0];
	_ =	sdelay $0x2  }
0xb8: {  	s31 =	sshll.u32 s1, $0xD;
	s1 =	sshrl.u32 s1, $0x2  }
0xb9: {  	s3 =	sand.u32 $0x4000, s31;
	s1 =	sadd.s32 s1, s30  }
0xba: {  	s0 =	sor.u32 s3, s0;
	s1 =	sshll.u32 s1, $0x11  }
0xbb: {  	s0 =	sor.u32 s1, s0  }
0xbc: {  	s0 =	sadd.s32 $0x8F2B, s0  }
0xbd: {  	[sflag:s0] =	ssyncadd.remote.s32 $0x1  }
0xbe: {  	_ =	sfence.sel $0xFFFF  }
0xbf: {  	[dreg:$0x0] =	wrdreg $0xFFFFFFFF;
	(pc) =	sbr.abs _section_cstart, $3  }
0xc0: {  	[dreg:$0x1] =	wrdreg $0xFFFFFFFF  }
0xc1: {  	_ =	task.clear_ibuf [dreg:s7], $0x2FFFF;
	_ =	strace $0x9FFFFFFF  }
0xc2: {  	(tm) =	ssettm $0x7FFFFFFF  }
0xc3: {  	_ =	shalt  }
tec
execute0_lowered:
.L_overlay_start_1:
0x0: {  	(tag) =	ssettag $0x1  }
0x1: {  	s0 =	rddreg [dreg:$0x0]  }
0x2: {  	s1 =	rddreg [dreg:$0x1];
	s3 =	srdreg.scid  }
0x3: {  	s2 =	simm.s32 $0x0;
	s8 =	stileid.u32;
	s3 =	sand.u32 $0x1, s3  }
0x4: {  	[smem:$0x7FF] =	sst s2;
	s5 =	sshll.u32 s8, $0xA;
	s8 =	sshll.u32 s8, $0x12  }
0x5: {  	s16 =	sadd.s32 $0x2000, s0;
	s4 =	sshll.u32 s3, $0x9;
	_ =	strace $0x80000047  }
0x6: {  	s6 =	ssub.s32 $0x2, s3;
	s3 =	sshll.u32 s3, $0x11;
	s5 =	sor.u32 s4, s5  }
0x7: {  	s7 =	sshrl.u32 s6, $0x1;
	s20 =	sor.u32 s4, s8;
	s12 =	sor.u32 $0x80, s4  }
0x8: {  	s13 =	sor.u32 s3, s8;
	s14 =	sor.u32 $0x100, s4;
	s15 =	sor.u32 $0x180, s4  }
0x9: {  	s5 =	sshrl.u32 s5, $0x3;
	s19 =	ssub.s32 s6, s7;
	s21 =	sshrl.u32 s20, $0x3  }
0xa: {  	s22 =	sor.u32 s8, s12;
	s23 =	sor.u32 s8, s14;
	s24 =	sor.u32 s8, s15  }
0xb: {  	s12 =	sor.u32 s12, s13;
	s14 =	sor.u32 s14, s13;
	s26 =	sor.u32 s15, s13  }
0xc: {  	s1 =	sadd.s32 s5, s1;
	s3 =	sadd.s32 s0, s21;
	s9 =	sshrl.u32 s22, $0x3  }
0xd: {  	s10 =	sshrl.u32 s23, $0x3;
	s11 =	sshrl.u32 s24, $0x3;
	s7 =	sadd.s32 s21, s16  }
0xe: {  	s25 =	sshrl.u32 s12, $0x3;
	s17 =	sshrl.u32 s14, $0x3;
	s18 =	sshrl.u32 s26, $0x3  }
0xf: {  	s31 =	smax.u32 s19, $0x1;
	s19 =	simm.s32 $0x0;
	s4 =	sadd.s32 s0, s9  }
0x10: {  	s5 =	sadd.s32 s0, s10;
	s6 =	sadd.s32 s0, s11;
	s8 =	sadd.s32 s9, s16  }
0x11: {  	s9 =	sadd.s32 s10, s16;
	s10 =	sadd.s32 s11, s16;
	s11 =	sadd.s32 $0x4000, s3  }
0x12: {  	s28 =	sor.u32 $0x4000, s25;
	s14 =	sor.u32 $0x4000, s17;
	s29 =	sor.u32 $0x4000, s18  }
0x13: {  	s15 =	sadd.s32 $0x6000, s3;
	s16 =	sor.u32 $0x6000, s25;
	s17 =	sor.u32 $0x6000, s17  }
0x14: {  	s18 =	sor.u32 $0x6000, s18;
	s30 =	sadd.s32 $0x400, s1;
	[dreg:$0x6] =	wrdreg s31  }
0x15: {  	[dreg:$0x3] =	wrdreg s3;
	s12 =	sadd.s32 s0, s28;
	s13 =	sadd.s32 s0, s14  }
0x16: {  	s14 =	sadd.s32 s0, s29;
	s16 =	sadd.s32 s0, s16;
	[dreg:$0x5] =	wrdreg s30  }
0x17: {  	s17 =	sadd.s32 s0, s17;
	s18 =	sadd.s32 s0, s18;
	[dreg:$0x4] =	wrdreg s4  }
.LBB2_1:
0x18: {  	[dreg:$0x7] =	wrdreg s19;
	s0 =	simm.s32 $0x80  }
0x19: {  	s20 =	sadd.s32 $0x0, s3;
	s1 =	simm.s32 $0x200;
	s19 =	simm.s32 $0x0  }
.LBB2_2:
0x1a: {  	[tilespmem:s19], [sflag:$0x1] =	stream.linear.gather [hbm4b:s20+s2], $0x80, $0x38;
	[tilespmem:$0x10200] =	vst v63  }
0x1b: {  	s20 =	smov.u32 s0;
	s19 =	smov.u32 s1;
	p0 =	sne.s32 s0, $0x1F80  }
.Ltmp0:
0x1c: {  	s0 =	sadd.s32 $0x80, s0;
	(pc) =	sbr.rel @p0 .LBB2_2-.Ltmp0, $2  }
0x1d: {  	_ =	sdelay $0x2  }
0x1e: {  	s1 =	sadd.s32 $0x200, s1;
	s20 =	sadd.s32 s20, s3  }
0x1f: {  	[tilespmem:s19], [sflag:$0x1] =	stream.linear.gather [hbm4b:s20+s2], $0x80, $0x38;
	[tilespmem:$0x10200] =	vst v63  }
0x20: {  	s0 =	simm.s32 $0x80  }
0x21: {  	s1 =	simm.s32 $0x80;
	s20 =	sadd.s32 $0x0, s4;
	s19 =	simm.s32 $0x280  }
.LBB2_4:
0x22: {  	[tilespmem:s0], [sflag:$0x1] =	stream.linear.gather [hbm4b:s20+s2], $0x80, $0x38;
	[tilespmem:$0x10200] =	vst v63  }
0x23: {  	s20 =	smov.u32 s1;
	s0 =	smov.u32 s19;
	p0 =	sne.s32 s1, $0x1F80  }
.Ltmp1:
0x24: {  	s1 =	sadd.s32 $0x80, s1;
	(pc) =	sbr.rel @p0 .LBB2_4-.Ltmp1, $2  }
0x25: {  	_ =	sdelay $0x2  }
0x26: {  	s19 =	sadd.s32 $0x200, s19;
	s20 =	sadd.s32 s20, s4  }
0x27: {  	[tilespmem:s0], [sflag:$0x1] =	stream.linear.gather [hbm4b:s20+s2], $0x80, $0x38;
	[tilespmem:$0x10200] =	vst v63  }
0x28: {  	s0 =	simm.s32 $0x100  }
0x29: {  	s1 =	simm.s32 $0x80;
	s20 =	sadd.s32 $0x0, s5;
	s19 =	simm.s32 $0x300  }
.LBB2_6:
0x2a: {  	[tilespmem:s0], [sflag:$0x1] =	stream.linear.gather [hbm4b:s20+s2], $0x80, $0x38;
	[tilespmem:$0x10200] =	vst v63  }
0x2b: {  	s20 =	smov.u32 s1;
	s0 =	smov.u32 s19;
	p0 =	sne.s32 s1, $0x1F80  }
.Ltmp2:
0x2c: {  	s1 =	sadd.s32 $0x80, s1;
	(pc) =	sbr.rel @p0 .LBB2_6-.Ltmp2, $2  }
0x2d: {  	_ =	sdelay $0x2  }
0x2e: {  	s19 =	sadd.s32 $0x200, s19;
	s20 =	sadd.s32 s20, s5  }
0x2f: {  	[tilespmem:s0], [sflag:$0x1] =	stream.linear.gather [hbm4b:s20+s2], $0x80, $0x38;
	[tilespmem:$0x10200] =	vst v63  }
0x30: {  	s0 =	simm.s32 $0x180  }
0x31: {  	s1 =	simm.s32 $0x80;
	s20 =	sadd.s32 $0x0, s6;
	s19 =	simm.s32 $0x380  }
.LBB2_8:
0x32: {  	[tilespmem:s0], [sflag:$0x1] =	stream.linear.gather [hbm4b:s20+s2], $0x80, $0x38;
	[tilespmem:$0x10200] =	vst v63  }
0x33: {  	s20 =	smov.u32 s1;
	s0 =	smov.u32 s19;
	p0 =	sne.s32 s1, $0x1F80  }
.Ltmp3:
0x34: {  	s1 =	sadd.s32 $0x80, s1;
	(pc) =	sbr.rel @p0 .LBB2_8-.Ltmp3, $2  }
0x35: {  	_ =	sdelay $0x2  }
0x36: {  	s19 =	sadd.s32 $0x200, s19;
	s20 =	sadd.s32 s20, s6  }
0x37: {  	[tilespmem:s0], [sflag:$0x1] =	stream.linear.gather [hbm4b:s20+s2], $0x80, $0x38;
	[tilespmem:$0x10200] =	vst v63  }
0x38: {  	s0 =	simm.s32 $0x8000  }
0x39: {  	s1 =	simm.s32 $0x80;
	s20 =	sadd.s32 $0x0, s7;
	s19 =	simm.s32 $0x8200  }
.LBB2_10:
0x3a: {  	[tilespmem:s0], [sflag:$0x2] =	stream.linear.gather [hbm4b:s20+s2], $0x80, $0x38;
	[tilespmem:$0x10200] =	vst v63  }
0x3b: {  	s20 =	smov.u32 s1;
	s0 =	smov.u32 s19;
	p0 =	sne.s32 s1, $0x1F80  }
.Ltmp4:
0x3c: {  	s1 =	sadd.s32 $0x80, s1;
	(pc) =	sbr.rel @p0 .LBB2_10-.Ltmp4, $2  }
0x3d: {  	_ =	sdelay $0x2  }
0x3e: {  	s19 =	sadd.s32 $0x200, s19;
	s20 =	sadd.s32 s20, s7  }
0x3f: {  	[tilespmem:s0], [sflag:$0x2] =	stream.linear.gather [hbm4b:s20+s2], $0x80, $0x38;
	[tilespmem:$0x10200] =	vst v63  }
0x40: {  	s0 =	simm.s32 $0x8080  }
0x41: {  	s1 =	simm.s32 $0x80;
	s20 =	sadd.s32 $0x0, s8;
	s19 =	simm.s32 $0x8280  }
.LBB2_12:
0x42: {  	[tilespmem:s0], [sflag:$0x2] =	stream.linear.gather [hbm4b:s20+s2], $0x80, $0x38;
	[tilespmem:$0x10200] =	vst v63  }
0x43: {  	s20 =	smov.u32 s1;
	s0 =	smov.u32 s19;
	p0 =	sne.s32 s1, $0x1F80  }
.Ltmp5:
0x44: {  	s1 =	sadd.s32 $0x80, s1;
	(pc) =	sbr.rel @p0 .LBB2_12-.Ltmp5, $2  }
0x45: {  	_ =	sdelay $0x2  }
0x46: {  	s19 =	sadd.s32 $0x200, s19;
	s20 =	sadd.s32 s20, s8  }
0x47: {  	[tilespmem:s0], [sflag:$0x2] =	stream.linear.gather [hbm4b:s20+s2], $0x80, $0x38;
	[tilespmem:$0x10200] =	vst v63  }
0x48: {  	s0 =	simm.s32 $0x8100  }
0x49: {  	s1 =	simm.s32 $0x80;
	s20 =	sadd.s32 $0x0, s9;
	s19 =	simm.s32 $0x8300  }
.LBB2_14:
0x4a: {  	[tilespmem:s0], [sflag:$0x2] =	stream.linear.gather [hbm4b:s20+s2], $0x80, $0x38;
	[tilespmem:$0x10200] =	vst v63  }
0x4b: {  	s20 =	smov.u32 s1;
	s0 =	smov.u32 s19;
	p0 =	sne.s32 s1, $0x1F80  }
.Ltmp6:
0x4c: {  	s1 =	sadd.s32 $0x80, s1;
	(pc) =	sbr.rel @p0 .LBB2_14-.Ltmp6, $2  }
0x4d: {  	_ =	sdelay $0x2  }
0x4e: {  	s19 =	sadd.s32 $0x200, s19;
	s20 =	sadd.s32 s20, s9  }
0x4f: {  	[tilespmem:s0], [sflag:$0x2] =	stream.linear.gather [hbm4b:s20+s2], $0x80, $0x38;
	[tilespmem:$0x10200] =	vst v63  }
0x50: {  	s0 =	simm.s32 $0x8180  }
0x51: {  	s1 =	simm.s32 $0x80;
	s20 =	sadd.s32 $0x0, s10;
	s19 =	simm.s32 $0x8380  }
.LBB2_16:
0x52: {  	[tilespmem:s0], [sflag:$0x2] =	stream.linear.gather [hbm4b:s20+s2], $0x80, $0x38;
	[tilespmem:$0x10200] =	vst v63  }
0x53: {  	s20 =	smov.u32 s1;
	s0 =	smov.u32 s19;
	p0 =	sne.s32 s1, $0x1F80  }
.Ltmp7:
0x54: {  	s1 =	sadd.s32 $0x80, s1;
	(pc) =	sbr.rel @p0 .LBB2_16-.Ltmp7, $2  }
0x55: {  	_ =	sdelay $0x2  }
0x56: {  	s19 =	sadd.s32 $0x200, s19;
	s20 =	sadd.s32 s20, s10  }
0x57: {  	[tilespmem:s0], [sflag:$0x2] =	stream.linear.gather [hbm4b:s20+s2], $0x80, $0x38;
	[tilespmem:$0x10200] =	vst v63  }
0x58: {  	s24 =	simm.s32 $0x1  }
0x59: {  	_ =	swait.ge [sflag:s24], $0x2000  }
0x5a: {  	[sflag:s24] =	ssyncset.done $0x0  }
0x5b: {  	[sflag:s24] =	ssyncadd.s32 $0xFFFFE000  }
0x5c: {  	_ =	swait.ge [sflag:s24], $0x2000  }
0x5d: {  	[sflag:s24] =	ssyncset.done $0x0  }
0x5e: {  	[sflag:s24] =	ssyncadd.s32 $0xFFFFE000  }
0x5f: {  	_ =	swait.ge [sflag:s24], $0x2000  }
0x60: {  	[sflag:s24] =	ssyncset.done $0x0  }
0x61: {  	[sflag:s24] =	ssyncadd.s32 $0xFFFFE000  }
0x62: {  	s25 =	simm.s32 $0x0;
	_ =	swait.ge [sflag:s24], $0x2000  }
0x63: {  	s1 =	sand.u32 $0x60, s25;
	s19 =	sand.u32 $0x1E00, s25;
	[sflag:s24] =	ssyncset.done $0x0  }
0x64: {  	s0 =	sand.u32 $0x3, s25;
	s1 =	sor.u32 s1, s19;
	[sflag:s24] =	ssyncadd.s32 $0xFFFFE000  }
0x65: {  	s0 =	sshll.u32 s0, $0x5;
	v0 =	vld [tilespmem:s1+$0x110]  }
0x66: {  	s26 =	sadd.s32 $0x0, s0;
	v1 =	vld [tilespmem:s1+$0x4180]  }
0x67: {  	s0 =	sadd.s32 $0x10, s26;
	v2 =	vld [tilespmem:s1+$0x90]  }
0x68: {  	s31 =	simm.s32 $0x4040;
	s23 =	simm.s32 $0x1010;
	s0 =	sor.u32 $0x180, s0;
	v3 =	vld [tilespmem:s1+$0x2180]  }
0x69: {  	s20 =	sand.u32 $0x5E00, s31;
	s23 =	sand.u32 $0x70, s23;
	v4 =	vld [tilespmem:s0+$0x0]  }
0x6a: {  	s3 =	sor.u32 s23, s20;
	v5 =	vld [tilespmem:s1+$0x4100]  }
0x6b: {  	v6 =	vld [tilespmem:s3+$0x180]  }
0x6c: {  	v7 =	vld [tilespmem:s1+$0x2100]  }
0x6d: {  	v8 =	vld [tilespmem:s1+$0x6100]  }
0x6e: {  	s4 =	simm.s32 $0x810;
	s21 =	simm.s32 $0x2040;
	v9 =	vld [tilespmem:s3+$0x100]  }
0x6f: {  	s20 =	sand.u32 $0x70, s4;
	s23 =	sand.u32 $0x3E00, s21;
	s19 =	sor.u32 $0x180, s26;
	v10 =	vld [tilespmem:s1+$0x100]  }
0x70: {  	s22 =	sor.u32 s20, s23;
	v11 =	vld [tilespmem:s19+$0x0];
	(xrf1) =	vsort.ascd.msk.f32 $0xffff, v1, v1  }
0x71: {  	s31 =	simm.s32 $0x40;
	v12 =	vld [tilespmem:s22+$0x100];
	(xrf1) =	vsort.ascd.msk.f32 $0xffff, v2, v2  }
0x72: {  	v20 =	vld [tilespmem:s31+$0xFFFFFFD0];
	(xrf1) =	vsort.ascd.msk.f32 $0xffff, v3, v3  }
0x73: {  	v1 =	vld [tilespmem:s1+$0x4080];
	(xrf1) =	vsort.ascd.msk.f32 $0xffff, v4, v4  }
0x74: {  	v2 =	vld [tilespmem:s1+$0x80];
	(xrf1) =	vsort.ascd.msk.f32 $0xffff, v6, v6  }
0x75: {  	v3 =	vld [tilespmem:s1+$0x2080];
	(xrf1) =	vsort.ascd.msk.f32 $0xffff, v0, v0  }
0x76: {  	v4 =	vld [tilespmem:s1+$0x6080];
	(xrf1) =	vsort.ascd.msk.f32 $0xffff, v7, v7  }
0x77: {  	v6 =	vld [tilespmem:s1+$0x6180];
	(xrf1) =	vsort.ascd.msk.f32 $0xffff, v5, v5  }
0x78: {  	v7 =	vld [tilespmem:s31+$0x20];
	(xrf1) =	vsort.ascd.msk.f32 $0xffff, v10, v10  }
0x79: {  	v5 =	vld [tilespmem:s31+$0x30];
	(xrf1) =	vsort.ascd.msk.f32 $0xffff, v8, v8  }
0x7a: {  	v8 =	vld [tilespmem:s31+$0x10];
	(xrf1) =	vsort.ascd.msk.f32 $0xffff, v1, v1  }
0x7b: {  	(xrf1) =	vsort.ascd.msk.f32 $0xffff, v3, v3;
	v3 =	vld [tilespmem:s31+$0x0]  }
0x7c: {  	v21 =	vld [tilespmem:s31+$0xFFFFFFC0];
	(xrf1) =	vsort.ascd.msk.f32 $0xffff, v4, v4  }
0x7d: {  	s28 =	simm.s32 $0x6040;
	s26 =	simm.s32 $0x1810;
	v4 =	vld [tilespmem:s22+$0x180];
	(xrf1) =	vsort.ascd.msk.f32 $0xffff, v2, v2  }
0x7e: {  	s25 =	sand.u32 $0x7E00, s28;
	s24 =	sand.u32 $0x70, s26;
	v10 =	vld [tilespmem:s31+$0xFFFFFFF0];
	v2, _, _ =	vpop (xrf1);
	(xrf1) =	vsort.ascd.msk.f32 $0xffff, v6, v6  }
0x7f: {  	s26 =	sor.u32 s24, s25;
	v17 =	vmax.f32 v7, v5;
	v19 =	vmin.f32 v7, v5;
	v6 =	vld [tilespmem:s31+$0xFFFFFFE0];
	v0, _, _ =	vpop (xrf1);
	(xrf1) =	vsort.ascd.msk.f32 $0xffff, v11, v11  }
0x80: {  	v13 =	vld [tilespmem:s26+$0x80];
	v11 =	vimm.f32 $-Inf;
	v16, _, _ =	vpop (xrf1);
	v18 =	vmax.f32 v3, v8;
	v3 =	vmin.f32 v3, v8;
	(xrf1) =	vsort.ascd.msk.f32 $0xffff, v12, v12  }
0x81: {  	v14 =	vld [tilespmem:s26+$0x180];
	v2 =	vmax.f32 v11, v2;
	v15 =	vmin.f32 v18, v17;
	v12 =	vmax.f32 v11, v16  }
0x82: {  	v8 =	vld [tilespmem:s22+$0x80];
	v1, _, _ =	vpop (xrf1);
	(xrf1) =	vsort.ascd.msk.f32 $0xffff, v4, v4;
	v17 =	vmax.f32 v18, v17;
	v18 =	vmax.f32 v3, v19  }
0x83: {  	v4 =	vld [tilespmem:s3+$0x80];
	v19 =	vmin.f32 v3, v19;
	v7, _, _ =	vpop (xrf1);
	(xrf1) =	vsort.dscd.msk.f32 $0xffff, v12, v12;
	v16 =	vmax.f32 v18, v15  }
0x84: {  	v5, _, _ =	vpop (xrf1);
	v12 =	vmax.f32 v6, v10;
	v6 =	vmin.f32 v6, v10;
	(xrf1) =	vsort.ascd.msk.f32 $0xffff, v9, v9  }
0x85: {  	v10 =	vld [tilespmem:s26+$0x100];
	v9, _, _ =	vpop (xrf1);
	(xrf1) =	vsort.ascd.msk.f32 $0xffff, v13, v13;
	v13 =	vmax.f32 v21, v20;
	v20 =	vmin.f32 v21, v20  }
0x86: {  	v3, _, _ =	vpop (xrf1);
	(xrf1) =	vsort.ascd.msk.f32 $0xffff, v14, v14;
	v21 =	vmax.f32 v13, v12;
	v22 =	vmin.f32 v13, v12  }
0x87: {  	v25 =	vmin.f32 v20, v6;
	v9 =	vmax.f32 v11, v9;
	v14, _, _ =	vpop (xrf1);
	(xrf1) =	vsort.ascd.msk.f32 $0xffff, v8, v8  }
0x88: {  	v13 =	vmax.f32 v21, v17;
	v3 =	vmax.f32 v11, v3;
	v8, _, _ =	vpop (xrf1);
	(xrf1) =	vsort.ascd.msk.f32 $0xffff, v4, v4  }
0x89: {  	v27 =	vimm.f32 $-Inf;
	v4 =	vmax.f32 v20, v6;
	v6 =	vmin.f32 v25, v19;
	v26, _, _ =	vpop (xrf1);
	(xrf1) =	vsort.dscd.msk.f32 $0xffff, v3, v3  }
0x8a: {  	v24 =	vimm.f32 $-Inf;
	v17 =	vmin.f32 v21, v17;
	v12 =	vmax.f32 v11, v6;
	v29, _, _ =	vpop (xrf1);
	(xrf1) =	vsort.ascd.msk.f32 $0xffff, v10, v10  }
0x8b: {  	v21 =	vmax.f32 v4, v22;
	v20 =	vmin.f32 v4, v22;
	v22 =	vimm.f32 $-Inf;
	v3, _, _ =	vpop (xrf1);
	(xrf1) =	vsort.dscd.msk.f32 $0xffff, v2, v2  }
0x8c: {  	v10 =	vimm.f32 $-Inf;
	v2 =	vmax.f32 v11, v8;
	v8 =	vmax.f32 v11, v14;
	v28, _, _ =	vpop (xrf1);
	(xrf1) =	vsort.dscd.msk.f32 $0xffff, v9, v9  }
0x8d: {  	v14 =	vmax.f32 v21, v16;
	v30 =	vmax.f32 v11, v3;
	v9 =	vimm.f32 $-Inf;
	v6, _, _ =	vpop (xrf1);
	(xrf1) =	vsort.dscd.msk.f32 $0xffff, v2, v2  }
0x8e: {  	s29 =	simm.s32 $0x20;
	v3 =	vimm.f32 $-Inf;
	v2 =	vimm.f32 $-Inf;
	v4 =	vmax.f32 v11, v6;
	(xrf1) =	vsort.dscd.msk.f32 $0xffff, v8, v8;
	v31, _, _ =	vpop (xrf1)  }
0x8f: {  	s30 =	simm.s32 $0x240;
	s28 =	simm.s32 $0x1;
	s26 =	simm.s32 $0x80;
	v8 =	vimm.f32 $-Inf;
	v6 =	vimm.f32 $-Inf;
	v23, _, _ =	vpop (xrf1);
	(xrf1) =	vsort.dscd.msk.f32 $0xffff, v4, v4;
	v4 =	vimm.f32 $-Inf  }
.LBB2_18:
0x90: {  	s0 =	sand.u32 $0x3, s28  }
0x91: {  	s1 =	sand.u32 $0x60, s29;
	s19 =	sand.u32 $0x1E00, s26;
	v19 =	vmax.f32 v25, v19;
	v31 =	vmax.f32 v11, v31;
	(xrf1) =	vsort.dscd.msk.f32 $0xffff, v30, v30;
	v25, _, _ =	vpop (xrf1);
	s20 =	smov.u32 s26  }
0x92: {  	v15 =	vmin.f32 v18, v15;
	v30 =	vmax.f32 v27, v29;
	s23 =	sshll.u32 s0, $0x5;
	s0 =	sor.u32 s1, s19;
	s19 =	sadd.s32 $0x4040, s26;
	(xrf1) =	vsort.dscd.msk.f32 $0xffff, v31, v31;
	v11, _, _ =	vpop (xrf1)  }
0x93: {  	s31 =	sadd.s32 $0x2040, s26;
	s1 =	sadd.s32 $0x810, s29;
	v29 =	vmax.f32 v20, v15;
	v27 =	vld [tilespmem:s0+$0x110];
	s23 =	sadd.s32 s23, s26;
	v11 =	vmax.f32 v11, v25;
	(xrf1) =	vsort.dscd.msk.f32 $0xffff, v30, v30;
	v18, _, _ =	vpop (xrf1)  }
0x94: {  	v24 =	vmax.f32 v24, v26;
	s24 =	sand.u32 $0x70, s1;
	v30 =	vmax.f32 v29, v17;
	s1 =	sor.u32 $0x180, s23;
	s23 =	sadd.s32 $0x10, s23;
	v25 =	vld [tilespmem:s0+$0x4180];
	v26, _, _ =	vpop (xrf1);
	(xrf1) =	vsort.dscd.msk.f32 $0xffff, v11, v11  }
0x95: {  	s25 =	sadd.s32 $0x1010, s29;
	v16 =	vmin.f32 v21, v16;
	v21 =	vmax.f32 v22, v28;
	s31 =	sand.u32 $0x3E00, s31;
	s19 =	sand.u32 $0x5E00, s19;
	v11 =	vld [tilespmem:s0+$0x90];
	(xrf1) =	vsort.dscd.msk.f32 $0xffff, v24, v24;
	v22, _, _ =	vpop (xrf1)  }
0x96: {  	v28 =	vmax.f32 v19, v16;
	v32 =	vmin.f32 v19, v16;
	s31 =	sor.u32 s24, s31;
	s24 =	sand.u32 $0x70, s25;
	s23 =	sor.u32 $0x180, s23;
	v24 =	vld [tilespmem:s0+$0x2180];
	(xrf1) =	vsort.dscd.msk.f32 $0xffff, v21, v21;
	v19, _, _ =	vpop (xrf1)  }
0x97: {  	p0 =	sne.s32 s26, $0x1F80;
	v9 =	vmax.f32 v9, v13;
	v15 =	vmin.f32 v20, v15;
	s26 =	sadd.s32 $0x80, s26;
	v17 =	vmin.f32 v29, v17;
	s19 =	sor.u32 s24, s19;
	v21 =	vld [tilespmem:s23+$0x0];
	v13, _, _ =	vpop (xrf1)  }
0x98: {  	v31 =	vmax.f32 v32, v15;
	v15 =	vmin.f32 v32, v15;
	v29 =	vmax.f32 v28, v17;
	v20 =	vld [tilespmem:s0+$0x4100];
	v16, _, _ =	vpop (xrf1)  }
0x99: {  	v17 =	vmin.f32 v28, v17;
	v32 =	vld [tilespmem:s19+$0x180];
	(xrf1) =	vsort.ascd.msk.f32 $0xffff, v25, v25;
	v16 =	vmax.f32 v16, v18;
	v18, _, _ =	vpop (xrf1)  }
0x9a: {  	v8 =	vmax.f32 v8, v31;
	v10 =	vmax.f32 v10, v29;
	v25 =	vld [tilespmem:s0+$0x2100];
	(xrf1) =	vsort.ascd.msk.f32 $0xffff, v11, v11;
	v11, _, _ =	vpop (xrf1)  }
0x9b: {  	v28 =	vld [tilespmem:s0+$0x6100];
	(xrf1) =	vsort.ascd.msk.f32 $0xffff, v24, v24;
	v24 =	vmax.f32 v12, v10;
	v7 =	vmax.f32 v11, v7;
	v29, _, _ =	vpop (xrf1)  }
0x9c: {  	s20 =	sadd.s32 $0x6040, s20;
	v6 =	vmax.f32 v6, v17;
	s23 =	sadd.s32 $0x1810, s29;
	v11 =	vld [tilespmem:s19+$0x100];
	v17 =	vmax.f32 v29, v23;
	v23, _, _ =	vpop (xrf1);
	(xrf1) =	vsort.dscd.msk.f32 $0xffff, v7, v7  }
0x9d: {  	s20 =	sand.u32 $0x7E00, s20;
	s23 =	sand.u32 $0x70, s23;
	v29 =	vmin.f32 v14, v30;
	v7 =	vld [tilespmem:s0+$0x100];
	v18 =	vmax.f32 v23, v18;
	v23, _, _ =	vpop (xrf1);
	(xrf1) =	vsort.dscd.msk.f32 $0xffff, v16, v16  }
0x9e: {  	s20 =	sor.u32 s23, s20;
	v16 =	vld [tilespmem:s0+$0x4080];
	(xrf1) =	vsort.ascd.msk.f32 $0xffff, v21, v21;
	v21 =	vmin.f32 v6, v9;
	v5 =	vmax.f32 v23, v5;
	v23, _, _ =	vpop (xrf1)  }
0x9f: {  	v30 =	vmax.f32 v14, v30;
	v31 =	vld [tilespmem:s0+$0x80];
	v22 =	vmax.f32 v23, v22;
	v23, _, _ =	vpop (xrf1);
	(xrf1) =	vsort.dscd.msk.f32 $0xffff, v17, v17  }
0xa0: {  	v4 =	vmax.f32 v4, v29;
	v17 =	vld [tilespmem:s0+$0x2080];
	v23 =	vmax.f32 v23, v26;
	(xrf1) =	vsort.dscd.msk.f32 $0xffff, v18, v18;
	v18, _, _ =	vpop (xrf1)  }
0xa1: {  	v3 =	vmax.f32 v3, v15;
	v2 =	vmax.f32 v2, v30;
	v26 =	vld [tilespmem:s0+$0x6080];
	(xrf1) =	vsort.ascd.msk.f32 $0xffff, v32, v32;
	v14, _, _ =	vpop (xrf1)  }
0xa2: {  	v10 =	vmin.f32 v12, v10;
	v15 =	vld [tilespmem:s0+$0x6180];
	v12 =	vmax.f32 v14, v19;
	(xrf1) =	vsort.dscd.msk.f32 $0xffff, v5, v5;
	v14, _, _ =	vpop (xrf1)  }
0xa3: {  	v29 =	vmin.f32 v8, v2;
	v5 =	vmin.f32 v3, v4;
	v19 =	vld [tilespmem:s1+$0x0];
	v30, _, _ =	vpop (xrf1);
	(xrf1) =	vsort.dscd.msk.f32 $0xffff, v22, v22  }
0xa4: {  	v6 =	vmax.f32 v6, v9;
	v9 =	vmax.f32 v30, v13;
	v13, _, _ =	vpop (xrf1);
	(xrf1) =	vsort.dscd.msk.f32 $0xffff, v23, v23  }
0xa5: {  	v1 =	vmax.f32 v18, v1;
	v22 =	vld [tilespmem:s31+$0x100];
	(xrf1) =	vsort.ascd.msk.f32 $0xffff, v27, v27;
	v0 =	vmax.f32 v13, v0  }
0xa6: {  	v18 =	vmax.f32 v5, v21;
	v13 =	vmax.f32 v10, v29;
	v23 =	vld [tilespmem:s19+$0x80];
	(xrf1) =	vsort.dscd.msk.f32 $0xffff, v12, v12  }
0xa7: {  	v3 =	vmax.f32 v3, v4;
	v4 =	vmax.f32 v8, v2;
	v12 =	vld [tilespmem:s20+$0x100];
	v30, _, _ =	vpop (xrf1);
	(xrf1) =	vsort.dscd.msk.f32 $0xffff, v0, v0  }
0xa8: {  	v5 =	vmin.f32 v5, v21;
	v27 =	vmin.f32 v3, v6;
	v32 =	vld [tilespmem:s20+$0x80];
	v0, _, _ =	vpop (xrf1);
	(xrf1) =	vsort.dscd.msk.f32 $0xffff, v9, v9  }
0xa9: {  	v3 =	vmax.f32 v3, v6;
	v6 =	vmin.f32 v10, v29;
	v21, _, _ =	vpop (xrf1);
	(xrf1) =	vsort.dscd.msk.f32 $0xffff, v1, v1  }
0xaa: {  	v2 =	vmax.f32 v6, v5;
	v9 =	vmin.f32 v6, v5;
	(xrf1) =	vsort.ascd.msk.f32 $0xffff, v25, v25;
	v29, _, _ =	vpop (xrf1)  }
0xab: {  	v5 =	vmax.f32 v24, v4;
	v4 =	vmin.f32 v24, v4;
	v25 =	vld [tilespmem:s20+$0x180];
	(xrf1) =	vsort.ascd.msk.f32 $0xffff, v20, v20;
	v20, _, _ =	vpop (xrf1)  }
0xac: {  	v33 =	vmax.f32 v5, v3;
	v3 =	vmin.f32 v5, v3;
	v24 =	vld [tilespmem:s30+$0x30];
	(xrf1) =	vsort.ascd.msk.f32 $0xffff, v7, v7;
	v1, _, _ =	vpop (xrf1)  }
0xad: {  	v8 =	vmax.f32 v4, v27;
	v6 =	vmin.f32 v4, v27;
	v5 =	vld [tilespmem:s30+$0x20];
	(xrf1) =	vsort.ascd.msk.f32 $0xffff, v28, v28;
	v28, _, _ =	vpop (xrf1)  }
0xae: {  	v10 =	vmax.f32 v13, v18;
	v4 =	vmin.f32 v13, v18;
	v27 =	vld [tilespmem:s30+$0x10];
	(xrf1) =	vsort.ascd.msk.f32 $0xffff, v16, v16;
	v34, _, _ =	vpop (xrf1)  }
0xaf: {  	v13 =	vld [tilespmem:s30+$0x0];
	(xrf1) =	vsort.ascd.msk.f32 $0xffff, v17, v17;
	v7, _, _ =	vpop (xrf1)  }
0xb0: {  	v16 =	vld [tilespmem:s31+$0x180];
	(xrf1) =	vsort.ascd.msk.f32 $0xffff, v26, v26;
	v35, _, _ =	vpop (xrf1)  }
0xb1: {  	v17 =	vld [tilespmem:s30+$0xFFFFFFF0];
	(xrf1) =	vsort.ascd.msk.f32 $0xffff, v31, v31;
	v31, _, _ =	vpop (xrf1)  }
0xb2: {  	v26 =	vld [tilespmem:s30+$0xFFFFFFE0];
	v18 =	vmax.f32 v5, v24;
	(xrf1) =	vsort.ascd.msk.f32 $0xffff, v15, v15;
	v36, _, _ =	vpop (xrf1)  }
0xb3: {  	v38 =	vmin.f32 v5, v24;
	v37 =	vld [tilespmem:s30+$0xFFFFFFD0];
	v5, _, _ =	vpop (xrf1);
	(xrf1) =	vsort.ascd.msk.f32 $0xffff, v19, v19  }
0xb4: {  	v39 =	vld [tilespmem:s30+$0xFFFFFFC0];
	v19 =	vmax.f32 v13, v27;
	v13 =	vmin.f32 v13, v27;
	(xrf1) =	vsort.ascd.msk.f32 $0xffff, v22, v22;
	v27, _, _ =	vpop (xrf1)  }
0xb5: {  	v14 =	vmax.f32 v14, v21;
	v15 =	vmin.f32 v19, v18;
	v40 =	vld [tilespmem:s31+$0x80];
	(xrf1) =	vsort.ascd.msk.f32 $0xffff, v16, v16;
	v22, _, _ =	vpop (xrf1)  }
0xb6: {  	v21 =	vmax.f32 v19, v18;
	v18 =	vmax.f32 v13, v38;
	(xrf1) =	vsort.dscd.msk.f32 $0xffff, v14, v14;
	v24, _, _ =	vpop (xrf1)  }
0xb7: {  	v14 =	vmax.f32 v26, v17;
	v41 =	vmin.f32 v26, v17;
	(xrf1) =	vsort.ascd.msk.f32 $0xffff, v11, v11;
	v11, _, _ =	vpop (xrf1)  }
0xb8: {  	v19 =	vmin.f32 v13, v38;
	v16 =	vmax.f32 v18, v15;
	(xrf1) =	vsort.ascd.msk.f32 $0xffff, v32, v32;
	v32, _, _ =	vpop (xrf1)  }
0xb9: {  	v13 =	vmax.f32 v39, v37;
	v37 =	vmin.f32 v39, v37;
	v17, _, _ =	vpop (xrf1);
	(xrf1) =	vsort.ascd.msk.f32 $0xffff, v25, v25  }
0xba: {  	v25 =	vmax.f32 v13, v14;
	v14 =	vmin.f32 v13, v14;
	(xrf1) =	vsort.ascd.msk.f32 $0xffff, v40, v40;
	v38, _, _ =	vpop (xrf1)  }
0xbb: {  	v20 =	vmax.f32 v20, v17;
	v13 =	vmax.f32 v25, v21;
	(xrf1) =	vsort.ascd.msk.f32 $0xffff, v23, v23;
	v23, _, _ =	vpop (xrf1)  }
0xbc: {  	v39 =	vmax.f32 v37, v41;
	v17 =	vmin.f32 v25, v21;
	v26, _, _ =	vpop (xrf1);
	(xrf1) =	vsort.dscd.msk.f32 $0xffff, v20, v20  }
0xbd: {  	v25 =	vmin.f32 v37, v41;
	v20 =	vmax.f32 v29, v30;
	v29, _, _ =	vpop (xrf1);
	(xrf1) =	vsort.ascd.msk.f32 $0xffff, v12, v12  }
.Ltmp8:
0xbe: {  	v21 =	vmax.f32 v28, v32;
	v12 =	vmin.f32 v25, v19;
	v30, _, _ =	vpop (xrf1);
	(xrf1) =	vsort.dscd.msk.f32 $0xffff, v20, v20;
	(pc) =	sbr.rel @p0 .LBB2_18-.Ltmp8, $4  }
0xbf: {  	v12 =	vmax.f32 v33, v12;
	v20 =	vmax.f32 v34, v23;
	v28, _, _ =	vpop (xrf1);
	(xrf1) =	vsort.dscd.msk.f32 $0xffff, v21, v21  }
0xc0: {  	v33 =	vmax.f32 v35, v38;
	v21 =	vmax.f32 v39, v14;
	(xrf1) =	vsort.dscd.msk.f32 $0xffff, v20, v20;
	v32, _, _ =	vpop (xrf1)  }
0xc1: {  	v20 =	vmin.f32 v39, v14;
	v32 =	vmax.f32 v31, v32;
	(xrf1) =	vsort.dscd.msk.f32 $0xffff, v33, v33;
	v31, _, _ =	vpop (xrf1)  }
0xc2: {  	s28 =	sadd.s32 $0x1, s28;
	s29 =	sadd.s32 $0x20, s29;
	s30 =	sadd.s32 $0x200, s30;
	v30 =	vmax.f32 v36, v30;
	v14 =	vmax.f32 v21, v16;
	v23, _, _ =	vpop (xrf1);
	(xrf1) =	vsort.dscd.msk.f32 $0xffff, v32, v32  }
0xc3: {  	v11 =	vmax.f32 v11, v31;
	_ =	sdelay $0x1  }
0xc4: {  	(xrf1) =	vsort.dscd.msk.f32 $0xffff, v30, v30;
	v52, _, _ =	vpop (xrf1)  }
0xc5: {  	v27 =	vmax.f32 v27, v29;
	(xrf1) =	vsort.dscd.msk.f32 $0xffff, v11, v11;
	v11, _, _ =	vpop (xrf1)  }
0xc6: {  	(xrf1) =	vsort.dscd.msk.f32 $0xffff, v27, v27;
	v11 =	vmax.f32 v11, v52;
	v53, _, _ =	vpop (xrf1)  }
0xc7: {  	v24 =	vmax.f32 v24, v26;
	v54, _, _ =	vpop (xrf1);
	(xrf1) =	vsort.dscd.msk.f32 $0xffff, v11, v11  }
0xc8: {  	v11 =	vmax.f32 v22, v28;
	(xrf1) =	vsort.dscd.msk.f32 $0xffff, v24, v24;
	v22, _, _ =	vpop (xrf1)  }
0xc9: {  	(xrf1) =	vsort.dscd.msk.f32 $0xffff, v11, v11;
	v55, _, _ =	vpop (xrf1)  }
0xca: {  	v56, _, _ =	vpop (xrf1)  }
0xcb: {  	v11, _, _ =	vpop (xrf1)  }
0xcc: {  	v57, _, _ =	vpop (xrf1)  }
0xcd: {  	v58, _, _ =	vpop (xrf1)  }
0xce: {  	v59, _, _ =	vpop (xrf1);
	v7 =	vmax.f32 v58, v7  }
0xcf: {  	v32, _, _ =	vpop (xrf1)  }
0xd0: {  	v23 =	vmax.f32 v59, v23;
	v60, _, _ =	vpop (xrf1)  }
0xd1: {  	v11 =	vmax.f32 v11, v53;
	(xrf1) =	vsort.dscd.msk.f32 $0xffff, v7, v7;
	v7, _, _ =	vpop (xrf1)  }
0xd2: {  	(xrf1) =	vsort.dscd.msk.f32 $0xffff, v11, v11;
	v11 =	vmax.f32 v32, v57;
	v61, _, _ =	vpop (xrf1)  }
0xd3: {  	(xrf1) =	vsort.dscd.msk.f32 $0xffff, v23, v23;
	v23, _, _ =	vpop (xrf1)  }
0xd4: {  	v5 =	vmax.f32 v60, v5;
	(xrf1) =	vsort.dscd.msk.f32 $0xffff, v11, v11;
	v62, _, _ =	vpop (xrf1)  }
0xd5: {  	v7 =	vmax.f32 v7, v22;
	(xrf1) =	vsort.dscd.msk.f32 $0xffff, v5, v5;
	v11, _, _ =	vpop (xrf1)  }
0xd6: {  	v5 =	vmax.f32 v61, v54;
	v1 =	vmax.f32 v23, v1;
	(xrf1) =	vsort.dscd.msk.f32 $0xffff, v7, v7;
	v22, _, _ =	vpop (xrf1)  }
0xd7: {  	v7 =	vmax.f32 v62, v55;
	v63, _, _ =	vpop (xrf1);
	(xrf1) =	vsort.dscd.msk.f32 $0xffff, v5, v5;
	v5 =	vmax.f32 v25, v19  }
0xd8: {  	v0 =	vmax.f32 v63, v0;
	(xrf1) =	vsort.dscd.msk.f32 $0xffff, v7, v7;
	v7 =	vmax.f32 v22, v56  }
0xd9: {  	(xrf1) =	vsort.dscd.msk.f32 $0xffff, v0, v0;
	v0 =	vmin.f32 v18, v15;
	v15 =	vmin.f32 v21, v16  }
0xda: {  	(xrf1) =	vsort.dscd.msk.f32 $0xffff, v7, v7;
	v7 =	vmax.f32 v20, v0;
	v16 =	vmax.f32 v5, v15  }
0xdb: {  	v5 =	vmin.f32 v5, v15;
	v0 =	vmin.f32 v20, v0;
	(xrf1) =	vsort.dscd.msk.f32 $0xffff, v1, v1  }
0xdc: {  	v15 =	vmax.f32 v9, v13;
	v13 =	vmax.f32 v5, v0  }
0xdd: {  	v1 =	vmax.f32 v7, v17;
	v7 =	vmin.f32 v7, v17  }
0xde: {  	v0 =	vmin.f32 v5, v0;
	v9 =	vmax.f32 v16, v7  }
0xdf: {  	v5 =	vmin.f32 v16, v7;
	v7 =	vmax.f32 v8, v13;
	v0 =	vmax.f32 v3, v0;
	v13, _, _ =	vpop (xrf1)  }
0xe0: {  	v8 =	vmax.f32 v10, v9;
	v5 =	vmax.f32 v6, v5;
	v6 =	vmin.f32 v14, v1;
	v16, _, _ =	vpop (xrf1)  }
0xe1: {  	v1 =	vmax.f32 v14, v1;
	v20 =	vmax.f32 v12, v8;
	v19 =	vmin.f32 v5, v15;
	v17, _, _ =	vpop (xrf1)  }
0xe2: {  	v4 =	vmax.f32 v4, v6;
	v1 =	vmax.f32 v2, v1;
	v2 =	vmin.f32 v12, v8;
	v9, _, _ =	vpop (xrf1)  }
0xe3: {  	v5 =	vmax.f32 v5, v15;
	v3 =	vmin.f32 v0, v4;
	v6 =	vmin.f32 v7, v1;
	v10, _, _ =	vpop (xrf1)  }
0xe4: {  	v0 =	vmax.f32 v0, v4;
	v1 =	vmax.f32 v7, v1;
	v8 =	vmax.f32 v2, v6;
	v18, _, _ =	vpop (xrf1)  }
0xe5: {  	v14 =	vmax.f32 v3, v19;
	v3 =	vmin.f32 v3, v19;
	v4 =	vmin.f32 v2, v6;
	v19, _, _ =	vpop (xrf1)  }
0xe6: {  	v6 =	vmin.f32 v0, v5;
	v5 =	vmax.f32 v0, v5;
	v2 =	vmax.f32 v4, v3;
	v15, _, _ =	vpop (xrf1)  }
0xe7: {  	v0 =	vmin.f32 v4, v3;
	v3 =	vmax.f32 v20, v1;
	v1 =	vmin.f32 v20, v1;
	v12, _, _ =	vpop (xrf1)  }
0xe8: {  	s0 =	simm.s32 $0x0;
	v7 =	vmax.f32 v3, v5;
	v3 =	vmin.f32 v3, v5;
	v4 =	vmax.f32 v1, v6;
	v20, _, _ =	vpop (xrf1)  }
0xe9: {  	s1 =	simm.s32 $0x80;
	s20 =	sadd.s32 $0x0, s11;
	s19 =	simm.s32 $0x200;
	v5 =	vmin.f32 v1, v6;
	v6 =	vmax.f32 v8, v14;
	v1 =	vmin.f32 v8, v14;
	v21, _, _ =	vpop (xrf1)  }
.LBB2_20:
0xea: {  	[tilespmem:s0], [sflag:$0x1] =	stream.linear.gather [hbm4b:s20+s2], $0x80, $0x38;
	[tilespmem:$0x10200] =	vst v63  }
0xeb: {  	s20 =	smov.u32 s1;
	s0 =	smov.u32 s19;
	p0 =	sne.s32 s1, $0x1F80  }
.Ltmp9:
0xec: {  	s1 =	sadd.s32 $0x80, s1;
	(pc) =	sbr.rel @p0 .LBB2_20-.Ltmp9, $2  }
0xed: {  	_ =	sdelay $0x2  }
0xee: {  	s19 =	sadd.s32 $0x200, s19;
	s20 =	sadd.s32 s20, s11  }
0xef: {  	[tilespmem:s0], [sflag:$0x1] =	stream.linear.gather [hbm4b:s20+s2], $0x80, $0x38;
	[tilespmem:$0x10200] =	vst v63  }
0xf0: {  	s0 =	simm.s32 $0x80  }
0xf1: {  	s1 =	simm.s32 $0x80;
	s20 =	sadd.s32 $0x0, s12;
	s19 =	simm.s32 $0x280  }
.LBB2_22:
0xf2: {  	[tilespmem:s0], [sflag:$0x1] =	stream.linear.gather [hbm4b:s20+s2], $0x80, $0x38;
	[tilespmem:$0x10200] =	vst v63  }
0xf3: {  	s20 =	smov.u32 s1;
	s0 =	smov.u32 s19;
	p0 =	sne.s32 s1, $0x1F80  }
.Ltmp10:
0xf4: {  	s1 =	sadd.s32 $0x80, s1;
	(pc) =	sbr.rel @p0 .LBB2_22-.Ltmp10, $2  }
0xf5: {  	_ =	sdelay $0x2  }
0xf6: {  	s19 =	sadd.s32 $0x200, s19;
	s20 =	sadd.s32 s20, s12  }
0xf7: {  	[tilespmem:s0], [sflag:$0x1] =	stream.linear.gather [hbm4b:s20+s2], $0x80, $0x38;
	[tilespmem:$0x10200] =	vst v63  }
0xf8: {  	s0 =	simm.s32 $0x100  }
0xf9: {  	s1 =	simm.s32 $0x80;
	s20 =	sadd.s32 $0x0, s13;
	s19 =	simm.s32 $0x300  }
.LBB2_24:
0xfa: {  	[tilespmem:s0], [sflag:$0x1] =	stream.linear.gather [hbm4b:s20+s2], $0x80, $0x38;
	[tilespmem:$0x10200] =	vst v63  }
0xfb: {  	s20 =	smov.u32 s1;
	s0 =	smov.u32 s19;
	p0 =	sne.s32 s1, $0x1F80  }
.Ltmp11:
0xfc: {  	s1 =	sadd.s32 $0x80, s1;
	(pc) =	sbr.rel @p0 .LBB2_24-.Ltmp11, $2  }
0xfd: {  	_ =	sdelay $0x2  }
0xfe: {  	s19 =	sadd.s32 $0x200, s19;
	s20 =	sadd.s32 s20, s13  }
0xff: {  	[tilespmem:s0], [sflag:$0x1] =	stream.linear.gather [hbm4b:s20+s2], $0x80, $0x38;
	[tilespmem:$0x10200] =	vst v63  }
0x100: {  	s0 =	simm.s32 $0x180  }
0x101: {  	s1 =	simm.s32 $0x80;
	s20 =	sadd.s32 $0x0, s14;
	s19 =	simm.s32 $0x380  }
.LBB2_26:
0x102: {  	[tilespmem:s0], [sflag:$0x1] =	stream.linear.gather [hbm4b:s20+s2], $0x80, $0x38;
	[tilespmem:$0x10200] =	vst v63  }
0x103: {  	s20 =	smov.u32 s1;
	s0 =	smov.u32 s19;
	p0 =	sne.s32 s1, $0x1F80  }
.Ltmp12:
0x104: {  	s1 =	sadd.s32 $0x80, s1;
	(pc) =	sbr.rel @p0 .LBB2_26-.Ltmp12, $2  }
0x105: {  	_ =	sdelay $0x2  }
0x106: {  	s19 =	sadd.s32 $0x200, s19;
	s20 =	sadd.s32 s20, s14  }
0x107: {  	[tilespmem:s0], [sflag:$0x1] =	stream.linear.gather [hbm4b:s20+s2], $0x80, $0x38;
	[tilespmem:$0x10200] =	vst v63  }
0x108: {  	s3 =	simm.s32 $0x2  }
0x109: {  	_ =	swait.ge [sflag:s3], $0x2000  }
0x10a: {  	[sflag:s3] =	ssyncset.done $0x0  }
0x10b: {  	[sflag:s3] =	ssyncadd.s32 $0xFFFFE000  }
0x10c: {  	_ =	swait.ge [sflag:s3], $0x2000  }
0x10d: {  	[sflag:s3] =	ssyncset.done $0x0  }
0x10e: {  	[sflag:s3] =	ssyncadd.s32 $0xFFFFE000  }
0x10f: {  	_ =	swait.ge [sflag:s3], $0x2000  }
0x110: {  	[sflag:s3] =	ssyncset.done $0x0  }
0x111: {  	[sflag:s3] =	ssyncadd.s32 $0xFFFFE000  }
0x112: {  	s26 =	simm.s32 $0x0;
	_ =	swait.ge [sflag:s3], $0x2000  }
0x113: {  	s1 =	sand.u32 $0x60, s26;
	s19 =	sand.u32 $0x1E00, s26;
	[sflag:s3] =	ssyncset.done $0x0  }
0x114: {  	s30 =	sor.u32 s1, s19;
	[sflag:s3] =	ssyncadd.s32 $0xFFFFE000  }
0x115: {  	v8 =	vld [tilespmem:s30+$0xC180]  }
0x116: {  	s23 =	sor.u32 $0x8080, s19;
	s31 =	sor.u32 $0x10, s1;
	v14 =	vld [tilespmem:s30+$0xE180]  }
0x117: {  	s24 =	sor.u32 s31, s23;
	v22 =	vld [tilespmem:s30+$0xE100]  }
0x118: {  	s25 =	simm.s32 $0x810;
	s28 =	simm.s32 $0x2040;
	s26 =	sor.u32 $0x8180, s19;
	v23 =	vld [tilespmem:s24+$0x0]  }
0x119: {  	s28 =	sand.u32 $0x3E00, s28;
	s4 =	sor.u32 s1, s26;
	s3 =	sand.u32 $0x70, s25;
	v24 =	vld [tilespmem:s30+$0xA180]  }
0x11a: {  	s24 =	sor.u32 s3, s28;
	v25 =	vld [tilespmem:s4+$0x0];
	(xrf1) =	vsort.ascd.msk.f32 $0xffff, v8, v8  }
0x11b: {  	s21 =	simm.s32 $0x6040;
	s28 =	simm.s32 $0x1810;
	v8 =	vld [tilespmem:s24+$0x8080];
	(xrf1) =	vsort.ascd.msk.f32 $0xffff, v14, v14  }
0x11c: {  	s25 =	sand.u32 $0x7E00, s21;
	s28 =	sand.u32 $0x70, s28;
	v14 =	vld [tilespmem:s30+$0xC100];
	(xrf1) =	vsort.ascd.msk.f32 $0xffff, v22, v22  }
0x11d: {  	s25 =	sor.u32 s28, s25;
	v22 =	vld [tilespmem:s30+$0xA100];
	(xrf1) =	vsort.ascd.msk.f32 $0xffff, v23, v23  }
0x11e: {  	v23 =	vld [tilespmem:s25+$0x8180];
	(xrf1) =	vsort.ascd.msk.f32 $0xffff, v24, v24  }
0x11f: {  	v24 =	vld [tilespmem:s30+$0xA080];
	(xrf1) =	vsort.ascd.msk.f32 $0xffff, v25, v25  }
0x120: {  	v25 =	vld [tilespmem:s30+$0xC080];
	(xrf1) =	vsort.ascd.msk.f32 $0xffff, v8, v8  }
0x121: {  	s29 =	simm.s32 $0x4040;
	s19 =	sor.u32 $0x8100, s19;
	s28 =	simm.s32 $0x1010;
	v8 =	vld [tilespmem:s30+$0xE080];
	(xrf1) =	vsort.ascd.msk.f32 $0xffff, v14, v14  }
0x122: {  	s29 =	sand.u32 $0x5E00, s29;
	s22 =	sor.u32 s1, s19;
	s28 =	sand.u32 $0x70, s28;
	v14 =	vld [tilespmem:s25+$0x8100];
	(xrf1) =	vsort.ascd.msk.f32 $0xffff, v22, v22  }
0x123: {  	s28 =	sor.u32 s28, s29;
	v22 =	vld [tilespmem:s22+$0x0];
	(xrf1) =	vsort.ascd.msk.f32 $0xffff, v23, v23  }
0x124: {  	s30 =	sor.u32 s31, s26;
	v23 =	vld [tilespmem:s28+$0x8180];
	(xrf1) =	vsort.ascd.msk.f32 $0xffff, v24, v24  }
0x125: {  	v24 =	vld [tilespmem:s30+$0x0];
	(xrf1) =	vsort.ascd.msk.f32 $0xffff, v25, v25  }
0x126: {  	s1 =	sor.u32 s1, s23;
	v25 =	vld [tilespmem:s24+$0x8100];
	(xrf1) =	vsort.ascd.msk.f32 $0xffff, v8, v8  }
0x127: {  	v26 =	vld [tilespmem:s1+$0x0];
	(xrf1) =	vsort.ascd.msk.f32 $0xffff, v14, v14  }
0x128: {  	v14 =	vld [tilespmem:s25+$0x8080];
	(xrf1) =	vsort.ascd.msk.f32 $0xffff, v22, v22;
	v22, _, _ =	vpop (xrf1)  }
0x129: {  	v27 =	vld [tilespmem:s28+$0x8100];
	(xrf1) =	vsort.ascd.msk.f32 $0xffff, v23, v23;
	v23, _, _ =	vpop (xrf1)  }
0x12a: {  	v28 =	vld [tilespmem:s24+$0x8180];
	v29, _, _ =	vpop (xrf1);
	(xrf1) =	vsort.ascd.msk.f32 $0xffff, v24, v24  }
0x12b: {  	v24 =	vld [tilespmem:s28+$0x8080];
	v8, _, _ =	vpop (xrf1);
	(xrf1) =	vsort.ascd.msk.f32 $0xffff, v25, v25  }
0x12c: {  	(xrf1) =	vsort.ascd.msk.f32 $0xffff, v26, v26;
	v25, _, _ =	vpop (xrf1)  }
0x12d: {  	(xrf1) =	vsort.ascd.msk.f32 $0xffff, v14, v14;
	v26, _, _ =	vpop (xrf1)  }
0x12e: {  	v14, _, _ =	vpop (xrf1);
	(xrf1) =	vsort.ascd.msk.f32 $0xffff, v27, v27  }
0x12f: {  	v27, _, _ =	vpop (xrf1);
	(xrf1) =	vsort.ascd.msk.f32 $0xffff, v28, v28  }
0x130: {  	(xrf1) =	vsort.ascd.msk.f32 $0xffff, v24, v24;
	v24, _, _ =	vpop (xrf1)  }
0x131: {  	v16 =	vmax.f32 v16, v27;
	v17 =	vmax.f32 v17, v24  }
0x132: {  	(xrf1) =	vsort.dscd.msk.f32 $0xffff, v16, v16;
	v24, _, _ =	vpop (xrf1)  }
0x133: {  	v16 =	vmax.f32 v21, v26;
	v21, _, _ =	vpop (xrf1)  }
0x134: {  	(xrf1) =	vsort.dscd.msk.f32 $0xffff, v17, v17;
	v17, _, _ =	vpop (xrf1)  }
0x135: {  	v13 =	vmax.f32 v13, v22;
	v22, _, _ =	vpop (xrf1)  }
0x136: {  	(xrf1) =	vsort.dscd.msk.f32 $0xffff, v16, v16;
	v16 =	vmax.f32 v11, v25;
	v11, _, _ =	vpop (xrf1)  }
0x137: {  	(xrf1) =	vsort.dscd.msk.f32 $0xffff, v13, v13;
	v13 =	vmax.f32 v18, v23;
	v18, _, _ =	vpop (xrf1)  }
0x138: {  	(xrf1) =	vsort.dscd.msk.f32 $0xffff, v16, v16;
	v16 =	vmax.f32 v19, v22;
	v19, _, _ =	vpop (xrf1)  }
0x139: {  	v25, _, _ =	vpop (xrf1)  }
0x13a: {  	(xrf1) =	vsort.dscd.msk.f32 $0xffff, v13, v13;
	v26, _, _ =	vpop (xrf1)  }
0x13b: {  	(xrf1) =	vsort.dscd.msk.f32 $0xffff, v16, v16;
	v16 =	vmax.f32 v20, v17;
	v20, _, _ =	vpop (xrf1)  }
0x13c: {  	s0 =	sor.u32 s31, s19;
	v15 =	vmax.f32 v15, v21;
	v17, _, _ =	vpop (xrf1)  }
0x13d: {  	s31 =	simm.s32 $0x0;
	v9 =	vmax.f32 v9, v29;
	v13 =	vld [tilespmem:s0+$0x0];
	(xrf1) =	vsort.dscd.msk.f32 $0xffff, v15, v15;
	v62, _, _ =	vpop (xrf1)  }
0x13e: {  	v27 =	vld [tilespmem:s31+$0x8010];
	v10 =	vmax.f32 v10, v18;
	(xrf1) =	vsort.dscd.msk.f32 $0xffff, v16, v16;
	v63, _, _ =	vpop (xrf1)  }
0x13f: {  	v21 =	vld [tilespmem:s31+$0x8030];
	(xrf1) =	vsort.dscd.msk.f32 $0xffff, v10, v10;
	v16, _, _ =	vpop (xrf1)  }
0x140: {  	v23 =	vld [tilespmem:s31+$0x8000];
	v10 =	vmax.f32 v12, v20;
	(xrf1) =	vsort.dscd.msk.f32 $0xffff, v9, v9;
	v9, _, _ =	vpop (xrf1)  }
0x141: {  	v15 =	vld [tilespmem:s31+$0x8020];
	(xrf1) =	vsort.dscd.msk.f32 $0xffff, v10, v10;
	v9 =	vmax.f32 v9, v62  }
0x142: {  	(xrf1) =	vsort.ascd.msk.f32 $0xffff, v13, v13;
	v13, _, _ =	vpop (xrf1)  }
0x143: {  	v13 =	vmax.f32 v13, v26  }
0x144: {  	v18 =	vld [tilespmem:s31+$0x8070];
	(xrf1) =	vsort.dscd.msk.f32 $0xffff, v9, v9;
	v9, _, _ =	vpop (xrf1)  }
0x145: {  	v20 =	vld [tilespmem:s31+$0x8060];
	v12 =	vmax.f32 v23, v27;
	v23 =	vmin.f32 v23, v27;
	v25 =	vmax.f32 v9, v25  }
0x146: {  	v10 =	vmax.f32 v15, v21;
	v22 =	vmin.f32 v15, v21;
	(xrf1) =	vsort.dscd.msk.f32 $0xffff, v13, v13;
	v13, _, _ =	vpop (xrf1)  }
0x147: {  	v15 =	vmax.f32 v23, v22;
	v21 =	vmin.f32 v12, v10;
	v26 =	vmax.f32 v13, v19;
	v19 =	vld [tilespmem:s31+$0x8040]  }
0x148: {  	v9 =	vmax.f32 v15, v21;
	(xrf1) =	vsort.dscd.msk.f32 $0xffff, v25, v25;
	v13 =	vmin.f32 v15, v21;
	v21 =	vld [tilespmem:s31+$0x8050];
	v25, _, _ =	vpop (xrf1)  }
0x149: {  	(xrf1) =	vsort.dscd.msk.f32 $0xffff, v26, v26;
	v27 =	vmax.f32 v25, v63;
	v25, _, _ =	vpop (xrf1)  }
0x14a: {  	s29 =	simm.s32 $0x20;
	s26 =	simm.s32 $0x800;
	s28 =	simm.s32 $0x80;
	v15 =	vmax.f32 v20, v18;
	v24 =	vmax.f32 v25, v24;
	v25, _, _ =	vpop (xrf1);
	(xrf1) =	vsort.dscd.msk.f32 $0xffff, v27, v27  }
.LBB2_28:
0x14b: {  	s19 =	sand.u32 $0x60, s29;
	s0 =	sand.u32 $0x1E00, s28;
	s1 =	sadd.s32 $0x810, s29;
	v22 =	vmin.f32 v23, v22;
	v17 =	vmax.f32 v25, v17;
	v23, _, _ =	vpop (xrf1);
	(xrf1) =	vsort.dscd.msk.f32 $0xffff, v24, v24  }
0x14c: {  	v18 =	vmin.f32 v20, v18;
	s23 =	sor.u32 s19, s0;
	s20 =	sand.u32 $0x70, s1;
	s24 =	sor.u32 $0x8100, s0;
	v24 =	vmax.f32 v23, v14;
	v20, _, _ =	vpop (xrf1);
	(xrf1) =	vsort.dscd.msk.f32 $0xffff, v17, v17  }
0x14d: {  	s25 =	sadd.s32 $0x6040, s28;
	s30 =	sor.u32 $0x8180, s0;
	v23 =	vmax.f32 v19, v21;
	s1 =	sor.u32 s19, s24;
	v17 =	vld [tilespmem:s23+$0xE180];
	v25 =	vmax.f32 v20, v16;
	(xrf1) =	vsort.dscd.msk.f32 $0xffff, v24, v24;
	v14, _, _ =	vpop (xrf1)  }
0x14e: {  	s21 =	sadd.s32 $0x2040, s28;
	s31 =	sor.u32 $0x8080, s0;
	v19 =	vmin.f32 v19, v21;
	s22 =	sor.u32 s19, s30;
	v21 =	vmax.f32 v23, v15;
	v20 =	vld [tilespmem:s23+$0xC180];
	(xrf1) =	vsort.dscd.msk.f32 $0xffff, v25, v25;
	v16, _, _ =	vpop (xrf1)  }
0x14f: {  	s3 =	sor.u32 $0x10, s19;
	s0 =	sor.u32 s19, s31;
	s19 =	sand.u32 $0x3E00, s21;
	v25 =	vmax.f32 v19, v18;
	v18 =	vmin.f32 v19, v18;
	v24 =	vld [tilespmem:s23+$0xA180];
	v11 =	vmax.f32 v16, v11;
	v16, _, _ =	vpop (xrf1)  }
0x150: {  	s4 =	sadd.s32 $0x1810, s29;
	s25 =	sand.u32 $0x7E00, s25;
	s21 =	sor.u32 s3, s31;
	v26 =	vmin.f32 v22, v18;
	v19 =	vld [tilespmem:s23+$0xE100];
	v8 =	vmax.f32 v16, v8;
	v16, _, _ =	vpop (xrf1);
	(xrf1) =	vsort.dscd.msk.f32 $0xffff, v11, v11  }
0x151: {  	s4 =	sand.u32 $0x70, s4;
	s31 =	sor.u32 s20, s19;
	s20 =	sor.u32 s3, s30;
	v18 =	vmax.f32 v22, v18;
	v11 =	vld [tilespmem:s21+$0x0];
	v14 =	vmax.f32 v14, v16;
	(xrf1) =	vsort.dscd.msk.f32 $0xffff, v8, v8  }
0x152: {  	p0 =	sne.s32 s26, $0x1F800;
	v12 =	vmax.f32 v12, v10;
	v10 =	vmin.f32 v23, v15;
	s19 =	sor.u32 s4, s25;
	s3 =	sor.u32 s3, s24;
	v8 =	vld [tilespmem:s23+$0xC100];
	(xrf1) =	vsort.dscd.msk.f32 $0xffff, v14, v14  }
0x153: {  	s30 =	smov.u32 s26;
	s26 =	sadd.s32 $0x800, s26;
	v15 =	vmin.f32 v25, v10;
	v7 =	vmax.f32 v7, v26;
	v14 =	vld [tilespmem:s22+$0x0];
	(xrf1) =	vsort.ascd.msk.f32 $0xffff, v20, v20  }
0x154: {  	v20 =	vmin.f32 v12, v21;
	v16 =	vld [tilespmem:s31+$0x8080];
	(xrf1) =	vsort.ascd.msk.f32 $0xffff, v17, v17;
	v17 =	vmax.f32 v25, v10;
	v22, _, _ =	vpop (xrf1)  }
0x155: {  	v23 =	vmin.f32 v13, v15;
	v10 =	vld [tilespmem:s3+$0x0];
	(xrf1) =	vsort.ascd.msk.f32 $0xffff, v19, v19;
	v19 =	vmin.f32 v9, v17;
	v25, _, _ =	vpop (xrf1)  }
0x156: {  	v26 =	vld [tilespmem:s23+$0xA100];
	(xrf1) =	vsort.ascd.msk.f32 $0xffff, v11, v11;
	v11 =	vmax.f32 v13, v15;
	v29 =	vmax.f32 v18, v19;
	v15, _, _ =	vpop (xrf1)  }
0x157: {  	v27 =	vld [tilespmem:s19+$0x8180];
	(xrf1) =	vsort.ascd.msk.f32 $0xffff, v24, v24;
	v24 =	vmax.f32 v11, v20;
	v11 =	vmin.f32 v11, v20;
	v20, _, _ =	vpop (xrf1)  }
0x158: {  	s4 =	sadd.s32 $0x4040, s28;
	s3 =	sadd.s32 $0x1010, s29;
	v28 =	vld [tilespmem:s23+$0xA080];
	(xrf1) =	vsort.ascd.msk.f32 $0xffff, v14, v14;
	v14 =	vmax.f32 v29, v11;
	v11 =	vmin.f32 v29, v11;
	v13, _, _ =	vpop (xrf1)  }
0x159: {  	s4 =	sand.u32 $0x5E00, s4;
	s3 =	sand.u32 $0x70, s3;
	v29 =	vld [tilespmem:s23+$0xC080];
	(xrf1) =	vsort.ascd.msk.f32 $0xffff, v16, v16;
	v16 =	vmin.f32 v18, v19;
	v6 =	vmax.f32 v6, v14;
	v18, _, _ =	vpop (xrf1)  }
0x15a: {  	s3 =	sor.u32 s3, s4;
	v14 =	vld [tilespmem:s23+$0xE080];
	(xrf1) =	vsort.ascd.msk.f32 $0xffff, v8, v8;
	v8 =	vmax.f32 v9, v17;
	v9 =	vmin.f32 v7, v6;
	v17, _, _ =	vpop (xrf1)  }
0x15b: {  	v12 =	vmax.f32 v12, v21;
	v19 =	vld [tilespmem:s19+$0x8100];
	(xrf1) =	vsort.ascd.msk.f32 $0xffff, v26, v26;
	v31 =	vmax.f32 v8, v24;
	v26, _, _ =	vpop (xrf1)  }
0x15c: {  	v30 =	vld [tilespmem:s1+$0x0];
	(xrf1) =	vsort.ascd.msk.f32 $0xffff, v27, v27;
	v27 =	vmax.f32 v16, v23;
	v2 =	vmax.f32 v2, v31;
	v21, _, _ =	vpop (xrf1)  }
0x15d: {  	v6 =	vmax.f32 v7, v6;
	v16 =	vmin.f32 v16, v23;
	v31 =	vld [tilespmem:s3+$0x8180];
	(xrf1) =	vsort.ascd.msk.f32 $0xffff, v28, v28  }
0x15e: {  	v0 =	vmax.f32 v0, v12;
	v5 =	vmax.f32 v5, v11;
	v7 =	vld [tilespmem:s20+$0x0];
	(xrf1) =	vsort.ascd.msk.f32 $0xffff, v29, v29;
	v11, _, _ =	vpop (xrf1)  }
0x15f: {  	v3 =	vmax.f32 v3, v16;
	v16 =	vmax.f32 v5, v0;
	v12 =	vld [tilespmem:s31+$0x8100];
	(xrf1) =	vsort.ascd.msk.f32 $0xffff, v14, v14;
	v23, _, _ =	vpop (xrf1)  }
0x160: {  	v8 =	vmin.f32 v8, v24;
	v4 =	vmax.f32 v4, v27;
	v14 =	vld [tilespmem:s0+$0x0];
	(xrf1) =	vsort.ascd.msk.f32 $0xffff, v19, v19;
	v19, _, _ =	vpop (xrf1)  }
0x161: {  	v1 =	vmax.f32 v1, v8;
	v28 =	vmin.f32 v4, v2;
	v24 =	vld [tilespmem:s19+$0x8080];
	(xrf1) =	vsort.ascd.msk.f32 $0xffff, v30, v30;
	v27, _, _ =	vpop (xrf1)  }
0x162: {  	v32 =	vmin.f32 v9, v28;
	v29 =	vld [tilespmem:s3+$0x8100];
	(xrf1) =	vsort.ascd.msk.f32 $0xffff, v31, v31;
	v30, _, _ =	vpop (xrf1);
	v31 =	vmax.f32 v3, v1  }
0x163: {  	v1 =	vmin.f32 v3, v1;
	v3 =	vmin.f32 v5, v0;
	v33 =	vld [tilespmem:s31+$0x8180];
	v8, _, _ =	vpop (xrf1);
	(xrf1) =	vsort.ascd.msk.f32 $0xffff, v7, v7  }
0x164: {  	v5 =	vld [tilespmem:s3+$0x8080];
	v34 =	vmax.f32 v11, v8;
	v8, _, _ =	vpop (xrf1);
	(xrf1) =	vsort.ascd.msk.f32 $0xffff, v12, v12;
	v12 =	vmin.f32 v31, v16  }
0x165: {  	v4 =	vmax.f32 v4, v2;
	v0 =	vmin.f32 v1, v3;
	(xrf1) =	vsort.ascd.msk.f32 $0xffff, v14, v14;
	v7, _, _ =	vpop (xrf1)  }
0x166: {  	v2 =	vmax.f32 v32, v0;
	(xrf1) =	vsort.ascd.msk.f32 $0xffff, v24, v24;
	v11, _, _ =	vpop (xrf1);
	v24 =	vmax.f32 v6, v4  }
0x167: {  	v9 =	vmax.f32 v9, v28;
	v0 =	vmin.f32 v32, v0;
	v14, _, _ =	vpop (xrf1);
	(xrf1) =	vsort.ascd.msk.f32 $0xffff, v29, v29  }
0x168: {  	v16 =	vmax.f32 v31, v16;
	v29 =	vmax.f32 v1, v3;
	v28, _, _ =	vpop (xrf1);
	(xrf1) =	vsort.ascd.msk.f32 $0xffff, v33, v33  }
0x169: {  	v1 =	vmax.f32 v22, v28;
	(xrf1) =	vsort.ascd.msk.f32 $0xffff, v5, v5;
	v3, _, _ =	vpop (xrf1);
	v5 =	vmin.f32 v6, v4  }
0x16a: {  	v3 =	vmax.f32 v25, v3;
	(xrf1) =	vsort.dscd.msk.f32 $0xffff, v1, v1;
	v25, _, _ =	vpop (xrf1);
	v1 =	vmin.f32 v9, v29  }
0x16b: {  	v4 =	vmax.f32 v15, v11;
	v15, _, _ =	vpop (xrf1);
	(xrf1) =	vsort.dscd.msk.f32 $0xffff, v3, v3;
	v3 =	vmin.f32 v24, v16  }
0x16c: {  	v22 =	vmax.f32 v20, v27;
	v6 =	vmax.f32 v9, v29;
	v20, _, _ =	vpop (xrf1);
	(xrf1) =	vsort.dscd.msk.f32 $0xffff, v4, v4  }
0x16d: {  	v4 =	vmax.f32 v13, v7;
	v7 =	vmax.f32 v24, v16;
	v9, _, _ =	vpop (xrf1);
	(xrf1) =	vsort.dscd.msk.f32 $0xffff, v22, v22  }
0x16e: {  	v13 =	vmax.f32 v18, v30;
	v11, _, _ =	vpop (xrf1);
	(xrf1) =	vsort.dscd.msk.f32 $0xffff, v4, v4;
	v4 =	vmax.f32 v5, v12  }
0x16f: {  	v9 =	vmax.f32 v17, v9;
	v5 =	vmin.f32 v5, v12;
	v16, _, _ =	vpop (xrf1);
	(xrf1) =	vsort.dscd.msk.f32 $0xffff, v13, v13  }
0x170: {  	s0 =	sshra.s32 s30, $0x2;
	v12 =	vmax.f32 v26, v15;
	v13 =	vmax.f32 v19, v16;
	(xrf1) =	vsort.dscd.msk.f32 $0xffff, v9, v9;
	v15, _, _ =	vpop (xrf1)  }
0x171: {  	v17 =	vmax.f32 v21, v20;
	v9 =	vld [tilespmem:s0+$0x8000];
	(xrf1) =	vsort.dscd.msk.f32 $0xffff, v12, v12;
	v24, _, _ =	vpop (xrf1)  }
0x172: {  	v12 =	vld [tilespmem:s0+$0x8030];
	(xrf1) =	vsort.dscd.msk.f32 $0xffff, v17, v17;
	v26, _, _ =	vpop (xrf1)  }
0x173: {  	v22 =	vld [tilespmem:s0+$0x8020];
	v16, _, _ =	vpop (xrf1);
	(xrf1) =	vsort.dscd.msk.f32 $0xffff, v13, v13  }
0x174: {  	v13 =	vld [tilespmem:s0+$0x8010];
	v16 =	vmax.f32 v23, v16;
	v17, _, _ =	vpop (xrf1);
	(xrf1) =	vsort.dscd.msk.f32 $0xffff, v34, v34  }
0x175: {  	v18 =	vld [tilespmem:s0+$0x8070];
	(xrf1) =	vsort.dscd.msk.f32 $0xffff, v16, v16;
	v27, _, _ =	vpop (xrf1)  }
0x176: {  	v20 =	vld [tilespmem:s0+$0x8060];
	(xrf1) =	vsort.ascd.msk.f32 $0xffff, v10, v10;
	v28, _, _ =	vpop (xrf1)  }
0x177: {  	v19 =	vld [tilespmem:s0+$0x8040];
	v16, _, _ =	vpop (xrf1)  }
0x178: {  	v21 =	vld [tilespmem:s0+$0x8050];
	v10 =	vmax.f32 v22, v12;
	v22 =	vmin.f32 v22, v12;
	v29, _, _ =	vpop (xrf1)  }
0x179: {  	v12 =	vmax.f32 v9, v13;
	v23 =	vmin.f32 v9, v13;
	v29 =	vmax.f32 v29, v27;
	v13, _, _ =	vpop (xrf1)  }
.Ltmp13:
0x17a: {  	v27 =	vmax.f32 v23, v22;
	v30 =	vmax.f32 v13, v26;
	(xrf1) =	vsort.dscd.msk.f32 $0xffff, v29, v29;
	v9, _, _ =	vpop (xrf1);
	(pc) =	sbr.rel @p0 .LBB2_28-.Ltmp13, $4  }
0x17b: {  	v26 =	vmin.f32 v12, v10;
	v29 =	vmax.f32 v9, v24;
	(xrf1) =	vsort.dscd.msk.f32 $0xffff, v30, v30;
	v13, _, _ =	vpop (xrf1)  }
0x17c: {  	v9 =	vmax.f32 v27, v26;
	v15 =	vmax.f32 v13, v15;
	(xrf1) =	vsort.dscd.msk.f32 $0xffff, v29, v29;
	v24, _, _ =	vpop (xrf1)  }
0x17d: {  	v13 =	vmin.f32 v27, v26;
	v26 =	vmax.f32 v24, v28;
	(xrf1) =	vsort.dscd.msk.f32 $0xffff, v15, v15;
	v24, _, _ =	vpop (xrf1)  }
0x17e: {  	s28 =	sadd.s32 $0x80, s28;
	s29 =	sadd.s32 $0x20, s29;
	v15 =	vmax.f32 v20, v18;
	v24 =	vmax.f32 v24, v25;
	v25, _, _ =	vpop (xrf1);
	(xrf1) =	vsort.dscd.msk.f32 $0xffff, v26, v26  }
0x17f: {  	v22 =	vmin.f32 v23, v22;
	v17 =	vmax.f32 v25, v17;
	v23, _, _ =	vpop (xrf1)  }
0x180: {  	(xrf1) =	vsort.dscd.msk.f32 $0xffff, v24, v24;
	v18 =	vmin.f32 v20, v18;
	v14 =	vmax.f32 v23, v14;
	v20, _, _ =	vpop (xrf1)  }
0x181: {  	(xrf1) =	vsort.dscd.msk.f32 $0xffff, v17, v17;
	v17 =	vmax.f32 v19, v21;
	v16 =	vmax.f32 v20, v16;
	v20, _, _ =	vpop (xrf1)  }
0x182: {  	(xrf1) =	vsort.dscd.msk.f32 $0xffff, v14, v14;
	v14 =	vmin.f32 v19, v21;
	v19 =	vmax.f32 v17, v15;
	v21, _, _ =	vpop (xrf1)  }
0x183: {  	(xrf1) =	vsort.dscd.msk.f32 $0xffff, v16, v16;
	v16 =	vmax.f32 v14, v18;
	v14 =	vmin.f32 v14, v18;
	v18, _, _ =	vpop (xrf1)  }
0x184: {  	v11 =	vmax.f32 v21, v11;
	v21 =	vmin.f32 v22, v14;
	v8 =	vmax.f32 v18, v8;
	v18, _, _ =	vpop (xrf1)  }
0x185: {  	(xrf1) =	vsort.dscd.msk.f32 $0xffff, v11, v11;
	v11 =	vmax.f32 v22, v14;
	v14 =	vmax.f32 v20, v18  }
0x186: {  	(xrf1) =	vsort.dscd.msk.f32 $0xffff, v8, v8;
	v8 =	vmax.f32 v12, v10;
	v10 =	vmin.f32 v17, v15  }
0x187: {  	(xrf1) =	vsort.dscd.msk.f32 $0xffff, v14, v14;
	v12 =	vmin.f32 v16, v10;
	v10 =	vmax.f32 v16, v10  }
0x188: {  	v14 =	vmin.f32 v8, v19;
	v15 =	vmin.f32 v9, v10;
	v16 =	vmax.f32 v13, v12  }
0x189: {  	v7 =	vmax.f32 v7, v21;
	v17 =	vmax.f32 v11, v15;
	v18 =	vmin.f32 v16, v14  }
0x18a: {  	v8 =	vmax.f32 v8, v19;
	v20 =	vmin.f32 v13, v12;
	v12 =	vmax.f32 v17, v18  }
0x18b: {  	v9 =	vmax.f32 v9, v10;
	v0 =	vmax.f32 v0, v8;
	v14 =	vmax.f32 v16, v14  }
0x18c: {  	v10 =	vmin.f32 v11, v15;
	v16 =	vmin.f32 v17, v18;
	v11 =	vmax.f32 v9, v14;
	v18, _, _ =	vpop (xrf1)  }
0x18d: {  	v15 =	vmax.f32 v10, v20;
	v10 =	vmin.f32 v10, v20;
	v6 =	vmax.f32 v6, v12;
	v12, _, _ =	vpop (xrf1)  }
0x18e: {  	v2 =	vmax.f32 v2, v11;
	v5 =	vmax.f32 v5, v16;
	v4 =	vmax.f32 v4, v15;
	v13, _, _ =	vpop (xrf1)  }
0x18f: {  	v17 =	vmin.f32 v7, v6;
	v7 =	vmax.f32 v7, v6;
	v6 =	vmin.f32 v9, v14;
	v23, _, _ =	vpop (xrf1)  }
0x190: {  	v3 =	vmax.f32 v3, v10;
	v8 =	vmax.f32 v5, v0;
	v1 =	vmax.f32 v1, v6;
	v15, _, _ =	vpop (xrf1)  }
0x191: {  	v6 =	vmin.f32 v4, v2;
	v2 =	vmax.f32 v4, v2;
	v9 =	vmax.f32 v3, v1;
	v14, _, _ =	vpop (xrf1)  }
0x192: {  	v16 =	vmin.f32 v17, v6;
	v1 =	vmin.f32 v3, v1;
	v3 =	vmin.f32 v5, v0;
	v22, _, _ =	vpop (xrf1)  }
0x193: {  	v20 =	vmax.f32 v7, v2;
	v5 =	vmax.f32 v17, v6;
	v7 =	vmin.f32 v7, v2;
	v11, _, _ =	vpop (xrf1)  }
0x194: {  	v19 =	vmin.f32 v9, v8;
	v4 =	vmin.f32 v1, v3;
	v3 =	vmax.f32 v1, v3;
	v10, _, _ =	vpop (xrf1)  }
0x195: {  	v0 =	vmax.f32 v16, v4;
	v6 =	vmin.f32 v16, v4;
	v4 =	vmax.f32 v9, v8;
	v25, _, _ =	vpop (xrf1)  }
0x196: {  	s0 =	simm.s32 $0x8000;
	v2 =	vmin.f32 v5, v3;
	v5 =	vmax.f32 v5, v3;
	v3 =	vmin.f32 v7, v19;
	v9, _, _ =	vpop (xrf1)  }
0x197: {  	s1 =	simm.s32 $0x80;
	s20 =	sadd.s32 $0x0, s15;
	s19 =	simm.s32 $0x8200;
	v1 =	vmin.f32 v20, v4;
	v27 =	vmax.f32 v20, v4;
	v4 =	vmax.f32 v7, v19;
	v26, _, _ =	vpop (xrf1)  }
.LBB2_30:
0x198: {  	[tilespmem:s0], [sflag:$0x2] =	stream.linear.gather [hbm4b:s20+s2], $0x80, $0x38;
	[tilespmem:$0x10200] =	vst v63  }
0x199: {  	s3 =	smov.u32 s1;
	s0 =	smov.u32 s19;
	p0 =	sne.s32 s1, $0x1F80  }
.Ltmp14:
0x19a: {  	s1 =	sadd.s32 $0x80, s1;
	(pc) =	sbr.rel @p0 .LBB2_30-.Ltmp14, $2  }
0x19b: {  	_ =	sdelay $0x2  }
0x19c: {  	s19 =	sadd.s32 $0x200, s19;
	s20 =	sadd.s32 s3, s15  }
0x19d: {  	[tilespmem:s0], [sflag:$0x2] =	stream.linear.gather [hbm4b:s20+s2], $0x80, $0x38;
	[tilespmem:$0x10200] =	vst v63  }
0x19e: {  	s0 =	simm.s32 $0x8080  }
0x19f: {  	s1 =	simm.s32 $0x80;
	s20 =	sadd.s32 $0x0, s16;
	s19 =	simm.s32 $0x8280  }
.LBB2_32:
0x1a0: {  	[tilespmem:s0], [sflag:$0x2] =	stream.linear.gather [hbm4b:s20+s2], $0x80, $0x38;
	[tilespmem:$0x10200] =	vst v63  }
0x1a1: {  	s3 =	smov.u32 s1;
	s0 =	smov.u32 s19;
	p0 =	sne.s32 s1, $0x1F80  }
.Ltmp15:
0x1a2: {  	s1 =	sadd.s32 $0x80, s1;
	(pc) =	sbr.rel @p0 .LBB2_32-.Ltmp15, $2  }
0x1a3: {  	_ =	sdelay $0x2  }
0x1a4: {  	s19 =	sadd.s32 $0x200, s19;
	s20 =	sadd.s32 s3, s16  }
0x1a5: {  	[tilespmem:s0], [sflag:$0x2] =	stream.linear.gather [hbm4b:s20+s2], $0x80, $0x38;
	[tilespmem:$0x10200] =	vst v63  }
0x1a6: {  	s0 =	simm.s32 $0x8100  }
0x1a7: {  	s1 =	simm.s32 $0x80;
	s20 =	sadd.s32 $0x0, s17;
	s19 =	simm.s32 $0x8300  }
.LBB2_34:
0x1a8: {  	[tilespmem:s0], [sflag:$0x2] =	stream.linear.gather [hbm4b:s20+s2], $0x80, $0x38;
	[tilespmem:$0x10200] =	vst v63  }
0x1a9: {  	s3 =	smov.u32 s1;
	s0 =	smov.u32 s19;
	p0 =	sne.s32 s1, $0x1F80  }
.Ltmp16:
0x1aa: {  	s1 =	sadd.s32 $0x80, s1;
	(pc) =	sbr.rel @p0 .LBB2_34-.Ltmp16, $2  }
0x1ab: {  	_ =	sdelay $0x2  }
0x1ac: {  	s19 =	sadd.s32 $0x200, s19;
	s20 =	sadd.s32 s3, s17  }
0x1ad: {  	[tilespmem:s0], [sflag:$0x2] =	stream.linear.gather [hbm4b:s20+s2], $0x80, $0x38;
	[tilespmem:$0x10200] =	vst v63  }
0x1ae: {  	s0 =	simm.s32 $0x8180  }
0x1af: {  	s1 =	simm.s32 $0x80;
	s20 =	sadd.s32 $0x0, s18;
	s19 =	simm.s32 $0x8380  }
.LBB2_36:
0x1b0: {  	[tilespmem:s0], [sflag:$0x2] =	stream.linear.gather [hbm4b:s20+s2], $0x80, $0x38;
	[tilespmem:$0x10200] =	vst v63  }
0x1b1: {  	s3 =	smov.u32 s1;
	s0 =	smov.u32 s19;
	p0 =	sne.s32 s1, $0x1F80  }
.Ltmp17:
0x1b2: {  	s1 =	sadd.s32 $0x80, s1;
	(pc) =	sbr.rel @p0 .LBB2_36-.Ltmp17, $2  }
0x1b3: {  	_ =	sdelay $0x2  }
0x1b4: {  	s19 =	sadd.s32 $0x200, s19;
	s20 =	sadd.s32 s3, s18  }
0x1b5: {  	[tilespmem:s0], [sflag:$0x2] =	stream.linear.gather [hbm4b:s20+s2], $0x80, $0x38;
	[tilespmem:$0x10200] =	vst v63  }
0x1b6: {  	s4 =	simm.s32 $0x1  }
0x1b7: {  	_ =	swait.ge [sflag:s4], $0x2000  }
0x1b8: {  	[sflag:s4] =	ssyncset.done $0x0  }
0x1b9: {  	[sflag:s4] =	ssyncadd.s32 $0xFFFFE000  }
0x1ba: {  	_ =	swait.ge [sflag:s4], $0x2000  }
0x1bb: {  	[sflag:s4] =	ssyncset.done $0x0  }
0x1bc: {  	[sflag:s4] =	ssyncadd.s32 $0xFFFFE000  }
0x1bd: {  	_ =	swait.ge [sflag:s4], $0x2000  }
0x1be: {  	[sflag:s4] =	ssyncset.done $0x0  }
0x1bf: {  	[sflag:s4] =	ssyncadd.s32 $0xFFFFE000  }
0x1c0: {  	s25 =	simm.s32 $0x0;
	_ =	swait.ge [sflag:s4], $0x2000  }
0x1c1: {  	s1 =	sand.u32 $0x60, s25;
	s3 =	sand.u32 $0x1E00, s25;
	[sflag:s4] =	ssyncset.done $0x0  }
0x1c2: {  	s0 =	sand.u32 $0x3, s25;
	s1 =	sor.u32 s1, s3;
	[sflag:s4] =	ssyncadd.s32 $0xFFFFE000  }
0x1c3: {  	s0 =	sshll.u32 s0, $0x5;
	v7 =	vld [tilespmem:s1+$0x110]  }
0x1c4: {  	s26 =	sadd.s32 $0x0, s0;
	v8 =	vld [tilespmem:s1+$0x4180]  }
0x1c5: {  	s0 =	sadd.s32 $0x10, s26;
	v16 =	vld [tilespmem:s1+$0x90]  }
0x1c6: {  	s0 =	sor.u32 $0x180, s0;
	v17 =	vld [tilespmem:s1+$0x2180]  }
0x1c7: {  	v19 =	vld [tilespmem:s0+$0x0]  }
0x1c8: {  	v20 =	vld [tilespmem:s1+$0x4100]  }
0x1c9: {  	v24 =	vld [tilespmem:s1+$0x2100]  }
0x1ca: {  	v28 =	vld [tilespmem:s1+$0x6100]  }
0x1cb: {  	s31 =	simm.s32 $0x4040;
	s19 =	simm.s32 $0x1010;
	v30 =	vld [tilespmem:s1+$0x100]  }
0x1cc: {  	s19 =	sand.u32 $0x70, s19;
	s4 =	sand.u32 $0x5E00, s31;
	s31 =	simm.s32 $0x40;
	v31 =	vld [tilespmem:s1+$0x4080]  }
0x1cd: {  	s0 =	sor.u32 s19, s4;
	v35 =	vld [tilespmem:s31+$0xFFFFFFF0]  }
0x1ce: {  	s20 =	simm.s32 $0x810;
	s21 =	simm.s32 $0x2040;
	v21 =	vld [tilespmem:s0+$0x180]  }
0x1cf: {  	s4 =	sand.u32 $0x70, s20;
	s19 =	sand.u32 $0x3E00, s21;
	v37 =	vld [tilespmem:s31+$0xFFFFFFE0];
	(xrf1) =	vsort.ascd.msk.f32 $0xffff, v8, v8  }
0x1d0: {  	v38 =	vld [tilespmem:s31+$0xFFFFFFD0];
	s23 =	sor.u32 s4, s19;
	(xrf1) =	vsort.ascd.msk.f32 $0xffff, v16, v16  }
0x1d1: {  	v32 =	vld [tilespmem:s23+$0x100];
	(xrf1) =	vsort.ascd.msk.f32 $0xffff, v17, v17  }
0x1d2: {  	v8 =	vld [tilespmem:s1+$0x80];
	(xrf1) =	vsort.ascd.msk.f32 $0xffff, v19, v19  }
0x1d3: {  	v16 =	vld [tilespmem:s1+$0x2080];
	(xrf1) =	vsort.ascd.msk.f32 $0xffff, v21, v21  }
0x1d4: {  	v17 =	vld [tilespmem:s1+$0x6080];
	(xrf1) =	vsort.ascd.msk.f32 $0xffff, v7, v7  }
0x1d5: {  	s3 =	sor.u32 $0x180, s26;
	v19 =	vld [tilespmem:s1+$0x6180];
	(xrf1) =	vsort.ascd.msk.f32 $0xffff, v24, v24  }
0x1d6: {  	v21 =	vld [tilespmem:s3+$0x0];
	(xrf1) =	vsort.ascd.msk.f32 $0xffff, v20, v20  }
0x1d7: {  	v24 =	vld [tilespmem:s31+$0x20];
	(xrf1) =	vsort.ascd.msk.f32 $0xffff, v30, v30  }
0x1d8: {  	v20 =	vld [tilespmem:s31+$0x30];
	(xrf1) =	vsort.ascd.msk.f32 $0xffff, v28, v28  }
0x1d9: {  	v30 =	vld [tilespmem:s31+$0x0];
	(xrf1) =	vsort.ascd.msk.f32 $0xffff, v31, v31  }
0x1da: {  	v28 =	vld [tilespmem:s31+$0x10];
	(xrf1) =	vsort.ascd.msk.f32 $0xffff, v16, v16  }
0x1db: {  	s22 =	simm.s32 $0x1810;
	s21 =	simm.s32 $0x6040;
	v31 =	vld [tilespmem:s23+$0x180];
	(xrf1) =	vsort.ascd.msk.f32 $0xffff, v17, v17  }
0x1dc: {  	s24 =	sand.u32 $0x70, s22;
	v39 =	vld [tilespmem:s31+$0xFFFFFFC0];
	s25 =	sand.u32 $0x7E00, s21;
	(xrf1) =	vsort.ascd.msk.f32 $0xffff, v8, v8  }
0x1dd: {  	v29 =	vld [tilespmem:s0+$0x100];
	s26 =	sor.u32 s24, s25;
	v36, _, _ =	vpop (xrf1);
	(xrf1) =	vsort.ascd.msk.f32 $0xffff, v19, v19  }
0x1de: {  	v33 =	vld [tilespmem:s26+$0x80];
	v17 =	vmax.f32 v24, v20;
	v19 =	vmin.f32 v24, v20;
	v7, _, _ =	vpop (xrf1);
	(xrf1) =	vsort.ascd.msk.f32 $0xffff, v21, v21  }
0x1df: {  	v34 =	vld [tilespmem:s26+$0x180];
	v24 =	vmax.f32 v30, v28;
	v28 =	vmin.f32 v30, v28;
	v20, _, _ =	vpop (xrf1);
	(xrf1) =	vsort.ascd.msk.f32 $0xffff, v32, v32  }
0x1e0: {  	v30 =	vld [tilespmem:s23+$0x80];
	v16 =	vmin.f32 v24, v17;
	v8, _, _ =	vpop (xrf1);
	v15 =	vmax.f32 v15, v20;
	(xrf1) =	vsort.ascd.msk.f32 $0xffff, v31, v31  }
0x1e1: {  	v56 =	vmax.f32 v24, v17;
	v24 =	vmin.f32 v28, v19;
	v31 =	vld [tilespmem:s0+$0x80];
	v21, _, _ =	vpop (xrf1);
	(xrf1) =	vsort.dscd.msk.f32 $0xffff, v15, v15  }
0x1e2: {  	v23 =	vmax.f32 v23, v36;
	v20 =	vmax.f32 v28, v19;
	v17, _, _ =	vpop (xrf1);
	(xrf1) =	vsort.ascd.msk.f32 $0xffff, v29, v29  }
0x1e3: {  	v57 =	vld [tilespmem:s26+$0x100];
	v28 =	vmax.f32 v39, v38;
	v38 =	vmin.f32 v39, v38;
	(xrf1) =	vsort.ascd.msk.f32 $0xffff, v33, v33;
	v58, _, _ =	vpop (xrf1)  }
0x1e4: {  	v15 =	vmax.f32 v37, v35;
	v35 =	vmin.f32 v37, v35;
	v29, _, _ =	vpop (xrf1);
	(xrf1) =	vsort.ascd.msk.f32 $0xffff, v34, v34  }
0x1e5: {  	v19 =	vmax.f32 v20, v16;
	v59 =	vmax.f32 v28, v15;
	(xrf1) =	vsort.ascd.msk.f32 $0xffff, v30, v30;
	v40, _, _ =	vpop (xrf1)  }
0x1e6: {  	v60 =	vmin.f32 v28, v15;
	v28 =	vmax.f32 v18, v29;
	(xrf1) =	vsort.ascd.msk.f32 $0xffff, v31, v31;
	v31, _, _ =	vpop (xrf1)  }
0x1e7: {  	v41 =	vmax.f32 v38, v35;
	v15 =	vmax.f32 v59, v56;
	v29, _, _ =	vpop (xrf1);
	(xrf1) =	vsort.dscd.msk.f32 $0xffff, v28, v28  }
0x1e8: {  	v33 =	vmax.f32 v12, v58;
	v28 =	vmin.f32 v38, v35;
	v30, _, _ =	vpop (xrf1);
	(xrf1) =	vsort.ascd.msk.f32 $0xffff, v57, v57  }
0x1e9: {  	v26 =	vmax.f32 v26, v40;
	v61 =	vmin.f32 v28, v24;
	v62, _, _ =	vpop (xrf1);
	(xrf1) =	vsort.dscd.msk.f32 $0xffff, v23, v23  }
0x1ea: {  	v12 =	vmax.f32 v27, v61;
	v23 =	vmax.f32 v25, v31;
	v27, _, _ =	vpop (xrf1);
	(xrf1) =	vsort.dscd.msk.f32 $0xffff, v33, v33  }
0x1eb: {  	v18 =	vmin.f32 v59, v56;
	v25 =	vmax.f32 v41, v60;
	(xrf1) =	vsort.dscd.msk.f32 $0xffff, v23, v23;
	v31, _, _ =	vpop (xrf1)  }
0x1ec: {  	s28 =	simm.s32 $0x1;
	v23 =	vmin.f32 v41, v60;
	v63 =	vmax.f32 v14, v31;
	(xrf1) =	vsort.dscd.msk.f32 $0xffff, v26, v26;
	v26, _, _ =	vpop (xrf1)  }
0x1ed: {  	s29 =	simm.s32 $0x20;
	s30 =	simm.s32 $0x240;
	s26 =	simm.s32 $0x80;
	v14 =	vmax.f32 v25, v19;
	v31 =	vmax.f32 v22, v62;
	v22, _, _ =	vpop (xrf1);
	(xrf1) =	vsort.dscd.msk.f32 $0xffff, v63, v63  }
.LBB2_38:
0x1ee: {  	s0 =	sand.u32 $0x3, s28  }
0x1ef: {  	s1 =	sand.u32 $0x60, s29;
	s3 =	sand.u32 $0x1E00, s26;
	v24 =	vmax.f32 v28, v24;
	v28 =	vmax.f32 v13, v26;
	(xrf1) =	vsort.dscd.msk.f32 $0xffff, v31, v31;
	v26, _, _ =	vpop (xrf1);
	s20 =	smov.u32 s26  }
0x1f0: {  	v16 =	vmin.f32 v20, v16;
	v30 =	vmax.f32 v11, v30;
	s4 =	sshll.u32 s0, $0x5;
	s0 =	sor.u32 s1, s3;
	s3 =	sadd.s32 $0x4040, s26;
	(xrf1) =	vsort.dscd.msk.f32 $0xffff, v28, v28;
	v13, _, _ =	vpop (xrf1)  }
0x1f1: {  	s19 =	sadd.s32 $0x2040, s26;
	s1 =	sadd.s32 $0x810, s29;
	v28 =	vmax.f32 v23, v16;
	v20 =	vld [tilespmem:s0+$0x110];
	s4 =	sadd.s32 s4, s26;
	v13 =	vmax.f32 v13, v26;
	(xrf1) =	vsort.dscd.msk.f32 $0xffff, v30, v30;
	v11, _, _ =	vpop (xrf1)  }
0x1f2: {  	v31 =	vmax.f32 v10, v29;
	s21 =	sand.u32 $0x70, s1;
	v30 =	vmax.f32 v28, v18;
	s1 =	sor.u32 $0x180, s4;
	s4 =	sadd.s32 $0x10, s4;
	v26 =	vld [tilespmem:s0+$0x4180];
	v29, _, _ =	vpop (xrf1);
	(xrf1) =	vsort.dscd.msk.f32 $0xffff, v13, v13  }
0x1f3: {  	s22 =	sadd.s32 $0x1010, s29;
	v19 =	vmin.f32 v25, v19;
	v32 =	vmax.f32 v9, v27;
	s19 =	sand.u32 $0x3E00, s19;
	s3 =	sand.u32 $0x5E00, s3;
	v13 =	vld [tilespmem:s0+$0x90];
	(xrf1) =	vsort.dscd.msk.f32 $0xffff, v31, v31;
	v10, _, _ =	vpop (xrf1)  }
0x1f4: {  	v27 =	vmax.f32 v24, v19;
	v33 =	vmin.f32 v24, v19;
	s31 =	sor.u32 s21, s19;
	s19 =	sand.u32 $0x70, s22;
	s4 =	sor.u32 $0x180, s4;
	v25 =	vld [tilespmem:s0+$0x2180];
	(xrf1) =	vsort.dscd.msk.f32 $0xffff, v32, v32;
	v9, _, _ =	vpop (xrf1)  }
0x1f5: {  	p0 =	sne.s32 s26, $0x1F80;
	v6 =	vmax.f32 v6, v15;
	v16 =	vmin.f32 v23, v16;
	s26 =	sadd.s32 $0x80, s26;
	v18 =	vmin.f32 v28, v18;
	s19 =	sor.u32 s19, s3;
	v24 =	vld [tilespmem:s4+$0x0];
	v15, _, _ =	vpop (xrf1)  }
0x1f6: {  	v28 =	vmax.f32 v27, v18;
	v31 =	vmax.f32 v33, v16;
	v16 =	vmin.f32 v33, v16;
	v23 =	vld [tilespmem:s0+$0x4100];
	v19, _, _ =	vpop (xrf1)  }
0x1f7: {  	v18 =	vmin.f32 v27, v18;
	v32 =	vld [tilespmem:s19+$0x180];
	(xrf1) =	vsort.ascd.msk.f32 $0xffff, v26, v26;
	v11 =	vmax.f32 v19, v11;
	v19, _, _ =	vpop (xrf1)  }
0x1f8: {  	v5 =	vmax.f32 v5, v28;
	v4 =	vmax.f32 v4, v31;
	v26 =	vld [tilespmem:s0+$0x2100];
	(xrf1) =	vsort.ascd.msk.f32 $0xffff, v13, v13;
	v13, _, _ =	vpop (xrf1)  }
0x1f9: {  	v27 =	vld [tilespmem:s0+$0x6100];
	(xrf1) =	vsort.ascd.msk.f32 $0xffff, v25, v25;
	v25 =	vmax.f32 v12, v5;
	v21 =	vmax.f32 v13, v21;
	v28, _, _ =	vpop (xrf1)  }
0x1fa: {  	s3 =	sadd.s32 $0x1810, s29;
	v3 =	vmax.f32 v3, v18;
	s4 =	sadd.s32 $0x6040, s20;
	v13 =	vld [tilespmem:s19+$0x100];
	v18 =	vmax.f32 v28, v22;
	v22, _, _ =	vpop (xrf1);
	(xrf1) =	vsort.dscd.msk.f32 $0xffff, v21, v21  }
0x1fb: {  	s3 =	sand.u32 $0x70, s3;
	s4 =	sand.u32 $0x7E00, s4;
	v28 =	vmin.f32 v14, v30;
	v21 =	vld [tilespmem:s0+$0x100];
	v19 =	vmax.f32 v22, v19;
	v22, _, _ =	vpop (xrf1);
	(xrf1) =	vsort.dscd.msk.f32 $0xffff, v11, v11  }
0x1fc: {  	s20 =	sor.u32 s3, s4;
	v11 =	vld [tilespmem:s0+$0x4080];
	(xrf1) =	vsort.ascd.msk.f32 $0xffff, v24, v24;
	v24 =	vmin.f32 v3, v6;
	v17 =	vmax.f32 v22, v17;
	v22, _, _ =	vpop (xrf1)  }
0x1fd: {  	v30 =	vmax.f32 v14, v30;
	v31 =	vld [tilespmem:s0+$0x80];
	v10 =	vmax.f32 v22, v10;
	v22, _, _ =	vpop (xrf1);
	(xrf1) =	vsort.dscd.msk.f32 $0xffff, v18, v18  }
0x1fe: {  	v2 =	vmax.f32 v2, v28;
	v18 =	vld [tilespmem:s0+$0x2080];
	v22 =	vmax.f32 v22, v29;
	(xrf1) =	vsort.dscd.msk.f32 $0xffff, v19, v19;
	v19, _, _ =	vpop (xrf1)  }
0x1ff: {  	v1 =	vmax.f32 v1, v16;
	v0 =	vmax.f32 v0, v30;
	v28 =	vld [tilespmem:s0+$0x6080];
	(xrf1) =	vsort.ascd.msk.f32 $0xffff, v32, v32;
	v14, _, _ =	vpop (xrf1)  }
0x200: {  	v5 =	vmin.f32 v12, v5;
	v16 =	vld [tilespmem:s0+$0x6180];
	v9 =	vmax.f32 v14, v9;
	(xrf1) =	vsort.dscd.msk.f32 $0xffff, v17, v17;
	v12, _, _ =	vpop (xrf1)  }
0x201: {  	v29 =	vmin.f32 v4, v0;
	v17 =	vmin.f32 v1, v2;
	v14 =	vld [tilespmem:s1+$0x0];
	v30, _, _ =	vpop (xrf1);
	(xrf1) =	vsort.dscd.msk.f32 $0xffff, v10, v10  }
0x202: {  	v3 =	vmax.f32 v3, v6;
	v6 =	vmax.f32 v30, v15;
	v10, _, _ =	vpop (xrf1);
	(xrf1) =	vsort.dscd.msk.f32 $0xffff, v22, v22  }
0x203: {  	v8 =	vmax.f32 v19, v8;
	v15 =	vld [tilespmem:s31+$0x100];
	(xrf1) =	vsort.ascd.msk.f32 $0xffff, v20, v20;
	v7 =	vmax.f32 v10, v7  }
0x204: {  	v19 =	vmax.f32 v17, v24;
	v10 =	vmax.f32 v5, v29;
	v22 =	vld [tilespmem:s19+$0x80];
	(xrf1) =	vsort.dscd.msk.f32 $0xffff, v9, v9  }
0x205: {  	v1 =	vmax.f32 v1, v2;
	v2 =	vmax.f32 v4, v0;
	v32 =	vld [tilespmem:s20+$0x100];
	v30, _, _ =	vpop (xrf1);
	(xrf1) =	vsort.dscd.msk.f32 $0xffff, v7, v7  }
0x206: {  	v4 =	vmin.f32 v17, v24;
	v9 =	vmin.f32 v1, v3;
	v33 =	vld [tilespmem:s20+$0x80];
	v7, _, _ =	vpop (xrf1);
	(xrf1) =	vsort.dscd.msk.f32 $0xffff, v6, v6  }
0x207: {  	v1 =	vmax.f32 v1, v3;
	v3 =	vmin.f32 v5, v29;
	v20, _, _ =	vpop (xrf1);
	(xrf1) =	vsort.dscd.msk.f32 $0xffff, v8, v8  }
0x208: {  	v0 =	vmax.f32 v3, v4;
	v6 =	vmin.f32 v3, v4;
	(xrf1) =	vsort.ascd.msk.f32 $0xffff, v26, v26;
	v26, _, _ =	vpop (xrf1)  }
0x209: {  	v3 =	vmax.f32 v25, v2;
	v2 =	vmin.f32 v25, v2;
	v29 =	vld [tilespmem:s20+$0x180];
	(xrf1) =	vsort.ascd.msk.f32 $0xffff, v23, v23;
	v23, _, _ =	vpop (xrf1)  }
0x20a: {  	v25 =	vmax.f32 v3, v1;
	v1 =	vmin.f32 v3, v1;
	v17 =	vld [tilespmem:s30+$0x30];
	(xrf1) =	vsort.ascd.msk.f32 $0xffff, v21, v21;
	v8, _, _ =	vpop (xrf1)  }
0x20b: {  	v4 =	vmax.f32 v2, v9;
	v3 =	vmin.f32 v2, v9;
	v24 =	vld [tilespmem:s30+$0x20];
	(xrf1) =	vsort.ascd.msk.f32 $0xffff, v27, v27;
	v27, _, _ =	vpop (xrf1)  }
0x20c: {  	v5 =	vmax.f32 v10, v19;
	v2 =	vmin.f32 v10, v19;
	v9 =	vld [tilespmem:s30+$0x10];
	(xrf1) =	vsort.ascd.msk.f32 $0xffff, v11, v11;
	v34, _, _ =	vpop (xrf1)  }
0x20d: {  	v10 =	vld [tilespmem:s30+$0x0];
	(xrf1) =	vsort.ascd.msk.f32 $0xffff, v18, v18;
	v21, _, _ =	vpop (xrf1)  }
0x20e: {  	v18 =	vld [tilespmem:s31+$0x180];
	(xrf1) =	vsort.ascd.msk.f32 $0xffff, v28, v28;
	v35, _, _ =	vpop (xrf1)  }
0x20f: {  	v19 =	vld [tilespmem:s30+$0xFFFFFFF0];
	(xrf1) =	vsort.ascd.msk.f32 $0xffff, v31, v31;
	v31, _, _ =	vpop (xrf1)  }
0x210: {  	v28 =	vld [tilespmem:s30+$0xFFFFFFE0];
	v36 =	vmax.f32 v24, v17;
	(xrf1) =	vsort.ascd.msk.f32 $0xffff, v16, v16;
	v37, _, _ =	vpop (xrf1)  }
0x211: {  	v24 =	vmin.f32 v24, v17;
	v38 =	vld [tilespmem:s30+$0xFFFFFFD0];
	v17, _, _ =	vpop (xrf1);
	(xrf1) =	vsort.ascd.msk.f32 $0xffff, v14, v14  }
0x212: {  	v14 =	vld [tilespmem:s30+$0xFFFFFFC0];
	v39 =	vmax.f32 v10, v9;
	v40 =	vmin.f32 v10, v9;
	(xrf1) =	vsort.ascd.msk.f32 $0xffff, v15, v15;
	v11, _, _ =	vpop (xrf1)  }
0x213: {  	v41 =	vmax.f32 v12, v20;
	v16 =	vmin.f32 v39, v36;
	v15 =	vld [tilespmem:s31+$0x80];
	(xrf1) =	vsort.ascd.msk.f32 $0xffff, v18, v18;
	v9, _, _ =	vpop (xrf1)  }
0x214: {  	v12 =	vmax.f32 v39, v36;
	v20 =	vmax.f32 v40, v24;
	(xrf1) =	vsort.dscd.msk.f32 $0xffff, v41, v41;
	v10, _, _ =	vpop (xrf1)  }
0x215: {  	v18 =	vmax.f32 v28, v19;
	v28 =	vmin.f32 v28, v19;
	(xrf1) =	vsort.ascd.msk.f32 $0xffff, v13, v13;
	v13, _, _ =	vpop (xrf1)  }
0x216: {  	v24 =	vmin.f32 v40, v24;
	v19 =	vmax.f32 v20, v16;
	(xrf1) =	vsort.ascd.msk.f32 $0xffff, v33, v33;
	v33, _, _ =	vpop (xrf1)  }
0x217: {  	v36 =	vmax.f32 v14, v38;
	v14 =	vmin.f32 v14, v38;
	v38, _, _ =	vpop (xrf1);
	(xrf1) =	vsort.ascd.msk.f32 $0xffff, v29, v29  }
0x218: {  	v40 =	vmax.f32 v36, v18;
	v36 =	vmin.f32 v36, v18;
	(xrf1) =	vsort.ascd.msk.f32 $0xffff, v15, v15;
	v39, _, _ =	vpop (xrf1)  }
0x219: {  	v23 =	vmax.f32 v23, v38;
	v15 =	vmax.f32 v40, v12;
	(xrf1) =	vsort.ascd.msk.f32 $0xffff, v22, v22;
	v22, _, _ =	vpop (xrf1)  }
0x21a: {  	v38 =	vmax.f32 v14, v28;
	v18 =	vmin.f32 v40, v12;
	v29, _, _ =	vpop (xrf1);
	(xrf1) =	vsort.dscd.msk.f32 $0xffff, v23, v23  }
0x21b: {  	v28 =	vmin.f32 v14, v28;
	v12 =	vmax.f32 v26, v30;
	v30, _, _ =	vpop (xrf1);
	(xrf1) =	vsort.ascd.msk.f32 $0xffff, v32, v32  }
.Ltmp18:
0x21c: {  	v40 =	vmin.f32 v28, v24;
	v23 =	vmax.f32 v27, v33;
	v32, _, _ =	vpop (xrf1);
	(xrf1) =	vsort.dscd.msk.f32 $0xffff, v12, v12;
	(pc) =	sbr.rel @p0 .LBB2_38-.Ltmp18, $4  }
0x21d: {  	v22 =	vmax.f32 v34, v22;
	v12 =	vmax.f32 v25, v40;
	v27, _, _ =	vpop (xrf1);
	(xrf1) =	vsort.dscd.msk.f32 $0xffff, v23, v23  }
0x21e: {  	v34 =	vmax.f32 v35, v39;
	v25 =	vmax.f32 v38, v36;
	(xrf1) =	vsort.dscd.msk.f32 $0xffff, v22, v22;
	v14, _, _ =	vpop (xrf1)  }
0x21f: {  	v23 =	vmin.f32 v38, v36;
	v33 =	vmax.f32 v31, v14;
	(xrf1) =	vsort.dscd.msk.f32 $0xffff, v34, v34;
	v26, _, _ =	vpop (xrf1)  }
0x220: {  	s28 =	sadd.s32 $0x1, s28;
	s29 =	sadd.s32 $0x20, s29;
	s30 =	sadd.s32 $0x200, s30;
	v14 =	vmax.f32 v25, v19;
	v31 =	vmax.f32 v37, v32;
	v22, _, _ =	vpop (xrf1);
	(xrf1) =	vsort.dscd.msk.f32 $0xffff, v33, v33  }
0x221: {  	v13 =	vmax.f32 v13, v26  }
0x222: {  	v11 =	vmax.f32 v11, v30  }
0x223: {  	(xrf1) =	vsort.dscd.msk.f32 $0xffff, v31, v31;
	v26, _, _ =	vpop (xrf1)  }
0x224: {  	v10 =	vmax.f32 v10, v29;
	(xrf1) =	vsort.dscd.msk.f32 $0xffff, v13, v13;
	v13, _, _ =	vpop (xrf1)  }
0x225: {  	v9 =	vmax.f32 v9, v27;
	(xrf1) =	vsort.dscd.msk.f32 $0xffff, v11, v11;
	v13 =	vmax.f32 v13, v26;
	v11, _, _ =	vpop (xrf1)  }
0x226: {  	v26, _, _ =	vpop (xrf1);
	(xrf1) =	vsort.dscd.msk.f32 $0xffff, v13, v13  }
0x227: {  	(xrf1) =	vsort.dscd.msk.f32 $0xffff, v10, v10;
	v10, _, _ =	vpop (xrf1)  }
0x228: {  	(xrf1) =	vsort.dscd.msk.f32 $0xffff, v9, v9;
	v9, _, _ =	vpop (xrf1)  }
0x229: {  	v13, _, _ =	vpop (xrf1)  }
0x22a: {  	v27, _, _ =	vpop (xrf1)  }
0x22b: {  	v41, _, _ =	vpop (xrf1)  }
0x22c: {  	v42, _, _ =	vpop (xrf1)  }
0x22d: {  	v43, _, _ =	vpop (xrf1);
	v21 =	vmax.f32 v42, v21  }
0x22e: {  	v11 =	vmax.f32 v27, v11;
	v32, _, _ =	vpop (xrf1)  }
0x22f: {  	v22 =	vmax.f32 v43, v22;
	v44, _, _ =	vpop (xrf1)  }
0x230: {  	(xrf1) =	vsort.dscd.msk.f32 $0xffff, v21, v21;
	v27 =	vmax.f32 v32, v41;
	v21, _, _ =	vpop (xrf1)  }
0x231: {  	(xrf1) =	vsort.dscd.msk.f32 $0xffff, v11, v11;
	v11, _, _ =	vpop (xrf1)  }
0x232: {  	(xrf1) =	vsort.dscd.msk.f32 $0xffff, v22, v22;
	v17 =	vmax.f32 v44, v17;
	v22, _, _ =	vpop (xrf1)  }
0x233: {  	(xrf1) =	vsort.dscd.msk.f32 $0xffff, v27, v27;
	v21 =	vmax.f32 v21, v10;
	v27, _, _ =	vpop (xrf1)  }
0x234: {  	(xrf1) =	vsort.dscd.msk.f32 $0xffff, v17, v17;
	v10, _, _ =	vpop (xrf1)  }
0x235: {  	v11 =	vmax.f32 v11, v26;
	(xrf1) =	vsort.dscd.msk.f32 $0xffff, v21, v21;
	v17, _, _ =	vpop (xrf1)  }
0x236: {  	v9 =	vmax.f32 v27, v9;
	(xrf1) =	vsort.dscd.msk.f32 $0xffff, v11, v11;
	v21, _, _ =	vpop (xrf1)  }
0x237: {  	(xrf1) =	vsort.dscd.msk.f32 $0xffff, v9, v9;
	v7 =	vmax.f32 v21, v7  }
0x238: {  	v9 =	vmax.f32 v17, v13;
	(xrf1) =	vsort.dscd.msk.f32 $0xffff, v7, v7  }
0x239: {  	v7 =	vmax.f32 v22, v8;
	(xrf1) =	vsort.dscd.msk.f32 $0xffff, v9, v9  }
0x23a: {  	(xrf1) =	vsort.dscd.msk.f32 $0xffff, v7, v7;
	_ =	sdelay $0x3  }
0x23b: {  	v26, _, _ =	vpop (xrf1)  }
0x23c: {  	v45, _, _ =	vpop (xrf1)  }
0x23d: {  	v27, _, _ =	vpop (xrf1)  }
0x23e: {  	v7, _, _ =	vpop (xrf1)  }
0x23f: {  	v13, _, _ =	vpop (xrf1)  }
0x240: {  	v22, _, _ =	vpop (xrf1)  }
0x241: {  	v21, _, _ =	vpop (xrf1)  }
0x242: {  	v9, _, _ =	vpop (xrf1)  }
0x243: {  	v11, _, _ =	vpop (xrf1)  }
0x244: {  	v17, _, _ =	vpop (xrf1)  }
0x245: {  	s1 =	simm.s32 $0x2;
	v46, _, _ =	vpop (xrf1)  }
0x246: {  	_ =	swait.ge [sflag:s1], $0x2000  }
0x247: {  	[sflag:s1] =	ssyncset.done $0x0  }
0x248: {  	[sflag:s1] =	ssyncadd.s32 $0xFFFFE000  }
0x249: {  	_ =	swait.ge [sflag:s1], $0x2000  }
0x24a: {  	[sflag:s1] =	ssyncset.done $0x0  }
0x24b: {  	[sflag:s1] =	ssyncadd.s32 $0xFFFFE000  }
0x24c: {  	_ =	swait.ge [sflag:s1], $0x2000  }
0x24d: {  	[sflag:s1] =	ssyncset.done $0x0  }
0x24e: {  	[sflag:s1] =	ssyncadd.s32 $0xFFFFE000  }
0x24f: {  	s0 =	simm.s32 $0x0;
	_ =	swait.ge [sflag:s1], $0x2000  }
0x250: {  	s19 =	sand.u32 $0x60, s0;
	s0 =	sand.u32 $0x1E00, s0;
	[sflag:s1] =	ssyncset.done $0x0  }
0x251: {  	s3 =	sor.u32 s19, s0;
	[sflag:s1] =	ssyncadd.s32 $0xFFFFE000  }
0x252: {  	v8 =	vld [tilespmem:s3+$0xC180]  }
0x253: {  	s4 =	sor.u32 $0x8080, s0;
	s26 =	sor.u32 $0x10, s19;
	v47 =	vld [tilespmem:s3+$0xE180]  }
0x254: {  	s31 =	sor.u32 s26, s4;
	v48 =	vld [tilespmem:s3+$0xE100]  }
0x255: {  	s20 =	simm.s32 $0x810;
	s22 =	simm.s32 $0x2040;
	s21 =	sor.u32 $0x8180, s0;
	v33 =	vld [tilespmem:s31+$0x0]  }
0x256: {  	s23 =	sand.u32 $0x70, s20;
	s22 =	sand.u32 $0x3E00, s22;
	s24 =	sor.u32 s19, s21;
	v34 =	vld [tilespmem:s3+$0xA180]  }
0x257: {  	s1 =	sor.u32 s23, s22;
	(xrf1) =	vsort.ascd.msk.f32 $0xffff, v8, v8;
	v8 =	vld [tilespmem:s24+$0x0]  }
0x258: {  	s25 =	simm.s32 $0x6040;
	s30 =	simm.s32 $0x1810;
	v49 =	vld [tilespmem:s1+$0x8080];
	(xrf1) =	vsort.ascd.msk.f32 $0xffff, v47, v47  }
0x259: {  	s20 =	sand.u32 $0x7E00, s25;
	s22 =	sand.u32 $0x70, s30;
	v50 =	vld [tilespmem:s3+$0xC100];
	(xrf1) =	vsort.ascd.msk.f32 $0xffff, v48, v48  }
0x25a: {  	s20 =	sor.u32 s22, s20;
	v51 =	vld [tilespmem:s3+$0xA100];
	(xrf1) =	vsort.ascd.msk.f32 $0xffff, v33, v33  }
0x25b: {  	v52 =	vld [tilespmem:s20+$0x8180];
	(xrf1) =	vsort.ascd.msk.f32 $0xffff, v34, v34  }
0x25c: {  	(xrf1) =	vsort.ascd.msk.f32 $0xffff, v8, v8;
	v8 =	vld [tilespmem:s3+$0xA080]  }
0x25d: {  	v53 =	vld [tilespmem:s3+$0xC080];
	(xrf1) =	vsort.ascd.msk.f32 $0xffff, v49, v49  }
0x25e: {  	s0 =	sor.u32 $0x8100, s0;
	s23 =	simm.s32 $0x4040;
	s31 =	simm.s32 $0x1010;
	v54 =	vld [tilespmem:s3+$0xE080];
	(xrf1) =	vsort.ascd.msk.f32 $0xffff, v50, v50  }
0x25f: {  	s23 =	sand.u32 $0x5E00, s23;
	s22 =	sand.u32 $0x70, s31;
	v55 =	vld [tilespmem:s20+$0x8100];
	s24 =	sor.u32 s19, s0;
	(xrf1) =	vsort.ascd.msk.f32 $0xffff, v51, v51  }
0x260: {  	v19 =	vmin.f32 v25, v19;
	s22 =	sor.u32 s22, s23;
	v25 =	vld [tilespmem:s24+$0x0];
	(xrf1) =	vsort.ascd.msk.f32 $0xffff, v52, v52  }
0x261: {  	v24 =	vmax.f32 v28, v24;
	v16 =	vmin.f32 v20, v16;
	s25 =	sor.u32 s26, s21;
	(xrf1) =	vsort.ascd.msk.f32 $0xffff, v8, v8;
	v8 =	vld [tilespmem:s22+$0x8180]  }
0x262: {  	v6 =	vmax.f32 v6, v15;
	v20 =	vmax.f32 v24, v19;
	v56 =	vld [tilespmem:s25+$0x0];
	(xrf1) =	vsort.ascd.msk.f32 $0xffff, v53, v53  }
0x263: {  	v19 =	vmin.f32 v24, v19;
	v24 =	vmax.f32 v23, v16;
	s30 =	sor.u32 s19, s4;
	v57 =	vld [tilespmem:s1+$0x8100];
	(xrf1) =	vsort.ascd.msk.f32 $0xffff, v54, v54  }
0x264: {  	v16 =	vmin.f32 v23, v16;
	v23 =	vmax.f32 v24, v18;
	v15 =	vld [tilespmem:s30+$0x0];
	(xrf1) =	vsort.ascd.msk.f32 $0xffff, v55, v55  }
0x265: {  	v18 =	vmin.f32 v24, v18;
	v24 =	vmax.f32 v19, v16;
	(xrf1) =	vsort.ascd.msk.f32 $0xffff, v25, v25;
	v25, _, _ =	vpop (xrf1)  }
0x266: {  	v16 =	vmin.f32 v19, v16;
	v58 =	vmax.f32 v20, v18;
	v19 =	vld [tilespmem:s20+$0x8080];
	(xrf1) =	vsort.ascd.msk.f32 $0xffff, v8, v8;
	v59, _, _ =	vpop (xrf1)  }
0x267: {  	v18 =	vmin.f32 v20, v18;
	v4 =	vmax.f32 v4, v24;
	v20 =	vld [tilespmem:s22+$0x8100];
	v61, _, _ =	vpop (xrf1);
	(xrf1) =	vsort.ascd.msk.f32 $0xffff, v56, v56  }
0x268: {  	v24 =	vmax.f32 v5, v58;
	v60 =	vld [tilespmem:s1+$0x8180];
	v8 =	vmin.f32 v14, v23;
	(xrf1) =	vsort.ascd.msk.f32 $0xffff, v57, v57;
	v5, _, _ =	vpop (xrf1)  }
0x269: {  	v3 =	vmax.f32 v3, v18;
	v18 =	vld [tilespmem:s22+$0x8080];
	(xrf1) =	vsort.ascd.msk.f32 $0xffff, v15, v15;
	v15, _, _ =	vpop (xrf1)  }
0x26a: {  	v1 =	vmax.f32 v1, v16;
	v14 =	vmax.f32 v14, v23;
	v16, _, _ =	vpop (xrf1)  }
0x26b: {  	v23 =	vmax.f32 v12, v24;
	v2 =	vmax.f32 v2, v8;
	(xrf1) =	vsort.ascd.msk.f32 $0xffff, v19, v19;
	v8, _, _ =	vpop (xrf1)  }
0x26c: {  	v12 =	vmin.f32 v12, v24;
	v0 =	vmax.f32 v0, v14;
	(xrf1) =	vsort.ascd.msk.f32 $0xffff, v20, v20;
	v20, _, _ =	vpop (xrf1)  }
0x26d: {  	v14 =	vmin.f32 v1, v2;
	(xrf1) =	vsort.ascd.msk.f32 $0xffff, v60, v60;
	v20 =	vmax.f32 v45, v20  }
0x26e: {  	v24 =	vmin.f32 v4, v0;
	v19 =	vmin.f32 v3, v6;
	(xrf1) =	vsort.ascd.msk.f32 $0xffff, v18, v18;
	v18, _, _ =	vpop (xrf1)  }
0x26f: {  	v3 =	vmax.f32 v3, v6;
	v6 =	vmax.f32 v27, v18;
	(xrf1) =	vsort.dscd.msk.f32 $0xffff, v20, v20;
	v27, _, _ =	vpop (xrf1)  }
0x270: {  	v1 =	vmax.f32 v1, v2;
	v4 =	vmax.f32 v4, v0;
	v20, _, _ =	vpop (xrf1);
	(xrf1) =	vsort.dscd.msk.f32 $0xffff, v6, v6  }
0x271: {  	v0 =	vmax.f32 v22, v59;
	v16 =	vmax.f32 v46, v16;
	v6 =	vmax.f32 v26, v25;
	v25, _, _ =	vpop (xrf1)  }
0x272: {  	v2 =	vmax.f32 v10, v15;
	v18 =	vmax.f32 v12, v24;
	(xrf1) =	vsort.dscd.msk.f32 $0xffff, v16, v16;
	v15, _, _ =	vpop (xrf1)  }
0x273: {  	v12 =	vmin.f32 v12, v24;
	(xrf1) =	vsort.dscd.msk.f32 $0xffff, v6, v6;
	v17 =	vmax.f32 v17, v25;
	v10, _, _ =	vpop (xrf1)  }
0x274: {  	(xrf1) =	vsort.dscd.msk.f32 $0xffff, v2, v2;
	v2 =	vmin.f32 v1, v3;
	v6 =	vmax.f32 v21, v15;
	v15, _, _ =	vpop (xrf1)  }
0x275: {  	v3 =	vmax.f32 v1, v3;
	(xrf1) =	vsort.dscd.msk.f32 $0xffff, v0, v0;
	v0 =	vmin.f32 v14, v19;
	v16, _, _ =	vpop (xrf1)  }
0x276: {  	(xrf1) =	vsort.dscd.msk.f32 $0xffff, v6, v6;
	v1 =	vmax.f32 v12, v0;
	v0 =	vmin.f32 v12, v0;
	v21, _, _ =	vpop (xrf1)  }
0x277: {  	s31 =	simm.s32 $0x0;
	v6 =	vmax.f32 v23, v4;
	v12 =	vmin.f32 v23, v4;
	v4 =	vmax.f32 v9, v20;
	v24, _, _ =	vpop (xrf1)  }
0x278: {  	s0 =	sor.u32 s26, s0;
	v22 =	vld [tilespmem:s31+$0x8020];
	(xrf1) =	vsort.dscd.msk.f32 $0xffff, v4, v4;
	v23, _, _ =	vpop (xrf1)  }
0x279: {  	v62 =	vmax.f32 v14, v19;
	v14 =	vld [tilespmem:s0+$0x0];
	v9 =	vmax.f32 v6, v3;
	(xrf1) =	vsort.dscd.msk.f32 $0xffff, v17, v17;
	v17, _, _ =	vpop (xrf1)  }
0x27a: {  	v25 =	vld [tilespmem:s31+$0x8010];
	v3 =	vmin.f32 v6, v3;
	v6 =	vmax.f32 v13, v15;
	v11 =	vmax.f32 v11, v23;
	v26, _, _ =	vpop (xrf1)  }
0x27b: {  	v7 =	vmax.f32 v7, v61;
	v19 =	vld [tilespmem:s31+$0x8000];
	(xrf1) =	vsort.dscd.msk.f32 $0xffff, v6, v6;
	v63, _, _ =	vpop (xrf1)  }
0x27c: {  	v20 =	vld [tilespmem:s31+$0x8030];
	(xrf1) =	vsort.dscd.msk.f32 $0xffff, v7, v7;
	v15, _, _ =	vpop (xrf1)  }
0x27d: {  	(xrf1) =	vsort.dscd.msk.f32 $0xffff, v11, v11;
	v11, _, _ =	vpop (xrf1)  }
0x27e: {  	v4 =	vmax.f32 v12, v2;
	(xrf1) =	vsort.ascd.msk.f32 $0xffff, v14, v14;
	v11 =	vmax.f32 v11, v26;
	v14, _, _ =	vpop (xrf1)  }
0x27f: {  	v6 =	vmin.f32 v12, v2;
	v2 =	vmin.f32 v18, v62;
	v14 =	vmax.f32 v14, v24  }
0x280: {  	v7 =	vmax.f32 v18, v62;
	v18 =	vld [tilespmem:s31+$0x8070];
	v13 =	vmax.f32 v19, v25;
	v23 =	vmin.f32 v19, v25  }
0x281: {  	v12 =	vmax.f32 v22, v20;
	v22 =	vmin.f32 v22, v20;
	v20 =	vld [tilespmem:s31+$0x8060];
	(xrf1) =	vsort.dscd.msk.f32 $0xffff, v11, v11;
	v11, _, _ =	vpop (xrf1)  }
0x282: {  	v24 =	vmin.f32 v13, v12;
	(xrf1) =	vsort.dscd.msk.f32 $0xffff, v14, v14;
	v19 =	vmax.f32 v11, v21;
	v14, _, _ =	vpop (xrf1)  }
0x283: {  	v25 =	vmax.f32 v23, v22;
	(xrf1) =	vsort.dscd.msk.f32 $0xffff, v19, v19;
	v21, _, _ =	vpop (xrf1);
	v19 =	vld [tilespmem:s31+$0x8040]  }
0x284: {  	v16 =	vmax.f32 v14, v16;
	v26 =	vmax.f32 v21, v63;
	v21 =	vld [tilespmem:s31+$0x8050]  }
0x285: {  	v11 =	vmax.f32 v25, v24;
	v14 =	vmin.f32 v25, v24;
	(xrf1) =	vsort.dscd.msk.f32 $0xffff, v16, v16;
	v24, _, _ =	vpop (xrf1)  }
0x286: {  	s28 =	simm.s32 $0x80;
	s29 =	simm.s32 $0x20;
	s26 =	simm.s32 $0x800;
	v16 =	vmax.f32 v20, v18;
	v24 =	vmax.f32 v24, v27;
	v25, _, _ =	vpop (xrf1);
	(xrf1) =	vsort.dscd.msk.f32 $0xffff, v26, v26  }
.LBB2_40:
0x287: {  	s3 =	sand.u32 $0x60, s29;
	s0 =	sand.u32 $0x1E00, s28;
	s1 =	sadd.s32 $0x810, s29;
	v22 =	vmin.f32 v23, v22;
	v17 =	vmax.f32 v25, v17;
	v23, _, _ =	vpop (xrf1);
	(xrf1) =	vsort.dscd.msk.f32 $0xffff, v24, v24  }
0x288: {  	v18 =	vmin.f32 v20, v18;
	s23 =	sor.u32 s3, s0;
	s4 =	sand.u32 $0x70, s1;
	s21 =	sor.u32 $0x8100, s0;
	v24 =	vmax.f32 v23, v8;
	v20, _, _ =	vpop (xrf1);
	(xrf1) =	vsort.dscd.msk.f32 $0xffff, v17, v17  }
0x289: {  	s19 =	sadd.s32 $0x6040, s28;
	s20 =	sor.u32 $0x8180, s0;
	v23 =	vmax.f32 v19, v21;
	s1 =	sor.u32 s3, s21;
	v17 =	vld [tilespmem:s23+$0xE180];
	v25 =	vmax.f32 v20, v15;
	(xrf1) =	vsort.dscd.msk.f32 $0xffff, v24, v24;
	v8, _, _ =	vpop (xrf1)  }
0x28a: {  	s24 =	sadd.s32 $0x2040, s28;
	s22 =	sor.u32 $0x8080, s0;
	v19 =	vmin.f32 v19, v21;
	s25 =	sor.u32 s3, s20;
	v21 =	vmax.f32 v23, v16;
	v20 =	vld [tilespmem:s23+$0xC180];
	(xrf1) =	vsort.dscd.msk.f32 $0xffff, v25, v25;
	v15, _, _ =	vpop (xrf1)  }
0x28b: {  	s24 =	sand.u32 $0x3E00, s24;
	s0 =	sor.u32 s3, s22;
	s3 =	sor.u32 $0x10, s3;
	v25 =	vmax.f32 v19, v18;
	v18 =	vmin.f32 v19, v18;
	v24 =	vld [tilespmem:s23+$0xA180];
	v10 =	vmax.f32 v15, v10;
	v15, _, _ =	vpop (xrf1)  }
0x28c: {  	s30 =	sadd.s32 $0x1810, s29;
	s19 =	sand.u32 $0x7E00, s19;
	s22 =	sor.u32 s3, s22;
	v26 =	vmin.f32 v22, v18;
	v19 =	vld [tilespmem:s23+$0xE100];
	v5 =	vmax.f32 v15, v5;
	v15, _, _ =	vpop (xrf1);
	(xrf1) =	vsort.dscd.msk.f32 $0xffff, v10, v10  }
0x28d: {  	s31 =	sor.u32 s4, s24;
	s4 =	sand.u32 $0x70, s30;
	s20 =	sor.u32 s3, s20;
	v18 =	vmax.f32 v22, v18;
	v10 =	vld [tilespmem:s22+$0x0];
	v8 =	vmax.f32 v8, v15;
	(xrf1) =	vsort.dscd.msk.f32 $0xffff, v5, v5  }
0x28e: {  	p0 =	sne.s32 s26, $0x1F800;
	v13 =	vmax.f32 v13, v12;
	v12 =	vmin.f32 v23, v16;
	s19 =	sor.u32 s4, s19;
	s3 =	sor.u32 s3, s21;
	v5 =	vld [tilespmem:s23+$0xC100];
	(xrf1) =	vsort.dscd.msk.f32 $0xffff, v8, v8  }
0x28f: {  	s30 =	smov.u32 s26;
	s26 =	sadd.s32 $0x800, s26;
	v9 =	vmax.f32 v9, v26;
	v15 =	vmin.f32 v25, v12;
	v8 =	vld [tilespmem:s25+$0x0];
	(xrf1) =	vsort.ascd.msk.f32 $0xffff, v20, v20  }
0x290: {  	v20 =	vmin.f32 v13, v21;
	v16 =	vld [tilespmem:s31+$0x8080];
	(xrf1) =	vsort.ascd.msk.f32 $0xffff, v17, v17;
	v17 =	vmax.f32 v25, v12;
	v22, _, _ =	vpop (xrf1)  }
0x291: {  	v23 =	vmin.f32 v14, v15;
	v12 =	vld [tilespmem:s3+$0x0];
	(xrf1) =	vsort.ascd.msk.f32 $0xffff, v19, v19;
	v19 =	vmin.f32 v11, v17;
	v25, _, _ =	vpop (xrf1)  }
0x292: {  	v26 =	vld [tilespmem:s23+$0xA100];
	(xrf1) =	vsort.ascd.msk.f32 $0xffff, v10, v10;
	v10 =	vmax.f32 v14, v15;
	v29 =	vmax.f32 v18, v19;
	v15, _, _ =	vpop (xrf1)  }
0x293: {  	v27 =	vld [tilespmem:s19+$0x8180];
	(xrf1) =	vsort.ascd.msk.f32 $0xffff, v24, v24;
	v24 =	vmax.f32 v10, v20;
	v10 =	vmin.f32 v10, v20;
	v20, _, _ =	vpop (xrf1)  }
0x294: {  	s4 =	sadd.s32 $0x4040, s28;
	s3 =	sadd.s32 $0x1010, s29;
	v28 =	vld [tilespmem:s23+$0xA080];
	(xrf1) =	vsort.ascd.msk.f32 $0xffff, v8, v8;
	v8 =	vmax.f32 v29, v10;
	v10 =	vmin.f32 v29, v10;
	v14, _, _ =	vpop (xrf1)  }
0x295: {  	s4 =	sand.u32 $0x5E00, s4;
	s3 =	sand.u32 $0x70, s3;
	v29 =	vld [tilespmem:s23+$0xC080];
	(xrf1) =	vsort.ascd.msk.f32 $0xffff, v16, v16;
	v16 =	vmin.f32 v18, v19;
	v7 =	vmax.f32 v7, v8;
	v18, _, _ =	vpop (xrf1)  }
0x296: {  	s3 =	sor.u32 s3, s4;
	v8 =	vld [tilespmem:s23+$0xE080];
	(xrf1) =	vsort.ascd.msk.f32 $0xffff, v5, v5;
	v5 =	vmax.f32 v11, v17;
	v11 =	vmin.f32 v9, v7;
	v17, _, _ =	vpop (xrf1)  }
0x297: {  	v13 =	vmax.f32 v13, v21;
	v19 =	vld [tilespmem:s19+$0x8100];
	(xrf1) =	vsort.ascd.msk.f32 $0xffff, v26, v26;
	v31 =	vmax.f32 v5, v24;
	v26, _, _ =	vpop (xrf1)  }
0x298: {  	v30 =	vld [tilespmem:s1+$0x0];
	(xrf1) =	vsort.ascd.msk.f32 $0xffff, v27, v27;
	v27 =	vmax.f32 v16, v23;
	v1 =	vmax.f32 v1, v31;
	v21, _, _ =	vpop (xrf1)  }
0x299: {  	v7 =	vmax.f32 v9, v7;
	v16 =	vmin.f32 v16, v23;
	v31 =	vld [tilespmem:s3+$0x8180];
	(xrf1) =	vsort.ascd.msk.f32 $0xffff, v28, v28  }
0x29a: {  	v0 =	vmax.f32 v0, v13;
	v6 =	vmax.f32 v6, v10;
	v9 =	vld [tilespmem:s20+$0x0];
	(xrf1) =	vsort.ascd.msk.f32 $0xffff, v29, v29;
	v10, _, _ =	vpop (xrf1)  }
0x29b: {  	v3 =	vmax.f32 v3, v16;
	v16 =	vmax.f32 v6, v0;
	v13 =	vld [tilespmem:s31+$0x8100];
	(xrf1) =	vsort.ascd.msk.f32 $0xffff, v8, v8;
	v23, _, _ =	vpop (xrf1)  }
0x29c: {  	v5 =	vmin.f32 v5, v24;
	v4 =	vmax.f32 v4, v27;
	v8 =	vld [tilespmem:s0+$0x0];
	(xrf1) =	vsort.ascd.msk.f32 $0xffff, v19, v19;
	v19, _, _ =	vpop (xrf1)  }
0x29d: {  	v2 =	vmax.f32 v2, v5;
	v28 =	vmin.f32 v4, v1;
	v24 =	vld [tilespmem:s19+$0x8080];
	(xrf1) =	vsort.ascd.msk.f32 $0xffff, v30, v30;
	v27, _, _ =	vpop (xrf1)  }
0x29e: {  	v32 =	vmin.f32 v11, v28;
	v29 =	vld [tilespmem:s3+$0x8100];
	(xrf1) =	vsort.ascd.msk.f32 $0xffff, v31, v31;
	v30, _, _ =	vpop (xrf1);
	v31 =	vmax.f32 v3, v2  }
0x29f: {  	v2 =	vmin.f32 v3, v2;
	v3 =	vmin.f32 v6, v0;
	v33 =	vld [tilespmem:s31+$0x8180];
	v5, _, _ =	vpop (xrf1);
	(xrf1) =	vsort.ascd.msk.f32 $0xffff, v9, v9  }
0x2a0: {  	v6 =	vld [tilespmem:s3+$0x8080];
	v34 =	vmax.f32 v10, v5;
	v5, _, _ =	vpop (xrf1);
	(xrf1) =	vsort.ascd.msk.f32 $0xffff, v13, v13;
	v13 =	vmin.f32 v31, v16  }
0x2a1: {  	v4 =	vmax.f32 v4, v1;
	v0 =	vmin.f32 v2, v3;
	(xrf1) =	vsort.ascd.msk.f32 $0xffff, v8, v8;
	v9, _, _ =	vpop (xrf1)  }
0x2a2: {  	v1 =	vmax.f32 v32, v0;
	(xrf1) =	vsort.ascd.msk.f32 $0xffff, v24, v24;
	v10, _, _ =	vpop (xrf1);
	v24 =	vmax.f32 v7, v4  }
0x2a3: {  	v11 =	vmax.f32 v11, v28;
	v0 =	vmin.f32 v32, v0;
	v8, _, _ =	vpop (xrf1);
	(xrf1) =	vsort.ascd.msk.f32 $0xffff, v29, v29  }
0x2a4: {  	v16 =	vmax.f32 v31, v16;
	v29 =	vmax.f32 v2, v3;
	v28, _, _ =	vpop (xrf1);
	(xrf1) =	vsort.ascd.msk.f32 $0xffff, v33, v33  }
0x2a5: {  	v2 =	vmax.f32 v22, v28;
	(xrf1) =	vsort.ascd.msk.f32 $0xffff, v6, v6;
	v3, _, _ =	vpop (xrf1);
	v6 =	vmin.f32 v7, v4  }
0x2a6: {  	v3 =	vmax.f32 v25, v3;
	(xrf1) =	vsort.dscd.msk.f32 $0xffff, v2, v2;
	v25, _, _ =	vpop (xrf1);
	v2 =	vmin.f32 v11, v29  }
0x2a7: {  	v4 =	vmax.f32 v15, v10;
	v15, _, _ =	vpop (xrf1);
	(xrf1) =	vsort.dscd.msk.f32 $0xffff, v3, v3;
	v3 =	vmin.f32 v24, v16  }
0x2a8: {  	v22 =	vmax.f32 v20, v27;
	v7 =	vmax.f32 v11, v29;
	v20, _, _ =	vpop (xrf1);
	(xrf1) =	vsort.dscd.msk.f32 $0xffff, v4, v4  }
0x2a9: {  	v4 =	vmax.f32 v14, v9;
	v9 =	vmax.f32 v24, v16;
	v11, _, _ =	vpop (xrf1);
	(xrf1) =	vsort.dscd.msk.f32 $0xffff, v22, v22  }
0x2aa: {  	v14 =	vmax.f32 v18, v30;
	v10, _, _ =	vpop (xrf1);
	(xrf1) =	vsort.dscd.msk.f32 $0xffff, v4, v4;
	v4 =	vmax.f32 v6, v13  }
0x2ab: {  	v11 =	vmax.f32 v17, v11;
	v6 =	vmin.f32 v6, v13;
	v16, _, _ =	vpop (xrf1);
	(xrf1) =	vsort.dscd.msk.f32 $0xffff, v14, v14  }
0x2ac: {  	s0 =	sshra.s32 s30, $0x2;
	v13 =	vmax.f32 v26, v15;
	v14 =	vmax.f32 v19, v16;
	(xrf1) =	vsort.dscd.msk.f32 $0xffff, v11, v11;
	v16, _, _ =	vpop (xrf1)  }
0x2ad: {  	v17 =	vmax.f32 v21, v20;
	v11 =	vld [tilespmem:s0+$0x8000];
	(xrf1) =	vsort.dscd.msk.f32 $0xffff, v13, v13;
	v24, _, _ =	vpop (xrf1)  }
0x2ae: {  	v13 =	vld [tilespmem:s0+$0x8030];
	(xrf1) =	vsort.dscd.msk.f32 $0xffff, v17, v17;
	v26, _, _ =	vpop (xrf1)  }
0x2af: {  	v22 =	vld [tilespmem:s0+$0x8020];
	v15, _, _ =	vpop (xrf1);
	(xrf1) =	vsort.dscd.msk.f32 $0xffff, v14, v14  }
0x2b0: {  	v14 =	vld [tilespmem:s0+$0x8010];
	v15 =	vmax.f32 v23, v15;
	v17, _, _ =	vpop (xrf1);
	(xrf1) =	vsort.dscd.msk.f32 $0xffff, v34, v34  }
0x2b1: {  	v18 =	vld [tilespmem:s0+$0x8070];
	(xrf1) =	vsort.dscd.msk.f32 $0xffff, v15, v15;
	v27, _, _ =	vpop (xrf1)  }
0x2b2: {  	v20 =	vld [tilespmem:s0+$0x8060];
	(xrf1) =	vsort.ascd.msk.f32 $0xffff, v12, v12;
	v28, _, _ =	vpop (xrf1)  }
0x2b3: {  	v19 =	vld [tilespmem:s0+$0x8040];
	v15, _, _ =	vpop (xrf1)  }
0x2b4: {  	v21 =	vld [tilespmem:s0+$0x8050];
	v12 =	vmax.f32 v22, v13;
	v22 =	vmin.f32 v22, v13;
	v29, _, _ =	vpop (xrf1)  }
0x2b5: {  	v13 =	vmax.f32 v11, v14;
	v23 =	vmin.f32 v11, v14;
	v29 =	vmax.f32 v29, v27;
	v14, _, _ =	vpop (xrf1)  }
.Ltmp19:
0x2b6: {  	v27 =	vmax.f32 v23, v22;
	v30 =	vmax.f32 v14, v26;
	(xrf1) =	vsort.dscd.msk.f32 $0xffff, v29, v29;
	v11, _, _ =	vpop (xrf1);
	(pc) =	sbr.rel @p0 .LBB2_40-.Ltmp19, $4  }
0x2b7: {  	v26 =	vmin.f32 v13, v12;
	v29 =	vmax.f32 v11, v24;
	(xrf1) =	vsort.dscd.msk.f32 $0xffff, v30, v30;
	v14, _, _ =	vpop (xrf1)  }
0x2b8: {  	v11 =	vmax.f32 v27, v26;
	v16 =	vmax.f32 v14, v16;
	(xrf1) =	vsort.dscd.msk.f32 $0xffff, v29, v29;
	v24, _, _ =	vpop (xrf1)  }
0x2b9: {  	v14 =	vmin.f32 v27, v26;
	v26 =	vmax.f32 v24, v28;
	(xrf1) =	vsort.dscd.msk.f32 $0xffff, v16, v16;
	v24, _, _ =	vpop (xrf1)  }
0x2ba: {  	s28 =	sadd.s32 $0x80, s28;
	s29 =	sadd.s32 $0x20, s29;
	v16 =	vmax.f32 v20, v18;
	v24 =	vmax.f32 v24, v25;
	v25, _, _ =	vpop (xrf1);
	(xrf1) =	vsort.dscd.msk.f32 $0xffff, v26, v26  }
0x2bb: {  	v22 =	vmin.f32 v23, v22  }
0x2bc: {  	v17 =	vmax.f32 v25, v17;
	v40, _, _ =	vpop (xrf1);
	(xrf1) =	vsort.dscd.msk.f32 $0xffff, v24, v24;
	v18 =	vmin.f32 v20, v18  }
0x2bd: {  	v42 =	vmax.f32 v19, v21;
	v44 =	vmin.f32 v19, v21;
	v12 =	vmax.f32 v13, v12  }
0x2be: {  	v8 =	vmax.f32 v40, v8;
	v41, _, _ =	vpop (xrf1);
	(xrf1) =	vsort.dscd.msk.f32 $0xffff, v17, v17;
	v45 =	vmax.f32 v42, v16  }
0x2bf: {  	v21 =	vmin.f32 v44, v18;
	v18 =	vmax.f32 v44, v18;
	v51 =	vmin.f32 v42, v16  }
0x2c0: {  	v15 =	vmax.f32 v41, v15;
	(xrf1) =	vsort.dscd.msk.f32 $0xffff, v8, v8;
	v48 =	vmin.f32 v22, v21  }
0x2c1: {  	v50 =	vmax.f32 v22, v21;
	v52 =	vmin.f32 v18, v51;
	v13 =	vmax.f32 v18, v51  }
0x2c2: {  	v43, _, _ =	vpop (xrf1);
	v53 =	vmin.f32 v12, v45;
	v12 =	vmax.f32 v12, v45;
	(xrf1) =	vsort.dscd.msk.f32 $0xffff, v15, v15  }
0x2c3: {  	v9 =	vmax.f32 v9, v48;
	v54 =	vmin.f32 v11, v13;
	v55 =	vmax.f32 v14, v52  }
0x2c4: {  	v46, _, _ =	vpop (xrf1);
	v56 =	vmin.f32 v14, v52;
	v60 =	vmax.f32 v11, v13;
	v0 =	vmax.f32 v0, v12  }
0x2c5: {  	v10 =	vmax.f32 v46, v10;
	v47, _, _ =	vpop (xrf1);
	v57 =	vmax.f32 v50, v54;
	v58 =	vmin.f32 v55, v53  }
0x2c6: {  	v16 =	vmax.f32 v55, v53;
	v5 =	vmax.f32 v47, v5;
	v49, _, _ =	vpop (xrf1);
	(xrf1) =	vsort.dscd.msk.f32 $0xffff, v10, v10  }
0x2c7: {  	v59 =	vmax.f32 v57, v58;
	v15 =	vmin.f32 v57, v58;
	v10 =	vmin.f32 v50, v54  }
0x2c8: {  	v13 =	vmax.f32 v60, v16;
	v11 =	vmin.f32 v60, v16;
	v8 =	vmax.f32 v43, v49  }
0x2c9: {  	v7 =	vmax.f32 v7, v59;
	v17 =	vmax.f32 v10, v56;
	v1 =	vmax.f32 v1, v13  }
0x2ca: {  	v10 =	vmin.f32 v10, v56;
	v6 =	vmax.f32 v6, v15;
	v2 =	vmax.f32 v2, v11  }
0x2cb: {  	v61 =	vmax.f32 v9, v7;
	v3 =	vmax.f32 v3, v10;
	v4 =	vmax.f32 v4, v17  }
0x2cc: {  	v62 =	vmax.f32 v6, v0;
	v11 =	vmax.f32 v3, v2;
	v63 =	vmax.f32 v4, v1  }
0x2cd: {  	(xrf1) =	vsort.dscd.msk.f32 $0xffff, v5, v5;
	v28 =	vmax.f32 v61, v63;
	v29 =	vmax.f32 v11, v62  }
0x2ce: {  	(xrf1) =	vsort.dscd.msk.f32 $0xffff, v8, v8;
	v30 =	vmax.f32 v28, v29  }
0x2cf: {  	v5 =	vmin.f32 v28, v29;
	(xrf1) =	vsort.dscd.msk.f32 $0xffff, v30, v30  }
0x2d0: {  	(xrf1) =	vsort.ascd.msk.f32 $0xffff, v5, v5  }
0x2d1: {  	v31, _, _ =	vpop (xrf1)  }
0x2d2: {  	v32, _, _ =	vpop (xrf1)  }
0x2d3: {  	v33, _, _ =	vpop (xrf1)  }
0x2d4: {  	v34, _, _ =	vpop (xrf1)  }
0x2d5: {  	v35, _, _ =	vpop (xrf1)  }
0x2d6: {  	v36, _, _ =	vpop (xrf1)  }
0x2d7: {  	v37, _, _ =	vpop (xrf1)  }
0x2d8: {  	v38, _, _ =	vpop (xrf1)  }
0x2d9: {  	v39, _, _ =	vpop (xrf1)  }
0x2da: {  	v40, _, _ =	vpop (xrf1)  }
0x2db: {  	v41, _, _ =	vpop (xrf1)  }
0x2dc: {  	v42, _, _ =	vpop (xrf1)  }
0x2dd: {  	v43, _, _ =	vpop (xrf1)  }
0x2de: {  	v44, _, _ =	vpop (xrf1)  }
0x2df: {  	v10 =	vmin.f32 v11, v62;
	v45 =	vmin.f32 v61, v63;
	v46 =	vmax.f32 v43, v44  }
0x2e0: {  	v13 =	vmax.f32 v45, v10;
	(xrf1) =	vsort.dscd.msk.f32 $0xffff, v46, v46  }
0x2e1: {  	(xrf1) =	vsort.ascd.msk.f32 $0xffff, v13, v13;
	_ =	sdelay $0xc  }
0x2e2: {  	v12, _, _ =	vpop (xrf1)  }
0x2e3: {  	v13, _, _ =	vpop (xrf1)  }
0x2e4: {  	v12 =	vmax.f32 v12, v13  }
0x2e5: {  	v10 =	vmin.f32 v45, v10;
	(xrf1) =	vsort.dscd.msk.f32 $0xffff, v12, v12  }
0x2e6: {  	(xrf1) =	vsort.ascd.msk.f32 $0xffff, v10, v10;
	_ =	sdelay $0xc  }
0x2e7: {  	v7 =	vmin.f32 v9, v7;
	v47, _, _ =	vpop (xrf1)  }
0x2e8: {  	v0 =	vmin.f32 v6, v0;
	v1 =	vmin.f32 v4, v1;
	v2 =	vmin.f32 v3, v2;
	v48, _, _ =	vpop (xrf1)  }
0x2e9: {  	v4 =	vmax.f32 v7, v1;
	v6 =	vmax.f32 v2, v0;
	v3 =	vmax.f32 v47, v48  }
0x2ea: {  	v49 =	vmax.f32 v4, v6;
	(xrf1) =	vsort.dscd.msk.f32 $0xffff, v3, v3  }
0x2eb: {  	(xrf1) =	vsort.ascd.msk.f32 $0xffff, v49, v49;
	_ =	sdelay $0xc  }
0x2ec: {  	v3, _, _ =	vpop (xrf1)  }
0x2ed: {  	v9, _, _ =	vpop (xrf1)  }
0x2ee: {  	v3 =	vmax.f32 v3, v9  }
0x2ef: {  	v4 =	vmin.f32 v4, v6;
	(xrf1) =	vsort.dscd.msk.f32 $0xffff, v3, v3  }
0x2f0: {  	(xrf1) =	vsort.ascd.msk.f32 $0xffff, v4, v4;
	_ =	sdelay $0xc  }
0x2f1: {  	v3, _, _ =	vpop (xrf1)  }
0x2f2: {  	v4, _, _ =	vpop (xrf1)  }
0x2f3: {  	v1 =	vmin.f32 v7, v1;
	v0 =	vmin.f32 v2, v0;
	v50 =	vmax.f32 v3, v4  }
0x2f4: {  	v51 =	vmax.f32 v1, v0;
	(xrf1) =	vsort.dscd.msk.f32 $0xffff, v50, v50  }
0x2f5: {  	(xrf1) =	vsort.ascd.msk.f32 $0xffff, v51, v51;
	_ =	sdelay $0xc  }
0x2f6: {  	v2, _, _ =	vpop (xrf1)  }
0x2f7: {  	v3, _, _ =	vpop (xrf1)  }
0x2f8: {  	v2 =	vmax.f32 v2, v3  }
0x2f9: {  	v0 =	vmin.f32 v1, v0;
	(xrf1) =	vsort.dscd.msk.f32 $0xffff, v2, v2  }
0x2fa: {  	(xrf1) =	vsort.ascd.msk.f32 $0xffff, v0, v0;
	_ =	sdelay $0xc  }
0x2fb: {  	v52, _, _ =	vpop (xrf1)  }
0x2fc: {  	v53, _, _ =	vpop (xrf1)  }
0x2fd: {  	v0 =	vmax.f32 v52, v53  }
0x2fe: {  	(xrf1) =	vsort.dscd.msk.f32 $0xffff, v0, v0  }
0x2ff: {  	(xrf1) =	vsort.ascd.msk.f32 $0xffff, v38, v38;
	_ =	sdelay $0xc  }
0x300: {  	v0, _, _ =	vpop (xrf1)  }
0x301: {  	v54, _, _ =	vpop (xrf1)  }
0x302: {  	v1 =	vmax.f32 v41, v54  }
0x303: {  	(xrf1) =	vsort.dscd.msk.f32 $0xffff, v1, v1  }
0x304: {  	(xrf1) =	vsort.ascd.msk.f32 $0xffff, v39, v39;
	_ =	sdelay $0xc  }
0x305: {  	v1, _, _ =	vpop (xrf1)  }
0x306: {  	v55, _, _ =	vpop (xrf1)  }
0x307: {  	v1 =	vmax.f32 v1, v55  }
0x308: {  	(xrf1) =	vsort.dscd.msk.f32 $0xffff, v1, v1  }
0x309: {  	(xrf1) =	vsort.ascd.msk.f32 $0xffff, v37, v37;
	_ =	sdelay $0xc  }
0x30a: {  	v1, _, _ =	vpop (xrf1)  }
0x30b: {  	v56, _, _ =	vpop (xrf1)  }
0x30c: {  	v1 =	vmax.f32 v1, v56  }
0x30d: {  	(xrf1) =	vsort.dscd.msk.f32 $0xffff, v1, v1  }
0x30e: {  	(xrf1) =	vsort.ascd.msk.f32 $0xffff, v32, v32;
	_ =	sdelay $0xc  }
0x30f: {  	v1, _, _ =	vpop (xrf1)  }
0x310: {  	v57, _, _ =	vpop (xrf1)  }
0x311: {  	v2 =	vmax.f32 v42, v57  }
0x312: {  	(xrf1) =	vsort.dscd.msk.f32 $0xffff, v2, v2  }
0x313: {  	(xrf1) =	vsort.ascd.msk.f32 $0xffff, v31, v31;
	_ =	sdelay $0xc  }
0x314: {  	v2, _, _ =	vpop (xrf1)  }
0x315: {  	v58, _, _ =	vpop (xrf1)  }
0x316: {  	v2 =	vmax.f32 v2, v58  }
0x317: {  	(xrf1) =	vsort.dscd.msk.f32 $0xffff, v2, v2  }
0x318: {  	(xrf1) =	vsort.ascd.msk.f32 $0xffff, v40, v40;
	_ =	sdelay $0xc  }
0x319: {  	v2, _, _ =	vpop (xrf1)  }
0x31a: {  	v59, _, _ =	vpop (xrf1)  }
0x31b: {  	v2 =	vmax.f32 v2, v59  }
0x31c: {  	(xrf1) =	vsort.dscd.msk.f32 $0xffff, v2, v2  }
0x31d: {  	(xrf1) =	vsort.ascd.msk.f32 $0xffff, v35, v35;
	_ =	sdelay $0xc  }
0x31e: {  	v2, _, _ =	vpop (xrf1)  }
0x31f: {  	v60, _, _ =	vpop (xrf1)  }
0x320: {  	v3 =	vmax.f32 v33, v60  }
0x321: {  	(xrf1) =	vsort.dscd.msk.f32 $0xffff, v3, v3  }
0x322: {  	(xrf1) =	vsort.ascd.msk.f32 $0xffff, v34, v34;
	_ =	sdelay $0xc  }
0x323: {  	v3, _, _ =	vpop (xrf1)  }
0x324: {  	v61, _, _ =	vpop (xrf1)  }
0x325: {  	v3 =	vmax.f32 v3, v61  }
0x326: {  	(xrf1) =	vsort.dscd.msk.f32 $0xffff, v3, v3  }
0x327: {  	(xrf1) =	vsort.ascd.msk.f32 $0xffff, v36, v36;
	_ =	sdelay $0xc  }
0x328: {  	v3, _, _ =	vpop (xrf1)  }
0x329: {  	v62, _, _ =	vpop (xrf1)  }
0x32a: {  	v3 =	vmax.f32 v3, v62  }
0x32b: {  	(xrf1) =	vsort.dscd.msk.f32 $0xffff, v3, v3;
	_ =	sdelay $0xb  }
0x32c: {  	[tilespmem:$0x10000] =	vst v0  }
0x32d: {  	[tilespmem:$0x10080] =	vst v1  }
0x32e: {  	[tilespmem:$0x10100] =	vst v2;
	v63, _, _ =	vpop (xrf1)  }
0x32f: {  	s0 =	rddreg [dreg:$0x5];
	s1 =	simm.s32 $0x10000;
	s30 =	simm.s32 $0x3;
	[tilespmem:$0x10180] =	vst v63  }
0x330: {  	[hbm4b:s0+s2] =	stream.linear.scatter [tilespmem:s1], [sflag:$0x3], $0x200, $0x38;
	[tilespmem:$0x10200] =	vst v63  }
0x331: {  	_ =	swait.ge [sflag:s30], $0x200  }
0x332: {  	s19 =	rddreg [dreg:$0x7]  }
0x333: {  	s31 =	rddreg [dreg:$0x6];
	s19 =	sadd.s32 $0x1, s19  }
0x334: {  	p0 =	sne.s32 s19, s31  }
.Ltmp20:
0x335: {  	_ = 	snop;
	(pc) =	sbr.rel @p0 .LBB2_1-.Ltmp20, $3  }
0x336: {  	_ =	sdelay $0x1  }
0x337: {  	[sflag:s30] =	ssyncset.done $0x0;
	s3 =	rddreg [dreg:$0x3]  }
0x338: {  	s4 =	rddreg [dreg:$0x4];
	[sflag:s30] =	ssyncadd.s32 $0xFFFFFE00  }
0x339: {  	_ =	sfence.sel $0x180000  }
0x33a: {  	[bflag:$0x0] =	sbarrier.arrive $0xFFFF  }
0x33b: {  	_ =	strace $0x90000047  }
0x33c: {  	s0 =	stileid.u32;
	[bflag:$0x2] =	sbarrier.arrive $0xFFFF  }
0x33d: {  	p0 =	sne.s32 s0, $0x0;
	s0 =	rddreg [dreg:$0x2]  }
0x33e: {  	s0 =	sadd.s32 @!p0 $0x100000, s0  }
0x33f: {  	[sflag:s0] =	ssyncadd.tile.s32 @!p0 $0x1;
	_ =	shalt  }
.Lfunc_end2:
_tile_overlayer_lowered:
.L_overlay_start_2:
0x340: {  	(tag) =	ssettag $0x2  }
0x341: {  	s0 =	rddreg [dreg:$0x0];
	s2 =	stileid.u32  }
0x342: {  	s1 =	rddreg [dreg:$0x1];
	p0 =	sne.s32 s2, $0x0  }
0x343: {  	s3 =	rddreg [dreg:$0x2];
	[bflag:$0x3] =	sbarrier.arrive $0xFFFF;
	s2 =	simm.s32 @!p0 $0x1C03  }
0x344: {  	[timem:s3], [sflag:s2] =	dma.local @!p0 [hbm:s0], s1  }
0x345: {  	s0 =	simm.s32 @!p0 $0x3  }
0x346: {  	_ =	swait.ge @!p0 [sflag:s0], s1  }
0x347: {  	s1 =	ssub.s32 @!p0 $0x0, s1;
	[sflag:s0] =	ssyncset.done @!p0 $0x0  }
0x348: {  	[sflag:s0] =	ssyncadd.s32 @!p0 s1  }
0x349: {  	[bflag:$0x3] =	sbarrier.arrive $0xFFFF  }
0x34a: {  	_ =	shalt  }

</sc_bundles>
